<compile_context>
chip_gen: v7x
topology: tpu7x:2x2x1
jax: 0.10.2.dev20260603
libtpu: 0.0.44.dev20260713+nightly
codegen_flags: <defaults>
</compile_context>

<pallas_src>
import functools

import jax
import jax.numpy as jnp
from jax import lax
from jax.experimental import pallas as pl
from jax.experimental.pallas import tpu as pltpu
from jax.experimental.pallas import tpu_sc as plsc

T = 32768
D = 768
OUT = 768
NC = 2
NS = 16
NW = NC * NS
CHUNK = T // NW
CT = 64
S = NW * CT
BM = 256
SP = BM + S
L = 16
UC = 2
UW = 64
CTU = UC * UW
ZN = CHUNK // UW

_mesh = plsc.VectorSubcoreMesh(core_axis_name="c", subcore_axis_name="s")
_sc_params = pltpu.CompilerParams(needs_layout_passes=False)


def _wid():
    return lax.axis_index("s") * NC + lax.axis_index("c")


def _iota():
    return lax.iota(jnp.int32, L)


@functools.partial(
    pl.kernel,
    mesh=_mesh,
    compiler_params=_sc_params,
    out_type=[
        jax.ShapeDtypeStruct((S,), jnp.int32),
        jax.ShapeDtypeStruct((S,), jnp.int32),
        jax.ShapeDtypeStruct((S,), jnp.int32),
        jax.ShapeDtypeStruct((NW, UC, UW), jnp.int32),
        jax.ShapeDtypeStruct((NW, UC, UW), jnp.int32),
        jax.ShapeDtypeStruct((NW, UC, UW), jnp.int32),
        jax.ShapeDtypeStruct((NW, UC, UW), jnp.float32),
        jax.ShapeDtypeStruct((NW * L,), jnp.int32),
    ],
    scratch_types=[
        pltpu.VMEM((CHUNK,), jnp.int32),
        pltpu.VMEM((CHUNK,), jnp.int32),
        pltpu.VMEM((CHUNK,), jnp.float32),
        pltpu.VMEM((CT,), jnp.int32),
        pltpu.VMEM((CT,), jnp.int32),
        pltpu.VMEM((CT,), jnp.int32),
        pltpu.VMEM((UC, UW), jnp.int32),
        pltpu.VMEM((UC, UW), jnp.int32),
        pltpu.VMEM((UC, UW), jnp.int32),
        pltpu.VMEM((UC, UW), jnp.float32),
        pltpu.VMEM((L,), jnp.int32),
    ],
)
def _k1_router(t0_hbm, t1_hbm, w_hbm,
               idx0_hbm, idx1_hbm, fp_hbm, idxU_hbm, pU0_hbm, pU1_hbm,
               wU_hbm, cnt_hbm,
               t0v, t1v, wcv, idx0l, idx1l, fpl, idxUl, pU0l, pU1l, wUl,
               infov):
    wid = _wid()
    base = wid * CHUNK
    iota = _iota()
    zi = jnp.zeros((L,), jnp.int32)
    zf = jnp.zeros((L,), jnp.float32)

    pltpu.sync_copy(t0_hbm.at[pl.ds(base, CHUNK)], t0v)
    pltpu.sync_copy(t1_hbm.at[pl.ds(base, CHUNK)], t1v)
    pltpu.sync_copy(w_hbm.at[pl.ds(base, CHUNK)], wcv)

    def init(j, _):
        idx0l[pl.ds(j * L, L)] = zi
        idx1l[pl.ds(j * L, L)] = zi
        fpl[pl.ds(j * L, L)] = zi
        return 0

    lax.fori_loop(0, CT // L, init, 0)

    for cc in range(UC):
        def initu(j, _, cc=cc):
            idxUl[cc, pl.ds(j * L, L)] = base + zi
            pU0l[cc, pl.ds(j * L, L)] = zi
            pU1l[cc, pl.ds(j * L, L)] = zi
            wUl[cc, pl.ds(j * L, L)] = zf
            return 0

        lax.fori_loop(0, UW // L, initu, 0)

    seg_base = BM + wid * CT

    def body(j, carry):
        s0, s1, sU = carry
        off = j * L
        v0 = t0v[pl.ds(off, L)]
        v1 = t1v[pl.ds(off, L)]
        wload = wcv[pl.ds(off, L)]
        m0 = (v0 == 0) | (v1 == 0)
        m1 = (v0 == 1) | (v1 == 1)
        mU = m0 | m1
        c0 = jnp.cumsum(jnp.where(m0, 1, 0)) + s0
        c1 = jnp.cumsum(jnp.where(m1, 1, 0)) + s1
        cU = jnp.cumsum(jnp.where(mU, 1, 0)) + sU
        r0 = c0 - 1
        r1 = c1 - 1
        rU = cU - 1
        tok = base + off + iota
        ok0 = m0 & (r0 < CT)
        ok1 = m1 & (r1 < CT)
        okU = mU & (rU < CTU)
        plsc.store_scatter(idx0l, [r0], tok, mask=ok0)
        plsc.store_scatter(idx1l, [r1], tok, mask=ok1)
        fpv = jnp.where(c0 > 0, BM + wid * CT + jnp.minimum(c0, CT) - 1,
                        -jnp.ones((L,), jnp.int32))
        plsc.store_scatter(fpl, [r1], fpv, mask=ok1)
        hi = lax.shift_right_logical(jnp.maximum(rU, 0), 6)
        lo = jnp.maximum(rU, 0) & 63
        plsc.store_scatter(idxUl, [hi, lo], tok, mask=okU)
        plsc.store_scatter(pU0l, [hi, lo], jnp.where(ok0, seg_base + r0, 0),
                           mask=okU)
        plsc.store_scatter(pU1l, [hi, lo], jnp.where(ok1, seg_base + r1, 0),
                           mask=okU)
        plsc.store_scatter(wUl, [hi, lo], wload, mask=okU)
        s0n = s0 + plsc.all_reduce_population_count(m0)
        s1n = s1 + plsc.all_reduce_population_count(m1)
        sUn = sU + plsc.all_reduce_population_count(mU)
        return s0n, s1n, sUn

    s0, s1, sU = lax.fori_loop(0, CHUNK // L, body, (zi, zi, zi))

    ltv = jnp.maximum(jnp.minimum(sU, CTU) - 1, 0)
    lhi = lax.shift_right_logical(ltv, 6)
    llo = ltv & 63
    lastTok = plsc.load_gather(idxUl, [lhi, llo])
    lastP0 = plsc.load_gather(pU0l, [lhi, llo])
    lastP1 = plsc.load_gather(pU1l, [lhi, llo])
    lastW = plsc.load_gather(wUl, [lhi, llo])
    for cc in range(UC):
        for jj in range(UW // L):
            slot = cc * UW + jj * L + iota
            cond = slot < sU
            sl = pl.ds(jj * L, L)
            idxUl[cc, sl] = jnp.where(cond, idxUl[cc, sl], lastTok)
            pU0l[cc, sl] = jnp.where(cond, pU0l[cc, sl], lastP0)
            pU1l[cc, sl] = jnp.where(cond, pU1l[cc, sl], lastP1)
            wUl[cc, sl] = jnp.where(cond, wUl[cc, sl], lastW)

    infov[...] = jnp.where(
        iota == 0, s0,
        jnp.where(iota == 1, s1, jnp.where(iota == 2, sU, 0)))
    pltpu.sync_copy(idx0l, idx0_hbm.at[pl.ds(wid * CT, CT)])
    pltpu.sync_copy(idx1l, idx1_hbm.at[pl.ds(wid * CT, CT)])
    pltpu.sync_copy(fpl, fp_hbm.at[pl.ds(wid * CT, CT)])
    pltpu.sync_copy(idxUl, idxU_hbm.at[wid])
    pltpu.sync_copy(pU0l, pU0_hbm.at[wid])
    pltpu.sync_copy(pU1l, pU1_hbm.at[wid])
    pltpu.sync_copy(wUl, wU_hbm.at[wid])
    pltpu.sync_copy(infov, cnt_hbm.at[pl.ds(wid * L, L)])


@functools.partial(
    pl.kernel,
    mesh=_mesh,
    compiler_params=_sc_params,
    out_type=[
        jax.ShapeDtypeStruct((S, D), jnp.float32),
        jax.ShapeDtypeStruct((S, D), jnp.float32),
    ],
    scratch_types=[
        pltpu.VMEM((CT,), jnp.int32),
        pltpu.VMEM((CT,), jnp.int32),
        pltpu.VMEM((L,), jnp.int32),
        pltpu.VMEM((CT, D), jnp.float32),
        pltpu.VMEM((CT, D), jnp.float32),
        pltpu.SemaphoreType.DMA,
        pltpu.SemaphoreType.DMA,
    ],
)
def _k2_gather_x(x_hbm, idx0_hbm, idx1_hbm, cnt_hbm, x0_hbm, x1_hbm,
                 idxv, idxv2, cntv, rows, rows2, sem, sem2):
    wid = _wid()
    base = wid * CT
    iota = _iota()
    pltpu.sync_copy(cnt_hbm.at[pl.ds(wid * L, L)], cntv)
    cv = cntv[...]
    cnt0 = jnp.max(jnp.where(iota == 0, cv, 0))
    cnt1 = jnp.max(jnp.where(iota == 1, cv, 0))
    pltpu.sync_copy(idx0_hbm.at[pl.ds(base, CT)], idxv)
    pltpu.sync_copy(idx1_hbm.at[pl.ds(base, CT)], idxv2)
    for k in range(CT // 32):
        @pl.when(k * 32 < cnt0)
        def _(k=k):
            pltpu.async_copy(x_hbm.at[idxv.at[pl.ds(k * 32, 32)]],
                             rows.at[pl.ds(k * 32, 32)], sem).wait()
            pltpu.sync_copy(rows.at[pl.ds(k * 32, 32)],
                            x0_hbm.at[pl.ds(base + k * 32, 32)])

        @pl.when(k * 32 < cnt1)
        def _(k=k):
            pltpu.async_copy(x_hbm.at[idxv2.at[pl.ds(k * 32, 32)]],
                             rows2.at[pl.ds(k * 32, 32)], sem2).wait()
            pltpu.sync_copy(rows2.at[pl.ds(k * 32, 32)],
                            x1_hbm.at[pl.ds(base + k * 32, 32)])


@functools.partial(
    pl.kernel,
    mesh=_mesh,
    compiler_params=_sc_params,
    out_type=jax.ShapeDtypeStruct((S, OUT), jnp.float32),
    scratch_types=[
        pltpu.VMEM((CT,), jnp.int32),
        pltpu.VMEM((L,), jnp.int32),
        pltpu.VMEM((L,), jnp.int32),
        pltpu.VMEM((CT, OUT), jnp.float32),
        pltpu.SemaphoreType.DMA,
    ],
)
def _k4_gather_f(o0_hbm, fp_hbm, prev_hbm, cnt_hbm, f_hbm, fpv, prevv, cntv,
                 rows, sem):
    wid = _wid()
    base = wid * CT
    iota = _iota()
    pltpu.sync_copy(fp_hbm.at[pl.ds(base, CT)], fpv)
    pltpu.sync_copy(prev_hbm.at[pl.ds(wid * L, L)], prevv)
    pltpu.sync_copy(cnt_hbm.at[pl.ds(wid * L, L)], cntv)
    pv = prevv[...]
    cnt1 = jnp.max(jnp.where(iota == 1, cntv[...], 0))

    def fix(j, _):
        fv = fpv[pl.ds(j * L, L)]
        fpv[pl.ds(j * L, L)] = jnp.where(fv < 0, pv, fv)
        return 0

    lax.fori_loop(0, CT // L, fix, 0)
    for k in range(CT // 32):
        @pl.when(k * 32 < cnt1)
        def _(k=k):
            pltpu.async_copy(o0_hbm.at[fpv.at[pl.ds(k * 32, 32)]],
                             rows.at[pl.ds(k * 32, 32)], sem).wait()
            pltpu.sync_copy(rows.at[pl.ds(k * 32, 32)],
                            f_hbm.at[pl.ds(base + k * 32, 32)])


@functools.partial(
    pl.kernel,
    mesh=_mesh,
    compiler_params=_sc_params,
    out_type=jax.ShapeDtypeStruct((T, OUT), jnp.float32),
    scratch_types=[
        pltpu.VMEM((UC, UW), jnp.int32),
        pltpu.VMEM((UC, UW), jnp.int32),
        pltpu.VMEM((UC, UW), jnp.int32),
        pltpu.VMEM((UC, UW), jnp.float32),
        pltpu.VMEM((L,), jnp.int32),
        pltpu.VMEM((UW, OUT), jnp.float32),
        pltpu.VMEM((UW, OUT), jnp.float32),
        pltpu.VMEM((UW // 2, OUT), jnp.float32),
        pltpu.SemaphoreType.DMA,
        pltpu.SemaphoreType.DMA,
    ],
)
def _k6_combine(o0_hbm, o1_hbm, idxU_hbm, pU0_hbm, pU1_hbm, wU_hbm, cnt_hbm,
                out_hbm, idxUv, p0v, p1v, wv, cntv, arows, brows, zrows,
                gsem, zsem):
    wid = _wid()
    base = wid * CHUNK
    iota = _iota()
    zf = jnp.zeros((L,), jnp.float32)
    pltpu.sync_copy(idxU_hbm.at[wid], idxUv)
    pltpu.sync_copy(pU0_hbm.at[wid], p0v)
    pltpu.sync_copy(pU1_hbm.at[wid], p1v)
    pltpu.sync_copy(wU_hbm.at[wid], wv)
    pltpu.sync_copy(cnt_hbm.at[pl.ds(wid * L, L)], cntv)
    cntU = jnp.max(jnp.where(iota == 2, cntv[...], 0))

    for r in range(UW // 2):
        def zcol(c, _, r=r):
            zrows[r, pl.ds(c * L, L)] = zf
            return 0

        lax.fori_loop(0, OUT // L, zcol, 0)

    zcopies = [
        pltpu.async_copy(zrows, out_hbm.at[pl.ds(base + k * (UW // 2),
                                                 UW // 2)], zsem)
        for k in range(2 * ZN)
    ]

    for c in range(UC):
        @pl.when(c * UW < cntU)
        def _(c=c):
            ga = pltpu.async_copy(o0_hbm.at[p0v.at[c]], arows, gsem)
            gb = pltpu.async_copy(o1_hbm.at[p1v.at[c]], brows, gsem)
            ga.wait()
            gb.wait()

            def rowfn(r, _, c=c):
                ws = plsc.load_gather(
                    wv, [jnp.zeros((L,), jnp.int32) + c,
                         jnp.zeros((L,), jnp.int32) + r])

                def col(cc, _):
                    for u in range(3):
                        sl = pl.ds(cc * 3 * L + u * L, L)
                        a = arows[r, sl]
                        b = brows[r, sl]
                        arows[r, sl] = b + ws * (a - b)
                    return 0

                lax.fori_loop(0, OUT // (3 * L), col, 0)
                return 0

            lax.fori_loop(0, UW, rowfn, 0)

        if c == 0:
            for z in zcopies:
                z.wait()

        @pl.when(c * UW < cntU)
        def _(c=c):
            pltpu.async_copy(arows, out_hbm.at[idxUv.at[c]], gsem).wait()


def _mm0_body(x_ref, w_ref, b_ref, o_ref):
    i = pl.program_id(0)

    @pl.when(i == 0)
    def _():
        o_ref[...] = jnp.zeros_like(o_ref)

    @pl.when(i > 0)
    def _():
        o_ref[...] = (
            jnp.dot(x_ref[...], w_ref[...],
                    preferred_element_type=jnp.float32) + b_ref[...])


def _mm0(x0, w0, b0):
    return pl.pallas_call(
        _mm0_body,
        grid=(S // BM + 1,),
        in_specs=[
            pl.BlockSpec((BM, D), lambda i: (jnp.maximum(i - 1, 0), 0)),
            pl.BlockSpec((D, OUT), lambda i: (0, 0)),
            pl.BlockSpec((1, OUT), lambda i: (0, 0)),
        ],
        out_specs=pl.BlockSpec((BM, OUT), lambda i: (i, 0)),
        out_shape=jax.ShapeDtypeStruct((SP, OUT), jnp.float32),
    )(x0, w0, b0)


def _mm1_body(x_ref, f_ref, w_ref, b_ref, o_ref):
    i = pl.program_id(0)

    @pl.when(i == 0)
    def _():
        o_ref[...] = jnp.zeros_like(o_ref)

    @pl.when(i > 0)
    def _():
        w = w_ref[...]
        o_ref[...] = (
            jnp.dot(x_ref[...], w[:D], preferred_element_type=jnp.float32)
            + jnp.dot(f_ref[...], w[D:], preferred_element_type=jnp.float32)
            + b_ref[...])


def _mm1(x1, f, w1, b1):
    return pl.pallas_call(
        _mm1_body,
        grid=(S // BM + 1,),
        in_specs=[
            pl.BlockSpec((BM, D), lambda i: (jnp.maximum(i - 1, 0), 0)),
            pl.BlockSpec((BM, OUT), lambda i: (jnp.maximum(i - 1, 0), 0)),
            pl.BlockSpec((D + OUT, OUT), lambda i: (0, 0)),
            pl.BlockSpec((1, OUT), lambda i: (0, 0)),
        ],
        out_specs=pl.BlockSpec((BM, OUT), lambda i: (i, 0)),
        out_shape=jax.ShapeDtypeStruct((SP, OUT), jnp.float32),
    )(x1, f, w1, b1)


_BLK = 256


def _fused_body(t0_ref, t1_ref, w_ref, x_ref, W0_ref, b0_ref, W1_ref, b1_ref,
                out_ref, carry_ref, *, blk, d):
    i = pl.program_id(0)
    xb = x_ref[...]
    t0 = t0_ref[...]
    t1 = t1_ref[...]
    m0 = (t0 == 0) | (t1 == 0)
    m1 = (t0 == 1) | (t1 == 1)
    o0 = jnp.where(
        m0,
        jnp.dot(xb, W0_ref[...], preferred_element_type=jnp.float32)
        + b0_ref[...],
        0.0,
    )

    @pl.when(i == 0)
    def _():
        carry_ref[...] = o0[0:1, :]

    f = o0
    v = m0.astype(jnp.int32)
    s = 1
    while s < blk:
        f = jnp.where(v > 0, f, jnp.concatenate([f[:s], f[:-s]], axis=0))
        v = jnp.maximum(v, jnp.concatenate([v[:s], v[:-s]], axis=0))
        s *= 2
    filled = jnp.where(v > 0, f, carry_ref[...])
    carry_ref[...] = filled[blk - 1:blk, :]

    o1 = jnp.where(
        m1,
        jnp.dot(xb, W1_ref[0:d, :], preferred_element_type=jnp.float32)
        + jnp.dot(filled, W1_ref[d:, :], preferred_element_type=jnp.float32)
        + b1_ref[...],
        0.0,
    )
    w = w_ref[...]
    out_ref[...] = w * o0 + (1.0 - w) * o1


def _fused_dense(t0, t1, w0, x, W0, b0, W1, b1):
    blk = _BLK
    body = functools.partial(_fused_body, blk=blk, d=D)
    return pl.pallas_call(
        body,
        grid=(T // blk,),
        in_specs=[
            pl.BlockSpec((blk, 1), lambda i: (i, 0)),
            pl.BlockSpec((blk, 1), lambda i: (i, 0)),
            pl.BlockSpec((blk, 1), lambda i: (i, 0)),
            pl.BlockSpec((blk, D), lambda i: (i, 0)),
            pl.BlockSpec((D, OUT), lambda i: (0, 0)),
            pl.BlockSpec((1, OUT), lambda i: (0, 0)),
            pl.BlockSpec((D + OUT, OUT), lambda i: (0, 0)),
            pl.BlockSpec((1, OUT), lambda i: (0, 0)),
        ],
        out_specs=pl.BlockSpec((blk, OUT), lambda i: (i, 0)),
        out_shape=jax.ShapeDtypeStruct((T, OUT), jnp.float32),
        scratch_shapes=[pltpu.VMEM((1, OUT), jnp.float32)],
        compiler_params=pltpu.CompilerParams(
            dimension_semantics=("arbitrary",),
        ),
    )(t0, t1, w0, x, W0, b0, W1, b1)


def kernel(x, topk_idx, weights, W0, b0, W1, b1):
    t0 = topk_idx[:, 0].astype(jnp.int32)
    t1 = topk_idx[:, 1].astype(jnp.int32)
    wcol = weights[:, 0]
    b0r = b0.reshape(1, OUT)
    b1r = b1.reshape(1, OUT)

    (idx0seg, idx1seg, fillpos, idxU, pU0, pU1, wU,
     cnts) = _k1_router(t0, t1, wcol)
    c = cnts.reshape(NW, L)
    cnt0 = c[:, 0]
    cnt1 = c[:, 1]
    cntU = c[:, 2]
    overflow = ((jnp.max(cnt0) > CT) | (jnp.max(cnt1) > CT)
                | (jnp.max(cntU) > CTU))

    pos = jnp.where(cnt0 > 0,
                    BM + jnp.arange(NW, dtype=jnp.int32) * CT
                    + jnp.minimum(cnt0, CT) - 1, 0)
    incl = lax.cummax(pos, axis=0)
    prevpos = jnp.concatenate([jnp.zeros((1,), jnp.int32), incl[:-1]])
    prevvec = jnp.repeat(prevpos, L).astype(jnp.int32)

    def sparse_path():
        x0c, x1c = _k2_gather_x(x, idx0seg, idx1seg, cnts)
        o0pad = _mm0(x0c, W0, b0r)
        f = _k4_gather_f(o0pad, fillpos, prevvec, cnts)
        o1pad = _mm1(x1c, f, W1, b1r)
        return _k6_combine(o0pad, o1pad, idxU, pU0, pU1, wU, cnts)

    def dense_path():
        return _fused_dense(t0.reshape(T, 1), t1.reshape(T, 1),
                            wcol.reshape(T, 1), x, W0, b0r, W1, b1r)

    return lax.cond(overflow, dense_path, sparse_path)

# --- scband reference (transcript-rebuilt; emitter-appended) ---
"""Pipeline reference for scband-memory-enhanced-gating-14516989460793 (READ-ONLY COPY).

The authoritative reference and input builder live on the scoring server;
editing this copy changes nothing except your own understanding.
"""

import jax, jax.numpy as jnp
import numpy as np

T = 32768
D = 768
OUT = 768
E = 64
TOPK = 2


def setup_inputs(seed: int = 0) -> dict:
    key = jax.random.key(seed)
    k1, k2, k3, k4, k5 = jax.random.split(key, 5)
    x = jax.random.normal(k1, (T, D), dtype=jnp.float32)
    topk_idx = jax.random.randint(k2, (T, TOPK), 0, E, dtype=jnp.int64)
    weights = jax.random.uniform(k3, (T, TOPK), dtype=jnp.float32)
    # expert 0: Linear(D -> OUT); expert 1: Linear(D + OUT -> OUT)
    W0 = jax.random.normal(k4, (D, OUT), dtype=jnp.float32) * 0.02
    b0 = jnp.zeros((OUT,), dtype=jnp.float32)
    W1 = jax.random.normal(k5, (D + OUT, OUT), dtype=jnp.float32) * 0.02
    b1 = jnp.zeros((OUT,), dtype=jnp.float32)
    return {"x": x, "topk_idx": topk_idx, "weights": weights,
            "W0": W0, "b0": b0, "W1": W1, "b1": b1}


def reference(x, topk_idx, weights, W0, b0, W1, b1):
    Tn = x.shape[0]
    # routing masks: token goes to expert e if e appears anywhere in its top-k list
    mask0 = (topk_idx == 0).any(axis=1)
    mask1 = (topk_idx == 1).any(axis=1)

    # expert 0 output, zero everywhere the token was not routed to expert 0
    out0 = jnp.where(mask0[:, None], x @ W0 + b0, 0.0)

    # last_valid_fill: forward-fill rows of out0 from the most recent valid
    # (expert-0-routed) timestep; invalid leading rows fall back to row 0
    time = jnp.arange(Tn)
    last_valid_time = jnp.where(mask0, time, 0)
    cummax_time = jax.lax.cummax(last_valid_time, axis=0)
    filled = out0[cummax_time]  # gather rows by forward-filled time index

    # expert 1 sees its input concatenated with the memory-filled expert-0 output
    x_enhanced = jnp.concatenate([x, filled], axis=1)
    out1 = jnp.where(mask1[:, None], x_enhanced @ W1 + b1, 0.0)

    w = weights[:, 0:1]
    out = w * out0 + (1.0 - w) * out1
    return out

if __name__ == "__main__":
    import jax
    _d = setup_inputs()
    print(jax.jit(kernel)(*tuple(_d.values())))

</pallas_src>

<mosaic_0001>
#map = affine_map<(d0, d1) -> (0)>
#map1 = affine_map<(d0, d1) -> (0, 0, 0)>
module attributes {stable_mosaic.version = 14 : i64} {
  func.func @_k1_router(%arg0: i32, %arg1: i32, %arg2: memref<32768xi32, #tpu.memory_space<hbm>>, %arg3: memref<32768xi32, #tpu.memory_space<hbm>>, %arg4: memref<32768xf32, #tpu.memory_space<hbm>>, %arg5: memref<2048xi32, #tpu.memory_space<hbm>>, %arg6: memref<2048xi32, #tpu.memory_space<hbm>>, %arg7: memref<2048xi32, #tpu.memory_space<hbm>>, %arg8: memref<32x2x64xi32, #tpu.memory_space<hbm>>, %arg9: memref<32x2x64xi32, #tpu.memory_space<hbm>>, %arg10: memref<32x2x64xi32, #tpu.memory_space<hbm>>, %arg11: memref<32x2x64xf32, #tpu.memory_space<hbm>>, %arg12: memref<512xi32, #tpu.memory_space<hbm>>, %arg13: memref<1024xi32, #tpu.memory_space<vmem>>, %arg14: memref<1024xi32, #tpu.memory_space<vmem>>, %arg15: memref<1024xf32, #tpu.memory_space<vmem>>, %arg16: memref<64xi32, #tpu.memory_space<vmem>>, %arg17: memref<64xi32, #tpu.memory_space<vmem>>, %arg18: memref<64xi32, #tpu.memory_space<vmem>>, %arg19: memref<2x64xi32, #tpu.memory_space<vmem>>, %arg20: memref<2x64xi32, #tpu.memory_space<vmem>>, %arg21: memref<2x64xi32, #tpu.memory_space<vmem>>, %arg22: memref<2x64xf32, #tpu.memory_space<vmem>>, %arg23: memref<16xi32, #tpu.memory_space<vmem>>) attributes {dimension_semantics = [#tpu.dimension_semantics<core_parallel>, #tpu.dimension_semantics<subcore_parallel>], iteration_bounds = array<i64: 2, 16>, scalar_prefetch = 0 : i64, scratch_operands = 11 : i64, tpu.core_type = #tpu.core_type<sc_vector_subcore>, window_params = [{transform_indices = #map}, {transform_indices = #map}, {transform_indices = #map}, {transform_indices = #map}, {transform_indices = #map}, {transform_indices = #map}, {transform_indices = #map1}, {transform_indices = #map1}, {transform_indices = #map1}, {transform_indices = #map1}, {transform_indices = #map}]} {
    %mul3A = arith.constant 2 : i32
    %mul3A_0 = arith.muli %arg1, %mul3A : i32
    %add3A = arith.addi %mul3A_0, %arg0 : i32
    %mul3A_1 = arith.constant 1024 : i32
    %mul3A_2 = arith.muli %add3A, %mul3A_1 : i32
    %iota3A = tpu.iota {dimensions = array<i32: 0>} : vector<16xi32>
    %broadcast_in_dim3A = arith.constant 0 : i32
    %broadcast_in_dim3A_3 = vector.broadcast %broadcast_in_dim3A : i32 to vector<16xi32>
    %broadcast_in_dim3A_4 = arith.constant 0.000000e+00 : f32
    %broadcast_in_dim3A_5 = vector.broadcast %broadcast_in_dim3A_4 : f32 to vector<16xf32>
    "tpu.region"() ({
      %run_scoped3A = tpu.sem_alloc : memref<!tpu.dma_semaphore, #tpu.memory_space<semaphore_mem>>
      %dma_start3A = tpu.memref_slice %arg2[%mul3A_2] : memref<32768xi32, #tpu.memory_space<hbm>> -> memref<1024xi32, #tpu.memory_space<hbm>>
      %dma_start3A_387 = tpu.memref_slice %arg2[%mul3A_2] : memref<32768xi32, #tpu.memory_space<hbm>> -> memref<1024xi32, #tpu.memory_space<hbm>>
      tpu.enqueue_dma source(%dma_start3A_387 : memref<1024xi32, #tpu.memory_space<hbm>>) target(%arg13 : memref<1024xi32, #tpu.memory_space<vmem>>) target_semaphore(%run_scoped3A : memref<!tpu.dma_semaphore, #tpu.memory_space<semaphore_mem>>)
      %dma_wait3A = tpu.memref_slice %arg2[%mul3A_2] : memref<32768xi32, #tpu.memory_space<hbm>> -> memref<1024xi32, #tpu.memory_space<hbm>>
      %dma_wait3A_388 = tpu.memref_slice %arg2[%mul3A_2] : memref<32768xi32, #tpu.memory_space<hbm>> -> memref<1024xi32, #tpu.memory_space<hbm>>
      tpu.wait_dma2 semaphore(%run_scoped3A : memref<!tpu.dma_semaphore, #tpu.memory_space<semaphore_mem>>) src(%dma_wait3A_388 : memref<1024xi32, #tpu.memory_space<hbm>>) dst(%arg13 : memref<1024xi32, #tpu.memory_space<vmem>>)
      tpu.yield
    }) : () -> ()
    "tpu.region"() ({
      %run_scoped3A = tpu.sem_alloc : memref<!tpu.dma_semaphore, #tpu.memory_space<semaphore_mem>>
      %dma_start3A = tpu.memref_slice %arg3[%mul3A_2] : memref<32768xi32, #tpu.memory_space<hbm>> -> memref<1024xi32, #tpu.memory_space<hbm>>
      %dma_start3A_387 = tpu.memref_slice %arg3[%mul3A_2] : memref<32768xi32, #tpu.memory_space<hbm>> -> memref<1024xi32, #tpu.memory_space<hbm>>
      tpu.enqueue_dma source(%dma_start3A_387 : memref<1024xi32, #tpu.memory_space<hbm>>) target(%arg14 : memref<1024xi32, #tpu.memory_space<vmem>>) target_semaphore(%run_scoped3A : memref<!tpu.dma_semaphore, #tpu.memory_space<semaphore_mem>>)
      %dma_wait3A = tpu.memref_slice %arg3[%mul3A_2] : memref<32768xi32, #tpu.memory_space<hbm>> -> memref<1024xi32, #tpu.memory_space<hbm>>
      %dma_wait3A_388 = tpu.memref_slice %arg3[%mul3A_2] : memref<32768xi32, #tpu.memory_space<hbm>> -> memref<1024xi32, #tpu.memory_space<hbm>>
      tpu.wait_dma2 semaphore(%run_scoped3A : memref<!tpu.dma_semaphore, #tpu.memory_space<semaphore_mem>>) src(%dma_wait3A_388 : memref<1024xi32, #tpu.memory_space<hbm>>) dst(%arg14 : memref<1024xi32, #tpu.memory_space<vmem>>)
      tpu.yield
    }) : () -> ()
    "tpu.region"() ({
      %run_scoped3A = tpu.sem_alloc : memref<!tpu.dma_semaphore, #tpu.memory_space<semaphore_mem>>
      %dma_start3A = tpu.memref_slice %arg4[%mul3A_2] : memref<32768xf32, #tpu.memory_space<hbm>> -> memref<1024xf32, #tpu.memory_space<hbm>>
      %dma_start3A_387 = tpu.memref_slice %arg4[%mul3A_2] : memref<32768xf32, #tpu.memory_space<hbm>> -> memref<1024xf32, #tpu.memory_space<hbm>>
      tpu.enqueue_dma source(%dma_start3A_387 : memref<1024xf32, #tpu.memory_space<hbm>>) target(%arg15 : memref<1024xf32, #tpu.memory_space<vmem>>) target_semaphore(%run_scoped3A : memref<!tpu.dma_semaphore, #tpu.memory_space<semaphore_mem>>)
      %dma_wait3A = tpu.memref_slice %arg4[%mul3A_2] : memref<32768xf32, #tpu.memory_space<hbm>> -> memref<1024xf32, #tpu.memory_space<hbm>>
      %dma_wait3A_388 = tpu.memref_slice %arg4[%mul3A_2] : memref<32768xf32, #tpu.memory_space<hbm>> -> memref<1024xf32, #tpu.memory_space<hbm>>
      tpu.wait_dma2 semaphore(%run_scoped3A : memref<!tpu.dma_semaphore, #tpu.memory_space<semaphore_mem>>) src(%dma_wait3A_388 : memref<1024xf32, #tpu.memory_space<hbm>>) dst(%arg15 : memref<1024xf32, #tpu.memory_space<vmem>>)
      tpu.yield
    }) : () -> ()
    %scan3A = arith.constant 0 : i32
    %scan3A_6 = arith.constant 0 : i32
    %scan3A_7 = arith.constant 4 : i32
    %scan3A_8 = arith.addi %scan3A_6, %scan3A_7 : i32
    %scan3A_9 = arith.constant 1 : i32
    %scan3A_10 = scf.for %scan3A_387 = %scan3A_6 to %scan3A_8 step %scan3A_9 iter_args(%scan3A_388 = %scan3A) -> (i32)  : i32 {
      %mul3A_389 = arith.constant 16 : i32
      %mul3A_390 = arith.muli %scan3A_387, %mul3A_389 : i32
      %swap3A_391 = arith.index_cast %mul3A_390 : i32 to index
      %swap3A_392 = tpu.vector_load %arg16[%swap3A_391] {strides = array<i32>} : memref<64xi32, #tpu.memory_space<vmem>>, vector<16xi32>,
      tpu.vector_store %arg16[%swap3A_391], %broadcast_in_dim3A_3 {strides = array<i32>} : memref<64xi32, #tpu.memory_space<vmem>>, vector<16xi32>,
      %mul3A_393 = arith.constant 16 : i32
      %mul3A_394 = arith.muli %scan3A_387, %mul3A_393 : i32
      %swap3A_395 = arith.index_cast %mul3A_394 : i32 to index
      %swap3A_396 = tpu.vector_load %arg17[%swap3A_395] {strides = array<i32>} : memref<64xi32, #tpu.memory_space<vmem>>, vector<16xi32>,
      tpu.vector_store %arg17[%swap3A_395], %broadcast_in_dim3A_3 {strides = array<i32>} : memref<64xi32, #tpu.memory_space<vmem>>, vector<16xi32>,
      %mul3A_397 = arith.constant 16 : i32
      %mul3A_398 = arith.muli %scan3A_387, %mul3A_397 : i32
      %swap3A_399 = arith.index_cast %mul3A_398 : i32 to index
      %swap3A_400 = tpu.vector_load %arg18[%swap3A_399] {strides = array<i32>} : memref<64xi32, #tpu.memory_space<vmem>>, vector<16xi32>,
      tpu.vector_store %arg18[%swap3A_399], %broadcast_in_dim3A_3 {strides = array<i32>} : memref<64xi32, #tpu.memory_space<vmem>>, vector<16xi32>,
      %scan3A_401 = arith.constant 0 : i32
      scf.yield %scan3A_401 : i32
    }
    %scan3A_11 = arith.constant 4 : i32
    %scan3A_12 = arith.constant 0 : i32
    %scan3A_13 = arith.constant 0 : i32
    %scan3A_14 = arith.constant 4 : i32
    %scan3A_15 = arith.addi %scan3A_13, %scan3A_14 : i32
    %scan3A_16 = arith.constant 1 : i32
    %scan3A_17 = scf.for %scan3A_387 = %scan3A_13 to %scan3A_15 step %scan3A_16 iter_args(%scan3A_388 = %scan3A_12) -> (i32)  : i32 {
      %add3A_389 = vector.broadcast %mul3A_2 : i32 to vector<16xi32>
      %add3A_390 = arith.addi %add3A_389, %broadcast_in_dim3A_3 : vector<16xi32>
      %mul3A_391 = arith.constant 16 : i32
      %mul3A_392 = arith.muli %scan3A_387, %mul3A_391 : i32
      %swap3A_393 = arith.constant 0 : i32
      %swap3A_394 = arith.index_cast %swap3A_393 : i32 to index
      %swap3A_395 = arith.index_cast %mul3A_392 : i32 to index
      %swap3A_396 = tpu.vector_load %arg19[%swap3A_394, %swap3A_395] {strides = array<i32>} : memref<2x64xi32, #tpu.memory_space<vmem>>, vector<16xi32>,
      tpu.vector_store %arg19[%swap3A_394, %swap3A_395], %add3A_390 {strides = array<i32>} : memref<2x64xi32, #tpu.memory_space<vmem>>, vector<16xi32>,
      %mul3A_397 = arith.constant 16 : i32
      %mul3A_398 = arith.muli %scan3A_387, %mul3A_397 : i32
      %swap3A_399 = arith.constant 0 : i32
      %swap3A_400 = arith.index_cast %swap3A_399 : i32 to index
      %swap3A_401 = arith.index_cast %mul3A_398 : i32 to index
      %swap3A_402 = tpu.vector_load %arg20[%swap3A_400, %swap3A_401] {strides = array<i32>} : memref<2x64xi32, #tpu.memory_space<vmem>>, vector<16xi32>,
      tpu.vector_store %arg20[%swap3A_400, %swap3A_401], %broadcast_in_dim3A_3 {strides = array<i32>} : memref<2x64xi32, #tpu.memory_space<vmem>>, vector<16xi32>,
      %mul3A_403 = arith.constant 16 : i32
      %mul3A_404 = arith.muli %scan3A_387, %mul3A_403 : i32
      %swap3A_405 = arith.constant 0 : i32
      %swap3A_406 = arith.index_cast %swap3A_405 : i32 to index
      %swap3A_407 = arith.index_cast %mul3A_404 : i32 to index
      %swap3A_408 = tpu.vector_load %arg21[%swap3A_406, %swap3A_407] {strides = array<i32>} : memref<2x64xi32, #tpu.memory_space<vmem>>, vector<16xi32>,
      tpu.vector_store %arg21[%swap3A_406, %swap3A_407], %broadcast_in_dim3A_3 {strides = array<i32>} : memref<2x64xi32, #tpu.memory_space<vmem>>, vector<16xi32>,
      %mul3A_409 = arith.constant 16 : i32
      %mul3A_410 = arith.muli %scan3A_387, %mul3A_409 : i32
      %swap3A_411 = arith.constant 0 : i32
      %swap3A_412 = arith.index_cast %swap3A_411 : i32 to index
      %swap3A_413 = arith.index_cast %mul3A_410 : i32 to index
      %swap3A_414 = tpu.vector_load %arg22[%swap3A_412, %swap3A_413] {strides = array<i32>} : memref<2x64xf32, #tpu.memory_space<vmem>>, vector<16xf32>,
      tpu.vector_store %arg22[%swap3A_412, %swap3A_413], %broadcast_in_dim3A_5 {strides = array<i32>} : memref<2x64xf32, #tpu.memory_space<vmem>>, vector<16xf32>,
      %scan3A_415 = arith.constant 0 : i32
      scf.yield %scan3A_415 : i32
    }
    %scan3A_18 = arith.constant 4 : i32
    %scan3A_19 = arith.constant 0 : i32
    %scan3A_20 = arith.constant 0 : i32
    %scan3A_21 = arith.constant 4 : i32
    %scan3A_22 = arith.addi %scan3A_20, %scan3A_21 : i32
    %scan3A_23 = arith.constant 1 : i32
    %scan3A_24 = scf.for %scan3A_387 = %scan3A_20 to %scan3A_22 step %scan3A_23 iter_args(%scan3A_388 = %scan3A_19) -> (i32)  : i32 {
      %add3A_389 = vector.broadcast %mul3A_2 : i32 to vector<16xi32>
      %add3A_390 = arith.addi %add3A_389, %broadcast_in_dim3A_3 : vector<16xi32>
      %mul3A_391 = arith.constant 16 : i32
      %mul3A_392 = arith.muli %scan3A_387, %mul3A_391 : i32
      %swap3A_393 = arith.constant 1 : i32
      %swap3A_394 = arith.index_cast %swap3A_393 : i32 to index
      %swap3A_395 = arith.index_cast %mul3A_392 : i32 to index
      %swap3A_396 = tpu.vector_load %arg19[%swap3A_394, %swap3A_395] {strides = array<i32>} : memref<2x64xi32, #tpu.memory_space<vmem>>, vector<16xi32>,
      tpu.vector_store %arg19[%swap3A_394, %swap3A_395], %add3A_390 {strides = array<i32>} : memref<2x64xi32, #tpu.memory_space<vmem>>, vector<16xi32>,
      %mul3A_397 = arith.constant 16 : i32
      %mul3A_398 = arith.muli %scan3A_387, %mul3A_397 : i32
      %swap3A_399 = arith.constant 1 : i32
      %swap3A_400 = arith.index_cast %swap3A_399 : i32 to index
      %swap3A_401 = arith.index_cast %mul3A_398 : i32 to index
      %swap3A_402 = tpu.vector_load %arg20[%swap3A_400, %swap3A_401] {strides = array<i32>} : memref<2x64xi32, #tpu.memory_space<vmem>>, vector<16xi32>,
      tpu.vector_store %arg20[%swap3A_400, %swap3A_401], %broadcast_in_dim3A_3 {strides = array<i32>} : memref<2x64xi32, #tpu.memory_space<vmem>>, vector<16xi32>,
      %mul3A_403 = arith.constant 16 : i32
      %mul3A_404 = arith.muli %scan3A_387, %mul3A_403 : i32
      %swap3A_405 = arith.constant 1 : i32
      %swap3A_406 = arith.index_cast %swap3A_405 : i32 to index
      %swap3A_407 = arith.index_cast %mul3A_404 : i32 to index
      %swap3A_408 = tpu.vector_load %arg21[%swap3A_406, %swap3A_407] {strides = array<i32>} : memref<2x64xi32, #tpu.memory_space<vmem>>, vector<16xi32>,
      tpu.vector_store %arg21[%swap3A_406, %swap3A_407], %broadcast_in_dim3A_3 {strides = array<i32>} : memref<2x64xi32, #tpu.memory_space<vmem>>, vector<16xi32>,
      %mul3A_409 = arith.constant 16 : i32
      %mul3A_410 = arith.muli %scan3A_387, %mul3A_409 : i32
      %swap3A_411 = arith.constant 1 : i32
      %swap3A_412 = arith.index_cast %swap3A_411 : i32 to index
      %swap3A_413 = arith.index_cast %mul3A_410 : i32 to index
      %swap3A_414 = tpu.vector_load %arg22[%swap3A_412, %swap3A_413] {strides = array<i32>} : memref<2x64xf32, #tpu.memory_space<vmem>>, vector<16xf32>,
      tpu.vector_store %arg22[%swap3A_412, %swap3A_413], %broadcast_in_dim3A_5 {strides = array<i32>} : memref<2x64xf32, #tpu.memory_space<vmem>>, vector<16xf32>,
      %scan3A_415 = arith.constant 0 : i32
      scf.yield %scan3A_415 : i32
    }
    %scan3A_25 = arith.constant 4 : i32
    %mul3A_26 = arith.constant 64 : i32
    %mul3A_27 = arith.muli %add3A, %mul3A_26 : i32
    %add3A_28 = arith.constant 256 : i32
    %add3A_29 = arith.addi %add3A_28, %mul3A_27 : i32
    %scan3A_30 = arith.constant 0 : i32
    %scan3A_31 = arith.constant 64 : i32
    %scan3A_32 = arith.addi %scan3A_30, %scan3A_31 : i32
    %scan3A_33 = arith.constant 1 : i32
    %scan3A_34:3 = scf.for %scan3A_387 = %scan3A_30 to %scan3A_32 step %scan3A_33 iter_args(%scan3A_388 = %broadcast_in_dim3A_3, %scan3A_389 = %broadcast_in_dim3A_3, %scan3A_390 = %broadcast_in_dim3A_3) -> (vector<16xi32>, vector<16xi32>, vector<16xi32>)  : i32 {
      %mul3A_391 = arith.constant 16 : i32
      %mul3A_392 = arith.muli %scan3A_387, %mul3A_391 : i32
      %get3A_393 = arith.index_cast %mul3A_392 : i32 to index
      %get3A_394 = tpu.vector_load %arg13[%get3A_393] {strides = array<i32>} : memref<1024xi32, #tpu.memory_space<vmem>>, vector<16xi32>,
      %get3A_395 = arith.index_cast %mul3A_392 : i32 to index
      %get3A_396 = tpu.vector_load %arg14[%get3A_395] {strides = array<i32>} : memref<1024xi32, #tpu.memory_space<vmem>>, vector<16xi32>,
      %get3A_397 = arith.index_cast %mul3A_392 : i32 to index
      %get3A_398 = tpu.vector_load %arg15[%get3A_397] {strides = array<i32>} : memref<1024xf32, #tpu.memory_space<vmem>>, vector<16xf32>,
      %eq3A_399 = arith.constant 0 : i32
      %eq3A_400 = vector.broadcast %eq3A_399 : i32 to vector<16xi32>
      %eq3A_401 = arith.cmpi eq, %get3A_394, %eq3A_400 : vector<16xi32>
      %eq3A_402 = arith.constant 0 : i32
      %eq3A_403 = vector.broadcast %eq3A_402 : i32 to vector<16xi32>
      %eq3A_404 = arith.cmpi eq, %get3A_396, %eq3A_403 : vector<16xi32>
      %or3A = arith.ori %eq3A_401, %eq3A_404 : vector<16xi1>
      %eq3A_405 = arith.constant 1 : i32
      %eq3A_406 = vector.broadcast %eq3A_405 : i32 to vector<16xi32>
      %eq3A_407 = arith.cmpi eq, %get3A_394, %eq3A_406 : vector<16xi32>
      %eq3A_408 = arith.constant 1 : i32
      %eq3A_409 = vector.broadcast %eq3A_408 : i32 to vector<16xi32>
      %eq3A_410 = arith.cmpi eq, %get3A_396, %eq3A_409 : vector<16xi32>
      %or3A_411 = arith.ori %eq3A_407, %eq3A_410 : vector<16xi1>
      %or3A_412 = arith.ori %or3A, %or3A_411 : vector<16xi1>
      %jit3A_413 = arith.constant 1 : i32
      %jit3A_414 = arith.constant 0 : i32
      %broadcast_in_dim3A_415 = vector.broadcast %jit3A_413 : i32 to vector<16xi32>
      %broadcast_in_dim3A_416 = vector.broadcast %jit3A_414 : i32 to vector<16xi32>
      %select_n3A_417 = arith.select %or3A, %broadcast_in_dim3A_415, %broadcast_in_dim3A_416 : vector<16xi1>, vector<16xi32>
      %cumsum3A = arith.constant true
      %cumsum3A_418 = vector.broadcast %cumsum3A : i1 to vector<16xi1>
      %cumsum3A_419 = tpu.scan <sum>, %select_n3A_417 masked %cumsum3A_418 : vector<16xi32>, vector<16xi1> -> vector<16xi32>
      %add3A_420 = arith.addi %cumsum3A_419, %scan3A_388 : vector<16xi32>
      %jit3A_421 = arith.constant 1 : i32
      %jit3A_422 = arith.constant 0 : i32
      %broadcast_in_dim3A_423 = vector.broadcast %jit3A_421 : i32 to vector<16xi32>
      %broadcast_in_dim3A_424 = vector.broadcast %jit3A_422 : i32 to vector<16xi32>
      %select_n3A_425 = arith.select %or3A_411, %broadcast_in_dim3A_423, %broadcast_in_dim3A_424 : vector<16xi1>, vector<16xi32>
      %cumsum3A_426 = arith.constant true
      %cumsum3A_427 = vector.broadcast %cumsum3A_426 : i1 to vector<16xi1>
      %cumsum3A_428 = tpu.scan <sum>, %select_n3A_425 masked %cumsum3A_427 : vector<16xi32>, vector<16xi1> -> vector<16xi32>
      %add3A_429 = arith.addi %cumsum3A_428, %scan3A_389 : vector<16xi32>
      %jit3A_430 = arith.constant 1 : i32
      %jit3A_431 = arith.constant 0 : i32
      %broadcast_in_dim3A_432 = vector.broadcast %jit3A_430 : i32 to vector<16xi32>
      %broadcast_in_dim3A_433 = vector.broadcast %jit3A_431 : i32 to vector<16xi32>
      %select_n3A_434 = arith.select %or3A_412, %broadcast_in_dim3A_432, %broadcast_in_dim3A_433 : vector<16xi1>, vector<16xi32>
      %cumsum3A_435 = arith.constant true
      %cumsum3A_436 = vector.broadcast %cumsum3A_435 : i1 to vector<16xi1>
      %cumsum3A_437 = tpu.scan <sum>, %select_n3A_434 masked %cumsum3A_436 : vector<16xi32>, vector<16xi1> -> vector<16xi32>
      %add3A_438 = arith.addi %cumsum3A_437, %scan3A_390 : vector<16xi32>
      %sub3A_439 = arith.constant 1 : i32
      %sub3A_440 = vector.broadcast %sub3A_439 : i32 to vector<16xi32>
      %sub3A_441 = arith.subi %add3A_420, %sub3A_440 : vector<16xi32>
      %sub3A_442 = arith.constant 1 : i32
      %sub3A_443 = vector.broadcast %sub3A_442 : i32 to vector<16xi32>
      %sub3A_444 = arith.subi %add3A_429, %sub3A_443 : vector<16xi32>
      %sub3A_445 = arith.constant 1 : i32
      %sub3A_446 = vector.broadcast %sub3A_445 : i32 to vector<16xi32>
      %sub3A_447 = arith.subi %add3A_438, %sub3A_446 : vector<16xi32>
      %add3A_448 = arith.addi %mul3A_2, %mul3A_392 : i32
      %add3A_449 = vector.broadcast %add3A_448 : i32 to vector<16xi32>
      %add3A_450 = arith.addi %add3A_449, %iota3A : vector<16xi32>
      %lt3A_451 = arith.constant 64 : i32
      %lt3A_452 = vector.broadcast %lt3A_451 : i32 to vector<16xi32>
      %lt3A_453 = arith.cmpi slt, %sub3A_441, %lt3A_452 : vector<16xi32>
      %and3A_454 = arith.andi %or3A, %lt3A_453 : vector<16xi1>
      %lt3A_455 = arith.constant 64 : i32
      %lt3A_456 = vector.broadcast %lt3A_455 : i32 to vector<16xi32>
      %lt3A_457 = arith.cmpi slt, %sub3A_444, %lt3A_456 : vector<16xi32>
      %and3A_458 = arith.andi %or3A_411, %lt3A_457 : vector<16xi1>
      %lt3A_459 = arith.constant 128 : i32
      %lt3A_460 = vector.broadcast %lt3A_459 : i32 to vector<16xi32>
      %lt3A_461 = arith.cmpi slt, %sub3A_447, %lt3A_460 : vector<16xi32>
      %and3A_462 = arith.andi %or3A_412, %lt3A_461 : vector<16xi1>
      tpu.vector_store_idx %arg16[%sub3A_441], %add3A_450 masked %and3A_454 : memref<64xi32, #tpu.memory_space<vmem>>[vector<16xi32>], vector<16xi32>, vector<16xi1>
      tpu.vector_store_idx %arg17[%sub3A_444], %add3A_450 masked %and3A_458 : memref<64xi32, #tpu.memory_space<vmem>>[vector<16xi32>], vector<16xi32>, vector<16xi1>
      %gt3A = arith.constant 0 : i32
      %gt3A_463 = vector.broadcast %gt3A : i32 to vector<16xi32>
      %gt3A_464 = arith.cmpi sgt, %add3A_420, %gt3A_463 : vector<16xi32>
      %mul3A_465 = arith.constant 64 : i32
      %mul3A_466 = arith.muli %add3A, %mul3A_465 : i32
      %add3A_467 = arith.constant 256 : i32
      %add3A_468 = arith.addi %add3A_467, %mul3A_466 : i32
      %min3A_469 = arith.constant 64 : i32
      %min3A_470 = vector.broadcast %min3A_469 : i32 to vector<16xi32>
      %min3A_471 = arith.minsi %add3A_420, %min3A_470 : vector<16xi32>
      %add3A_472 = vector.broadcast %add3A_468 : i32 to vector<16xi32>
      %add3A_473 = arith.addi %add3A_472, %min3A_471 : vector<16xi32>
      %sub3A_474 = arith.constant 1 : i32
      %sub3A_475 = vector.broadcast %sub3A_474 : i32 to vector<16xi32>
      %sub3A_476 = arith.subi %add3A_473, %sub3A_475 : vector<16xi32>
      %broadcast_in_dim3A_477 = arith.constant 1 : i32
      %broadcast_in_dim3A_478 = vector.broadcast %broadcast_in_dim3A_477 : i32 to vector<16xi32>
      %neg3A = arith.constant 0 : i32
      %neg3A_479 = vector.broadcast %neg3A : i32 to vector<16xi32>
      %neg3A_480 = arith.subi %neg3A_479, %broadcast_in_dim3A_478 : vector<16xi32>
      %select_n3A_481 = arith.select %gt3A_464, %sub3A_476, %neg3A_480 : vector<16xi1>, vector<16xi32>
      tpu.vector_store_idx %arg18[%sub3A_444], %select_n3A_481 masked %and3A_458 : memref<64xi32, #tpu.memory_space<vmem>>[vector<16xi32>], vector<16xi32>, vector<16xi1>
      %max3A_482 = arith.constant 0 : i32
      %max3A_483 = vector.broadcast %max3A_482 : i32 to vector<16xi32>
      %max3A_484 = arith.maxsi %sub3A_447, %max3A_483 : vector<16xi32>
      %shift_right_logical3A_485 = arith.constant 6 : i32
      %shift_right_logical3A_486 = vector.broadcast %shift_right_logical3A_485 : i32 to vector<16xi32>
      %shift_right_logical3A_487 = arith.shrui %max3A_484, %shift_right_logical3A_486 : vector<16xi32>
      %max3A_488 = arith.constant 0 : i32
      %max3A_489 = vector.broadcast %max3A_488 : i32 to vector<16xi32>
      %max3A_490 = arith.maxsi %sub3A_447, %max3A_489 : vector<16xi32>
      %and3A_491 = arith.constant 63 : i32
      %and3A_492 = vector.broadcast %and3A_491 : i32 to vector<16xi32>
      %and3A_493 = arith.andi %max3A_490, %and3A_492 : vector<16xi32>
      tpu.vector_store_idx %arg19[%shift_right_logical3A_487, %and3A_493], %add3A_450 masked %and3A_462 : memref<2x64xi32, #tpu.memory_space<vmem>>[vector<16xi32>, vector<16xi32>], vector<16xi32>, vector<16xi1>
      %add3A_494 = vector.broadcast %add3A_29 : i32 to vector<16xi32>
      %add3A_495 = arith.addi %add3A_494, %sub3A_441 : vector<16xi32>
      %jit3A_496 = arith.constant 0 : i32
      %broadcast_in_dim3A_497 = vector.broadcast %jit3A_496 : i32 to vector<16xi32>
      %select_n3A_498 = arith.select %and3A_454, %add3A_495, %broadcast_in_dim3A_497 : vector<16xi1>, vector<16xi32>
      tpu.vector_store_idx %arg20[%shift_right_logical3A_487, %and3A_493], %select_n3A_498 masked %and3A_462 : memref<2x64xi32, #tpu.memory_space<vmem>>[vector<16xi32>, vector<16xi32>], vector<16xi32>, vector<16xi1>
      %add3A_499 = vector.broadcast %add3A_29 : i32 to vector<16xi32>
      %add3A_500 = arith.addi %add3A_499, %sub3A_444 : vector<16xi32>
      %jit3A_501 = arith.constant 0 : i32
      %broadcast_in_dim3A_502 = vector.broadcast %jit3A_501 : i32 to vector<16xi32>
      %select_n3A_503 = arith.select %and3A_458, %add3A_500, %broadcast_in_dim3A_502 : vector<16xi1>, vector<16xi32>
      tpu.vector_store_idx %arg21[%shift_right_logical3A_487, %and3A_493], %select_n3A_503 masked %and3A_462 : memref<2x64xi32, #tpu.memory_space<vmem>>[vector<16xi32>, vector<16xi32>], vector<16xi32>, vector<16xi1>
      tpu.vector_store_idx %arg22[%shift_right_logical3A_487, %and3A_493], %get3A_398 masked %and3A_462 : memref<2x64xf32, #tpu.memory_space<vmem>>[vector<16xi32>, vector<16xi32>], vector<16xf32>, vector<16xi1>
      %all_reduce_population_count3A = tpu.all_reduce %or3A {dim = 0 : i64, kind = #tpu.reduction_kind<sum>} : vector<16xi1> -> vector<16xi32>
      %add3A_504 = arith.addi %scan3A_388, %all_reduce_population_count3A : vector<16xi32>
      %all_reduce_population_count3A_505 = tpu.all_reduce %or3A_411 {dim = 0 : i64, kind = #tpu.reduction_kind<sum>} : vector<16xi1> -> vector<16xi32>
      %add3A_506 = arith.addi %scan3A_389, %all_reduce_population_count3A_505 : vector<16xi32>
      %all_reduce_population_count3A_507 = tpu.all_reduce %or3A_412 {dim = 0 : i64, kind = #tpu.reduction_kind<sum>} : vector<16xi1> -> vector<16xi32>
      %add3A_508 = arith.addi %scan3A_390, %all_reduce_population_count3A_507 : vector<16xi32>
      scf.yield %add3A_504, %add3A_506, %add3A_508 : vector<16xi32>, vector<16xi32>, vector<16xi32>
    }
    %scan3A_35 = arith.constant 64 : i32
    %min3A = arith.constant 128 : i32
    %min3A_36 = vector.broadcast %min3A : i32 to vector<16xi32>
    %min3A_37 = arith.minsi %scan3A_34#2, %min3A_36 : vector<16xi32>
    %sub3A = arith.constant 1 : i32
    %sub3A_38 = vector.broadcast %sub3A : i32 to vector<16xi32>
    %sub3A_39 = arith.subi %min3A_37, %sub3A_38 : vector<16xi32>
    %max3A = arith.constant 0 : i32
    %max3A_40 = vector.broadcast %max3A : i32 to vector<16xi32>
    %max3A_41 = arith.maxsi %sub3A_39, %max3A_40 : vector<16xi32>
    %shift_right_logical3A = arith.constant 6 : i32
    %shift_right_logical3A_42 = vector.broadcast %shift_right_logical3A : i32 to vector<16xi32>
    %shift_right_logical3A_43 = arith.shrui %max3A_41, %shift_right_logical3A_42 : vector<16xi32>
    %and3A = arith.constant 63 : i32
    %and3A_44 = vector.broadcast %and3A : i32 to vector<16xi32>
    %and3A_45 = arith.andi %max3A_41, %and3A_44 : vector<16xi32>
    %gather3A = tpu.vector_load_idx %arg19[%shift_right_logical3A_43, %and3A_45] : memref<2x64xi32, #tpu.memory_space<vmem>>[vector<16xi32>, vector<16xi32>], vector<16xi32>,
    %gather3A_46 = tpu.vector_load_idx %arg20[%shift_right_logical3A_43, %and3A_45] : memref<2x64xi32, #tpu.memory_space<vmem>>[vector<16xi32>, vector<16xi32>], vector<16xi32>,
    %gather3A_47 = tpu.vector_load_idx %arg21[%shift_right_logical3A_43, %and3A_45] : memref<2x64xi32, #tpu.memory_space<vmem>>[vector<16xi32>, vector<16xi32>], vector<16xi32>,
    %gather3A_48 = tpu.vector_load_idx %arg22[%shift_right_logical3A_43, %and3A_45] : memref<2x64xf32, #tpu.memory_space<vmem>>[vector<16xi32>, vector<16xi32>], vector<16xf32>,
    %add3A_49 = arith.constant 0 : i32
    %add3A_50 = vector.broadcast %add3A_49 : i32 to vector<16xi32>
    %add3A_51 = arith.addi %add3A_50, %iota3A : vector<16xi32>
    %lt3A = arith.cmpi slt, %add3A_51, %scan3A_34#2 : vector<16xi32>
    %get3A = arith.constant 0 : i32
    %get3A_52 = arith.index_cast %get3A : i32 to index
    %get3A_53 = arith.constant 0 : index
    %get3A_54 = tpu.vector_load %arg19[%get3A_52, %get3A_53] {strides = array<i32>} : memref<2x64xi32, #tpu.memory_space<vmem>>, vector<16xi32>,
    %select_n3A = arith.select %lt3A, %get3A_54, %gather3A : vector<16xi1>, vector<16xi32>
    %swap3A = arith.constant 0 : i32
    %swap3A_55 = arith.index_cast %swap3A : i32 to index
    %swap3A_56 = arith.constant 0 : index
    %swap3A_57 = tpu.vector_load %arg19[%swap3A_55, %swap3A_56] {strides = array<i32>} : memref<2x64xi32, #tpu.memory_space<vmem>>, vector<16xi32>,
    tpu.vector_store %arg19[%swap3A_55, %swap3A_56], %select_n3A {strides = array<i32>} : memref<2x64xi32, #tpu.memory_space<vmem>>, vector<16xi32>,
    %get3A_58 = arith.constant 0 : i32
    %get3A_59 = arith.index_cast %get3A_58 : i32 to index
    %get3A_60 = arith.constant 0 : index
    %get3A_61 = tpu.vector_load %arg20[%get3A_59, %get3A_60] {strides = array<i32>} : memref<2x64xi32, #tpu.memory_space<vmem>>, vector<16xi32>,
    %select_n3A_62 = arith.select %lt3A, %get3A_61, %gather3A_46 : vector<16xi1>, vector<16xi32>
    %swap3A_63 = arith.constant 0 : i32
    %swap3A_64 = arith.index_cast %swap3A_63 : i32 to index
    %swap3A_65 = arith.constant 0 : index
    %swap3A_66 = tpu.vector_load %arg20[%swap3A_64, %swap3A_65] {strides = array<i32>} : memref<2x64xi32, #tpu.memory_space<vmem>>, vector<16xi32>,
    tpu.vector_store %arg20[%swap3A_64, %swap3A_65], %select_n3A_62 {strides = array<i32>} : memref<2x64xi32, #tpu.memory_space<vmem>>, vector<16xi32>,
    %get3A_67 = arith.constant 0 : i32
    %get3A_68 = arith.index_cast %get3A_67 : i32 to index
    %get3A_69 = arith.constant 0 : index
    %get3A_70 = tpu.vector_load %arg21[%get3A_68, %get3A_69] {strides = array<i32>} : memref<2x64xi32, #tpu.memory_space<vmem>>, vector<16xi32>,
    %select_n3A_71 = arith.select %lt3A, %get3A_70, %gather3A_47 : vector<16xi1>, vector<16xi32>
    %swap3A_72 = arith.constant 0 : i32
    %swap3A_73 = arith.index_cast %swap3A_72 : i32 to index
    %swap3A_74 = arith.constant 0 : index
    %swap3A_75 = tpu.vector_load %arg21[%swap3A_73, %swap3A_74] {strides = array<i32>} : memref<2x64xi32, #tpu.memory_space<vmem>>, vector<16xi32>,
    tpu.vector_store %arg21[%swap3A_73, %swap3A_74], %select_n3A_71 {strides = array<i32>} : memref<2x64xi32, #tpu.memory_space<vmem>>, vector<16xi32>,
    %get3A_76 = arith.constant 0 : i32
    %get3A_77 = arith.index_cast %get3A_76 : i32 to index
    %get3A_78 = arith.constant 0 : index
    %get3A_79 = tpu.vector_load %arg22[%get3A_77, %get3A_78] {strides = array<i32>} : memref<2x64xf32, #tpu.memory_space<vmem>>, vector<16xf32>,
    %select_n3A_80 = arith.select %lt3A, %get3A_79, %gather3A_48 : vector<16xi1>, vector<16xf32>
    %swap3A_81 = arith.constant 0 : i32
    %swap3A_82 = arith.index_cast %swap3A_81 : i32 to index
    %swap3A_83 = arith.constant 0 : index
    %swap3A_84 = tpu.vector_load %arg22[%swap3A_82, %swap3A_83] {strides = array<i32>} : memref<2x64xf32, #tpu.memory_space<vmem>>, vector<16xf32>,
    tpu.vector_store %arg22[%swap3A_82, %swap3A_83], %select_n3A_80 {strides = array<i32>} : memref<2x64xf32, #tpu.memory_space<vmem>>, vector<16xf32>,
    %add3A_85 = arith.constant 16 : i32
    %add3A_86 = vector.broadcast %add3A_85 : i32 to vector<16xi32>
    %add3A_87 = arith.addi %add3A_86, %iota3A : vector<16xi32>
    %lt3A_88 = arith.cmpi slt, %add3A_87, %scan3A_34#2 : vector<16xi32>
    %get3A_89 = arith.constant 0 : i32
    %get3A_90 = arith.index_cast %get3A_89 : i32 to index
    %get3A_91 = arith.constant 16 : index
    %get3A_92 = tpu.vector_load %arg19[%get3A_90, %get3A_91] {strides = array<i32>} : memref<2x64xi32, #tpu.memory_space<vmem>>, vector<16xi32>,
    %select_n3A_93 = arith.select %lt3A_88, %get3A_92, %gather3A : vector<16xi1>, vector<16xi32>
    %swap3A_94 = arith.constant 0 : i32
    %swap3A_95 = arith.index_cast %swap3A_94 : i32 to index
    %swap3A_96 = arith.constant 16 : index
    %swap3A_97 = tpu.vector_load %arg19[%swap3A_95, %swap3A_96] {strides = array<i32>} : memref<2x64xi32, #tpu.memory_space<vmem>>, vector<16xi32>,
    tpu.vector_store %arg19[%swap3A_95, %swap3A_96], %select_n3A_93 {strides = array<i32>} : memref<2x64xi32, #tpu.memory_space<vmem>>, vector<16xi32>,
    %get3A_98 = arith.constant 0 : i32
    %get3A_99 = arith.index_cast %get3A_98 : i32 to index
    %get3A_100 = arith.constant 16 : index
    %get3A_101 = tpu.vector_load %arg20[%get3A_99, %get3A_100] {strides = array<i32>} : memref<2x64xi32, #tpu.memory_space<vmem>>, vector<16xi32>,
    %select_n3A_102 = arith.select %lt3A_88, %get3A_101, %gather3A_46 : vector<16xi1>, vector<16xi32>
    %swap3A_103 = arith.constant 0 : i32
    %swap3A_104 = arith.index_cast %swap3A_103 : i32 to index
    %swap3A_105 = arith.constant 16 : index
    %swap3A_106 = tpu.vector_load %arg20[%swap3A_104, %swap3A_105] {strides = array<i32>} : memref<2x64xi32, #tpu.memory_space<vmem>>, vector<16xi32>,
    tpu.vector_store %arg20[%swap3A_104, %swap3A_105], %select_n3A_102 {strides = array<i32>} : memref<2x64xi32, #tpu.memory_space<vmem>>, vector<16xi32>,
    %get3A_107 = arith.constant 0 : i32
    %get3A_108 = arith.index_cast %get3A_107 : i32 to index
    %get3A_109 = arith.constant 16 : index
    %get3A_110 = tpu.vector_load %arg21[%get3A_108, %get3A_109] {strides = array<i32>} : memref<2x64xi32, #tpu.memory_space<vmem>>, vector<16xi32>,
    %select_n3A_111 = arith.select %lt3A_88, %get3A_110, %gather3A_47 : vector<16xi1>, vector<16xi32>
    %swap3A_112 = arith.constant 0 : i32
    %swap3A_113 = arith.index_cast %swap3A_112 : i32 to index
    %swap3A_114 = arith.constant 16 : index
    %swap3A_115 = tpu.vector_load %arg21[%swap3A_113, %swap3A_114] {strides = array<i32>} : memref<2x64xi32, #tpu.memory_space<vmem>>, vector<16xi32>,
    tpu.vector_store %arg21[%swap3A_113, %swap3A_114], %select_n3A_111 {strides = array<i32>} : memref<2x64xi32, #tpu.memory_space<vmem>>, vector<16xi32>,
    %get3A_116 = arith.constant 0 : i32
    %get3A_117 = arith.index_cast %get3A_116 : i32 to index
    %get3A_118 = arith.constant 16 : index
    %get3A_119 = tpu.vector_load %arg22[%get3A_117, %get3A_118] {strides = array<i32>} : memref<2x64xf32, #tpu.memory_space<vmem>>, vector<16xf32>,
    %select_n3A_120 = arith.select %lt3A_88, %get3A_119, %gather3A_48 : vector<16xi1>, vector<16xf32>
    %swap3A_121 = arith.constant 0 : i32
    %swap3A_122 = arith.index_cast %swap3A_121 : i32 to index
    %swap3A_123 = arith.constant 16 : index
    %swap3A_124 = tpu.vector_load %arg22[%swap3A_122, %swap3A_123] {strides = array<i32>} : memref<2x64xf32, #tpu.memory_space<vmem>>, vector<16xf32>,
    tpu.vector_store %arg22[%swap3A_122, %swap3A_123], %select_n3A_120 {strides = array<i32>} : memref<2x64xf32, #tpu.memory_space<vmem>>, vector<16xf32>,
    %add3A_125 = arith.constant 32 : i32
    %add3A_126 = vector.broadcast %add3A_125 : i32 to vector<16xi32>
    %add3A_127 = arith.addi %add3A_126, %iota3A : vector<16xi32>
    %lt3A_128 = arith.cmpi slt, %add3A_127, %scan3A_34#2 : vector<16xi32>
    %get3A_129 = arith.constant 0 : i32
    %get3A_130 = arith.index_cast %get3A_129 : i32 to index
    %get3A_131 = arith.constant 32 : index
    %get3A_132 = tpu.vector_load %arg19[%get3A_130, %get3A_131] {strides = array<i32>} : memref<2x64xi32, #tpu.memory_space<vmem>>, vector<16xi32>,
    %select_n3A_133 = arith.select %lt3A_128, %get3A_132, %gather3A : vector<16xi1>, vector<16xi32>
    %swap3A_134 = arith.constant 0 : i32
    %swap3A_135 = arith.index_cast %swap3A_134 : i32 to index
    %swap3A_136 = arith.constant 32 : index
    %swap3A_137 = tpu.vector_load %arg19[%swap3A_135, %swap3A_136] {strides = array<i32>} : memref<2x64xi32, #tpu.memory_space<vmem>>, vector<16xi32>,
    tpu.vector_store %arg19[%swap3A_135, %swap3A_136], %select_n3A_133 {strides = array<i32>} : memref<2x64xi32, #tpu.memory_space<vmem>>, vector<16xi32>,
    %get3A_138 = arith.constant 0 : i32
    %get3A_139 = arith.index_cast %get3A_138 : i32 to index
    %get3A_140 = arith.constant 32 : index
    %get3A_141 = tpu.vector_load %arg20[%get3A_139, %get3A_140] {strides = array<i32>} : memref<2x64xi32, #tpu.memory_space<vmem>>, vector<16xi32>,
    %select_n3A_142 = arith.select %lt3A_128, %get3A_141, %gather3A_46 : vector<16xi1>, vector<16xi32>
    %swap3A_143 = arith.constant 0 : i32
    %swap3A_144 = arith.index_cast %swap3A_143 : i32 to index
    %swap3A_145 = arith.constant 32 : index
    %swap3A_146 = tpu.vector_load %arg20[%swap3A_144, %swap3A_145] {strides = array<i32>} : memref<2x64xi32, #tpu.memory_space<vmem>>, vector<16xi32>,
    tpu.vector_store %arg20[%swap3A_144, %swap3A_145], %select_n3A_142 {strides = array<i32>} : memref<2x64xi32, #tpu.memory_space<vmem>>, vector<16xi32>,
    %get3A_147 = arith.constant 0 : i32
    %get3A_148 = arith.index_cast %get3A_147 : i32 to index
    %get3A_149 = arith.constant 32 : index
    %get3A_150 = tpu.vector_load %arg21[%get3A_148, %get3A_149] {strides = array<i32>} : memref<2x64xi32, #tpu.memory_space<vmem>>, vector<16xi32>,
    %select_n3A_151 = arith.select %lt3A_128, %get3A_150, %gather3A_47 : vector<16xi1>, vector<16xi32>
    %swap3A_152 = arith.constant 0 : i32
    %swap3A_153 = arith.index_cast %swap3A_152 : i32 to index
    %swap3A_154 = arith.constant 32 : index
    %swap3A_155 = tpu.vector_load %arg21[%swap3A_153, %swap3A_154] {strides = array<i32>} : memref<2x64xi32, #tpu.memory_space<vmem>>, vector<16xi32>,
    tpu.vector_store %arg21[%swap3A_153, %swap3A_154], %select_n3A_151 {strides = array<i32>} : memref<2x64xi32, #tpu.memory_space<vmem>>, vector<16xi32>,
    %get3A_156 = arith.constant 0 : i32
    %get3A_157 = arith.index_cast %get3A_156 : i32 to index
    %get3A_158 = arith.constant 32 : index
    %get3A_159 = tpu.vector_load %arg22[%get3A_157, %get3A_158] {strides = array<i32>} : memref<2x64xf32, #tpu.memory_space<vmem>>, vector<16xf32>,
    %select_n3A_160 = arith.select %lt3A_128, %get3A_159, %gather3A_48 : vector<16xi1>, vector<16xf32>
    %swap3A_161 = arith.constant 0 : i32
    %swap3A_162 = arith.index_cast %swap3A_161 : i32 to index
    %swap3A_163 = arith.constant 32 : index
    %swap3A_164 = tpu.vector_load %arg22[%swap3A_162, %swap3A_163] {strides = array<i32>} : memref<2x64xf32, #tpu.memory_space<vmem>>, vector<16xf32>,
    tpu.vector_store %arg22[%swap3A_162, %swap3A_163], %select_n3A_160 {strides = array<i32>} : memref<2x64xf32, #tpu.memory_space<vmem>>, vector<16xf32>,
    %add3A_165 = arith.constant 48 : i32
    %add3A_166 = vector.broadcast %add3A_165 : i32 to vector<16xi32>
    %add3A_167 = arith.addi %add3A_166, %iota3A : vector<16xi32>
    %lt3A_168 = arith.cmpi slt, %add3A_167, %scan3A_34#2 : vector<16xi32>
    %get3A_169 = arith.constant 0 : i32
    %get3A_170 = arith.index_cast %get3A_169 : i32 to index
    %get3A_171 = arith.constant 48 : index
    %get3A_172 = tpu.vector_load %arg19[%get3A_170, %get3A_171] {strides = array<i32>} : memref<2x64xi32, #tpu.memory_space<vmem>>, vector<16xi32>,
    %select_n3A_173 = arith.select %lt3A_168, %get3A_172, %gather3A : vector<16xi1>, vector<16xi32>
    %swap3A_174 = arith.constant 0 : i32
    %swap3A_175 = arith.index_cast %swap3A_174 : i32 to index
    %swap3A_176 = arith.constant 48 : index
    %swap3A_177 = tpu.vector_load %arg19[%swap3A_175, %swap3A_176] {strides = array<i32>} : memref<2x64xi32, #tpu.memory_space<vmem>>, vector<16xi32>,
    tpu.vector_store %arg19[%swap3A_175, %swap3A_176], %select_n3A_173 {strides = array<i32>} : memref<2x64xi32, #tpu.memory_space<vmem>>, vector<16xi32>,
    %get3A_178 = arith.constant 0 : i32
    %get3A_179 = arith.index_cast %get3A_178 : i32 to index
    %get3A_180 = arith.constant 48 : index
    %get3A_181 = tpu.vector_load %arg20[%get3A_179, %get3A_180] {strides = array<i32>} : memref<2x64xi32, #tpu.memory_space<vmem>>, vector<16xi32>,
    %select_n3A_182 = arith.select %lt3A_168, %get3A_181, %gather3A_46 : vector<16xi1>, vector<16xi32>
    %swap3A_183 = arith.constant 0 : i32
    %swap3A_184 = arith.index_cast %swap3A_183 : i32 to index
    %swap3A_185 = arith.constant 48 : index
    %swap3A_186 = tpu.vector_load %arg20[%swap3A_184, %swap3A_185] {strides = array<i32>} : memref<2x64xi32, #tpu.memory_space<vmem>>, vector<16xi32>,
    tpu.vector_store %arg20[%swap3A_184, %swap3A_185], %select_n3A_182 {strides = array<i32>} : memref<2x64xi32, #tpu.memory_space<vmem>>, vector<16xi32>,
    %get3A_187 = arith.constant 0 : i32
    %get3A_188 = arith.index_cast %get3A_187 : i32 to index
    %get3A_189 = arith.constant 48 : index
    %get3A_190 = tpu.vector_load %arg21[%get3A_188, %get3A_189] {strides = array<i32>} : memref<2x64xi32, #tpu.memory_space<vmem>>, vector<16xi32>,
    %select_n3A_191 = arith.select %lt3A_168, %get3A_190, %gather3A_47 : vector<16xi1>, vector<16xi32>
    %swap3A_192 = arith.constant 0 : i32
    %swap3A_193 = arith.index_cast %swap3A_192 : i32 to index
    %swap3A_194 = arith.constant 48 : index
    %swap3A_195 = tpu.vector_load %arg21[%swap3A_193, %swap3A_194] {strides = array<i32>} : memref<2x64xi32, #tpu.memory_space<vmem>>, vector<16xi32>,
    tpu.vector_store %arg21[%swap3A_193, %swap3A_194], %select_n3A_191 {strides = array<i32>} : memref<2x64xi32, #tpu.memory_space<vmem>>, vector<16xi32>,
    %get3A_196 = arith.constant 0 : i32
    %get3A_197 = arith.index_cast %get3A_196 : i32 to index
    %get3A_198 = arith.constant 48 : index
    %get3A_199 = tpu.vector_load %arg22[%get3A_197, %get3A_198] {strides = array<i32>} : memref<2x64xf32, #tpu.memory_space<vmem>>, vector<16xf32>,
    %select_n3A_200 = arith.select %lt3A_168, %get3A_199, %gather3A_48 : vector<16xi1>, vector<16xf32>
    %swap3A_201 = arith.constant 0 : i32
    %swap3A_202 = arith.index_cast %swap3A_201 : i32 to index
    %swap3A_203 = arith.constant 48 : index
    %swap3A_204 = tpu.vector_load %arg22[%swap3A_202, %swap3A_203] {strides = array<i32>} : memref<2x64xf32, #tpu.memory_space<vmem>>, vector<16xf32>,
    tpu.vector_store %arg22[%swap3A_202, %swap3A_203], %select_n3A_200 {strides = array<i32>} : memref<2x64xf32, #tpu.memory_space<vmem>>, vector<16xf32>,
    %add3A_205 = arith.constant 64 : i32
    %add3A_206 = vector.broadcast %add3A_205 : i32 to vector<16xi32>
    %add3A_207 = arith.addi %add3A_206, %iota3A : vector<16xi32>
    %lt3A_208 = arith.cmpi slt, %add3A_207, %scan3A_34#2 : vector<16xi32>
    %get3A_209 = arith.constant 1 : i32
    %get3A_210 = arith.index_cast %get3A_209 : i32 to index
    %get3A_211 = arith.constant 0 : index
    %get3A_212 = tpu.vector_load %arg19[%get3A_210, %get3A_211] {strides = array<i32>} : memref<2x64xi32, #tpu.memory_space<vmem>>, vector<16xi32>,
    %select_n3A_213 = arith.select %lt3A_208, %get3A_212, %gather3A : vector<16xi1>, vector<16xi32>
    %swap3A_214 = arith.constant 1 : i32
    %swap3A_215 = arith.index_cast %swap3A_214 : i32 to index
    %swap3A_216 = arith.constant 0 : index
    %swap3A_217 = tpu.vector_load %arg19[%swap3A_215, %swap3A_216] {strides = array<i32>} : memref<2x64xi32, #tpu.memory_space<vmem>>, vector<16xi32>,
    tpu.vector_store %arg19[%swap3A_215, %swap3A_216], %select_n3A_213 {strides = array<i32>} : memref<2x64xi32, #tpu.memory_space<vmem>>, vector<16xi32>,
    %get3A_218 = arith.constant 1 : i32
    %get3A_219 = arith.index_cast %get3A_218 : i32 to index
    %get3A_220 = arith.constant 0 : index
    %get3A_221 = tpu.vector_load %arg20[%get3A_219, %get3A_220] {strides = array<i32>} : memref<2x64xi32, #tpu.memory_space<vmem>>, vector<16xi32>,
    %select_n3A_222 = arith.select %lt3A_208, %get3A_221, %gather3A_46 : vector<16xi1>, vector<16xi32>
    %swap3A_223 = arith.constant 1 : i32
    %swap3A_224 = arith.index_cast %swap3A_223 : i32 to index
    %swap3A_225 = arith.constant 0 : index
    %swap3A_226 = tpu.vector_load %arg20[%swap3A_224, %swap3A_225] {strides = array<i32>} : memref<2x64xi32, #tpu.memory_space<vmem>>, vector<16xi32>,
    tpu.vector_store %arg20[%swap3A_224, %swap3A_225], %select_n3A_222 {strides = array<i32>} : memref<2x64xi32, #tpu.memory_space<vmem>>, vector<16xi32>,
    %get3A_227 = arith.constant 1 : i32
    %get3A_228 = arith.index_cast %get3A_227 : i32 to index
    %get3A_229 = arith.constant 0 : index
    %get3A_230 = tpu.vector_load %arg21[%get3A_228, %get3A_229] {strides = array<i32>} : memref<2x64xi32, #tpu.memory_space<vmem>>, vector<16xi32>,
    %select_n3A_231 = arith.select %lt3A_208, %get3A_230, %gather3A_47 : vector<16xi1>, vector<16xi32>
    %swap3A_232 = arith.constant 1 : i32
    %swap3A_233 = arith.index_cast %swap3A_232 : i32 to index
    %swap3A_234 = arith.constant 0 : index
    %swap3A_235 = tpu.vector_load %arg21[%swap3A_233, %swap3A_234] {strides = array<i32>} : memref<2x64xi32, #tpu.memory_space<vmem>>, vector<16xi32>,
    tpu.vector_store %arg21[%swap3A_233, %swap3A_234], %select_n3A_231 {strides = array<i32>} : memref<2x64xi32, #tpu.memory_space<vmem>>, vector<16xi32>,
    %get3A_236 = arith.constant 1 : i32
    %get3A_237 = arith.index_cast %get3A_236 : i32 to index
    %get3A_238 = arith.constant 0 : index
    %get3A_239 = tpu.vector_load %arg22[%get3A_237, %get3A_238] {strides = array<i32>} : memref<2x64xf32, #tpu.memory_space<vmem>>, vector<16xf32>,
    %select_n3A_240 = arith.select %lt3A_208, %get3A_239, %gather3A_48 : vector<16xi1>, vector<16xf32>
    %swap3A_241 = arith.constant 1 : i32
    %swap3A_242 = arith.index_cast %swap3A_241 : i32 to index
    %swap3A_243 = arith.constant 0 : index
    %swap3A_244 = tpu.vector_load %arg22[%swap3A_242, %swap3A_243] {strides = array<i32>} : memref<2x64xf32, #tpu.memory_space<vmem>>, vector<16xf32>,
    tpu.vector_store %arg22[%swap3A_242, %swap3A_243], %select_n3A_240 {strides = array<i32>} : memref<2x64xf32, #tpu.memory_space<vmem>>, vector<16xf32>,
    %add3A_245 = arith.constant 80 : i32
    %add3A_246 = vector.broadcast %add3A_245 : i32 to vector<16xi32>
    %add3A_247 = arith.addi %add3A_246, %iota3A : vector<16xi32>
    %lt3A_248 = arith.cmpi slt, %add3A_247, %scan3A_34#2 : vector<16xi32>
    %get3A_249 = arith.constant 1 : i32
    %get3A_250 = arith.index_cast %get3A_249 : i32 to index
    %get3A_251 = arith.constant 16 : index
    %get3A_252 = tpu.vector_load %arg19[%get3A_250, %get3A_251] {strides = array<i32>} : memref<2x64xi32, #tpu.memory_space<vmem>>, vector<16xi32>,
    %select_n3A_253 = arith.select %lt3A_248, %get3A_252, %gather3A : vector<16xi1>, vector<16xi32>
    %swap3A_254 = arith.constant 1 : i32
    %swap3A_255 = arith.index_cast %swap3A_254 : i32 to index
    %swap3A_256 = arith.constant 16 : index
    %swap3A_257 = tpu.vector_load %arg19[%swap3A_255, %swap3A_256] {strides = array<i32>} : memref<2x64xi32, #tpu.memory_space<vmem>>, vector<16xi32>,
    tpu.vector_store %arg19[%swap3A_255, %swap3A_256], %select_n3A_253 {strides = array<i32>} : memref<2x64xi32, #tpu.memory_space<vmem>>, vector<16xi32>,
    %get3A_258 = arith.constant 1 : i32
    %get3A_259 = arith.index_cast %get3A_258 : i32 to index
    %get3A_260 = arith.constant 16 : index
    %get3A_261 = tpu.vector_load %arg20[%get3A_259, %get3A_260] {strides = array<i32>} : memref<2x64xi32, #tpu.memory_space<vmem>>, vector<16xi32>,
    %select_n3A_262 = arith.select %lt3A_248, %get3A_261, %gather3A_46 : vector<16xi1>, vector<16xi32>
    %swap3A_263 = arith.constant 1 : i32
    %swap3A_264 = arith.index_cast %swap3A_263 : i32 to index
    %swap3A_265 = arith.constant 16 : index
    %swap3A_266 = tpu.vector_load %arg20[%swap3A_264, %swap3A_265] {strides = array<i32>} : memref<2x64xi32, #tpu.memory_space<vmem>>, vector<16xi32>,
    tpu.vector_store %arg20[%swap3A_264, %swap3A_265], %select_n3A_262 {strides = array<i32>} : memref<2x64xi32, #tpu.memory_space<vmem>>, vector<16xi32>,
    %get3A_267 = arith.constant 1 : i32
    %get3A_268 = arith.index_cast %get3A_267 : i32 to index
    %get3A_269 = arith.constant 16 : index
    %get3A_270 = tpu.vector_load %arg21[%get3A_268, %get3A_269] {strides = array<i32>} : memref<2x64xi32, #tpu.memory_space<vmem>>, vector<16xi32>,
    %select_n3A_271 = arith.select %lt3A_248, %get3A_270, %gather3A_47 : vector<16xi1>, vector<16xi32>
    %swap3A_272 = arith.constant 1 : i32
    %swap3A_273 = arith.index_cast %swap3A_272 : i32 to index
    %swap3A_274 = arith.constant 16 : index
    %swap3A_275 = tpu.vector_load %arg21[%swap3A_273, %swap3A_274] {strides = array<i32>} : memref<2x64xi32, #tpu.memory_space<vmem>>, vector<16xi32>,
    tpu.vector_store %arg21[%swap3A_273, %swap3A_274], %select_n3A_271 {strides = array<i32>} : memref<2x64xi32, #tpu.memory_space<vmem>>, vector<16xi32>,
    %get3A_276 = arith.constant 1 : i32
    %get3A_277 = arith.index_cast %get3A_276 : i32 to index
    %get3A_278 = arith.constant 16 : index
    %get3A_279 = tpu.vector_load %arg22[%get3A_277, %get3A_278] {strides = array<i32>} : memref<2x64xf32, #tpu.memory_space<vmem>>, vector<16xf32>,
    %select_n3A_280 = arith.select %lt3A_248, %get3A_279, %gather3A_48 : vector<16xi1>, vector<16xf32>
    %swap3A_281 = arith.constant 1 : i32
    %swap3A_282 = arith.index_cast %swap3A_281 : i32 to index
    %swap3A_283 = arith.constant 16 : index
    %swap3A_284 = tpu.vector_load %arg22[%swap3A_282, %swap3A_283] {strides = array<i32>} : memref<2x64xf32, #tpu.memory_space<vmem>>, vector<16xf32>,
    tpu.vector_store %arg22[%swap3A_282, %swap3A_283], %select_n3A_280 {strides = array<i32>} : memref<2x64xf32, #tpu.memory_space<vmem>>, vector<16xf32>,
    %add3A_285 = arith.constant 96 : i32
    %add3A_286 = vector.broadcast %add3A_285 : i32 to vector<16xi32>
    %add3A_287 = arith.addi %add3A_286, %iota3A : vector<16xi32>
    %lt3A_288 = arith.cmpi slt, %add3A_287, %scan3A_34#2 : vector<16xi32>
    %get3A_289 = arith.constant 1 : i32
    %get3A_290 = arith.index_cast %get3A_289 : i32 to index
    %get3A_291 = arith.constant 32 : index
    %get3A_292 = tpu.vector_load %arg19[%get3A_290, %get3A_291] {strides = array<i32>} : memref<2x64xi32, #tpu.memory_space<vmem>>, vector<16xi32>,
    %select_n3A_293 = arith.select %lt3A_288, %get3A_292, %gather3A : vector<16xi1>, vector<16xi32>
    %swap3A_294 = arith.constant 1 : i32
    %swap3A_295 = arith.index_cast %swap3A_294 : i32 to index
    %swap3A_296 = arith.constant 32 : index
    %swap3A_297 = tpu.vector_load %arg19[%swap3A_295, %swap3A_296] {strides = array<i32>} : memref<2x64xi32, #tpu.memory_space<vmem>>, vector<16xi32>,
    tpu.vector_store %arg19[%swap3A_295, %swap3A_296], %select_n3A_293 {strides = array<i32>} : memref<2x64xi32, #tpu.memory_space<vmem>>, vector<16xi32>,
    %get3A_298 = arith.constant 1 : i32
    %get3A_299 = arith.index_cast %get3A_298 : i32 to index
    %get3A_300 = arith.constant 32 : index
    %get3A_301 = tpu.vector_load %arg20[%get3A_299, %get3A_300] {strides = array<i32>} : memref<2x64xi32, #tpu.memory_space<vmem>>, vector<16xi32>,
    %select_n3A_302 = arith.select %lt3A_288, %get3A_301, %gather3A_46 : vector<16xi1>, vector<16xi32>
    %swap3A_303 = arith.constant 1 : i32
    %swap3A_304 = arith.index_cast %swap3A_303 : i32 to index
    %swap3A_305 = arith.constant 32 : index
    %swap3A_306 = tpu.vector_load %arg20[%swap3A_304, %swap3A_305] {strides = array<i32>} : memref<2x64xi32, #tpu.memory_space<vmem>>, vector<16xi32>,
    tpu.vector_store %arg20[%swap3A_304, %swap3A_305], %select_n3A_302 {strides = array<i32>} : memref<2x64xi32, #tpu.memory_space<vmem>>, vector<16xi32>,
    %get3A_307 = arith.constant 1 : i32
    %get3A_308 = arith.index_cast %get3A_307 : i32 to index
    %get3A_309 = arith.constant 32 : index
    %get3A_310 = tpu.vector_load %arg21[%get3A_308, %get3A_309] {strides = array<i32>} : memref<2x64xi32, #tpu.memory_space<vmem>>, vector<16xi32>,
    %select_n3A_311 = arith.select %lt3A_288, %get3A_310, %gather3A_47 : vector<16xi1>, vector<16xi32>
    %swap3A_312 = arith.constant 1 : i32
    %swap3A_313 = arith.index_cast %swap3A_312 : i32 to index
    %swap3A_314 = arith.constant 32 : index
    %swap3A_315 = tpu.vector_load %arg21[%swap3A_313, %swap3A_314] {strides = array<i32>} : memref<2x64xi32, #tpu.memory_space<vmem>>, vector<16xi32>,
    tpu.vector_store %arg21[%swap3A_313, %swap3A_314], %select_n3A_311 {strides = array<i32>} : memref<2x64xi32, #tpu.memory_space<vmem>>, vector<16xi32>,
    %get3A_316 = arith.constant 1 : i32
    %get3A_317 = arith.index_cast %get3A_316 : i32 to index
    %get3A_318 = arith.constant 32 : index
    %get3A_319 = tpu.vector_load %arg22[%get3A_317, %get3A_318] {strides = array<i32>} : memref<2x64xf32, #tpu.memory_space<vmem>>, vector<16xf32>,
    %select_n3A_320 = arith.select %lt3A_288, %get3A_319, %gather3A_48 : vector<16xi1>, vector<16xf32>
    %swap3A_321 = arith.constant 1 : i32
    %swap3A_322 = arith.index_cast %swap3A_321 : i32 to index
    %swap3A_323 = arith.constant 32 : index
    %swap3A_324 = tpu.vector_load %arg22[%swap3A_322, %swap3A_323] {strides = array<i32>} : memref<2x64xf32, #tpu.memory_space<vmem>>, vector<16xf32>,
    tpu.vector_store %arg22[%swap3A_322, %swap3A_323], %select_n3A_320 {strides = array<i32>} : memref<2x64xf32, #tpu.memory_space<vmem>>, vector<16xf32>,
    %add3A_325 = arith.constant 112 : i32
    %add3A_326 = vector.broadcast %add3A_325 : i32 to vector<16xi32>
    %add3A_327 = arith.addi %add3A_326, %iota3A : vector<16xi32>
    %lt3A_328 = arith.cmpi slt, %add3A_327, %scan3A_34#2 : vector<16xi32>
    %get3A_329 = arith.constant 1 : i32
    %get3A_330 = arith.index_cast %get3A_329 : i32 to index
    %get3A_331 = arith.constant 48 : index
    %get3A_332 = tpu.vector_load %arg19[%get3A_330, %get3A_331] {strides = array<i32>} : memref<2x64xi32, #tpu.memory_space<vmem>>, vector<16xi32>,
    %select_n3A_333 = arith.select %lt3A_328, %get3A_332, %gather3A : vector<16xi1>, vector<16xi32>
    %swap3A_334 = arith.constant 1 : i32
    %swap3A_335 = arith.index_cast %swap3A_334 : i32 to index
    %swap3A_336 = arith.constant 48 : index
    %swap3A_337 = tpu.vector_load %arg19[%swap3A_335, %swap3A_336] {strides = array<i32>} : memref<2x64xi32, #tpu.memory_space<vmem>>, vector<16xi32>,
    tpu.vector_store %arg19[%swap3A_335, %swap3A_336], %select_n3A_333 {strides = array<i32>} : memref<2x64xi32, #tpu.memory_space<vmem>>, vector<16xi32>,
    %get3A_338 = arith.constant 1 : i32
    %get3A_339 = arith.index_cast %get3A_338 : i32 to index
    %get3A_340 = arith.constant 48 : index
    %get3A_341 = tpu.vector_load %arg20[%get3A_339, %get3A_340] {strides = array<i32>} : memref<2x64xi32, #tpu.memory_space<vmem>>, vector<16xi32>,
    %select_n3A_342 = arith.select %lt3A_328, %get3A_341, %gather3A_46 : vector<16xi1>, vector<16xi32>
    %swap3A_343 = arith.constant 1 : i32
    %swap3A_344 = arith.index_cast %swap3A_343 : i32 to index
    %swap3A_345 = arith.constant 48 : index
    %swap3A_346 = tpu.vector_load %arg20[%swap3A_344, %swap3A_345] {strides = array<i32>} : memref<2x64xi32, #tpu.memory_space<vmem>>, vector<16xi32>,
    tpu.vector_store %arg20[%swap3A_344, %swap3A_345], %select_n3A_342 {strides = array<i32>} : memref<2x64xi32, #tpu.memory_space<vmem>>, vector<16xi32>,
    %get3A_347 = arith.constant 1 : i32
    %get3A_348 = arith.index_cast %get3A_347 : i32 to index
    %get3A_349 = arith.constant 48 : index
    %get3A_350 = tpu.vector_load %arg21[%get3A_348, %get3A_349] {strides = array<i32>} : memref<2x64xi32, #tpu.memory_space<vmem>>, vector<16xi32>,
    %select_n3A_351 = arith.select %lt3A_328, %get3A_350, %gather3A_47 : vector<16xi1>, vector<16xi32>
    %swap3A_352 = arith.constant 1 : i32
    %swap3A_353 = arith.index_cast %swap3A_352 : i32 to index
    %swap3A_354 = arith.constant 48 : index
    %swap3A_355 = tpu.vector_load %arg21[%swap3A_353, %swap3A_354] {strides = array<i32>} : memref<2x64xi32, #tpu.memory_space<vmem>>, vector<16xi32>,
    tpu.vector_store %arg21[%swap3A_353, %swap3A_354], %select_n3A_351 {strides = array<i32>} : memref<2x64xi32, #tpu.memory_space<vmem>>, vector<16xi32>,
    %get3A_356 = arith.constant 1 : i32
    %get3A_357 = arith.index_cast %get3A_356 : i32 to index
    %get3A_358 = arith.constant 48 : index
    %get3A_359 = tpu.vector_load %arg22[%get3A_357, %get3A_358] {strides = array<i32>} : memref<2x64xf32, #tpu.memory_space<vmem>>, vector<16xf32>,
    %select_n3A_360 = arith.select %lt3A_328, %get3A_359, %gather3A_48 : vector<16xi1>, vector<16xf32>
    %swap3A_361 = arith.constant 1 : i32
    %swap3A_362 = arith.index_cast %swap3A_361 : i32 to index
    %swap3A_363 = arith.constant 48 : index
    %swap3A_364 = tpu.vector_load %arg22[%swap3A_362, %swap3A_363] {strides = array<i32>} : memref<2x64xf32, #tpu.memory_space<vmem>>, vector<16xf32>,
    tpu.vector_store %arg22[%swap3A_362, %swap3A_363], %select_n3A_360 {strides = array<i32>} : memref<2x64xf32, #tpu.memory_space<vmem>>, vector<16xf32>,
    %eq3A = arith.constant 0 : i32
    %eq3A_365 = vector.broadcast %eq3A : i32 to vector<16xi32>
    %eq3A_366 = arith.cmpi eq, %iota3A, %eq3A_365 : vector<16xi32>
    %eq3A_367 = arith.constant 1 : i32
    %eq3A_368 = vector.broadcast %eq3A_367 : i32 to vector<16xi32>
    %eq3A_369 = arith.cmpi eq, %iota3A, %eq3A_368 : vector<16xi32>
    %eq3A_370 = arith.constant 2 : i32
    %eq3A_371 = vector.broadcast %eq3A_370 : i32 to vector<16xi32>
    %eq3A_372 = arith.cmpi eq, %iota3A, %eq3A_371 : vector<16xi32>
    %jit3A = arith.constant 0 : i32
    %broadcast_in_dim3A_373 = vector.broadcast %jit3A : i32 to vector<16xi32>
    %select_n3A_374 = arith.select %eq3A_372, %scan3A_34#2, %broadcast_in_dim3A_373 : vector<16xi1>, vector<16xi32>
    %select_n3A_375 = arith.select %eq3A_369, %scan3A_34#1, %select_n3A_374 : vector<16xi1>, vector<16xi32>
    %select_n3A_376 = arith.select %eq3A_366, %scan3A_34#0, %select_n3A_375 : vector<16xi1>, vector<16xi32>
    %swap3A_377 = arith.constant 0 : index
    %swap3A_378 = tpu.vector_load %arg23[%swap3A_377] {strides = array<i32>} : memref<16xi32, #tpu.memory_space<vmem>>, vector<16xi32>,
    tpu.vector_store %arg23[%swap3A_377], %select_n3A_376 {strides = array<i32>} : memref<16xi32, #tpu.memory_space<vmem>>, vector<16xi32>,
    %mul3A_379 = arith.constant 64 : i32
    %mul3A_380 = arith.muli %add3A, %mul3A_379 : i32
    "tpu.region"() ({
      %run_scoped3A = tpu.sem_alloc : memref<!tpu.dma_semaphore, #tpu.memory_space<semaphore_mem>>
      %dma_start3A = tpu.memref_slice %arg5[%mul3A_380] : memref<2048xi32, #tpu.memory_space<hbm>> -> memref<64xi32, #tpu.memory_space<hbm>>
      %dma_start3A_387 = tpu.memref_slice %arg5[%mul3A_380] : memref<2048xi32, #tpu.memory_space<hbm>> -> memref<64xi32, #tpu.memory_space<hbm>>
      tpu.enqueue_dma source(%arg16 : memref<64xi32, #tpu.memory_space<vmem>>) target(%dma_start3A_387 : memref<64xi32, #tpu.memory_space<hbm>>) target_semaphore(%run_scoped3A : memref<!tpu.dma_semaphore, #tpu.memory_space<semaphore_mem>>)
      %dma_wait3A = tpu.memref_slice %arg5[%mul3A_380] : memref<2048xi32, #tpu.memory_space<hbm>> -> memref<64xi32, #tpu.memory_space<hbm>>
      %dma_wait3A_388 = tpu.memref_slice %arg5[%mul3A_380] : memref<2048xi32, #tpu.memory_space<hbm>> -> memref<64xi32, #tpu.memory_space<hbm>>
      tpu.wait_dma2 semaphore(%run_scoped3A : memref<!tpu.dma_semaphore, #tpu.memory_space<semaphore_mem>>) src(%arg16 : memref<64xi32, #tpu.memory_space<vmem>>) dst(%dma_wait3A_388 : memref<64xi32, #tpu.memory_space<hbm>>)
      tpu.yield
    }) : () -> ()
    %mul3A_381 = arith.constant 64 : i32
    %mul3A_382 = arith.muli %add3A, %mul3A_381 : i32
    "tpu.region"() ({
      %run_scoped3A = tpu.sem_alloc : memref<!tpu.dma_semaphore, #tpu.memory_space<semaphore_mem>>
      %dma_start3A = tpu.memref_slice %arg6[%mul3A_382] : memref<2048xi32, #tpu.memory_space<hbm>> -> memref<64xi32, #tpu.memory_space<hbm>>
      %dma_start3A_387 = tpu.memref_slice %arg6[%mul3A_382] : memref<2048xi32, #tpu.memory_space<hbm>> -> memref<64xi32, #tpu.memory_space<hbm>>
      tpu.enqueue_dma source(%arg17 : memref<64xi32, #tpu.memory_space<vmem>>) target(%dma_start3A_387 : memref<64xi32, #tpu.memory_space<hbm>>) target_semaphore(%run_scoped3A : memref<!tpu.dma_semaphore, #tpu.memory_space<semaphore_mem>>)
      %dma_wait3A = tpu.memref_slice %arg6[%mul3A_382] : memref<2048xi32, #tpu.memory_space<hbm>> -> memref<64xi32, #tpu.memory_space<hbm>>
      %dma_wait3A_388 = tpu.memref_slice %arg6[%mul3A_382] : memref<2048xi32, #tpu.memory_space<hbm>> -> memref<64xi32, #tpu.memory_space<hbm>>
      tpu.wait_dma2 semaphore(%run_scoped3A : memref<!tpu.dma_semaphore, #tpu.memory_space<semaphore_mem>>) src(%arg17 : memref<64xi32, #tpu.memory_space<vmem>>) dst(%dma_wait3A_388 : memref<64xi32, #tpu.memory_space<hbm>>)
      tpu.yield
    }) : () -> ()
    %mul3A_383 = arith.constant 64 : i32
    %mul3A_384 = arith.muli %add3A, %mul3A_383 : i32
    "tpu.region"() ({
      %run_scoped3A = tpu.sem_alloc : memref<!tpu.dma_semaphore, #tpu.memory_space<semaphore_mem>>
      %dma_start3A = tpu.memref_slice %arg7[%mul3A_384] : memref<2048xi32, #tpu.memory_space<hbm>> -> memref<64xi32, #tpu.memory_space<hbm>>
      %dma_start3A_387 = tpu.memref_slice %arg7[%mul3A_384] : memref<2048xi32, #tpu.memory_space<hbm>> -> memref<64xi32, #tpu.memory_space<hbm>>
      tpu.enqueue_dma source(%arg18 : memref<64xi32, #tpu.memory_space<vmem>>) target(%dma_start3A_387 : memref<64xi32, #tpu.memory_space<hbm>>) target_semaphore(%run_scoped3A : memref<!tpu.dma_semaphore, #tpu.memory_space<semaphore_mem>>)
      %dma_wait3A = tpu.memref_slice %arg7[%mul3A_384] : memref<2048xi32, #tpu.memory_space<hbm>> -> memref<64xi32, #tpu.memory_space<hbm>>
      %dma_wait3A_388 = tpu.memref_slice %arg7[%mul3A_384] : memref<2048xi32, #tpu.memory_space<hbm>> -> memref<64xi32, #tpu.memory_space<hbm>>
      tpu.wait_dma2 semaphore(%run_scoped3A : memref<!tpu.dma_semaphore, #tpu.memory_space<semaphore_mem>>) src(%arg18 : memref<64xi32, #tpu.memory_space<vmem>>) dst(%dma_wait3A_388 : memref<64xi32, #tpu.memory_space<hbm>>)
      tpu.yield
    }) : () -> ()
    "tpu.region"() ({
      %run_scoped3A = tpu.sem_alloc : memref<!tpu.dma_semaphore, #tpu.memory_space<semaphore_mem>>
      %dma_start3A = arith.constant 0 : i32
      %dma_start3A_387 = arith.constant 0 : i32
      %dma_start3A_388 = tpu.memref_slice %arg8[%add3A, %dma_start3A, %dma_start3A_387] : memref<32x2x64xi32, #tpu.memory_space<hbm>> -> memref<1x2x64xi32, #tpu.memory_space<hbm>>
      %dma_start3A_389 = tpu.memref_squeeze %dma_start3A_388 : memref<1x2x64xi32, #tpu.memory_space<hbm>> -> memref<2x64xi32, #tpu.memory_space<hbm>>
      %dma_start3A_390 = arith.constant 0 : i32
      %dma_start3A_391 = arith.constant 0 : i32
      %dma_start3A_392 = tpu.memref_slice %arg8[%add3A, %dma_start3A_390, %dma_start3A_391] : memref<32x2x64xi32, #tpu.memory_space<hbm>> -> memref<1x2x64xi32, #tpu.memory_space<hbm>>
      %dma_start3A_393 = tpu.memref_squeeze %dma_start3A_392 : memref<1x2x64xi32, #tpu.memory_space<hbm>> -> memref<2x64xi32, #tpu.memory_space<hbm>>
      tpu.enqueue_dma source(%arg19 : memref<2x64xi32, #tpu.memory_space<vmem>>) target(%dma_start3A_393 : memref<2x64xi32, #tpu.memory_space<hbm>>) target_semaphore(%run_scoped3A : memref<!tpu.dma_semaphore, #tpu.memory_space<semaphore_mem>>)
      %dma_wait3A = arith.constant 0 : i32
      %dma_wait3A_394 = arith.constant 0 : i32
      %dma_wait3A_395 = tpu.memref_slice %arg8[%add3A, %dma_wait3A, %dma_wait3A_394] : memref<32x2x64xi32, #tpu.memory_space<hbm>> -> memref<1x2x64xi32, #tpu.memory_space<hbm>>
      %dma_wait3A_396 = tpu.memref_squeeze %dma_wait3A_395 : memref<1x2x64xi32, #tpu.memory_space<hbm>> -> memref<2x64xi32, #tpu.memory_space<hbm>>
      %dma_wait3A_397 = arith.constant 0 : i32
      %dma_wait3A_398 = arith.constant 0 : i32
      %dma_wait3A_399 = tpu.memref_slice %arg8[%add3A, %dma_wait3A_397, %dma_wait3A_398] : memref<32x2x64xi32, #tpu.memory_space<hbm>> -> memref<1x2x64xi32, #tpu.memory_space<hbm>>
      %dma_wait3A_400 = tpu.memref_squeeze %dma_wait3A_399 : memref<1x2x64xi32, #tpu.memory_space<hbm>> -> memref<2x64xi32, #tpu.memory_space<hbm>>
      tpu.wait_dma2 semaphore(%run_scoped3A : memref<!tpu.dma_semaphore, #tpu.memory_space<semaphore_mem>>) src(%arg19 : memref<2x64xi32, #tpu.memory_space<vmem>>) dst(%dma_wait3A_400 : memref<2x64xi32, #tpu.memory_space<hbm>>)
      tpu.yield
    }) : () -> ()
    "tpu.region"() ({
      %run_scoped3A = tpu.sem_alloc : memref<!tpu.dma_semaphore, #tpu.memory_space<semaphore_mem>>
      %dma_start3A = arith.constant 0 : i32
      %dma_start3A_387 = arith.constant 0 : i32
      %dma_start3A_388 = tpu.memref_slice %arg9[%add3A, %dma_start3A, %dma_start3A_387] : memref<32x2x64xi32, #tpu.memory_space<hbm>> -> memref<1x2x64xi32, #tpu.memory_space<hbm>>
      %dma_start3A_389 = tpu.memref_squeeze %dma_start3A_388 : memref<1x2x64xi32, #tpu.memory_space<hbm>> -> memref<2x64xi32, #tpu.memory_space<hbm>>
      %dma_start3A_390 = arith.constant 0 : i32
      %dma_start3A_391 = arith.constant 0 : i32
      %dma_start3A_392 = tpu.memref_slice %arg9[%add3A, %dma_start3A_390, %dma_start3A_391] : memref<32x2x64xi32, #tpu.memory_space<hbm>> -> memref<1x2x64xi32, #tpu.memory_space<hbm>>
      %dma_start3A_393 = tpu.memref_squeeze %dma_start3A_392 : memref<1x2x64xi32, #tpu.memory_space<hbm>> -> memref<2x64xi32, #tpu.memory_space<hbm>>
      tpu.enqueue_dma source(%arg20 : memref<2x64xi32, #tpu.memory_space<vmem>>) target(%dma_start3A_393 : memref<2x64xi32, #tpu.memory_space<hbm>>) target_semaphore(%run_scoped3A : memref<!tpu.dma_semaphore, #tpu.memory_space<semaphore_mem>>)
      %dma_wait3A = arith.constant 0 : i32
      %dma_wait3A_394 = arith.constant 0 : i32
      %dma_wait3A_395 = tpu.memref_slice %arg9[%add3A, %dma_wait3A, %dma_wait3A_394] : memref<32x2x64xi32, #tpu.memory_space<hbm>> -> memref<1x2x64xi32, #tpu.memory_space<hbm>>
      %dma_wait3A_396 = tpu.memref_squeeze %dma_wait3A_395 : memref<1x2x64xi32, #tpu.memory_space<hbm>> -> memref<2x64xi32, #tpu.memory_space<hbm>>
      %dma_wait3A_397 = arith.constant 0 : i32
      %dma_wait3A_398 = arith.constant 0 : i32
      %dma_wait3A_399 = tpu.memref_slice %arg9[%add3A, %dma_wait3A_397, %dma_wait3A_398] : memref<32x2x64xi32, #tpu.memory_space<hbm>> -> memref<1x2x64xi32, #tpu.memory_space<hbm>>
      %dma_wait3A_400 = tpu.memref_squeeze %dma_wait3A_399 : memref<1x2x64xi32, #tpu.memory_space<hbm>> -> memref<2x64xi32, #tpu.memory_space<hbm>>
      tpu.wait_dma2 semaphore(%run_scoped3A : memref<!tpu.dma_semaphore, #tpu.memory_space<semaphore_mem>>) src(%arg20 : memref<2x64xi32, #tpu.memory_space<vmem>>) dst(%dma_wait3A_400 : memref<2x64xi32, #tpu.memory_space<hbm>>)
      tpu.yield
    }) : () -> ()
    "tpu.region"() ({
      %run_scoped3A = tpu.sem_alloc : memref<!tpu.dma_semaphore, #tpu.memory_space<semaphore_mem>>
      %dma_start3A = arith.constant 0 : i32
      %dma_start3A_387 = arith.constant 0 : i32
      %dma_start3A_388 = tpu.memref_slice %arg10[%add3A, %dma_start3A, %dma_start3A_387] : memref<32x2x64xi32, #tpu.memory_space<hbm>> -> memref<1x2x64xi32, #tpu.memory_space<hbm>>
      %dma_start3A_389 = tpu.memref_squeeze %dma_start3A_388 : memref<1x2x64xi32, #tpu.memory_space<hbm>> -> memref<2x64xi32, #tpu.memory_space<hbm>>
      %dma_start3A_390 = arith.constant 0 : i32
      %dma_start3A_391 = arith.constant 0 : i32
      %dma_start3A_392 = tpu.memref_slice %arg10[%add3A, %dma_start3A_390, %dma_start3A_391] : memref<32x2x64xi32, #tpu.memory_space<hbm>> -> memref<1x2x64xi32, #tpu.memory_space<hbm>>
      %dma_start3A_393 = tpu.memref_squeeze %dma_start3A_392 : memref<1x2x64xi32, #tpu.memory_space<hbm>> -> memref<2x64xi32, #tpu.memory_space<hbm>>
      tpu.enqueue_dma source(%arg21 : memref<2x64xi32, #tpu.memory_space<vmem>>) target(%dma_start3A_393 : memref<2x64xi32, #tpu.memory_space<hbm>>) target_semaphore(%run_scoped3A : memref<!tpu.dma_semaphore, #tpu.memory_space<semaphore_mem>>)
      %dma_wait3A = arith.constant 0 : i32
      %dma_wait3A_394 = arith.constant 0 : i32
      %dma_wait3A_395 = tpu.memref_slice %arg10[%add3A, %dma_wait3A, %dma_wait3A_394] : memref<32x2x64xi32, #tpu.memory_space<hbm>> -> memref<1x2x64xi32, #tpu.memory_space<hbm>>
      %dma_wait3A_396 = tpu.memref_squeeze %dma_wait3A_395 : memref<1x2x64xi32, #tpu.memory_space<hbm>> -> memref<2x64xi32, #tpu.memory_space<hbm>>
      %dma_wait3A_397 = arith.constant 0 : i32
      %dma_wait3A_398 = arith.constant 0 : i32
      %dma_wait3A_399 = tpu.memref_slice %arg10[%add3A, %dma_wait3A_397, %dma_wait3A_398] : memref<32x2x64xi32, #tpu.memory_space<hbm>> -> memref<1x2x64xi32, #tpu.memory_space<hbm>>
      %dma_wait3A_400 = tpu.memref_squeeze %dma_wait3A_399 : memref<1x2x64xi32, #tpu.memory_space<hbm>> -> memref<2x64xi32, #tpu.memory_space<hbm>>
      tpu.wait_dma2 semaphore(%run_scoped3A : memref<!tpu.dma_semaphore, #tpu.memory_space<semaphore_mem>>) src(%arg21 : memref<2x64xi32, #tpu.memory_space<vmem>>) dst(%dma_wait3A_400 : memref<2x64xi32, #tpu.memory_space<hbm>>)
      tpu.yield
    }) : () -> ()
    "tpu.region"() ({
      %run_scoped3A = tpu.sem_alloc : memref<!tpu.dma_semaphore, #tpu.memory_space<semaphore_mem>>
      %dma_start3A = arith.constant 0 : i32
      %dma_start3A_387 = arith.constant 0 : i32
      %dma_start3A_388 = tpu.memref_slice %arg11[%add3A, %dma_start3A, %dma_start3A_387] : memref<32x2x64xf32, #tpu.memory_space<hbm>> -> memref<1x2x64xf32, #tpu.memory_space<hbm>>
      %dma_start3A_389 = tpu.memref_squeeze %dma_start3A_388 : memref<1x2x64xf32, #tpu.memory_space<hbm>> -> memref<2x64xf32, #tpu.memory_space<hbm>>
      %dma_start3A_390 = arith.constant 0 : i32
      %dma_start3A_391 = arith.constant 0 : i32
      %dma_start3A_392 = tpu.memref_slice %arg11[%add3A, %dma_start3A_390, %dma_start3A_391] : memref<32x2x64xf32, #tpu.memory_space<hbm>> -> memref<1x2x64xf32, #tpu.memory_space<hbm>>
      %dma_start3A_393 = tpu.memref_squeeze %dma_start3A_392 : memref<1x2x64xf32, #tpu.memory_space<hbm>> -> memref<2x64xf32, #tpu.memory_space<hbm>>
      tpu.enqueue_dma source(%arg22 : memref<2x64xf32, #tpu.memory_space<vmem>>) target(%dma_start3A_393 : memref<2x64xf32, #tpu.memory_space<hbm>>) target_semaphore(%run_scoped3A : memref<!tpu.dma_semaphore, #tpu.memory_space<semaphore_mem>>)
      %dma_wait3A = arith.constant 0 : i32
      %dma_wait3A_394 = arith.constant 0 : i32
      %dma_wait3A_395 = tpu.memref_slice %arg11[%add3A, %dma_wait3A, %dma_wait3A_394] : memref<32x2x64xf32, #tpu.memory_space<hbm>> -> memref<1x2x64xf32, #tpu.memory_space<hbm>>
      %dma_wait3A_396 = tpu.memref_squeeze %dma_wait3A_395 : memref<1x2x64xf32, #tpu.memory_space<hbm>> -> memref<2x64xf32, #tpu.memory_space<hbm>>
      %dma_wait3A_397 = arith.constant 0 : i32
      %dma_wait3A_398 = arith.constant 0 : i32
      %dma_wait3A_399 = tpu.memref_slice %arg11[%add3A, %dma_wait3A_397, %dma_wait3A_398] : memref<32x2x64xf32, #tpu.memory_space<hbm>> -> memref<1x2x64xf32, #tpu.memory_space<hbm>>
      %dma_wait3A_400 = tpu.memref_squeeze %dma_wait3A_399 : memref<1x2x64xf32, #tpu.memory_space<hbm>> -> memref<2x64xf32, #tpu.memory_space<hbm>>
      tpu.wait_dma2 semaphore(%run_scoped3A : memref<!tpu.dma_semaphore, #tpu.memory_space<semaphore_mem>>) src(%arg22 : memref<2x64xf32, #tpu.memory_space<vmem>>) dst(%dma_wait3A_400 : memref<2x64xf32, #tpu.memory_space<hbm>>)
      tpu.yield
    }) : () -> ()
    %mul3A_385 = arith.constant 16 : i32
    %mul3A_386 = arith.muli %add3A, %mul3A_385 : i32
    "tpu.region"() ({
      %run_scoped3A = tpu.sem_alloc : memref<!tpu.dma_semaphore, #tpu.memory_space<semaphore_mem>>
      %dma_start3A = tpu.memref_slice %arg12[%mul3A_386] : memref<512xi32, #tpu.memory_space<hbm>> -> memref<16xi32, #tpu.memory_space<hbm>>
      %dma_start3A_387 = tpu.memref_slice %arg12[%mul3A_386] : memref<512xi32, #tpu.memory_space<hbm>> -> memref<16xi32, #tpu.memory_space<hbm>>
      tpu.enqueue_dma source(%arg23 : memref<16xi32, #tpu.memory_space<vmem>>) target(%dma_start3A_387 : memref<16xi32, #tpu.memory_space<hbm>>) target_semaphore(%run_scoped3A : memref<!tpu.dma_semaphore, #tpu.memory_space<semaphore_mem>>)
      %dma_wait3A = tpu.memref_slice %arg12[%mul3A_386] : memref<512xi32, #tpu.memory_space<hbm>> -> memref<16xi32, #tpu.memory_space<hbm>>
      %dma_wait3A_388 = tpu.memref_slice %arg12[%mul3A_386] : memref<512xi32, #tpu.memory_space<hbm>> -> memref<16xi32, #tpu.memory_space<hbm>>
      tpu.wait_dma2 semaphore(%run_scoped3A : memref<!tpu.dma_semaphore, #tpu.memory_space<semaphore_mem>>) src(%arg23 : memref<16xi32, #tpu.memory_space<vmem>>) dst(%dma_wait3A_388 : memref<16xi32, #tpu.memory_space<hbm>>)
      tpu.yield
    }) : () -> ()
    return
  }
}

#map = affine_map<(d0, d1) -> (0, 0)>
#map1 = affine_map<(d0, d1) -> (0)>
module attributes {stable_mosaic.version = 14 : i64} {
  func.func @_k4_gather_f(%arg0: i32, %arg1: i32, %arg2: memref<2304x768xf32, #tpu.memory_space<hbm>>, %arg3: memref<2048xi32, #tpu.memory_space<hbm>>, %arg4: memref<512xi32, #tpu.memory_space<hbm>>, %arg5: memref<512xi32, #tpu.memory_space<hbm>>, %arg6: memref<2048x768xf32, #tpu.memory_space<hbm>>, %arg7: memref<64xi32, #tpu.memory_space<vmem>>, %arg8: memref<16xi32, #tpu.memory_space<vmem>>, %arg9: memref<16xi32, #tpu.memory_space<vmem>>, %arg10: memref<64x768xf32, #tpu.memory_space<vmem>>, %arg11: memref<!tpu.dma_semaphore, #tpu.memory_space<semaphore_mem>>) attributes {dimension_semantics = [#tpu.dimension_semantics<core_parallel>, #tpu.dimension_semantics<subcore_parallel>], iteration_bounds = array<i64: 2, 16>, scalar_prefetch = 0 : i64, scratch_operands = 5 : i64, tpu.core_type = #tpu.core_type<sc_vector_subcore>, window_params = [{transform_indices = #map}, {transform_indices = #map1}, {transform_indices = #map1}, {transform_indices = #map1}, {transform_indices = #map}]} {
    %mul3A = arith.constant 2 : i32
    %mul3A_0 = arith.muli %arg1, %mul3A : i32
    %add3A = arith.addi %mul3A_0, %arg0 : i32
    %mul3A_1 = arith.constant 64 : i32
    %mul3A_2 = arith.muli %add3A, %mul3A_1 : i32
    %iota3A = tpu.iota {dimensions = array<i32: 0>} : vector<16xi32>
    "tpu.region"() ({
      %run_scoped3A = tpu.sem_alloc : memref<!tpu.dma_semaphore, #tpu.memory_space<semaphore_mem>>
      %dma_start3A = tpu.memref_slice %arg3[%mul3A_2] : memref<2048xi32, #tpu.memory_space<hbm>> -> memref<64xi32, #tpu.memory_space<hbm>>
      %dma_start3A_32 = tpu.memref_slice %arg3[%mul3A_2] : memref<2048xi32, #tpu.memory_space<hbm>> -> memref<64xi32, #tpu.memory_space<hbm>>
      tpu.enqueue_dma source(%dma_start3A_32 : memref<64xi32, #tpu.memory_space<hbm>>) target(%arg7 : memref<64xi32, #tpu.memory_space<vmem>>) target_semaphore(%run_scoped3A : memref<!tpu.dma_semaphore, #tpu.memory_space<semaphore_mem>>)
      %dma_wait3A = tpu.memref_slice %arg3[%mul3A_2] : memref<2048xi32, #tpu.memory_space<hbm>> -> memref<64xi32, #tpu.memory_space<hbm>>
      %dma_wait3A_33 = tpu.memref_slice %arg3[%mul3A_2] : memref<2048xi32, #tpu.memory_space<hbm>> -> memref<64xi32, #tpu.memory_space<hbm>>
      tpu.wait_dma2 semaphore(%run_scoped3A : memref<!tpu.dma_semaphore, #tpu.memory_space<semaphore_mem>>) src(%dma_wait3A_33 : memref<64xi32, #tpu.memory_space<hbm>>) dst(%arg7 : memref<64xi32, #tpu.memory_space<vmem>>)
      tpu.yield
    }) : () -> ()
    %mul3A_3 = arith.constant 16 : i32
    %mul3A_4 = arith.muli %add3A, %mul3A_3 : i32
    "tpu.region"() ({
      %run_scoped3A = tpu.sem_alloc : memref<!tpu.dma_semaphore, #tpu.memory_space<semaphore_mem>>
      %dma_start3A = tpu.memref_slice %arg4[%mul3A_4] : memref<512xi32, #tpu.memory_space<hbm>> -> memref<16xi32, #tpu.memory_space<hbm>>
      %dma_start3A_32 = tpu.memref_slice %arg4[%mul3A_4] : memref<512xi32, #tpu.memory_space<hbm>> -> memref<16xi32, #tpu.memory_space<hbm>>
      tpu.enqueue_dma source(%dma_start3A_32 : memref<16xi32, #tpu.memory_space<hbm>>) target(%arg8 : memref<16xi32, #tpu.memory_space<vmem>>) target_semaphore(%run_scoped3A : memref<!tpu.dma_semaphore, #tpu.memory_space<semaphore_mem>>)
      %dma_wait3A = tpu.memref_slice %arg4[%mul3A_4] : memref<512xi32, #tpu.memory_space<hbm>> -> memref<16xi32, #tpu.memory_space<hbm>>
      %dma_wait3A_33 = tpu.memref_slice %arg4[%mul3A_4] : memref<512xi32, #tpu.memory_space<hbm>> -> memref<16xi32, #tpu.memory_space<hbm>>
      tpu.wait_dma2 semaphore(%run_scoped3A : memref<!tpu.dma_semaphore, #tpu.memory_space<semaphore_mem>>) src(%dma_wait3A_33 : memref<16xi32, #tpu.memory_space<hbm>>) dst(%arg8 : memref<16xi32, #tpu.memory_space<vmem>>)
      tpu.yield
    }) : () -> ()
    %mul3A_5 = arith.constant 16 : i32
    %mul3A_6 = arith.muli %add3A, %mul3A_5 : i32
    "tpu.region"() ({
      %run_scoped3A = tpu.sem_alloc : memref<!tpu.dma_semaphore, #tpu.memory_space<semaphore_mem>>
      %dma_start3A = tpu.memref_slice %arg5[%mul3A_6] : memref<512xi32, #tpu.memory_space<hbm>> -> memref<16xi32, #tpu.memory_space<hbm>>
      %dma_start3A_32 = tpu.memref_slice %arg5[%mul3A_6] : memref<512xi32, #tpu.memory_space<hbm>> -> memref<16xi32, #tpu.memory_space<hbm>>
      tpu.enqueue_dma source(%dma_start3A_32 : memref<16xi32, #tpu.memory_space<hbm>>) target(%arg9 : memref<16xi32, #tpu.memory_space<vmem>>) target_semaphore(%run_scoped3A : memref<!tpu.dma_semaphore, #tpu.memory_space<semaphore_mem>>)
      %dma_wait3A = tpu.memref_slice %arg5[%mul3A_6] : memref<512xi32, #tpu.memory_space<hbm>> -> memref<16xi32, #tpu.memory_space<hbm>>
      %dma_wait3A_33 = tpu.memref_slice %arg5[%mul3A_6] : memref<512xi32, #tpu.memory_space<hbm>> -> memref<16xi32, #tpu.memory_space<hbm>>
      tpu.wait_dma2 semaphore(%run_scoped3A : memref<!tpu.dma_semaphore, #tpu.memory_space<semaphore_mem>>) src(%dma_wait3A_33 : memref<16xi32, #tpu.memory_space<hbm>>) dst(%arg9 : memref<16xi32, #tpu.memory_space<vmem>>)
      tpu.yield
    }) : () -> ()
    %get3A = arith.constant 0 : index
    %get3A_7 = tpu.vector_load %arg8[%get3A] {strides = array<i32>} : memref<16xi32, #tpu.memory_space<vmem>>, vector<16xi32>,
    %eq3A = arith.constant 1 : i32
    %eq3A_8 = vector.broadcast %eq3A : i32 to vector<16xi32>
    %eq3A_9 = arith.cmpi eq, %iota3A, %eq3A_8 : vector<16xi32>
    %get3A_10 = arith.constant 0 : index
    %get3A_11 = tpu.vector_load %arg9[%get3A_10] {strides = array<i32>} : memref<16xi32, #tpu.memory_space<vmem>>, vector<16xi32>,
    %jit3A = arith.constant 0 : i32
    %broadcast_in_dim3A = vector.broadcast %jit3A : i32 to vector<16xi32>
    %select_n3A = arith.select %eq3A_9, %get3A_11, %broadcast_in_dim3A : vector<16xi1>, vector<16xi32>
    %reduce_max3A = arith.constant true
    %reduce_max3A_12 = vector.broadcast %reduce_max3A : i1 to vector<16xi1>
    %reduce_max3A_13 = arith.constant -2147483648 : i32
    %reduce_max3A_14 = vector.broadcast %reduce_max3A_13 : i32 to vector<16xi32>
    %reduce_max3A_15 = arith.xori %select_n3A, %reduce_max3A_14 : vector<16xi32>
    %reduce_max3A_16 = tpu.scan <max>, %reduce_max3A_15 masked %reduce_max3A_12 : vector<16xi32>, vector<16xi1> -> vector<16xi32>
    %reduce_max3A_17 = arith.xori %reduce_max3A_16, %reduce_max3A_14 : vector<16xi32>
    %reduce_max3A_18 = vector.extract %reduce_max3A_17[15] : i32 from vector<16xi32>
    %scan3A = arith.constant 0 : i32
    %scan3A_19 = arith.constant 0 : i32
    %scan3A_20 = arith.constant 4 : i32
    %scan3A_21 = arith.addi %scan3A_19, %scan3A_20 : i32
    %scan3A_22 = arith.constant 1 : i32
    %scan3A_23 = scf.for %scan3A_32 = %scan3A_19 to %scan3A_21 step %scan3A_22 iter_args(%scan3A_33 = %scan3A) -> (i32)  : i32 {
      %mul3A_34 = arith.constant 16 : i32
      %mul3A_35 = arith.muli %scan3A_32, %mul3A_34 : i32
      %get3A_36 = arith.index_cast %mul3A_35 : i32 to index
      %get3A_37 = tpu.vector_load %arg7[%get3A_36] {strides = array<i32>} : memref<64xi32, #tpu.memory_space<vmem>>, vector<16xi32>,
      %lt3A = arith.constant 0 : i32
      %lt3A_38 = vector.broadcast %lt3A : i32 to vector<16xi32>
      %lt3A_39 = arith.cmpi slt, %get3A_37, %lt3A_38 : vector<16xi32>
      %select_n3A_40 = arith.select %lt3A_39, %get3A_7, %get3A_37 : vector<16xi1>, vector<16xi32>
      %mul3A_41 = arith.constant 16 : i32
      %mul3A_42 = arith.muli %scan3A_32, %mul3A_41 : i32
      %swap3A = arith.index_cast %mul3A_42 : i32 to index
      %swap3A_43 = tpu.vector_load %arg7[%swap3A] {strides = array<i32>} : memref<64xi32, #tpu.memory_space<vmem>>, vector<16xi32>,
      tpu.vector_store %arg7[%swap3A], %select_n3A_40 {strides = array<i32>} : memref<64xi32, #tpu.memory_space<vmem>>, vector<16xi32>,
      %scan3A_44 = arith.constant 0 : i32
      scf.yield %scan3A_44 : i32
    }
    %scan3A_24 = arith.constant 4 : i32
    %gt3A = arith.constant 0 : i32
    %gt3A_25 = arith.cmpi sgt, %reduce_max3A_18, %gt3A : i32
    %convert_element_type3A = arith.extui %gt3A_25 : i1 to i32
    %cond3A = arith.constant 0 : i32
    %cond3A_26 = arith.cmpi ne, %convert_element_type3A, %cond3A : i32
    scf.if %cond3A_26 {
      %dma_start3A = arith.constant 0 : i32
      %dma_start3A_32 = arith.constant 0 : i32
      %dma_start3A_33 = tpu.memref_slice %arg10[%dma_start3A, %dma_start3A_32] : memref<64x768xf32, #tpu.memory_space<vmem>> -> memref<32x768xf32, #tpu.memory_space<vmem>>
      %dma_start3A_34 = arith.constant 0 : i32
      %dma_start3A_35 = tpu.memref_slice %arg7[%dma_start3A_34] : memref<64xi32, #tpu.memory_space<vmem>> -> memref<32xi32, #tpu.memory_space<vmem>>
      %dma_start3A_36 = arith.constant 0 : i32
      %dma_start3A_37 = arith.constant 0 : i32
      %dma_start3A_38 = tpu.memref_slice %arg2[%dma_start3A_36, %dma_start3A_37] : memref<2304x768xf32, #tpu.memory_space<hbm>> -> memref<2304x768xf32, #tpu.memory_space<hbm>>
      tpu.enqueue_indirect_dma source(%dma_start3A_38 : memref<2304x768xf32, #tpu.memory_space<hbm>>) target(%dma_start3A_33 : memref<32x768xf32, #tpu.memory_space<vmem>>) offsets(%dma_start3A_35 : memref<32xi32, #tpu.memory_space<vmem>>) semaphore(%arg11 : memref<!tpu.dma_semaphore, #tpu.memory_space<semaphore_mem>>)
      %dma_wait3A = arith.constant 0 : i32
      %dma_wait3A_39 = arith.constant 0 : i32
      %dma_wait3A_40 = tpu.memref_slice %arg10[%dma_wait3A, %dma_wait3A_39] : memref<64x768xf32, #tpu.memory_space<vmem>> -> memref<32x768xf32, #tpu.memory_space<vmem>>
      %dma_wait3A_41 = arith.constant 0 : i32
      %dma_wait3A_42 = tpu.memref_slice %arg7[%dma_wait3A_41] : memref<64xi32, #tpu.memory_space<vmem>> -> memref<32xi32, #tpu.memory_space<vmem>>
      %dma_wait3A_43 = arith.constant 0 : i32
      %dma_wait3A_44 = arith.constant 0 : i32
      %dma_wait3A_45 = tpu.memref_slice %arg2[%dma_wait3A_43, %dma_wait3A_44] : memref<2304x768xf32, #tpu.memory_space<hbm>> -> memref<2304x768xf32, #tpu.memory_space<hbm>>
      tpu.wait_indirect_dma semaphore(%arg11 : memref<!tpu.dma_semaphore, #tpu.memory_space<semaphore_mem>>) src(%dma_wait3A_45 : memref<2304x768xf32, #tpu.memory_space<hbm>>) dst(%dma_wait3A_40 : memref<32x768xf32, #tpu.memory_space<vmem>>)
      %add3A_46 = arith.constant 0 : i32
      %add3A_47 = arith.addi %mul3A_2, %add3A_46 : i32
      "tpu.region"() ({
        %run_scoped3A = tpu.sem_alloc : memref<!tpu.dma_semaphore, #tpu.memory_space<semaphore_mem>>
        %dma_start3A_48 = arith.constant 0 : i32
        %dma_start3A_49 = arith.constant 0 : i32
        %dma_start3A_50 = tpu.memref_slice %arg10[%dma_start3A_48, %dma_start3A_49] : memref<64x768xf32, #tpu.memory_space<vmem>> -> memref<32x768xf32, #tpu.memory_space<vmem>>
        %dma_start3A_51 = arith.constant 0 : i32
        %dma_start3A_52 = tpu.memref_slice %arg6[%add3A_47, %dma_start3A_51] : memref<2048x768xf32, #tpu.memory_space<hbm>> -> memref<32x768xf32, #tpu.memory_space<hbm>>
        %dma_start3A_53 = arith.constant 0 : i32
        %dma_start3A_54 = tpu.memref_slice %arg6[%add3A_47, %dma_start3A_53] : memref<2048x768xf32, #tpu.memory_space<hbm>> -> memref<32x768xf32, #tpu.memory_space<hbm>>
        %dma_start3A_55 = arith.constant 0 : i32
        %dma_start3A_56 = arith.constant 0 : i32
        %dma_start3A_57 = tpu.memref_slice %arg10[%dma_start3A_55, %dma_start3A_56] : memref<64x768xf32, #tpu.memory_space<vmem>> -> memref<32x768xf32, #tpu.memory_space<vmem>>
        tpu.enqueue_dma source(%dma_start3A_57 : memref<32x768xf32, #tpu.memory_space<vmem>>) target(%dma_start3A_54 : memref<32x768xf32, #tpu.memory_space<hbm>>) target_semaphore(%run_scoped3A : memref<!tpu.dma_semaphore, #tpu.memory_space<semaphore_mem>>)
        %dma_wait3A_58 = arith.constant 0 : i32
        %dma_wait3A_59 = arith.constant 0 : i32
        %dma_wait3A_60 = tpu.memref_slice %arg10[%dma_wait3A_58, %dma_wait3A_59] : memref<64x768xf32, #tpu.memory_space<vmem>> -> memref<32x768xf32, #tpu.memory_space<vmem>>
        %dma_wait3A_61 = arith.constant 0 : i32
        %dma_wait3A_62 = tpu.memref_slice %arg6[%add3A_47, %dma_wait3A_61] : memref<2048x768xf32, #tpu.memory_space<hbm>> -> memref<32x768xf32, #tpu.memory_space<hbm>>
        %dma_wait3A_63 = arith.constant 0 : i32
        %dma_wait3A_64 = tpu.memref_slice %arg6[%add3A_47, %dma_wait3A_63] : memref<2048x768xf32, #tpu.memory_space<hbm>> -> memref<32x768xf32, #tpu.memory_space<hbm>>
        %dma_wait3A_65 = arith.constant 0 : i32
        %dma_wait3A_66 = arith.constant 0 : i32
        %dma_wait3A_67 = tpu.memref_slice %arg10[%dma_wait3A_65, %dma_wait3A_66] : memref<64x768xf32, #tpu.memory_space<vmem>> -> memref<32x768xf32, #tpu.memory_space<vmem>>
        tpu.wait_dma2 semaphore(%run_scoped3A : memref<!tpu.dma_semaphore, #tpu.memory_space<semaphore_mem>>) src(%dma_wait3A_67 : memref<32x768xf32, #tpu.memory_space<vmem>>) dst(%dma_wait3A_64 : memref<32x768xf32, #tpu.memory_space<hbm>>)
        tpu.yield
      }) : () -> ()
    } else {
    }
    %gt3A_27 = arith.constant 32 : i32
    %gt3A_28 = arith.cmpi sgt, %reduce_max3A_18, %gt3A_27 : i32
    %convert_element_type3A_29 = arith.extui %gt3A_28 : i1 to i32
    %cond3A_30 = arith.constant 0 : i32
    %cond3A_31 = arith.cmpi ne, %convert_element_type3A_29, %cond3A_30 : i32
    scf.if %cond3A_31 {
      %dma_start3A = arith.constant 32 : i32
      %dma_start3A_32 = arith.constant 0 : i32
      %dma_start3A_33 = tpu.memref_slice %arg10[%dma_start3A, %dma_start3A_32] : memref<64x768xf32, #tpu.memory_space<vmem>> -> memref<32x768xf32, #tpu.memory_space<vmem>>
      %dma_start3A_34 = arith.constant 32 : i32
      %dma_start3A_35 = tpu.memref_slice %arg7[%dma_start3A_34] : memref<64xi32, #tpu.memory_space<vmem>> -> memref<32xi32, #tpu.memory_space<vmem>>
      %dma_start3A_36 = arith.constant 0 : i32
      %dma_start3A_37 = arith.constant 0 : i32
      %dma_start3A_38 = tpu.memref_slice %arg2[%dma_start3A_36, %dma_start3A_37] : memref<2304x768xf32, #tpu.memory_space<hbm>> -> memref<2304x768xf32, #tpu.memory_space<hbm>>
      tpu.enqueue_indirect_dma source(%dma_start3A_38 : memref<2304x768xf32, #tpu.memory_space<hbm>>) target(%dma_start3A_33 : memref<32x768xf32, #tpu.memory_space<vmem>>) offsets(%dma_start3A_35 : memref<32xi32, #tpu.memory_space<vmem>>) semaphore(%arg11 : memref<!tpu.dma_semaphore, #tpu.memory_space<semaphore_mem>>)
      %dma_wait3A = arith.constant 32 : i32
      %dma_wait3A_39 = arith.constant 0 : i32
      %dma_wait3A_40 = tpu.memref_slice %arg10[%dma_wait3A, %dma_wait3A_39] : memref<64x768xf32, #tpu.memory_space<vmem>> -> memref<32x768xf32, #tpu.memory_space<vmem>>
      %dma_wait3A_41 = arith.constant 32 : i32
      %dma_wait3A_42 = tpu.memref_slice %arg7[%dma_wait3A_41] : memref<64xi32, #tpu.memory_space<vmem>> -> memref<32xi32, #tpu.memory_space<vmem>>
      %dma_wait3A_43 = arith.constant 0 : i32
      %dma_wait3A_44 = arith.constant 0 : i32
      %dma_wait3A_45 = tpu.memref_slice %arg2[%dma_wait3A_43, %dma_wait3A_44] : memref<2304x768xf32, #tpu.memory_space<hbm>> -> memref<2304x768xf32, #tpu.memory_space<hbm>>
      tpu.wait_indirect_dma semaphore(%arg11 : memref<!tpu.dma_semaphore, #tpu.memory_space<semaphore_mem>>) src(%dma_wait3A_45 : memref<2304x768xf32, #tpu.memory_space<hbm>>) dst(%dma_wait3A_40 : memref<32x768xf32, #tpu.memory_space<vmem>>)
      %add3A_46 = arith.constant 32 : i32
      %add3A_47 = arith.addi %mul3A_2, %add3A_46 : i32
      "tpu.region"() ({
        %run_scoped3A = tpu.sem_alloc : memref<!tpu.dma_semaphore, #tpu.memory_space<semaphore_mem>>
        %dma_start3A_48 = arith.constant 32 : i32
        %dma_start3A_49 = arith.constant 0 : i32
        %dma_start3A_50 = tpu.memref_slice %arg10[%dma_start3A_48, %dma_start3A_49] : memref<64x768xf32, #tpu.memory_space<vmem>> -> memref<32x768xf32, #tpu.memory_space<vmem>>
        %dma_start3A_51 = arith.constant 0 : i32
        %dma_start3A_52 = tpu.memref_slice %arg6[%add3A_47, %dma_start3A_51] : memref<2048x768xf32, #tpu.memory_space<hbm>> -> memref<32x768xf32, #tpu.memory_space<hbm>>
        %dma_start3A_53 = arith.constant 0 : i32
        %dma_start3A_54 = tpu.memref_slice %arg6[%add3A_47, %dma_start3A_53] : memref<2048x768xf32, #tpu.memory_space<hbm>> -> memref<32x768xf32, #tpu.memory_space<hbm>>
        %dma_start3A_55 = arith.constant 32 : i32
        %dma_start3A_56 = arith.constant 0 : i32
        %dma_start3A_57 = tpu.memref_slice %arg10[%dma_start3A_55, %dma_start3A_56] : memref<64x768xf32, #tpu.memory_space<vmem>> -> memref<32x768xf32, #tpu.memory_space<vmem>>
        tpu.enqueue_dma source(%dma_start3A_57 : memref<32x768xf32, #tpu.memory_space<vmem>>) target(%dma_start3A_54 : memref<32x768xf32, #tpu.memory_space<hbm>>) target_semaphore(%run_scoped3A : memref<!tpu.dma_semaphore, #tpu.memory_space<semaphore_mem>>)
        %dma_wait3A_58 = arith.constant 32 : i32
        %dma_wait3A_59 = arith.constant 0 : i32
        %dma_wait3A_60 = tpu.memref_slice %arg10[%dma_wait3A_58, %dma_wait3A_59] : memref<64x768xf32, #tpu.memory_space<vmem>> -> memref<32x768xf32, #tpu.memory_space<vmem>>
        %dma_wait3A_61 = arith.constant 0 : i32
        %dma_wait3A_62 = tpu.memref_slice %arg6[%add3A_47, %dma_wait3A_61] : memref<2048x768xf32, #tpu.memory_space<hbm>> -> memref<32x768xf32, #tpu.memory_space<hbm>>
        %dma_wait3A_63 = arith.constant 0 : i32
        %dma_wait3A_64 = tpu.memref_slice %arg6[%add3A_47, %dma_wait3A_63] : memref<2048x768xf32, #tpu.memory_space<hbm>> -> memref<32x768xf32, #tpu.memory_space<hbm>>
        %dma_wait3A_65 = arith.constant 32 : i32
        %dma_wait3A_66 = arith.constant 0 : i32
        %dma_wait3A_67 = tpu.memref_slice %arg10[%dma_wait3A_65, %dma_wait3A_66] : memref<64x768xf32, #tpu.memory_space<vmem>> -> memref<32x768xf32, #tpu.memory_space<vmem>>
        tpu.wait_dma2 semaphore(%run_scoped3A : memref<!tpu.dma_semaphore, #tpu.memory_space<semaphore_mem>>) src(%dma_wait3A_67 : memref<32x768xf32, #tpu.memory_space<vmem>>) dst(%dma_wait3A_64 : memref<32x768xf32, #tpu.memory_space<hbm>>)
        tpu.yield
      }) : () -> ()
    } else {
    }
    return
  }
}

#map = affine_map<(d0, d1) -> (0, 0)>
#map1 = affine_map<(d0, d1) -> (0)>
module attributes {stable_mosaic.version = 14 : i64} {
  func.func @_k2_gather_x(%arg0: i32, %arg1: i32, %arg2: memref<32768x768xf32, #tpu.memory_space<hbm>>, %arg3: memref<2048xi32, #tpu.memory_space<hbm>>, %arg4: memref<2048xi32, #tpu.memory_space<hbm>>, %arg5: memref<512xi32, #tpu.memory_space<hbm>>, %arg6: memref<2048x768xf32, #tpu.memory_space<hbm>>, %arg7: memref<2048x768xf32, #tpu.memory_space<hbm>>, %arg8: memref<64xi32, #tpu.memory_space<vmem>>, %arg9: memref<64xi32, #tpu.memory_space<vmem>>, %arg10: memref<16xi32, #tpu.memory_space<vmem>>, %arg11: memref<64x768xf32, #tpu.memory_space<vmem>>, %arg12: memref<64x768xf32, #tpu.memory_space<vmem>>, %arg13: memref<!tpu.dma_semaphore, #tpu.memory_space<semaphore_mem>>, %arg14: memref<!tpu.dma_semaphore, #tpu.memory_space<semaphore_mem>>) attributes {dimension_semantics = [#tpu.dimension_semantics<core_parallel>, #tpu.dimension_semantics<subcore_parallel>], iteration_bounds = array<i64: 2, 16>, scalar_prefetch = 0 : i64, scratch_operands = 7 : i64, tpu.core_type = #tpu.core_type<sc_vector_subcore>, window_params = [{transform_indices = #map}, {transform_indices = #map1}, {transform_indices = #map1}, {transform_indices = #map1}, {transform_indices = #map}, {transform_indices = #map}]} {
    %mul3A = arith.constant 2 : i32
    %mul3A_0 = arith.muli %arg1, %mul3A : i32
    %add3A = arith.addi %mul3A_0, %arg0 : i32
    %mul3A_1 = arith.constant 64 : i32
    %mul3A_2 = arith.muli %add3A, %mul3A_1 : i32
    %iota3A = tpu.iota {dimensions = array<i32: 0>} : vector<16xi32>
    %mul3A_3 = arith.constant 16 : i32
    %mul3A_4 = arith.muli %add3A, %mul3A_3 : i32
    "tpu.region"() ({
      %run_scoped3A = tpu.sem_alloc : memref<!tpu.dma_semaphore, #tpu.memory_space<semaphore_mem>>
      %dma_start3A = tpu.memref_slice %arg5[%mul3A_4] : memref<512xi32, #tpu.memory_space<hbm>> -> memref<16xi32, #tpu.memory_space<hbm>>
      %dma_start3A_46 = tpu.memref_slice %arg5[%mul3A_4] : memref<512xi32, #tpu.memory_space<hbm>> -> memref<16xi32, #tpu.memory_space<hbm>>
      tpu.enqueue_dma source(%dma_start3A_46 : memref<16xi32, #tpu.memory_space<hbm>>) target(%arg10 : memref<16xi32, #tpu.memory_space<vmem>>) target_semaphore(%run_scoped3A : memref<!tpu.dma_semaphore, #tpu.memory_space<semaphore_mem>>)
      %dma_wait3A = tpu.memref_slice %arg5[%mul3A_4] : memref<512xi32, #tpu.memory_space<hbm>> -> memref<16xi32, #tpu.memory_space<hbm>>
      %dma_wait3A_47 = tpu.memref_slice %arg5[%mul3A_4] : memref<512xi32, #tpu.memory_space<hbm>> -> memref<16xi32, #tpu.memory_space<hbm>>
      tpu.wait_dma2 semaphore(%run_scoped3A : memref<!tpu.dma_semaphore, #tpu.memory_space<semaphore_mem>>) src(%dma_wait3A_47 : memref<16xi32, #tpu.memory_space<hbm>>) dst(%arg10 : memref<16xi32, #tpu.memory_space<vmem>>)
      tpu.yield
    }) : () -> ()
    %get3A = arith.constant 0 : index
    %get3A_5 = tpu.vector_load %arg10[%get3A] {strides = array<i32>} : memref<16xi32, #tpu.memory_space<vmem>>, vector<16xi32>,
    %eq3A = arith.constant 0 : i32
    %eq3A_6 = vector.broadcast %eq3A : i32 to vector<16xi32>
    %eq3A_7 = arith.cmpi eq, %iota3A, %eq3A_6 : vector<16xi32>
    %jit3A = arith.constant 0 : i32
    %broadcast_in_dim3A = vector.broadcast %jit3A : i32 to vector<16xi32>
    %select_n3A = arith.select %eq3A_7, %get3A_5, %broadcast_in_dim3A : vector<16xi1>, vector<16xi32>
    %reduce_max3A = arith.constant true
    %reduce_max3A_8 = vector.broadcast %reduce_max3A : i1 to vector<16xi1>
    %reduce_max3A_9 = arith.constant -2147483648 : i32
    %reduce_max3A_10 = vector.broadcast %reduce_max3A_9 : i32 to vector<16xi32>
    %reduce_max3A_11 = arith.xori %select_n3A, %reduce_max3A_10 : vector<16xi32>
    %reduce_max3A_12 = tpu.scan <max>, %reduce_max3A_11 masked %reduce_max3A_8 : vector<16xi32>, vector<16xi1> -> vector<16xi32>
    %reduce_max3A_13 = arith.xori %reduce_max3A_12, %reduce_max3A_10 : vector<16xi32>
    %reduce_max3A_14 = vector.extract %reduce_max3A_13[15] : i32 from vector<16xi32>
    %eq3A_15 = arith.constant 1 : i32
    %eq3A_16 = vector.broadcast %eq3A_15 : i32 to vector<16xi32>
    %eq3A_17 = arith.cmpi eq, %iota3A, %eq3A_16 : vector<16xi32>
    %jit3A_18 = arith.constant 0 : i32
    %broadcast_in_dim3A_19 = vector.broadcast %jit3A_18 : i32 to vector<16xi32>
    %select_n3A_20 = arith.select %eq3A_17, %get3A_5, %broadcast_in_dim3A_19 : vector<16xi1>, vector<16xi32>
    %reduce_max3A_21 = arith.constant true
    %reduce_max3A_22 = vector.broadcast %reduce_max3A_21 : i1 to vector<16xi1>
    %reduce_max3A_23 = arith.constant -2147483648 : i32
    %reduce_max3A_24 = vector.broadcast %reduce_max3A_23 : i32 to vector<16xi32>
    %reduce_max3A_25 = arith.xori %select_n3A_20, %reduce_max3A_24 : vector<16xi32>
    %reduce_max3A_26 = tpu.scan <max>, %reduce_max3A_25 masked %reduce_max3A_22 : vector<16xi32>, vector<16xi1> -> vector<16xi32>
    %reduce_max3A_27 = arith.xori %reduce_max3A_26, %reduce_max3A_24 : vector<16xi32>
    %reduce_max3A_28 = vector.extract %reduce_max3A_27[15] : i32 from vector<16xi32>
    "tpu.region"() ({
      %run_scoped3A = tpu.sem_alloc : memref<!tpu.dma_semaphore, #tpu.memory_space<semaphore_mem>>
      %dma_start3A = tpu.memref_slice %arg3[%mul3A_2] : memref<2048xi32, #tpu.memory_space<hbm>> -> memref<64xi32, #tpu.memory_space<hbm>>
      %dma_start3A_46 = tpu.memref_slice %arg3[%mul3A_2] : memref<2048xi32, #tpu.memory_space<hbm>> -> memref<64xi32, #tpu.memory_space<hbm>>
      tpu.enqueue_dma source(%dma_start3A_46 : memref<64xi32, #tpu.memory_space<hbm>>) target(%arg8 : memref<64xi32, #tpu.memory_space<vmem>>) target_semaphore(%run_scoped3A : memref<!tpu.dma_semaphore, #tpu.memory_space<semaphore_mem>>)
      %dma_wait3A = tpu.memref_slice %arg3[%mul3A_2] : memref<2048xi32, #tpu.memory_space<hbm>> -> memref<64xi32, #tpu.memory_space<hbm>>
      %dma_wait3A_47 = tpu.memref_slice %arg3[%mul3A_2] : memref<2048xi32, #tpu.memory_space<hbm>> -> memref<64xi32, #tpu.memory_space<hbm>>
      tpu.wait_dma2 semaphore(%run_scoped3A : memref<!tpu.dma_semaphore, #tpu.memory_space<semaphore_mem>>) src(%dma_wait3A_47 : memref<64xi32, #tpu.memory_space<hbm>>) dst(%arg8 : memref<64xi32, #tpu.memory_space<vmem>>)
      tpu.yield
    }) : () -> ()
    "tpu.region"() ({
      %run_scoped3A = tpu.sem_alloc : memref<!tpu.dma_semaphore, #tpu.memory_space<semaphore_mem>>
      %dma_start3A = tpu.memref_slice %arg4[%mul3A_2] : memref<2048xi32, #tpu.memory_space<hbm>> -> memref<64xi32, #tpu.memory_space<hbm>>
      %dma_start3A_46 = tpu.memref_slice %arg4[%mul3A_2] : memref<2048xi32, #tpu.memory_space<hbm>> -> memref<64xi32, #tpu.memory_space<hbm>>
      tpu.enqueue_dma source(%dma_start3A_46 : memref<64xi32, #tpu.memory_space<hbm>>) target(%arg9 : memref<64xi32, #tpu.memory_space<vmem>>) target_semaphore(%run_scoped3A : memref<!tpu.dma_semaphore, #tpu.memory_space<semaphore_mem>>)
      %dma_wait3A = tpu.memref_slice %arg4[%mul3A_2] : memref<2048xi32, #tpu.memory_space<hbm>> -> memref<64xi32, #tpu.memory_space<hbm>>
      %dma_wait3A_47 = tpu.memref_slice %arg4[%mul3A_2] : memref<2048xi32, #tpu.memory_space<hbm>> -> memref<64xi32, #tpu.memory_space<hbm>>
      tpu.wait_dma2 semaphore(%run_scoped3A : memref<!tpu.dma_semaphore, #tpu.memory_space<semaphore_mem>>) src(%dma_wait3A_47 : memref<64xi32, #tpu.memory_space<hbm>>) dst(%arg9 : memref<64xi32, #tpu.memory_space<vmem>>)
      tpu.yield
    }) : () -> ()
    %gt3A = arith.constant 0 : i32
    %gt3A_29 = arith.cmpi sgt, %reduce_max3A_14, %gt3A : i32
    %convert_element_type3A = arith.extui %gt3A_29 : i1 to i32
    %cond3A = arith.constant 0 : i32
    %cond3A_30 = arith.cmpi ne, %convert_element_type3A, %cond3A : i32
    scf.if %cond3A_30 {
      %dma_start3A = arith.constant 0 : i32
      %dma_start3A_46 = arith.constant 0 : i32
      %dma_start3A_47 = tpu.memref_slice %arg11[%dma_start3A, %dma_start3A_46] : memref<64x768xf32, #tpu.memory_space<vmem>> -> memref<32x768xf32, #tpu.memory_space<vmem>>
      %dma_start3A_48 = arith.constant 0 : i32
      %dma_start3A_49 = tpu.memref_slice %arg8[%dma_start3A_48] : memref<64xi32, #tpu.memory_space<vmem>> -> memref<32xi32, #tpu.memory_space<vmem>>
      %dma_start3A_50 = arith.constant 0 : i32
      %dma_start3A_51 = arith.constant 0 : i32
      %dma_start3A_52 = tpu.memref_slice %arg2[%dma_start3A_50, %dma_start3A_51] : memref<32768x768xf32, #tpu.memory_space<hbm>> -> memref<32768x768xf32, #tpu.memory_space<hbm>>
      tpu.enqueue_indirect_dma source(%dma_start3A_52 : memref<32768x768xf32, #tpu.memory_space<hbm>>) target(%dma_start3A_47 : memref<32x768xf32, #tpu.memory_space<vmem>>) offsets(%dma_start3A_49 : memref<32xi32, #tpu.memory_space<vmem>>) semaphore(%arg13 : memref<!tpu.dma_semaphore, #tpu.memory_space<semaphore_mem>>)
      %dma_wait3A = arith.constant 0 : i32
      %dma_wait3A_53 = arith.constant 0 : i32
      %dma_wait3A_54 = tpu.memref_slice %arg11[%dma_wait3A, %dma_wait3A_53] : memref<64x768xf32, #tpu.memory_space<vmem>> -> memref<32x768xf32, #tpu.memory_space<vmem>>
      %dma_wait3A_55 = arith.constant 0 : i32
      %dma_wait3A_56 = tpu.memref_slice %arg8[%dma_wait3A_55] : memref<64xi32, #tpu.memory_space<vmem>> -> memref<32xi32, #tpu.memory_space<vmem>>
      %dma_wait3A_57 = arith.constant 0 : i32
      %dma_wait3A_58 = arith.constant 0 : i32
      %dma_wait3A_59 = tpu.memref_slice %arg2[%dma_wait3A_57, %dma_wait3A_58] : memref<32768x768xf32, #tpu.memory_space<hbm>> -> memref<32768x768xf32, #tpu.memory_space<hbm>>
      tpu.wait_indirect_dma semaphore(%arg13 : memref<!tpu.dma_semaphore, #tpu.memory_space<semaphore_mem>>) src(%dma_wait3A_59 : memref<32768x768xf32, #tpu.memory_space<hbm>>) dst(%dma_wait3A_54 : memref<32x768xf32, #tpu.memory_space<vmem>>)
      %add3A_60 = arith.constant 0 : i32
      %add3A_61 = arith.addi %mul3A_2, %add3A_60 : i32
      "tpu.region"() ({
        %run_scoped3A = tpu.sem_alloc : memref<!tpu.dma_semaphore, #tpu.memory_space<semaphore_mem>>
        %dma_start3A_62 = arith.constant 0 : i32
        %dma_start3A_63 = arith.constant 0 : i32
        %dma_start3A_64 = tpu.memref_slice %arg11[%dma_start3A_62, %dma_start3A_63] : memref<64x768xf32, #tpu.memory_space<vmem>> -> memref<32x768xf32, #tpu.memory_space<vmem>>
        %dma_start3A_65 = arith.constant 0 : i32
        %dma_start3A_66 = tpu.memref_slice %arg6[%add3A_61, %dma_start3A_65] : memref<2048x768xf32, #tpu.memory_space<hbm>> -> memref<32x768xf32, #tpu.memory_space<hbm>>
        %dma_start3A_67 = arith.constant 0 : i32
        %dma_start3A_68 = tpu.memref_slice %arg6[%add3A_61, %dma_start3A_67] : memref<2048x768xf32, #tpu.memory_space<hbm>> -> memref<32x768xf32, #tpu.memory_space<hbm>>
        %dma_start3A_69 = arith.constant 0 : i32
        %dma_start3A_70 = arith.constant 0 : i32
        %dma_start3A_71 = tpu.memref_slice %arg11[%dma_start3A_69, %dma_start3A_70] : memref<64x768xf32, #tpu.memory_space<vmem>> -> memref<32x768xf32, #tpu.memory_space<vmem>>
        tpu.enqueue_dma source(%dma_start3A_71 : memref<32x768xf32, #tpu.memory_space<vmem>>) target(%dma_start3A_68 : memref<32x768xf32, #tpu.memory_space<hbm>>) target_semaphore(%run_scoped3A : memref<!tpu.dma_semaphore, #tpu.memory_space<semaphore_mem>>)
        %dma_wait3A_72 = arith.constant 0 : i32
        %dma_wait3A_73 = arith.constant 0 : i32
        %dma_wait3A_74 = tpu.memref_slice %arg11[%dma_wait3A_72, %dma_wait3A_73] : memref<64x768xf32, #tpu.memory_space<vmem>> -> memref<32x768xf32, #tpu.memory_space<vmem>>
        %dma_wait3A_75 = arith.constant 0 : i32
        %dma_wait3A_76 = tpu.memref_slice %arg6[%add3A_61, %dma_wait3A_75] : memref<2048x768xf32, #tpu.memory_space<hbm>> -> memref<32x768xf32, #tpu.memory_space<hbm>>
        %dma_wait3A_77 = arith.constant 0 : i32
        %dma_wait3A_78 = tpu.memref_slice %arg6[%add3A_61, %dma_wait3A_77] : memref<2048x768xf32, #tpu.memory_space<hbm>> -> memref<32x768xf32, #tpu.memory_space<hbm>>
        %dma_wait3A_79 = arith.constant 0 : i32
        %dma_wait3A_80 = arith.constant 0 : i32
        %dma_wait3A_81 = tpu.memref_slice %arg11[%dma_wait3A_79, %dma_wait3A_80] : memref<64x768xf32, #tpu.memory_space<vmem>> -> memref<32x768xf32, #tpu.memory_space<vmem>>
        tpu.wait_dma2 semaphore(%run_scoped3A : memref<!tpu.dma_semaphore, #tpu.memory_space<semaphore_mem>>) src(%dma_wait3A_81 : memref<32x768xf32, #tpu.memory_space<vmem>>) dst(%dma_wait3A_78 : memref<32x768xf32, #tpu.memory_space<hbm>>)
        tpu.yield
      }) : () -> ()
    } else {
    }
    %gt3A_31 = arith.constant 0 : i32
    %gt3A_32 = arith.cmpi sgt, %reduce_max3A_28, %gt3A_31 : i32
    %convert_element_type3A_33 = arith.extui %gt3A_32 : i1 to i32
    %cond3A_34 = arith.constant 0 : i32
    %cond3A_35 = arith.cmpi ne, %convert_element_type3A_33, %cond3A_34 : i32
    scf.if %cond3A_35 {
      %dma_start3A = arith.constant 0 : i32
      %dma_start3A_46 = arith.constant 0 : i32
      %dma_start3A_47 = tpu.memref_slice %arg12[%dma_start3A, %dma_start3A_46] : memref<64x768xf32, #tpu.memory_space<vmem>> -> memref<32x768xf32, #tpu.memory_space<vmem>>
      %dma_start3A_48 = arith.constant 0 : i32
      %dma_start3A_49 = tpu.memref_slice %arg9[%dma_start3A_48] : memref<64xi32, #tpu.memory_space<vmem>> -> memref<32xi32, #tpu.memory_space<vmem>>
      %dma_start3A_50 = arith.constant 0 : i32
      %dma_start3A_51 = arith.constant 0 : i32
      %dma_start3A_52 = tpu.memref_slice %arg2[%dma_start3A_50, %dma_start3A_51] : memref<32768x768xf32, #tpu.memory_space<hbm>> -> memref<32768x768xf32, #tpu.memory_space<hbm>>
      tpu.enqueue_indirect_dma source(%dma_start3A_52 : memref<32768x768xf32, #tpu.memory_space<hbm>>) target(%dma_start3A_47 : memref<32x768xf32, #tpu.memory_space<vmem>>) offsets(%dma_start3A_49 : memref<32xi32, #tpu.memory_space<vmem>>) semaphore(%arg14 : memref<!tpu.dma_semaphore, #tpu.memory_space<semaphore_mem>>)
      %dma_wait3A = arith.constant 0 : i32
      %dma_wait3A_53 = arith.constant 0 : i32
      %dma_wait3A_54 = tpu.memref_slice %arg12[%dma_wait3A, %dma_wait3A_53] : memref<64x768xf32, #tpu.memory_space<vmem>> -> memref<32x768xf32, #tpu.memory_space<vmem>>
      %dma_wait3A_55 = arith.constant 0 : i32
      %dma_wait3A_56 = tpu.memref_slice %arg9[%dma_wait3A_55] : memref<64xi32, #tpu.memory_space<vmem>> -> memref<32xi32, #tpu.memory_space<vmem>>
      %dma_wait3A_57 = arith.constant 0 : i32
      %dma_wait3A_58 = arith.constant 0 : i32
      %dma_wait3A_59 = tpu.memref_slice %arg2[%dma_wait3A_57, %dma_wait3A_58] : memref<32768x768xf32, #tpu.memory_space<hbm>> -> memref<32768x768xf32, #tpu.memory_space<hbm>>
      tpu.wait_indirect_dma semaphore(%arg14 : memref<!tpu.dma_semaphore, #tpu.memory_space<semaphore_mem>>) src(%dma_wait3A_59 : memref<32768x768xf32, #tpu.memory_space<hbm>>) dst(%dma_wait3A_54 : memref<32x768xf32, #tpu.memory_space<vmem>>)
      %add3A_60 = arith.constant 0 : i32
      %add3A_61 = arith.addi %mul3A_2, %add3A_60 : i32
      "tpu.region"() ({
        %run_scoped3A = tpu.sem_alloc : memref<!tpu.dma_semaphore, #tpu.memory_space<semaphore_mem>>
        %dma_start3A_62 = arith.constant 0 : i32
        %dma_start3A_63 = arith.constant 0 : i32
        %dma_start3A_64 = tpu.memref_slice %arg12[%dma_start3A_62, %dma_start3A_63] : memref<64x768xf32, #tpu.memory_space<vmem>> -> memref<32x768xf32, #tpu.memory_space<vmem>>
        %dma_start3A_65 = arith.constant 0 : i32
        %dma_start3A_66 = tpu.memref_slice %arg7[%add3A_61, %dma_start3A_65] : memref<2048x768xf32, #tpu.memory_space<hbm>> -> memref<32x768xf32, #tpu.memory_space<hbm>>
        %dma_start3A_67 = arith.constant 0 : i32
        %dma_start3A_68 = tpu.memref_slice %arg7[%add3A_61, %dma_start3A_67] : memref<2048x768xf32, #tpu.memory_space<hbm>> -> memref<32x768xf32, #tpu.memory_space<hbm>>
        %dma_start3A_69 = arith.constant 0 : i32
        %dma_start3A_70 = arith.constant 0 : i32
        %dma_start3A_71 = tpu.memref_slice %arg12[%dma_start3A_69, %dma_start3A_70] : memref<64x768xf32, #tpu.memory_space<vmem>> -> memref<32x768xf32, #tpu.memory_space<vmem>>
        tpu.enqueue_dma source(%dma_start3A_71 : memref<32x768xf32, #tpu.memory_space<vmem>>) target(%dma_start3A_68 : memref<32x768xf32, #tpu.memory_space<hbm>>) target_semaphore(%run_scoped3A : memref<!tpu.dma_semaphore, #tpu.memory_space<semaphore_mem>>)
        %dma_wait3A_72 = arith.constant 0 : i32
        %dma_wait3A_73 = arith.constant 0 : i32
        %dma_wait3A_74 = tpu.memref_slice %arg12[%dma_wait3A_72, %dma_wait3A_73] : memref<64x768xf32, #tpu.memory_space<vmem>> -> memref<32x768xf32, #tpu.memory_space<vmem>>
        %dma_wait3A_75 = arith.constant 0 : i32
        %dma_wait3A_76 = tpu.memref_slice %arg7[%add3A_61, %dma_wait3A_75] : memref<2048x768xf32, #tpu.memory_space<hbm>> -> memref<32x768xf32, #tpu.memory_space<hbm>>
        %dma_wait3A_77 = arith.constant 0 : i32
        %dma_wait3A_78 = tpu.memref_slice %arg7[%add3A_61, %dma_wait3A_77] : memref<2048x768xf32, #tpu.memory_space<hbm>> -> memref<32x768xf32, #tpu.memory_space<hbm>>
        %dma_wait3A_79 = arith.constant 0 : i32
        %dma_wait3A_80 = arith.constant 0 : i32
        %dma_wait3A_81 = tpu.memref_slice %arg12[%dma_wait3A_79, %dma_wait3A_80] : memref<64x768xf32, #tpu.memory_space<vmem>> -> memref<32x768xf32, #tpu.memory_space<vmem>>
        tpu.wait_dma2 semaphore(%run_scoped3A : memref<!tpu.dma_semaphore, #tpu.memory_space<semaphore_mem>>) src(%dma_wait3A_81 : memref<32x768xf32, #tpu.memory_space<vmem>>) dst(%dma_wait3A_78 : memref<32x768xf32, #tpu.memory_space<hbm>>)
        tpu.yield
      }) : () -> ()
    } else {
    }
    %gt3A_36 = arith.constant 32 : i32
    %gt3A_37 = arith.cmpi sgt, %reduce_max3A_14, %gt3A_36 : i32
    %convert_element_type3A_38 = arith.extui %gt3A_37 : i1 to i32
    %cond3A_39 = arith.constant 0 : i32
    %cond3A_40 = arith.cmpi ne, %convert_element_type3A_38, %cond3A_39 : i32
    scf.if %cond3A_40 {
      %dma_start3A = arith.constant 32 : i32
      %dma_start3A_46 = arith.constant 0 : i32
      %dma_start3A_47 = tpu.memref_slice %arg11[%dma_start3A, %dma_start3A_46] : memref<64x768xf32, #tpu.memory_space<vmem>> -> memref<32x768xf32, #tpu.memory_space<vmem>>
      %dma_start3A_48 = arith.constant 32 : i32
      %dma_start3A_49 = tpu.memref_slice %arg8[%dma_start3A_48] : memref<64xi32, #tpu.memory_space<vmem>> -> memref<32xi32, #tpu.memory_space<vmem>>
      %dma_start3A_50 = arith.constant 0 : i32
      %dma_start3A_51 = arith.constant 0 : i32
      %dma_start3A_52 = tpu.memref_slice %arg2[%dma_start3A_50, %dma_start3A_51] : memref<32768x768xf32, #tpu.memory_space<hbm>> -> memref<32768x768xf32, #tpu.memory_space<hbm>>
      tpu.enqueue_indirect_dma source(%dma_start3A_52 : memref<32768x768xf32, #tpu.memory_space<hbm>>) target(%dma_start3A_47 : memref<32x768xf32, #tpu.memory_space<vmem>>) offsets(%dma_start3A_49 : memref<32xi32, #tpu.memory_space<vmem>>) semaphore(%arg13 : memref<!tpu.dma_semaphore, #tpu.memory_space<semaphore_mem>>)
      %dma_wait3A = arith.constant 32 : i32
      %dma_wait3A_53 = arith.constant 0 : i32
      %dma_wait3A_54 = tpu.memref_slice %arg11[%dma_wait3A, %dma_wait3A_53] : memref<64x768xf32, #tpu.memory_space<vmem>> -> memref<32x768xf32, #tpu.memory_space<vmem>>
      %dma_wait3A_55 = arith.constant 32 : i32
      %dma_wait3A_56 = tpu.memref_slice %arg8[%dma_wait3A_55] : memref<64xi32, #tpu.memory_space<vmem>> -> memref<32xi32, #tpu.memory_space<vmem>>
      %dma_wait3A_57 = arith.constant 0 : i32
      %dma_wait3A_58 = arith.constant 0 : i32
      %dma_wait3A_59 = tpu.memref_slice %arg2[%dma_wait3A_57, %dma_wait3A_58] : memref<32768x768xf32, #tpu.memory_space<hbm>> -> memref<32768x768xf32, #tpu.memory_space<hbm>>
      tpu.wait_indirect_dma semaphore(%arg13 : memref<!tpu.dma_semaphore, #tpu.memory_space<semaphore_mem>>) src(%dma_wait3A_59 : memref<32768x768xf32, #tpu.memory_space<hbm>>) dst(%dma_wait3A_54 : memref<32x768xf32, #tpu.memory_space<vmem>>)
      %add3A_60 = arith.constant 32 : i32
      %add3A_61 = arith.addi %mul3A_2, %add3A_60 : i32
      "tpu.region"() ({
        %run_scoped3A = tpu.sem_alloc : memref<!tpu.dma_semaphore, #tpu.memory_space<semaphore_mem>>
        %dma_start3A_62 = arith.constant 32 : i32
        %dma_start3A_63 = arith.constant 0 : i32
        %dma_start3A_64 = tpu.memref_slice %arg11[%dma_start3A_62, %dma_start3A_63] : memref<64x768xf32, #tpu.memory_space<vmem>> -> memref<32x768xf32, #tpu.memory_space<vmem>>
        %dma_start3A_65 = arith.constant 0 : i32
        %dma_start3A_66 = tpu.memref_slice %arg6[%add3A_61, %dma_start3A_65] : memref<2048x768xf32, #tpu.memory_space<hbm>> -> memref<32x768xf32, #tpu.memory_space<hbm>>
        %dma_start3A_67 = arith.constant 0 : i32
        %dma_start3A_68 = tpu.memref_slice %arg6[%add3A_61, %dma_start3A_67] : memref<2048x768xf32, #tpu.memory_space<hbm>> -> memref<32x768xf32, #tpu.memory_space<hbm>>
        %dma_start3A_69 = arith.constant 32 : i32
        %dma_start3A_70 = arith.constant 0 : i32
        %dma_start3A_71 = tpu.memref_slice %arg11[%dma_start3A_69, %dma_start3A_70] : memref<64x768xf32, #tpu.memory_space<vmem>> -> memref<32x768xf32, #tpu.memory_space<vmem>>
        tpu.enqueue_dma source(%dma_start3A_71 : memref<32x768xf32, #tpu.memory_space<vmem>>) target(%dma_start3A_68 : memref<32x768xf32, #tpu.memory_space<hbm>>) target_semaphore(%run_scoped3A : memref<!tpu.dma_semaphore, #tpu.memory_space<semaphore_mem>>)
        %dma_wait3A_72 = arith.constant 32 : i32
        %dma_wait3A_73 = arith.constant 0 : i32
        %dma_wait3A_74 = tpu.memref_slice %arg11[%dma_wait3A_72, %dma_wait3A_73] : memref<64x768xf32, #tpu.memory_space<vmem>> -> memref<32x768xf32, #tpu.memory_space<vmem>>
        %dma_wait3A_75 = arith.constant 0 : i32
        %dma_wait3A_76 = tpu.memref_slice %arg6[%add3A_61, %dma_wait3A_75] : memref<2048x768xf32, #tpu.memory_space<hbm>> -> memref<32x768xf32, #tpu.memory_space<hbm>>
        %dma_wait3A_77 = arith.constant 0 : i32
        %dma_wait3A_78 = tpu.memref_slice %arg6[%add3A_61, %dma_wait3A_77] : memref<2048x768xf32, #tpu.memory_space<hbm>> -> memref<32x768xf32, #tpu.memory_space<hbm>>
        %dma_wait3A_79 = arith.constant 32 : i32
        %dma_wait3A_80 = arith.constant 0 : i32
        %dma_wait3A_81 = tpu.memref_slice %arg11[%dma_wait3A_79, %dma_wait3A_80] : memref<64x768xf32, #tpu.memory_space<vmem>> -> memref<32x768xf32, #tpu.memory_space<vmem>>
        tpu.wait_dma2 semaphore(%run_scoped3A : memref<!tpu.dma_semaphore, #tpu.memory_space<semaphore_mem>>) src(%dma_wait3A_81 : memref<32x768xf32, #tpu.memory_space<vmem>>) dst(%dma_wait3A_78 : memref<32x768xf32, #tpu.memory_space<hbm>>)
        tpu.yield
      }) : () -> ()
    } else {
    }
    %gt3A_41 = arith.constant 32 : i32
    %gt3A_42 = arith.cmpi sgt, %reduce_max3A_28, %gt3A_41 : i32
    %convert_element_type3A_43 = arith.extui %gt3A_42 : i1 to i32
    %cond3A_44 = arith.constant 0 : i32
    %cond3A_45 = arith.cmpi ne, %convert_element_type3A_43, %cond3A_44 : i32
    scf.if %cond3A_45 {
      %dma_start3A = arith.constant 32 : i32
      %dma_start3A_46 = arith.constant 0 : i32
      %dma_start3A_47 = tpu.memref_slice %arg12[%dma_start3A, %dma_start3A_46] : memref<64x768xf32, #tpu.memory_space<vmem>> -> memref<32x768xf32, #tpu.memory_space<vmem>>
      %dma_start3A_48 = arith.constant 32 : i32
      %dma_start3A_49 = tpu.memref_slice %arg9[%dma_start3A_48] : memref<64xi32, #tpu.memory_space<vmem>> -> memref<32xi32, #tpu.memory_space<vmem>>
      %dma_start3A_50 = arith.constant 0 : i32
      %dma_start3A_51 = arith.constant 0 : i32
      %dma_start3A_52 = tpu.memref_slice %arg2[%dma_start3A_50, %dma_start3A_51] : memref<32768x768xf32, #tpu.memory_space<hbm>> -> memref<32768x768xf32, #tpu.memory_space<hbm>>
      tpu.enqueue_indirect_dma source(%dma_start3A_52 : memref<32768x768xf32, #tpu.memory_space<hbm>>) target(%dma_start3A_47 : memref<32x768xf32, #tpu.memory_space<vmem>>) offsets(%dma_start3A_49 : memref<32xi32, #tpu.memory_space<vmem>>) semaphore(%arg14 : memref<!tpu.dma_semaphore, #tpu.memory_space<semaphore_mem>>)
      %dma_wait3A = arith.constant 32 : i32
      %dma_wait3A_53 = arith.constant 0 : i32
      %dma_wait3A_54 = tpu.memref_slice %arg12[%dma_wait3A, %dma_wait3A_53] : memref<64x768xf32, #tpu.memory_space<vmem>> -> memref<32x768xf32, #tpu.memory_space<vmem>>
      %dma_wait3A_55 = arith.constant 32 : i32
      %dma_wait3A_56 = tpu.memref_slice %arg9[%dma_wait3A_55] : memref<64xi32, #tpu.memory_space<vmem>> -> memref<32xi32, #tpu.memory_space<vmem>>
      %dma_wait3A_57 = arith.constant 0 : i32
      %dma_wait3A_58 = arith.constant 0 : i32
      %dma_wait3A_59 = tpu.memref_slice %arg2[%dma_wait3A_57, %dma_wait3A_58] : memref<32768x768xf32, #tpu.memory_space<hbm>> -> memref<32768x768xf32, #tpu.memory_space<hbm>>
      tpu.wait_indirect_dma semaphore(%arg14 : memref<!tpu.dma_semaphore, #tpu.memory_space<semaphore_mem>>) src(%dma_wait3A_59 : memref<32768x768xf32, #tpu.memory_space<hbm>>) dst(%dma_wait3A_54 : memref<32x768xf32, #tpu.memory_space<vmem>>)
      %add3A_60 = arith.constant 32 : i32
      %add3A_61 = arith.addi %mul3A_2, %add3A_60 : i32
      "tpu.region"() ({
        %run_scoped3A = tpu.sem_alloc : memref<!tpu.dma_semaphore, #tpu.memory_space<semaphore_mem>>
        %dma_start3A_62 = arith.constant 32 : i32
        %dma_start3A_63 = arith.constant 0 : i32
        %dma_start3A_64 = tpu.memref_slice %arg12[%dma_start3A_62, %dma_start3A_63] : memref<64x768xf32, #tpu.memory_space<vmem>> -> memref<32x768xf32, #tpu.memory_space<vmem>>
        %dma_start3A_65 = arith.constant 0 : i32
        %dma_start3A_66 = tpu.memref_slice %arg7[%add3A_61, %dma_start3A_65] : memref<2048x768xf32, #tpu.memory_space<hbm>> -> memref<32x768xf32, #tpu.memory_space<hbm>>
        %dma_start3A_67 = arith.constant 0 : i32
        %dma_start3A_68 = tpu.memref_slice %arg7[%add3A_61, %dma_start3A_67] : memref<2048x768xf32, #tpu.memory_space<hbm>> -> memref<32x768xf32, #tpu.memory_space<hbm>>
        %dma_start3A_69 = arith.constant 32 : i32
        %dma_start3A_70 = arith.constant 0 : i32
        %dma_start3A_71 = tpu.memref_slice %arg12[%dma_start3A_69, %dma_start3A_70] : memref<64x768xf32, #tpu.memory_space<vmem>> -> memref<32x768xf32, #tpu.memory_space<vmem>>
        tpu.enqueue_dma source(%dma_start3A_71 : memref<32x768xf32, #tpu.memory_space<vmem>>) target(%dma_start3A_68 : memref<32x768xf32, #tpu.memory_space<hbm>>) target_semaphore(%run_scoped3A : memref<!tpu.dma_semaphore, #tpu.memory_space<semaphore_mem>>)
        %dma_wait3A_72 = arith.constant 32 : i32
        %dma_wait3A_73 = arith.constant 0 : i32
        %dma_wait3A_74 = tpu.memref_slice %arg12[%dma_wait3A_72, %dma_wait3A_73] : memref<64x768xf32, #tpu.memory_space<vmem>> -> memref<32x768xf32, #tpu.memory_space<vmem>>
        %dma_wait3A_75 = arith.constant 0 : i32
        %dma_wait3A_76 = tpu.memref_slice %arg7[%add3A_61, %dma_wait3A_75] : memref<2048x768xf32, #tpu.memory_space<hbm>> -> memref<32x768xf32, #tpu.memory_space<hbm>>
        %dma_wait3A_77 = arith.constant 0 : i32
        %dma_wait3A_78 = tpu.memref_slice %arg7[%add3A_61, %dma_wait3A_77] : memref<2048x768xf32, #tpu.memory_space<hbm>> -> memref<32x768xf32, #tpu.memory_space<hbm>>
        %dma_wait3A_79 = arith.constant 32 : i32
        %dma_wait3A_80 = arith.constant 0 : i32
        %dma_wait3A_81 = tpu.memref_slice %arg12[%dma_wait3A_79, %dma_wait3A_80] : memref<64x768xf32, #tpu.memory_space<vmem>> -> memref<32x768xf32, #tpu.memory_space<vmem>>
        tpu.wait_dma2 semaphore(%run_scoped3A : memref<!tpu.dma_semaphore, #tpu.memory_space<semaphore_mem>>) src(%dma_wait3A_81 : memref<32x768xf32, #tpu.memory_space<vmem>>) dst(%dma_wait3A_78 : memref<32x768xf32, #tpu.memory_space<hbm>>)
        tpu.yield
      }) : () -> ()
    } else {
    }
    return
  }
}

#map = affine_map<(d0, d1) -> (0, 0)>
#map1 = affine_map<(d0, d1) -> (0, 0, 0)>
#map2 = affine_map<(d0, d1) -> (0)>
module attributes {stable_mosaic.version = 14 : i64} {
  func.func @_k6_combine(%arg0: i32, %arg1: i32, %arg2: memref<2304x768xf32, #tpu.memory_space<hbm>>, %arg3: memref<2304x768xf32, #tpu.memory_space<hbm>>, %arg4: memref<32x2x64xi32, #tpu.memory_space<hbm>>, %arg5: memref<32x2x64xi32, #tpu.memory_space<hbm>>, %arg6: memref<32x2x64xi32, #tpu.memory_space<hbm>>, %arg7: memref<32x2x64xf32, #tpu.memory_space<hbm>>, %arg8: memref<512xi32, #tpu.memory_space<hbm>>, %arg9: memref<32768x768xf32, #tpu.memory_space<hbm>>, %arg10: memref<2x64xi32, #tpu.memory_space<vmem>>, %arg11: memref<2x64xi32, #tpu.memory_space<vmem>>, %arg12: memref<2x64xi32, #tpu.memory_space<vmem>>, %arg13: memref<2x64xf32, #tpu.memory_space<vmem>>, %arg14: memref<16xi32, #tpu.memory_space<vmem>>, %arg15: memref<64x768xf32, #tpu.memory_space<vmem>>, %arg16: memref<64x768xf32, #tpu.memory_space<vmem>>, %arg17: memref<32x768xf32, #tpu.memory_space<vmem>>, %arg18: memref<!tpu.dma_semaphore, #tpu.memory_space<semaphore_mem>>, %arg19: memref<!tpu.dma_semaphore, #tpu.memory_space<semaphore_mem>>) attributes {dimension_semantics = [#tpu.dimension_semantics<core_parallel>, #tpu.dimension_semantics<subcore_parallel>], iteration_bounds = array<i64: 2, 16>, scalar_prefetch = 0 : i64, scratch_operands = 10 : i64, tpu.core_type = #tpu.core_type<sc_vector_subcore>, window_params = [{transform_indices = #map}, {transform_indices = #map}, {transform_indices = #map1}, {transform_indices = #map1}, {transform_indices = #map1}, {transform_indices = #map1}, {transform_indices = #map2}, {transform_indices = #map}]} {
    %mul3A = arith.constant 2 : i32
    %mul3A_0 = arith.muli %arg1, %mul3A : i32
    %add3A = arith.addi %mul3A_0, %arg0 : i32
    %mul3A_1 = arith.constant 1024 : i32
    %mul3A_2 = arith.muli %add3A, %mul3A_1 : i32
    %iota3A = tpu.iota {dimensions = array<i32: 0>} : vector<16xi32>
    %broadcast_in_dim3A = arith.constant 0.000000e+00 : f32
    %broadcast_in_dim3A_3 = vector.broadcast %broadcast_in_dim3A : f32 to vector<16xf32>
    "tpu.region"() ({
      %run_scoped3A = tpu.sem_alloc : memref<!tpu.dma_semaphore, #tpu.memory_space<semaphore_mem>>
      %dma_start3A_575 = arith.constant 0 : i32
      %dma_start3A_576 = arith.constant 0 : i32
      %dma_start3A_577 = tpu.memref_slice %arg4[%add3A, %dma_start3A_575, %dma_start3A_576] : memref<32x2x64xi32, #tpu.memory_space<hbm>> -> memref<1x2x64xi32, #tpu.memory_space<hbm>>
      %dma_start3A_578 = tpu.memref_squeeze %dma_start3A_577 : memref<1x2x64xi32, #tpu.memory_space<hbm>> -> memref<2x64xi32, #tpu.memory_space<hbm>>
      %dma_start3A_579 = arith.constant 0 : i32
      %dma_start3A_580 = arith.constant 0 : i32
      %dma_start3A_581 = tpu.memref_slice %arg4[%add3A, %dma_start3A_579, %dma_start3A_580] : memref<32x2x64xi32, #tpu.memory_space<hbm>> -> memref<1x2x64xi32, #tpu.memory_space<hbm>>
      %dma_start3A_582 = tpu.memref_squeeze %dma_start3A_581 : memref<1x2x64xi32, #tpu.memory_space<hbm>> -> memref<2x64xi32, #tpu.memory_space<hbm>>
      tpu.enqueue_dma source(%dma_start3A_582 : memref<2x64xi32, #tpu.memory_space<hbm>>) target(%arg10 : memref<2x64xi32, #tpu.memory_space<vmem>>) target_semaphore(%run_scoped3A : memref<!tpu.dma_semaphore, #tpu.memory_space<semaphore_mem>>)
      %dma_wait3A_583 = arith.constant 0 : i32
      %dma_wait3A_584 = arith.constant 0 : i32
      %dma_wait3A_585 = tpu.memref_slice %arg4[%add3A, %dma_wait3A_583, %dma_wait3A_584] : memref<32x2x64xi32, #tpu.memory_space<hbm>> -> memref<1x2x64xi32, #tpu.memory_space<hbm>>
      %dma_wait3A_586 = tpu.memref_squeeze %dma_wait3A_585 : memref<1x2x64xi32, #tpu.memory_space<hbm>> -> memref<2x64xi32, #tpu.memory_space<hbm>>
      %dma_wait3A_587 = arith.constant 0 : i32
      %dma_wait3A_588 = arith.constant 0 : i32
      %dma_wait3A_589 = tpu.memref_slice %arg4[%add3A, %dma_wait3A_587, %dma_wait3A_588] : memref<32x2x64xi32, #tpu.memory_space<hbm>> -> memref<1x2x64xi32, #tpu.memory_space<hbm>>
      %dma_wait3A_590 = tpu.memref_squeeze %dma_wait3A_589 : memref<1x2x64xi32, #tpu.memory_space<hbm>> -> memref<2x64xi32, #tpu.memory_space<hbm>>
      tpu.wait_dma2 semaphore(%run_scoped3A : memref<!tpu.dma_semaphore, #tpu.memory_space<semaphore_mem>>) src(%dma_wait3A_590 : memref<2x64xi32, #tpu.memory_space<hbm>>) dst(%arg10 : memref<2x64xi32, #tpu.memory_space<vmem>>)
      tpu.yield
    }) : () -> ()
    "tpu.region"() ({
      %run_scoped3A = tpu.sem_alloc : memref<!tpu.dma_semaphore, #tpu.memory_space<semaphore_mem>>
      %dma_start3A_575 = arith.constant 0 : i32
      %dma_start3A_576 = arith.constant 0 : i32
      %dma_start3A_577 = tpu.memref_slice %arg5[%add3A, %dma_start3A_575, %dma_start3A_576] : memref<32x2x64xi32, #tpu.memory_space<hbm>> -> memref<1x2x64xi32, #tpu.memory_space<hbm>>
      %dma_start3A_578 = tpu.memref_squeeze %dma_start3A_577 : memref<1x2x64xi32, #tpu.memory_space<hbm>> -> memref<2x64xi32, #tpu.memory_space<hbm>>
      %dma_start3A_579 = arith.constant 0 : i32
      %dma_start3A_580 = arith.constant 0 : i32
      %dma_start3A_581 = tpu.memref_slice %arg5[%add3A, %dma_start3A_579, %dma_start3A_580] : memref<32x2x64xi32, #tpu.memory_space<hbm>> -> memref<1x2x64xi32, #tpu.memory_space<hbm>>
      %dma_start3A_582 = tpu.memref_squeeze %dma_start3A_581 : memref<1x2x64xi32, #tpu.memory_space<hbm>> -> memref<2x64xi32, #tpu.memory_space<hbm>>
      tpu.enqueue_dma source(%dma_start3A_582 : memref<2x64xi32, #tpu.memory_space<hbm>>) target(%arg11 : memref<2x64xi32, #tpu.memory_space<vmem>>) target_semaphore(%run_scoped3A : memref<!tpu.dma_semaphore, #tpu.memory_space<semaphore_mem>>)
      %dma_wait3A_583 = arith.constant 0 : i32
      %dma_wait3A_584 = arith.constant 0 : i32
      %dma_wait3A_585 = tpu.memref_slice %arg5[%add3A, %dma_wait3A_583, %dma_wait3A_584] : memref<32x2x64xi32, #tpu.memory_space<hbm>> -> memref<1x2x64xi32, #tpu.memory_space<hbm>>
      %dma_wait3A_586 = tpu.memref_squeeze %dma_wait3A_585 : memref<1x2x64xi32, #tpu.memory_space<hbm>> -> memref<2x64xi32, #tpu.memory_space<hbm>>
      %dma_wait3A_587 = arith.constant 0 : i32
      %dma_wait3A_588 = arith.constant 0 : i32
      %dma_wait3A_589 = tpu.memref_slice %arg5[%add3A, %dma_wait3A_587, %dma_wait3A_588] : memref<32x2x64xi32, #tpu.memory_space<hbm>> -> memref<1x2x64xi32, #tpu.memory_space<hbm>>
      %dma_wait3A_590 = tpu.memref_squeeze %dma_wait3A_589 : memref<1x2x64xi32, #tpu.memory_space<hbm>> -> memref<2x64xi32, #tpu.memory_space<hbm>>
      tpu.wait_dma2 semaphore(%run_scoped3A : memref<!tpu.dma_semaphore, #tpu.memory_space<semaphore_mem>>) src(%dma_wait3A_590 : memref<2x64xi32, #tpu.memory_space<hbm>>) dst(%arg11 : memref<2x64xi32, #tpu.memory_space<vmem>>)
      tpu.yield
    }) : () -> ()
    "tpu.region"() ({
      %run_scoped3A = tpu.sem_alloc : memref<!tpu.dma_semaphore, #tpu.memory_space<semaphore_mem>>
      %dma_start3A_575 = arith.constant 0 : i32
      %dma_start3A_576 = arith.constant 0 : i32
      %dma_start3A_577 = tpu.memref_slice %arg6[%add3A, %dma_start3A_575, %dma_start3A_576] : memref<32x2x64xi32, #tpu.memory_space<hbm>> -> memref<1x2x64xi32, #tpu.memory_space<hbm>>
      %dma_start3A_578 = tpu.memref_squeeze %dma_start3A_577 : memref<1x2x64xi32, #tpu.memory_space<hbm>> -> memref<2x64xi32, #tpu.memory_space<hbm>>
      %dma_start3A_579 = arith.constant 0 : i32
      %dma_start3A_580 = arith.constant 0 : i32
      %dma_start3A_581 = tpu.memref_slice %arg6[%add3A, %dma_start3A_579, %dma_start3A_580] : memref<32x2x64xi32, #tpu.memory_space<hbm>> -> memref<1x2x64xi32, #tpu.memory_space<hbm>>
      %dma_start3A_582 = tpu.memref_squeeze %dma_start3A_581 : memref<1x2x64xi32, #tpu.memory_space<hbm>> -> memref<2x64xi32, #tpu.memory_space<hbm>>
      tpu.enqueue_dma source(%dma_start3A_582 : memref<2x64xi32, #tpu.memory_space<hbm>>) target(%arg12 : memref<2x64xi32, #tpu.memory_space<vmem>>) target_semaphore(%run_scoped3A : memref<!tpu.dma_semaphore, #tpu.memory_space<semaphore_mem>>)
      %dma_wait3A_583 = arith.constant 0 : i32
      %dma_wait3A_584 = arith.constant 0 : i32
      %dma_wait3A_585 = tpu.memref_slice %arg6[%add3A, %dma_wait3A_583, %dma_wait3A_584] : memref<32x2x64xi32, #tpu.memory_space<hbm>> -> memref<1x2x64xi32, #tpu.memory_space<hbm>>
      %dma_wait3A_586 = tpu.memref_squeeze %dma_wait3A_585 : memref<1x2x64xi32, #tpu.memory_space<hbm>> -> memref<2x64xi32, #tpu.memory_space<hbm>>
      %dma_wait3A_587 = arith.constant 0 : i32
      %dma_wait3A_588 = arith.constant 0 : i32
      %dma_wait3A_589 = tpu.memref_slice %arg6[%add3A, %dma_wait3A_587, %dma_wait3A_588] : memref<32x2x64xi32, #tpu.memory_space<hbm>> -> memref<1x2x64xi32, #tpu.memory_space<hbm>>
      %dma_wait3A_590 = tpu.memref_squeeze %dma_wait3A_589 : memref<1x2x64xi32, #tpu.memory_space<hbm>> -> memref<2x64xi32, #tpu.memory_space<hbm>>
      tpu.wait_dma2 semaphore(%run_scoped3A : memref<!tpu.dma_semaphore, #tpu.memory_space<semaphore_mem>>) src(%dma_wait3A_590 : memref<2x64xi32, #tpu.memory_space<hbm>>) dst(%arg12 : memref<2x64xi32, #tpu.memory_space<vmem>>)
      tpu.yield
    }) : () -> ()
    "tpu.region"() ({
      %run_scoped3A = tpu.sem_alloc : memref<!tpu.dma_semaphore, #tpu.memory_space<semaphore_mem>>
      %dma_start3A_575 = arith.constant 0 : i32
      %dma_start3A_576 = arith.constant 0 : i32
      %dma_start3A_577 = tpu.memref_slice %arg7[%add3A, %dma_start3A_575, %dma_start3A_576] : memref<32x2x64xf32, #tpu.memory_space<hbm>> -> memref<1x2x64xf32, #tpu.memory_space<hbm>>
      %dma_start3A_578 = tpu.memref_squeeze %dma_start3A_577 : memref<1x2x64xf32, #tpu.memory_space<hbm>> -> memref<2x64xf32, #tpu.memory_space<hbm>>
      %dma_start3A_579 = arith.constant 0 : i32
      %dma_start3A_580 = arith.constant 0 : i32
      %dma_start3A_581 = tpu.memref_slice %arg7[%add3A, %dma_start3A_579, %dma_start3A_580] : memref<32x2x64xf32, #tpu.memory_space<hbm>> -> memref<1x2x64xf32, #tpu.memory_space<hbm>>
      %dma_start3A_582 = tpu.memref_squeeze %dma_start3A_581 : memref<1x2x64xf32, #tpu.memory_space<hbm>> -> memref<2x64xf32, #tpu.memory_space<hbm>>
      tpu.enqueue_dma source(%dma_start3A_582 : memref<2x64xf32, #tpu.memory_space<hbm>>) target(%arg13 : memref<2x64xf32, #tpu.memory_space<vmem>>) target_semaphore(%run_scoped3A : memref<!tpu.dma_semaphore, #tpu.memory_space<semaphore_mem>>)
      %dma_wait3A_583 = arith.constant 0 : i32
      %dma_wait3A_584 = arith.constant 0 : i32
      %dma_wait3A_585 = tpu.memref_slice %arg7[%add3A, %dma_wait3A_583, %dma_wait3A_584] : memref<32x2x64xf32, #tpu.memory_space<hbm>> -> memref<1x2x64xf32, #tpu.memory_space<hbm>>
      %dma_wait3A_586 = tpu.memref_squeeze %dma_wait3A_585 : memref<1x2x64xf32, #tpu.memory_space<hbm>> -> memref<2x64xf32, #tpu.memory_space<hbm>>
      %dma_wait3A_587 = arith.constant 0 : i32
      %dma_wait3A_588 = arith.constant 0 : i32
      %dma_wait3A_589 = tpu.memref_slice %arg7[%add3A, %dma_wait3A_587, %dma_wait3A_588] : memref<32x2x64xf32, #tpu.memory_space<hbm>> -> memref<1x2x64xf32, #tpu.memory_space<hbm>>
      %dma_wait3A_590 = tpu.memref_squeeze %dma_wait3A_589 : memref<1x2x64xf32, #tpu.memory_space<hbm>> -> memref<2x64xf32, #tpu.memory_space<hbm>>
      tpu.wait_dma2 semaphore(%run_scoped3A : memref<!tpu.dma_semaphore, #tpu.memory_space<semaphore_mem>>) src(%dma_wait3A_590 : memref<2x64xf32, #tpu.memory_space<hbm>>) dst(%arg13 : memref<2x64xf32, #tpu.memory_space<vmem>>)
      tpu.yield
    }) : () -> ()
    %mul3A_4 = arith.constant 16 : i32
    %mul3A_5 = arith.muli %add3A, %mul3A_4 : i32
    "tpu.region"() ({
      %run_scoped3A = tpu.sem_alloc : memref<!tpu.dma_semaphore, #tpu.memory_space<semaphore_mem>>
      %dma_start3A_575 = tpu.memref_slice %arg8[%mul3A_5] : memref<512xi32, #tpu.memory_space<hbm>> -> memref<16xi32, #tpu.memory_space<hbm>>
      %dma_start3A_576 = tpu.memref_slice %arg8[%mul3A_5] : memref<512xi32, #tpu.memory_space<hbm>> -> memref<16xi32, #tpu.memory_space<hbm>>
      tpu.enqueue_dma source(%dma_start3A_576 : memref<16xi32, #tpu.memory_space<hbm>>) target(%arg14 : memref<16xi32, #tpu.memory_space<vmem>>) target_semaphore(%run_scoped3A : memref<!tpu.dma_semaphore, #tpu.memory_space<semaphore_mem>>)
      %dma_wait3A_577 = tpu.memref_slice %arg8[%mul3A_5] : memref<512xi32, #tpu.memory_space<hbm>> -> memref<16xi32, #tpu.memory_space<hbm>>
      %dma_wait3A_578 = tpu.memref_slice %arg8[%mul3A_5] : memref<512xi32, #tpu.memory_space<hbm>> -> memref<16xi32, #tpu.memory_space<hbm>>
      tpu.wait_dma2 semaphore(%run_scoped3A : memref<!tpu.dma_semaphore, #tpu.memory_space<semaphore_mem>>) src(%dma_wait3A_578 : memref<16xi32, #tpu.memory_space<hbm>>) dst(%arg14 : memref<16xi32, #tpu.memory_space<vmem>>)
      tpu.yield
    }) : () -> ()
    %eq3A = arith.constant 2 : i32
    %eq3A_6 = vector.broadcast %eq3A : i32 to vector<16xi32>
    %eq3A_7 = arith.cmpi eq, %iota3A, %eq3A_6 : vector<16xi32>
    %get3A = arith.constant 0 : index
    %get3A_8 = tpu.vector_load %arg14[%get3A] {strides = array<i32>} : memref<16xi32, #tpu.memory_space<vmem>>, vector<16xi32>,
    %jit3A = arith.constant 0 : i32
    %broadcast_in_dim3A_9 = vector.broadcast %jit3A : i32 to vector<16xi32>
    %select_n3A = arith.select %eq3A_7, %get3A_8, %broadcast_in_dim3A_9 : vector<16xi1>, vector<16xi32>
    %reduce_max3A = arith.constant true
    %reduce_max3A_10 = vector.broadcast %reduce_max3A : i1 to vector<16xi1>
    %reduce_max3A_11 = arith.constant -2147483648 : i32
    %reduce_max3A_12 = vector.broadcast %reduce_max3A_11 : i32 to vector<16xi32>
    %reduce_max3A_13 = arith.xori %select_n3A, %reduce_max3A_12 : vector<16xi32>
    %reduce_max3A_14 = tpu.scan <max>, %reduce_max3A_13 masked %reduce_max3A_10 : vector<16xi32>, vector<16xi1> -> vector<16xi32>
    %reduce_max3A_15 = arith.xori %reduce_max3A_14, %reduce_max3A_12 : vector<16xi32>
    %reduce_max3A_16 = vector.extract %reduce_max3A_15[15] : i32 from vector<16xi32>
    %scan3A = arith.constant 0 : i32
    %scan3A_17 = arith.constant 0 : i32
    %scan3A_18 = arith.constant 48 : i32
    %scan3A_19 = arith.addi %scan3A_17, %scan3A_18 : i32
    %scan3A_20 = arith.constant 1 : i32
    %scan3A_21 = scf.for %scan3A_575 = %scan3A_17 to %scan3A_19 step %scan3A_20 iter_args(%scan3A_576 = %scan3A) -> (i32)  : i32 {
      %mul3A_577 = arith.constant 16 : i32
      %mul3A_578 = arith.muli %scan3A_575, %mul3A_577 : i32
      %swap3A = arith.constant 0 : i32
      %swap3A_579 = arith.index_cast %swap3A : i32 to index
      %swap3A_580 = arith.index_cast %mul3A_578 : i32 to index
      %swap3A_581 = tpu.vector_load %arg17[%swap3A_579, %swap3A_580] {strides = array<i32>} : memref<32x768xf32, #tpu.memory_space<vmem>>, vector<16xf32>,
      tpu.vector_store %arg17[%swap3A_579, %swap3A_580], %broadcast_in_dim3A_3 {strides = array<i32>} : memref<32x768xf32, #tpu.memory_space<vmem>>, vector<16xf32>,
      %scan3A_582 = arith.constant 0 : i32
      scf.yield %scan3A_582 : i32
    }
    %scan3A_22 = arith.constant 48 : i32
    %scan3A_23 = arith.constant 0 : i32
    %scan3A_24 = arith.constant 0 : i32
    %scan3A_25 = arith.constant 48 : i32
    %scan3A_26 = arith.addi %scan3A_24, %scan3A_25 : i32
    %scan3A_27 = arith.constant 1 : i32
    %scan3A_28 = scf.for %scan3A_575 = %scan3A_24 to %scan3A_26 step %scan3A_27 iter_args(%scan3A_576 = %scan3A_23) -> (i32)  : i32 {
      %mul3A_577 = arith.constant 16 : i32
      %mul3A_578 = arith.muli %scan3A_575, %mul3A_577 : i32
      %swap3A = arith.constant 1 : i32
      %swap3A_579 = arith.index_cast %swap3A : i32 to index
      %swap3A_580 = arith.index_cast %mul3A_578 : i32 to index
      %swap3A_581 = tpu.vector_load %arg17[%swap3A_579, %swap3A_580] {strides = array<i32>} : memref<32x768xf32, #tpu.memory_space<vmem>>, vector<16xf32>,
      tpu.vector_store %arg17[%swap3A_579, %swap3A_580], %broadcast_in_dim3A_3 {strides = array<i32>} : memref<32x768xf32, #tpu.memory_space<vmem>>, vector<16xf32>,
      %scan3A_582 = arith.constant 0 : i32
      scf.yield %scan3A_582 : i32
    }
    %scan3A_29 = arith.constant 48 : i32
    %scan3A_30 = arith.constant 0 : i32
    %scan3A_31 = arith.constant 0 : i32
    %scan3A_32 = arith.constant 48 : i32
    %scan3A_33 = arith.addi %scan3A_31, %scan3A_32 : i32
    %scan3A_34 = arith.constant 1 : i32
    %scan3A_35 = scf.for %scan3A_575 = %scan3A_31 to %scan3A_33 step %scan3A_34 iter_args(%scan3A_576 = %scan3A_30) -> (i32)  : i32 {
      %mul3A_577 = arith.constant 16 : i32
      %mul3A_578 = arith.muli %scan3A_575, %mul3A_577 : i32
      %swap3A = arith.constant 2 : i32
      %swap3A_579 = arith.index_cast %swap3A : i32 to index
      %swap3A_580 = arith.index_cast %mul3A_578 : i32 to index
      %swap3A_581 = tpu.vector_load %arg17[%swap3A_579, %swap3A_580] {strides = array<i32>} : memref<32x768xf32, #tpu.memory_space<vmem>>, vector<16xf32>,
      tpu.vector_store %arg17[%swap3A_579, %swap3A_580], %broadcast_in_dim3A_3 {strides = array<i32>} : memref<32x768xf32, #tpu.memory_space<vmem>>, vector<16xf32>,
      %scan3A_582 = arith.constant 0 : i32
      scf.yield %scan3A_582 : i32
    }
    %scan3A_36 = arith.constant 48 : i32
    %scan3A_37 = arith.constant 0 : i32
    %scan3A_38 = arith.constant 0 : i32
    %scan3A_39 = arith.constant 48 : i32
    %scan3A_40 = arith.addi %scan3A_38, %scan3A_39 : i32
    %scan3A_41 = arith.constant 1 : i32
    %scan3A_42 = scf.for %scan3A_575 = %scan3A_38 to %scan3A_40 step %scan3A_41 iter_args(%scan3A_576 = %scan3A_37) -> (i32)  : i32 {
      %mul3A_577 = arith.constant 16 : i32
      %mul3A_578 = arith.muli %scan3A_575, %mul3A_577 : i32
      %swap3A = arith.constant 3 : i32
      %swap3A_579 = arith.index_cast %swap3A : i32 to index
      %swap3A_580 = arith.index_cast %mul3A_578 : i32 to index
      %swap3A_581 = tpu.vector_load %arg17[%swap3A_579, %swap3A_580] {strides = array<i32>} : memref<32x768xf32, #tpu.memory_space<vmem>>, vector<16xf32>,
      tpu.vector_store %arg17[%swap3A_579, %swap3A_580], %broadcast_in_dim3A_3 {strides = array<i32>} : memref<32x768xf32, #tpu.memory_space<vmem>>, vector<16xf32>,
      %scan3A_582 = arith.constant 0 : i32
      scf.yield %scan3A_582 : i32
    }
    %scan3A_43 = arith.constant 48 : i32
    %scan3A_44 = arith.constant 0 : i32
    %scan3A_45 = arith.constant 0 : i32
    %scan3A_46 = arith.constant 48 : i32
    %scan3A_47 = arith.addi %scan3A_45, %scan3A_46 : i32
    %scan3A_48 = arith.constant 1 : i32
    %scan3A_49 = scf.for %scan3A_575 = %scan3A_45 to %scan3A_47 step %scan3A_48 iter_args(%scan3A_576 = %scan3A_44) -> (i32)  : i32 {
      %mul3A_577 = arith.constant 16 : i32
      %mul3A_578 = arith.muli %scan3A_575, %mul3A_577 : i32
      %swap3A = arith.constant 4 : i32
      %swap3A_579 = arith.index_cast %swap3A : i32 to index
      %swap3A_580 = arith.index_cast %mul3A_578 : i32 to index
      %swap3A_581 = tpu.vector_load %arg17[%swap3A_579, %swap3A_580] {strides = array<i32>} : memref<32x768xf32, #tpu.memory_space<vmem>>, vector<16xf32>,
      tpu.vector_store %arg17[%swap3A_579, %swap3A_580], %broadcast_in_dim3A_3 {strides = array<i32>} : memref<32x768xf32, #tpu.memory_space<vmem>>, vector<16xf32>,
      %scan3A_582 = arith.constant 0 : i32
      scf.yield %scan3A_582 : i32
    }
    %scan3A_50 = arith.constant 48 : i32
    %scan3A_51 = arith.constant 0 : i32
    %scan3A_52 = arith.constant 0 : i32
    %scan3A_53 = arith.constant 48 : i32
    %scan3A_54 = arith.addi %scan3A_52, %scan3A_53 : i32
    %scan3A_55 = arith.constant 1 : i32
    %scan3A_56 = scf.for %scan3A_575 = %scan3A_52 to %scan3A_54 step %scan3A_55 iter_args(%scan3A_576 = %scan3A_51) -> (i32)  : i32 {
      %mul3A_577 = arith.constant 16 : i32
      %mul3A_578 = arith.muli %scan3A_575, %mul3A_577 : i32
      %swap3A = arith.constant 5 : i32
      %swap3A_579 = arith.index_cast %swap3A : i32 to index
      %swap3A_580 = arith.index_cast %mul3A_578 : i32 to index
      %swap3A_581 = tpu.vector_load %arg17[%swap3A_579, %swap3A_580] {strides = array<i32>} : memref<32x768xf32, #tpu.memory_space<vmem>>, vector<16xf32>,
      tpu.vector_store %arg17[%swap3A_579, %swap3A_580], %broadcast_in_dim3A_3 {strides = array<i32>} : memref<32x768xf32, #tpu.memory_space<vmem>>, vector<16xf32>,
      %scan3A_582 = arith.constant 0 : i32
      scf.yield %scan3A_582 : i32
    }
    %scan3A_57 = arith.constant 48 : i32
    %scan3A_58 = arith.constant 0 : i32
    %scan3A_59 = arith.constant 0 : i32
    %scan3A_60 = arith.constant 48 : i32
    %scan3A_61 = arith.addi %scan3A_59, %scan3A_60 : i32
    %scan3A_62 = arith.constant 1 : i32
    %scan3A_63 = scf.for %scan3A_575 = %scan3A_59 to %scan3A_61 step %scan3A_62 iter_args(%scan3A_576 = %scan3A_58) -> (i32)  : i32 {
      %mul3A_577 = arith.constant 16 : i32
      %mul3A_578 = arith.muli %scan3A_575, %mul3A_577 : i32
      %swap3A = arith.constant 6 : i32
      %swap3A_579 = arith.index_cast %swap3A : i32 to index
      %swap3A_580 = arith.index_cast %mul3A_578 : i32 to index
      %swap3A_581 = tpu.vector_load %arg17[%swap3A_579, %swap3A_580] {strides = array<i32>} : memref<32x768xf32, #tpu.memory_space<vmem>>, vector<16xf32>,
      tpu.vector_store %arg17[%swap3A_579, %swap3A_580], %broadcast_in_dim3A_3 {strides = array<i32>} : memref<32x768xf32, #tpu.memory_space<vmem>>, vector<16xf32>,
      %scan3A_582 = arith.constant 0 : i32
      scf.yield %scan3A_582 : i32
    }
    %scan3A_64 = arith.constant 48 : i32
    %scan3A_65 = arith.constant 0 : i32
    %scan3A_66 = arith.constant 0 : i32
    %scan3A_67 = arith.constant 48 : i32
    %scan3A_68 = arith.addi %scan3A_66, %scan3A_67 : i32
    %scan3A_69 = arith.constant 1 : i32
    %scan3A_70 = scf.for %scan3A_575 = %scan3A_66 to %scan3A_68 step %scan3A_69 iter_args(%scan3A_576 = %scan3A_65) -> (i32)  : i32 {
      %mul3A_577 = arith.constant 16 : i32
      %mul3A_578 = arith.muli %scan3A_575, %mul3A_577 : i32
      %swap3A = arith.constant 7 : i32
      %swap3A_579 = arith.index_cast %swap3A : i32 to index
      %swap3A_580 = arith.index_cast %mul3A_578 : i32 to index
      %swap3A_581 = tpu.vector_load %arg17[%swap3A_579, %swap3A_580] {strides = array<i32>} : memref<32x768xf32, #tpu.memory_space<vmem>>, vector<16xf32>,
      tpu.vector_store %arg17[%swap3A_579, %swap3A_580], %broadcast_in_dim3A_3 {strides = array<i32>} : memref<32x768xf32, #tpu.memory_space<vmem>>, vector<16xf32>,
      %scan3A_582 = arith.constant 0 : i32
      scf.yield %scan3A_582 : i32
    }
    %scan3A_71 = arith.constant 48 : i32
    %scan3A_72 = arith.constant 0 : i32
    %scan3A_73 = arith.constant 0 : i32
    %scan3A_74 = arith.constant 48 : i32
    %scan3A_75 = arith.addi %scan3A_73, %scan3A_74 : i32
    %scan3A_76 = arith.constant 1 : i32
    %scan3A_77 = scf.for %scan3A_575 = %scan3A_73 to %scan3A_75 step %scan3A_76 iter_args(%scan3A_576 = %scan3A_72) -> (i32)  : i32 {
      %mul3A_577 = arith.constant 16 : i32
      %mul3A_578 = arith.muli %scan3A_575, %mul3A_577 : i32
      %swap3A = arith.constant 8 : i32
      %swap3A_579 = arith.index_cast %swap3A : i32 to index
      %swap3A_580 = arith.index_cast %mul3A_578 : i32 to index
      %swap3A_581 = tpu.vector_load %arg17[%swap3A_579, %swap3A_580] {strides = array<i32>} : memref<32x768xf32, #tpu.memory_space<vmem>>, vector<16xf32>,
      tpu.vector_store %arg17[%swap3A_579, %swap3A_580], %broadcast_in_dim3A_3 {strides = array<i32>} : memref<32x768xf32, #tpu.memory_space<vmem>>, vector<16xf32>,
      %scan3A_582 = arith.constant 0 : i32
      scf.yield %scan3A_582 : i32
    }
    %scan3A_78 = arith.constant 48 : i32
    %scan3A_79 = arith.constant 0 : i32
    %scan3A_80 = arith.constant 0 : i32
    %scan3A_81 = arith.constant 48 : i32
    %scan3A_82 = arith.addi %scan3A_80, %scan3A_81 : i32
    %scan3A_83 = arith.constant 1 : i32
    %scan3A_84 = scf.for %scan3A_575 = %scan3A_80 to %scan3A_82 step %scan3A_83 iter_args(%scan3A_576 = %scan3A_79) -> (i32)  : i32 {
      %mul3A_577 = arith.constant 16 : i32
      %mul3A_578 = arith.muli %scan3A_575, %mul3A_577 : i32
      %swap3A = arith.constant 9 : i32
      %swap3A_579 = arith.index_cast %swap3A : i32 to index
      %swap3A_580 = arith.index_cast %mul3A_578 : i32 to index
      %swap3A_581 = tpu.vector_load %arg17[%swap3A_579, %swap3A_580] {strides = array<i32>} : memref<32x768xf32, #tpu.memory_space<vmem>>, vector<16xf32>,
      tpu.vector_store %arg17[%swap3A_579, %swap3A_580], %broadcast_in_dim3A_3 {strides = array<i32>} : memref<32x768xf32, #tpu.memory_space<vmem>>, vector<16xf32>,
      %scan3A_582 = arith.constant 0 : i32
      scf.yield %scan3A_582 : i32
    }
    %scan3A_85 = arith.constant 48 : i32
    %scan3A_86 = arith.constant 0 : i32
    %scan3A_87 = arith.constant 0 : i32
    %scan3A_88 = arith.constant 48 : i32
    %scan3A_89 = arith.addi %scan3A_87, %scan3A_88 : i32
    %scan3A_90 = arith.constant 1 : i32
    %scan3A_91 = scf.for %scan3A_575 = %scan3A_87 to %scan3A_89 step %scan3A_90 iter_args(%scan3A_576 = %scan3A_86) -> (i32)  : i32 {
      %mul3A_577 = arith.constant 16 : i32
      %mul3A_578 = arith.muli %scan3A_575, %mul3A_577 : i32
      %swap3A = arith.constant 10 : i32
      %swap3A_579 = arith.index_cast %swap3A : i32 to index
      %swap3A_580 = arith.index_cast %mul3A_578 : i32 to index
      %swap3A_581 = tpu.vector_load %arg17[%swap3A_579, %swap3A_580] {strides = array<i32>} : memref<32x768xf32, #tpu.memory_space<vmem>>, vector<16xf32>,
      tpu.vector_store %arg17[%swap3A_579, %swap3A_580], %broadcast_in_dim3A_3 {strides = array<i32>} : memref<32x768xf32, #tpu.memory_space<vmem>>, vector<16xf32>,
      %scan3A_582 = arith.constant 0 : i32
      scf.yield %scan3A_582 : i32
    }
    %scan3A_92 = arith.constant 48 : i32
    %scan3A_93 = arith.constant 0 : i32
    %scan3A_94 = arith.constant 0 : i32
    %scan3A_95 = arith.constant 48 : i32
    %scan3A_96 = arith.addi %scan3A_94, %scan3A_95 : i32
    %scan3A_97 = arith.constant 1 : i32
    %scan3A_98 = scf.for %scan3A_575 = %scan3A_94 to %scan3A_96 step %scan3A_97 iter_args(%scan3A_576 = %scan3A_93) -> (i32)  : i32 {
      %mul3A_577 = arith.constant 16 : i32
      %mul3A_578 = arith.muli %scan3A_575, %mul3A_577 : i32
      %swap3A = arith.constant 11 : i32
      %swap3A_579 = arith.index_cast %swap3A : i32 to index
      %swap3A_580 = arith.index_cast %mul3A_578 : i32 to index
      %swap3A_581 = tpu.vector_load %arg17[%swap3A_579, %swap3A_580] {strides = array<i32>} : memref<32x768xf32, #tpu.memory_space<vmem>>, vector<16xf32>,
      tpu.vector_store %arg17[%swap3A_579, %swap3A_580], %broadcast_in_dim3A_3 {strides = array<i32>} : memref<32x768xf32, #tpu.memory_space<vmem>>, vector<16xf32>,
      %scan3A_582 = arith.constant 0 : i32
      scf.yield %scan3A_582 : i32
    }
    %scan3A_99 = arith.constant 48 : i32
    %scan3A_100 = arith.constant 0 : i32
    %scan3A_101 = arith.constant 0 : i32
    %scan3A_102 = arith.constant 48 : i32
    %scan3A_103 = arith.addi %scan3A_101, %scan3A_102 : i32
    %scan3A_104 = arith.constant 1 : i32
    %scan3A_105 = scf.for %scan3A_575 = %scan3A_101 to %scan3A_103 step %scan3A_104 iter_args(%scan3A_576 = %scan3A_100) -> (i32)  : i32 {
      %mul3A_577 = arith.constant 16 : i32
      %mul3A_578 = arith.muli %scan3A_575, %mul3A_577 : i32
      %swap3A = arith.constant 12 : i32
      %swap3A_579 = arith.index_cast %swap3A : i32 to index
      %swap3A_580 = arith.index_cast %mul3A_578 : i32 to index
      %swap3A_581 = tpu.vector_load %arg17[%swap3A_579, %swap3A_580] {strides = array<i32>} : memref<32x768xf32, #tpu.memory_space<vmem>>, vector<16xf32>,
      tpu.vector_store %arg17[%swap3A_579, %swap3A_580], %broadcast_in_dim3A_3 {strides = array<i32>} : memref<32x768xf32, #tpu.memory_space<vmem>>, vector<16xf32>,
      %scan3A_582 = arith.constant 0 : i32
      scf.yield %scan3A_582 : i32
    }
    %scan3A_106 = arith.constant 48 : i32
    %scan3A_107 = arith.constant 0 : i32
    %scan3A_108 = arith.constant 0 : i32
    %scan3A_109 = arith.constant 48 : i32
    %scan3A_110 = arith.addi %scan3A_108, %scan3A_109 : i32
    %scan3A_111 = arith.constant 1 : i32
    %scan3A_112 = scf.for %scan3A_575 = %scan3A_108 to %scan3A_110 step %scan3A_111 iter_args(%scan3A_576 = %scan3A_107) -> (i32)  : i32 {
      %mul3A_577 = arith.constant 16 : i32
      %mul3A_578 = arith.muli %scan3A_575, %mul3A_577 : i32
      %swap3A = arith.constant 13 : i32
      %swap3A_579 = arith.index_cast %swap3A : i32 to index
      %swap3A_580 = arith.index_cast %mul3A_578 : i32 to index
      %swap3A_581 = tpu.vector_load %arg17[%swap3A_579, %swap3A_580] {strides = array<i32>} : memref<32x768xf32, #tpu.memory_space<vmem>>, vector<16xf32>,
      tpu.vector_store %arg17[%swap3A_579, %swap3A_580], %broadcast_in_dim3A_3 {strides = array<i32>} : memref<32x768xf32, #tpu.memory_space<vmem>>, vector<16xf32>,
      %scan3A_582 = arith.constant 0 : i32
      scf.yield %scan3A_582 : i32
    }
    %scan3A_113 = arith.constant 48 : i32
    %scan3A_114 = arith.constant 0 : i32
    %scan3A_115 = arith.constant 0 : i32
    %scan3A_116 = arith.constant 48 : i32
    %scan3A_117 = arith.addi %scan3A_115, %scan3A_116 : i32
    %scan3A_118 = arith.constant 1 : i32
    %scan3A_119 = scf.for %scan3A_575 = %scan3A_115 to %scan3A_117 step %scan3A_118 iter_args(%scan3A_576 = %scan3A_114) -> (i32)  : i32 {
      %mul3A_577 = arith.constant 16 : i32
      %mul3A_578 = arith.muli %scan3A_575, %mul3A_577 : i32
      %swap3A = arith.constant 14 : i32
      %swap3A_579 = arith.index_cast %swap3A : i32 to index
      %swap3A_580 = arith.index_cast %mul3A_578 : i32 to index
      %swap3A_581 = tpu.vector_load %arg17[%swap3A_579, %swap3A_580] {strides = array<i32>} : memref<32x768xf32, #tpu.memory_space<vmem>>, vector<16xf32>,
      tpu.vector_store %arg17[%swap3A_579, %swap3A_580], %broadcast_in_dim3A_3 {strides = array<i32>} : memref<32x768xf32, #tpu.memory_space<vmem>>, vector<16xf32>,
      %scan3A_582 = arith.constant 0 : i32
      scf.yield %scan3A_582 : i32
    }
    %scan3A_120 = arith.constant 48 : i32
    %scan3A_121 = arith.constant 0 : i32
    %scan3A_122 = arith.constant 0 : i32
    %scan3A_123 = arith.constant 48 : i32
    %scan3A_124 = arith.addi %scan3A_122, %scan3A_123 : i32
    %scan3A_125 = arith.constant 1 : i32
    %scan3A_126 = scf.for %scan3A_575 = %scan3A_122 to %scan3A_124 step %scan3A_125 iter_args(%scan3A_576 = %scan3A_121) -> (i32)  : i32 {
      %mul3A_577 = arith.constant 16 : i32
      %mul3A_578 = arith.muli %scan3A_575, %mul3A_577 : i32
      %swap3A = arith.constant 15 : i32
      %swap3A_579 = arith.index_cast %swap3A : i32 to index
      %swap3A_580 = arith.index_cast %mul3A_578 : i32 to index
      %swap3A_581 = tpu.vector_load %arg17[%swap3A_579, %swap3A_580] {strides = array<i32>} : memref<32x768xf32, #tpu.memory_space<vmem>>, vector<16xf32>,
      tpu.vector_store %arg17[%swap3A_579, %swap3A_580], %broadcast_in_dim3A_3 {strides = array<i32>} : memref<32x768xf32, #tpu.memory_space<vmem>>, vector<16xf32>,
      %scan3A_582 = arith.constant 0 : i32
      scf.yield %scan3A_582 : i32
    }
    %scan3A_127 = arith.constant 48 : i32
    %scan3A_128 = arith.constant 0 : i32
    %scan3A_129 = arith.constant 0 : i32
    %scan3A_130 = arith.constant 48 : i32
    %scan3A_131 = arith.addi %scan3A_129, %scan3A_130 : i32
    %scan3A_132 = arith.constant 1 : i32
    %scan3A_133 = scf.for %scan3A_575 = %scan3A_129 to %scan3A_131 step %scan3A_132 iter_args(%scan3A_576 = %scan3A_128) -> (i32)  : i32 {
      %mul3A_577 = arith.constant 16 : i32
      %mul3A_578 = arith.muli %scan3A_575, %mul3A_577 : i32
      %swap3A = arith.constant 16 : i32
      %swap3A_579 = arith.index_cast %swap3A : i32 to index
      %swap3A_580 = arith.index_cast %mul3A_578 : i32 to index
      %swap3A_581 = tpu.vector_load %arg17[%swap3A_579, %swap3A_580] {strides = array<i32>} : memref<32x768xf32, #tpu.memory_space<vmem>>, vector<16xf32>,
      tpu.vector_store %arg17[%swap3A_579, %swap3A_580], %broadcast_in_dim3A_3 {strides = array<i32>} : memref<32x768xf32, #tpu.memory_space<vmem>>, vector<16xf32>,
      %scan3A_582 = arith.constant 0 : i32
      scf.yield %scan3A_582 : i32
    }
    %scan3A_134 = arith.constant 48 : i32
    %scan3A_135 = arith.constant 0 : i32
    %scan3A_136 = arith.constant 0 : i32
    %scan3A_137 = arith.constant 48 : i32
    %scan3A_138 = arith.addi %scan3A_136, %scan3A_137 : i32
    %scan3A_139 = arith.constant 1 : i32
    %scan3A_140 = scf.for %scan3A_575 = %scan3A_136 to %scan3A_138 step %scan3A_139 iter_args(%scan3A_576 = %scan3A_135) -> (i32)  : i32 {
      %mul3A_577 = arith.constant 16 : i32
      %mul3A_578 = arith.muli %scan3A_575, %mul3A_577 : i32
      %swap3A = arith.constant 17 : i32
      %swap3A_579 = arith.index_cast %swap3A : i32 to index
      %swap3A_580 = arith.index_cast %mul3A_578 : i32 to index
      %swap3A_581 = tpu.vector_load %arg17[%swap3A_579, %swap3A_580] {strides = array<i32>} : memref<32x768xf32, #tpu.memory_space<vmem>>, vector<16xf32>,
      tpu.vector_store %arg17[%swap3A_579, %swap3A_580], %broadcast_in_dim3A_3 {strides = array<i32>} : memref<32x768xf32, #tpu.memory_space<vmem>>, vector<16xf32>,
      %scan3A_582 = arith.constant 0 : i32
      scf.yield %scan3A_582 : i32
    }
    %scan3A_141 = arith.constant 48 : i32
    %scan3A_142 = arith.constant 0 : i32
    %scan3A_143 = arith.constant 0 : i32
    %scan3A_144 = arith.constant 48 : i32
    %scan3A_145 = arith.addi %scan3A_143, %scan3A_144 : i32
    %scan3A_146 = arith.constant 1 : i32
    %scan3A_147 = scf.for %scan3A_575 = %scan3A_143 to %scan3A_145 step %scan3A_146 iter_args(%scan3A_576 = %scan3A_142) -> (i32)  : i32 {
      %mul3A_577 = arith.constant 16 : i32
      %mul3A_578 = arith.muli %scan3A_575, %mul3A_577 : i32
      %swap3A = arith.constant 18 : i32
      %swap3A_579 = arith.index_cast %swap3A : i32 to index
      %swap3A_580 = arith.index_cast %mul3A_578 : i32 to index
      %swap3A_581 = tpu.vector_load %arg17[%swap3A_579, %swap3A_580] {strides = array<i32>} : memref<32x768xf32, #tpu.memory_space<vmem>>, vector<16xf32>,
      tpu.vector_store %arg17[%swap3A_579, %swap3A_580], %broadcast_in_dim3A_3 {strides = array<i32>} : memref<32x768xf32, #tpu.memory_space<vmem>>, vector<16xf32>,
      %scan3A_582 = arith.constant 0 : i32
      scf.yield %scan3A_582 : i32
    }
    %scan3A_148 = arith.constant 48 : i32
    %scan3A_149 = arith.constant 0 : i32
    %scan3A_150 = arith.constant 0 : i32
    %scan3A_151 = arith.constant 48 : i32
    %scan3A_152 = arith.addi %scan3A_150, %scan3A_151 : i32
    %scan3A_153 = arith.constant 1 : i32
    %scan3A_154 = scf.for %scan3A_575 = %scan3A_150 to %scan3A_152 step %scan3A_153 iter_args(%scan3A_576 = %scan3A_149) -> (i32)  : i32 {
      %mul3A_577 = arith.constant 16 : i32
      %mul3A_578 = arith.muli %scan3A_575, %mul3A_577 : i32
      %swap3A = arith.constant 19 : i32
      %swap3A_579 = arith.index_cast %swap3A : i32 to index
      %swap3A_580 = arith.index_cast %mul3A_578 : i32 to index
      %swap3A_581 = tpu.vector_load %arg17[%swap3A_579, %swap3A_580] {strides = array<i32>} : memref<32x768xf32, #tpu.memory_space<vmem>>, vector<16xf32>,
      tpu.vector_store %arg17[%swap3A_579, %swap3A_580], %broadcast_in_dim3A_3 {strides = array<i32>} : memref<32x768xf32, #tpu.memory_space<vmem>>, vector<16xf32>,
      %scan3A_582 = arith.constant 0 : i32
      scf.yield %scan3A_582 : i32
    }
    %scan3A_155 = arith.constant 48 : i32
    %scan3A_156 = arith.constant 0 : i32
    %scan3A_157 = arith.constant 0 : i32
    %scan3A_158 = arith.constant 48 : i32
    %scan3A_159 = arith.addi %scan3A_157, %scan3A_158 : i32
    %scan3A_160 = arith.constant 1 : i32
    %scan3A_161 = scf.for %scan3A_575 = %scan3A_157 to %scan3A_159 step %scan3A_160 iter_args(%scan3A_576 = %scan3A_156) -> (i32)  : i32 {
      %mul3A_577 = arith.constant 16 : i32
      %mul3A_578 = arith.muli %scan3A_575, %mul3A_577 : i32
      %swap3A = arith.constant 20 : i32
      %swap3A_579 = arith.index_cast %swap3A : i32 to index
      %swap3A_580 = arith.index_cast %mul3A_578 : i32 to index
      %swap3A_581 = tpu.vector_load %arg17[%swap3A_579, %swap3A_580] {strides = array<i32>} : memref<32x768xf32, #tpu.memory_space<vmem>>, vector<16xf32>,
      tpu.vector_store %arg17[%swap3A_579, %swap3A_580], %broadcast_in_dim3A_3 {strides = array<i32>} : memref<32x768xf32, #tpu.memory_space<vmem>>, vector<16xf32>,
      %scan3A_582 = arith.constant 0 : i32
      scf.yield %scan3A_582 : i32
    }
    %scan3A_162 = arith.constant 48 : i32
    %scan3A_163 = arith.constant 0 : i32
    %scan3A_164 = arith.constant 0 : i32
    %scan3A_165 = arith.constant 48 : i32
    %scan3A_166 = arith.addi %scan3A_164, %scan3A_165 : i32
    %scan3A_167 = arith.constant 1 : i32
    %scan3A_168 = scf.for %scan3A_575 = %scan3A_164 to %scan3A_166 step %scan3A_167 iter_args(%scan3A_576 = %scan3A_163) -> (i32)  : i32 {
      %mul3A_577 = arith.constant 16 : i32
      %mul3A_578 = arith.muli %scan3A_575, %mul3A_577 : i32
      %swap3A = arith.constant 21 : i32
      %swap3A_579 = arith.index_cast %swap3A : i32 to index
      %swap3A_580 = arith.index_cast %mul3A_578 : i32 to index
      %swap3A_581 = tpu.vector_load %arg17[%swap3A_579, %swap3A_580] {strides = array<i32>} : memref<32x768xf32, #tpu.memory_space<vmem>>, vector<16xf32>,
      tpu.vector_store %arg17[%swap3A_579, %swap3A_580], %broadcast_in_dim3A_3 {strides = array<i32>} : memref<32x768xf32, #tpu.memory_space<vmem>>, vector<16xf32>,
      %scan3A_582 = arith.constant 0 : i32
      scf.yield %scan3A_582 : i32
    }
    %scan3A_169 = arith.constant 48 : i32
    %scan3A_170 = arith.constant 0 : i32
    %scan3A_171 = arith.constant 0 : i32
    %scan3A_172 = arith.constant 48 : i32
    %scan3A_173 = arith.addi %scan3A_171, %scan3A_172 : i32
    %scan3A_174 = arith.constant 1 : i32
    %scan3A_175 = scf.for %scan3A_575 = %scan3A_171 to %scan3A_173 step %scan3A_174 iter_args(%scan3A_576 = %scan3A_170) -> (i32)  : i32 {
      %mul3A_577 = arith.constant 16 : i32
      %mul3A_578 = arith.muli %scan3A_575, %mul3A_577 : i32
      %swap3A = arith.constant 22 : i32
      %swap3A_579 = arith.index_cast %swap3A : i32 to index
      %swap3A_580 = arith.index_cast %mul3A_578 : i32 to index
      %swap3A_581 = tpu.vector_load %arg17[%swap3A_579, %swap3A_580] {strides = array<i32>} : memref<32x768xf32, #tpu.memory_space<vmem>>, vector<16xf32>,
      tpu.vector_store %arg17[%swap3A_579, %swap3A_580], %broadcast_in_dim3A_3 {strides = array<i32>} : memref<32x768xf32, #tpu.memory_space<vmem>>, vector<16xf32>,
      %scan3A_582 = arith.constant 0 : i32
      scf.yield %scan3A_582 : i32
    }
    %scan3A_176 = arith.constant 48 : i32
    %scan3A_177 = arith.constant 0 : i32
    %scan3A_178 = arith.constant 0 : i32
    %scan3A_179 = arith.constant 48 : i32
    %scan3A_180 = arith.addi %scan3A_178, %scan3A_179 : i32
    %scan3A_181 = arith.constant 1 : i32
    %scan3A_182 = scf.for %scan3A_575 = %scan3A_178 to %scan3A_180 step %scan3A_181 iter_args(%scan3A_576 = %scan3A_177) -> (i32)  : i32 {
      %mul3A_577 = arith.constant 16 : i32
      %mul3A_578 = arith.muli %scan3A_575, %mul3A_577 : i32
      %swap3A = arith.constant 23 : i32
      %swap3A_579 = arith.index_cast %swap3A : i32 to index
      %swap3A_580 = arith.index_cast %mul3A_578 : i32 to index
      %swap3A_581 = tpu.vector_load %arg17[%swap3A_579, %swap3A_580] {strides = array<i32>} : memref<32x768xf32, #tpu.memory_space<vmem>>, vector<16xf32>,
      tpu.vector_store %arg17[%swap3A_579, %swap3A_580], %broadcast_in_dim3A_3 {strides = array<i32>} : memref<32x768xf32, #tpu.memory_space<vmem>>, vector<16xf32>,
      %scan3A_582 = arith.constant 0 : i32
      scf.yield %scan3A_582 : i32
    }
    %scan3A_183 = arith.constant 48 : i32
    %scan3A_184 = arith.constant 0 : i32
    %scan3A_185 = arith.constant 0 : i32
    %scan3A_186 = arith.constant 48 : i32
    %scan3A_187 = arith.addi %scan3A_185, %scan3A_186 : i32
    %scan3A_188 = arith.constant 1 : i32
    %scan3A_189 = scf.for %scan3A_575 = %scan3A_185 to %scan3A_187 step %scan3A_188 iter_args(%scan3A_576 = %scan3A_184) -> (i32)  : i32 {
      %mul3A_577 = arith.constant 16 : i32
      %mul3A_578 = arith.muli %scan3A_575, %mul3A_577 : i32
      %swap3A = arith.constant 24 : i32
      %swap3A_579 = arith.index_cast %swap3A : i32 to index
      %swap3A_580 = arith.index_cast %mul3A_578 : i32 to index
      %swap3A_581 = tpu.vector_load %arg17[%swap3A_579, %swap3A_580] {strides = array<i32>} : memref<32x768xf32, #tpu.memory_space<vmem>>, vector<16xf32>,
      tpu.vector_store %arg17[%swap3A_579, %swap3A_580], %broadcast_in_dim3A_3 {strides = array<i32>} : memref<32x768xf32, #tpu.memory_space<vmem>>, vector<16xf32>,
      %scan3A_582 = arith.constant 0 : i32
      scf.yield %scan3A_582 : i32
    }
    %scan3A_190 = arith.constant 48 : i32
    %scan3A_191 = arith.constant 0 : i32
    %scan3A_192 = arith.constant 0 : i32
    %scan3A_193 = arith.constant 48 : i32
    %scan3A_194 = arith.addi %scan3A_192, %scan3A_193 : i32
    %scan3A_195 = arith.constant 1 : i32
    %scan3A_196 = scf.for %scan3A_575 = %scan3A_192 to %scan3A_194 step %scan3A_195 iter_args(%scan3A_576 = %scan3A_191) -> (i32)  : i32 {
      %mul3A_577 = arith.constant 16 : i32
      %mul3A_578 = arith.muli %scan3A_575, %mul3A_577 : i32
      %swap3A = arith.constant 25 : i32
      %swap3A_579 = arith.index_cast %swap3A : i32 to index
      %swap3A_580 = arith.index_cast %mul3A_578 : i32 to index
      %swap3A_581 = tpu.vector_load %arg17[%swap3A_579, %swap3A_580] {strides = array<i32>} : memref<32x768xf32, #tpu.memory_space<vmem>>, vector<16xf32>,
      tpu.vector_store %arg17[%swap3A_579, %swap3A_580], %broadcast_in_dim3A_3 {strides = array<i32>} : memref<32x768xf32, #tpu.memory_space<vmem>>, vector<16xf32>,
      %scan3A_582 = arith.constant 0 : i32
      scf.yield %scan3A_582 : i32
    }
    %scan3A_197 = arith.constant 48 : i32
    %scan3A_198 = arith.constant 0 : i32
    %scan3A_199 = arith.constant 0 : i32
    %scan3A_200 = arith.constant 48 : i32
    %scan3A_201 = arith.addi %scan3A_199, %scan3A_200 : i32
    %scan3A_202 = arith.constant 1 : i32
    %scan3A_203 = scf.for %scan3A_575 = %scan3A_199 to %scan3A_201 step %scan3A_202 iter_args(%scan3A_576 = %scan3A_198) -> (i32)  : i32 {
      %mul3A_577 = arith.constant 16 : i32
      %mul3A_578 = arith.muli %scan3A_575, %mul3A_577 : i32
      %swap3A = arith.constant 26 : i32
      %swap3A_579 = arith.index_cast %swap3A : i32 to index
      %swap3A_580 = arith.index_cast %mul3A_578 : i32 to index
      %swap3A_581 = tpu.vector_load %arg17[%swap3A_579, %swap3A_580] {strides = array<i32>} : memref<32x768xf32, #tpu.memory_space<vmem>>, vector<16xf32>,
      tpu.vector_store %arg17[%swap3A_579, %swap3A_580], %broadcast_in_dim3A_3 {strides = array<i32>} : memref<32x768xf32, #tpu.memory_space<vmem>>, vector<16xf32>,
      %scan3A_582 = arith.constant 0 : i32
      scf.yield %scan3A_582 : i32
    }
    %scan3A_204 = arith.constant 48 : i32
    %scan3A_205 = arith.constant 0 : i32
    %scan3A_206 = arith.constant 0 : i32
    %scan3A_207 = arith.constant 48 : i32
    %scan3A_208 = arith.addi %scan3A_206, %scan3A_207 : i32
    %scan3A_209 = arith.constant 1 : i32
    %scan3A_210 = scf.for %scan3A_575 = %scan3A_206 to %scan3A_208 step %scan3A_209 iter_args(%scan3A_576 = %scan3A_205) -> (i32)  : i32 {
      %mul3A_577 = arith.constant 16 : i32
      %mul3A_578 = arith.muli %scan3A_575, %mul3A_577 : i32
      %swap3A = arith.constant 27 : i32
      %swap3A_579 = arith.index_cast %swap3A : i32 to index
      %swap3A_580 = arith.index_cast %mul3A_578 : i32 to index
      %swap3A_581 = tpu.vector_load %arg17[%swap3A_579, %swap3A_580] {strides = array<i32>} : memref<32x768xf32, #tpu.memory_space<vmem>>, vector<16xf32>,
      tpu.vector_store %arg17[%swap3A_579, %swap3A_580], %broadcast_in_dim3A_3 {strides = array<i32>} : memref<32x768xf32, #tpu.memory_space<vmem>>, vector<16xf32>,
      %scan3A_582 = arith.constant 0 : i32
      scf.yield %scan3A_582 : i32
    }
    %scan3A_211 = arith.constant 48 : i32
    %scan3A_212 = arith.constant 0 : i32
    %scan3A_213 = arith.constant 0 : i32
    %scan3A_214 = arith.constant 48 : i32
    %scan3A_215 = arith.addi %scan3A_213, %scan3A_214 : i32
    %scan3A_216 = arith.constant 1 : i32
    %scan3A_217 = scf.for %scan3A_575 = %scan3A_213 to %scan3A_215 step %scan3A_216 iter_args(%scan3A_576 = %scan3A_212) -> (i32)  : i32 {
      %mul3A_577 = arith.constant 16 : i32
      %mul3A_578 = arith.muli %scan3A_575, %mul3A_577 : i32
      %swap3A = arith.constant 28 : i32
      %swap3A_579 = arith.index_cast %swap3A : i32 to index
      %swap3A_580 = arith.index_cast %mul3A_578 : i32 to index
      %swap3A_581 = tpu.vector_load %arg17[%swap3A_579, %swap3A_580] {strides = array<i32>} : memref<32x768xf32, #tpu.memory_space<vmem>>, vector<16xf32>,
      tpu.vector_store %arg17[%swap3A_579, %swap3A_580], %broadcast_in_dim3A_3 {strides = array<i32>} : memref<32x768xf32, #tpu.memory_space<vmem>>, vector<16xf32>,
      %scan3A_582 = arith.constant 0 : i32
      scf.yield %scan3A_582 : i32
    }
    %scan3A_218 = arith.constant 48 : i32
    %scan3A_219 = arith.constant 0 : i32
    %scan3A_220 = arith.constant 0 : i32
    %scan3A_221 = arith.constant 48 : i32
    %scan3A_222 = arith.addi %scan3A_220, %scan3A_221 : i32
    %scan3A_223 = arith.constant 1 : i32
    %scan3A_224 = scf.for %scan3A_575 = %scan3A_220 to %scan3A_222 step %scan3A_223 iter_args(%scan3A_576 = %scan3A_219) -> (i32)  : i32 {
      %mul3A_577 = arith.constant 16 : i32
      %mul3A_578 = arith.muli %scan3A_575, %mul3A_577 : i32
      %swap3A = arith.constant 29 : i32
      %swap3A_579 = arith.index_cast %swap3A : i32 to index
      %swap3A_580 = arith.index_cast %mul3A_578 : i32 to index
      %swap3A_581 = tpu.vector_load %arg17[%swap3A_579, %swap3A_580] {strides = array<i32>} : memref<32x768xf32, #tpu.memory_space<vmem>>, vector<16xf32>,
      tpu.vector_store %arg17[%swap3A_579, %swap3A_580], %broadcast_in_dim3A_3 {strides = array<i32>} : memref<32x768xf32, #tpu.memory_space<vmem>>, vector<16xf32>,
      %scan3A_582 = arith.constant 0 : i32
      scf.yield %scan3A_582 : i32
    }
    %scan3A_225 = arith.constant 48 : i32
    %scan3A_226 = arith.constant 0 : i32
    %scan3A_227 = arith.constant 0 : i32
    %scan3A_228 = arith.constant 48 : i32
    %scan3A_229 = arith.addi %scan3A_227, %scan3A_228 : i32
    %scan3A_230 = arith.constant 1 : i32
    %scan3A_231 = scf.for %scan3A_575 = %scan3A_227 to %scan3A_229 step %scan3A_230 iter_args(%scan3A_576 = %scan3A_226) -> (i32)  : i32 {
      %mul3A_577 = arith.constant 16 : i32
      %mul3A_578 = arith.muli %scan3A_575, %mul3A_577 : i32
      %swap3A = arith.constant 30 : i32
      %swap3A_579 = arith.index_cast %swap3A : i32 to index
      %swap3A_580 = arith.index_cast %mul3A_578 : i32 to index
      %swap3A_581 = tpu.vector_load %arg17[%swap3A_579, %swap3A_580] {strides = array<i32>} : memref<32x768xf32, #tpu.memory_space<vmem>>, vector<16xf32>,
      tpu.vector_store %arg17[%swap3A_579, %swap3A_580], %broadcast_in_dim3A_3 {strides = array<i32>} : memref<32x768xf32, #tpu.memory_space<vmem>>, vector<16xf32>,
      %scan3A_582 = arith.constant 0 : i32
      scf.yield %scan3A_582 : i32
    }
    %scan3A_232 = arith.constant 48 : i32
    %scan3A_233 = arith.constant 0 : i32
    %scan3A_234 = arith.constant 0 : i32
    %scan3A_235 = arith.constant 48 : i32
    %scan3A_236 = arith.addi %scan3A_234, %scan3A_235 : i32
    %scan3A_237 = arith.constant 1 : i32
    %scan3A_238 = scf.for %scan3A_575 = %scan3A_234 to %scan3A_236 step %scan3A_237 iter_args(%scan3A_576 = %scan3A_233) -> (i32)  : i32 {
      %mul3A_577 = arith.constant 16 : i32
      %mul3A_578 = arith.muli %scan3A_575, %mul3A_577 : i32
      %swap3A = arith.constant 31 : i32
      %swap3A_579 = arith.index_cast %swap3A : i32 to index
      %swap3A_580 = arith.index_cast %mul3A_578 : i32 to index
      %swap3A_581 = tpu.vector_load %arg17[%swap3A_579, %swap3A_580] {strides = array<i32>} : memref<32x768xf32, #tpu.memory_space<vmem>>, vector<16xf32>,
      tpu.vector_store %arg17[%swap3A_579, %swap3A_580], %broadcast_in_dim3A_3 {strides = array<i32>} : memref<32x768xf32, #tpu.memory_space<vmem>>, vector<16xf32>,
      %scan3A_582 = arith.constant 0 : i32
      scf.yield %scan3A_582 : i32
    }
    %scan3A_239 = arith.constant 48 : i32
    %add3A_240 = arith.constant 0 : i32
    %add3A_241 = arith.addi %mul3A_2, %add3A_240 : i32
    %dma_start3A = arith.constant 0 : i32
    %dma_start3A_242 = tpu.memref_slice %arg9[%add3A_241, %dma_start3A] : memref<32768x768xf32, #tpu.memory_space<hbm>> -> memref<32x768xf32, #tpu.memory_space<hbm>>
    %dma_start3A_243 = arith.constant 0 : i32
    %dma_start3A_244 = tpu.memref_slice %arg9[%add3A_241, %dma_start3A_243] : memref<32768x768xf32, #tpu.memory_space<hbm>> -> memref<32x768xf32, #tpu.memory_space<hbm>>
    tpu.enqueue_dma source(%arg17 : memref<32x768xf32, #tpu.memory_space<vmem>>) target(%dma_start3A_244 : memref<32x768xf32, #tpu.memory_space<hbm>>) target_semaphore(%arg19 : memref<!tpu.dma_semaphore, #tpu.memory_space<semaphore_mem>>)
    %add3A_245 = arith.constant 32 : i32
    %add3A_246 = arith.addi %mul3A_2, %add3A_245 : i32
    %dma_start3A_247 = arith.constant 0 : i32
    %dma_start3A_248 = tpu.memref_slice %arg9[%add3A_246, %dma_start3A_247] : memref<32768x768xf32, #tpu.memory_space<hbm>> -> memref<32x768xf32, #tpu.memory_space<hbm>>
    %dma_start3A_249 = arith.constant 0 : i32
    %dma_start3A_250 = tpu.memref_slice %arg9[%add3A_246, %dma_start3A_249] : memref<32768x768xf32, #tpu.memory_space<hbm>> -> memref<32x768xf32, #tpu.memory_space<hbm>>
    tpu.enqueue_dma source(%arg17 : memref<32x768xf32, #tpu.memory_space<vmem>>) target(%dma_start3A_250 : memref<32x768xf32, #tpu.memory_space<hbm>>) target_semaphore(%arg19 : memref<!tpu.dma_semaphore, #tpu.memory_space<semaphore_mem>>)
    %add3A_251 = arith.constant 64 : i32
    %add3A_252 = arith.addi %mul3A_2, %add3A_251 : i32
    %dma_start3A_253 = arith.constant 0 : i32
    %dma_start3A_254 = tpu.memref_slice %arg9[%add3A_252, %dma_start3A_253] : memref<32768x768xf32, #tpu.memory_space<hbm>> -> memref<32x768xf32, #tpu.memory_space<hbm>>
    %dma_start3A_255 = arith.constant 0 : i32
    %dma_start3A_256 = tpu.memref_slice %arg9[%add3A_252, %dma_start3A_255] : memref<32768x768xf32, #tpu.memory_space<hbm>> -> memref<32x768xf32, #tpu.memory_space<hbm>>
    tpu.enqueue_dma source(%arg17 : memref<32x768xf32, #tpu.memory_space<vmem>>) target(%dma_start3A_256 : memref<32x768xf32, #tpu.memory_space<hbm>>) target_semaphore(%arg19 : memref<!tpu.dma_semaphore, #tpu.memory_space<semaphore_mem>>)
    %add3A_257 = arith.constant 96 : i32
    %add3A_258 = arith.addi %mul3A_2, %add3A_257 : i32
    %dma_start3A_259 = arith.constant 0 : i32
    %dma_start3A_260 = tpu.memref_slice %arg9[%add3A_258, %dma_start3A_259] : memref<32768x768xf32, #tpu.memory_space<hbm>> -> memref<32x768xf32, #tpu.memory_space<hbm>>
    %dma_start3A_261 = arith.constant 0 : i32
    %dma_start3A_262 = tpu.memref_slice %arg9[%add3A_258, %dma_start3A_261] : memref<32768x768xf32, #tpu.memory_space<hbm>> -> memref<32x768xf32, #tpu.memory_space<hbm>>
    tpu.enqueue_dma source(%arg17 : memref<32x768xf32, #tpu.memory_space<vmem>>) target(%dma_start3A_262 : memref<32x768xf32, #tpu.memory_space<hbm>>) target_semaphore(%arg19 : memref<!tpu.dma_semaphore, #tpu.memory_space<semaphore_mem>>)
    %add3A_263 = arith.constant 128 : i32
    %add3A_264 = arith.addi %mul3A_2, %add3A_263 : i32
    %dma_start3A_265 = arith.constant 0 : i32
    %dma_start3A_266 = tpu.memref_slice %arg9[%add3A_264, %dma_start3A_265] : memref<32768x768xf32, #tpu.memory_space<hbm>> -> memref<32x768xf32, #tpu.memory_space<hbm>>
    %dma_start3A_267 = arith.constant 0 : i32
    %dma_start3A_268 = tpu.memref_slice %arg9[%add3A_264, %dma_start3A_267] : memref<32768x768xf32, #tpu.memory_space<hbm>> -> memref<32x768xf32, #tpu.memory_space<hbm>>
    tpu.enqueue_dma source(%arg17 : memref<32x768xf32, #tpu.memory_space<vmem>>) target(%dma_start3A_268 : memref<32x768xf32, #tpu.memory_space<hbm>>) target_semaphore(%arg19 : memref<!tpu.dma_semaphore, #tpu.memory_space<semaphore_mem>>)
    %add3A_269 = arith.constant 160 : i32
    %add3A_270 = arith.addi %mul3A_2, %add3A_269 : i32
    %dma_start3A_271 = arith.constant 0 : i32
    %dma_start3A_272 = tpu.memref_slice %arg9[%add3A_270, %dma_start3A_271] : memref<32768x768xf32, #tpu.memory_space<hbm>> -> memref<32x768xf32, #tpu.memory_space<hbm>>
    %dma_start3A_273 = arith.constant 0 : i32
    %dma_start3A_274 = tpu.memref_slice %arg9[%add3A_270, %dma_start3A_273] : memref<32768x768xf32, #tpu.memory_space<hbm>> -> memref<32x768xf32, #tpu.memory_space<hbm>>
    tpu.enqueue_dma source(%arg17 : memref<32x768xf32, #tpu.memory_space<vmem>>) target(%dma_start3A_274 : memref<32x768xf32, #tpu.memory_space<hbm>>) target_semaphore(%arg19 : memref<!tpu.dma_semaphore, #tpu.memory_space<semaphore_mem>>)
    %add3A_275 = arith.constant 192 : i32
    %add3A_276 = arith.addi %mul3A_2, %add3A_275 : i32
    %dma_start3A_277 = arith.constant 0 : i32
    %dma_start3A_278 = tpu.memref_slice %arg9[%add3A_276, %dma_start3A_277] : memref<32768x768xf32, #tpu.memory_space<hbm>> -> memref<32x768xf32, #tpu.memory_space<hbm>>
    %dma_start3A_279 = arith.constant 0 : i32
    %dma_start3A_280 = tpu.memref_slice %arg9[%add3A_276, %dma_start3A_279] : memref<32768x768xf32, #tpu.memory_space<hbm>> -> memref<32x768xf32, #tpu.memory_space<hbm>>
    tpu.enqueue_dma source(%arg17 : memref<32x768xf32, #tpu.memory_space<vmem>>) target(%dma_start3A_280 : memref<32x768xf32, #tpu.memory_space<hbm>>) target_semaphore(%arg19 : memref<!tpu.dma_semaphore, #tpu.memory_space<semaphore_mem>>)
    %add3A_281 = arith.constant 224 : i32
    %add3A_282 = arith.addi %mul3A_2, %add3A_281 : i32
    %dma_start3A_283 = arith.constant 0 : i32
    %dma_start3A_284 = tpu.memref_slice %arg9[%add3A_282, %dma_start3A_283] : memref<32768x768xf32, #tpu.memory_space<hbm>> -> memref<32x768xf32, #tpu.memory_space<hbm>>
    %dma_start3A_285 = arith.constant 0 : i32
    %dma_start3A_286 = tpu.memref_slice %arg9[%add3A_282, %dma_start3A_285] : memref<32768x768xf32, #tpu.memory_space<hbm>> -> memref<32x768xf32, #tpu.memory_space<hbm>>
    tpu.enqueue_dma source(%arg17 : memref<32x768xf32, #tpu.memory_space<vmem>>) target(%dma_start3A_286 : memref<32x768xf32, #tpu.memory_space<hbm>>) target_semaphore(%arg19 : memref<!tpu.dma_semaphore, #tpu.memory_space<semaphore_mem>>)
    %add3A_287 = arith.constant 256 : i32
    %add3A_288 = arith.addi %mul3A_2, %add3A_287 : i32
    %dma_start3A_289 = arith.constant 0 : i32
    %dma_start3A_290 = tpu.memref_slice %arg9[%add3A_288, %dma_start3A_289] : memref<32768x768xf32, #tpu.memory_space<hbm>> -> memref<32x768xf32, #tpu.memory_space<hbm>>
    %dma_start3A_291 = arith.constant 0 : i32
    %dma_start3A_292 = tpu.memref_slice %arg9[%add3A_288, %dma_start3A_291] : memref<32768x768xf32, #tpu.memory_space<hbm>> -> memref<32x768xf32, #tpu.memory_space<hbm>>
    tpu.enqueue_dma source(%arg17 : memref<32x768xf32, #tpu.memory_space<vmem>>) target(%dma_start3A_292 : memref<32x768xf32, #tpu.memory_space<hbm>>) target_semaphore(%arg19 : memref<!tpu.dma_semaphore, #tpu.memory_space<semaphore_mem>>)
    %add3A_293 = arith.constant 288 : i32
    %add3A_294 = arith.addi %mul3A_2, %add3A_293 : i32
    %dma_start3A_295 = arith.constant 0 : i32
    %dma_start3A_296 = tpu.memref_slice %arg9[%add3A_294, %dma_start3A_295] : memref<32768x768xf32, #tpu.memory_space<hbm>> -> memref<32x768xf32, #tpu.memory_space<hbm>>
    %dma_start3A_297 = arith.constant 0 : i32
    %dma_start3A_298 = tpu.memref_slice %arg9[%add3A_294, %dma_start3A_297] : memref<32768x768xf32, #tpu.memory_space<hbm>> -> memref<32x768xf32, #tpu.memory_space<hbm>>
    tpu.enqueue_dma source(%arg17 : memref<32x768xf32, #tpu.memory_space<vmem>>) target(%dma_start3A_298 : memref<32x768xf32, #tpu.memory_space<hbm>>) target_semaphore(%arg19 : memref<!tpu.dma_semaphore, #tpu.memory_space<semaphore_mem>>)
    %add3A_299 = arith.constant 320 : i32
    %add3A_300 = arith.addi %mul3A_2, %add3A_299 : i32
    %dma_start3A_301 = arith.constant 0 : i32
    %dma_start3A_302 = tpu.memref_slice %arg9[%add3A_300, %dma_start3A_301] : memref<32768x768xf32, #tpu.memory_space<hbm>> -> memref<32x768xf32, #tpu.memory_space<hbm>>
    %dma_start3A_303 = arith.constant 0 : i32
    %dma_start3A_304 = tpu.memref_slice %arg9[%add3A_300, %dma_start3A_303] : memref<32768x768xf32, #tpu.memory_space<hbm>> -> memref<32x768xf32, #tpu.memory_space<hbm>>
    tpu.enqueue_dma source(%arg17 : memref<32x768xf32, #tpu.memory_space<vmem>>) target(%dma_start3A_304 : memref<32x768xf32, #tpu.memory_space<hbm>>) target_semaphore(%arg19 : memref<!tpu.dma_semaphore, #tpu.memory_space<semaphore_mem>>)
    %add3A_305 = arith.constant 352 : i32
    %add3A_306 = arith.addi %mul3A_2, %add3A_305 : i32
    %dma_start3A_307 = arith.constant 0 : i32
    %dma_start3A_308 = tpu.memref_slice %arg9[%add3A_306, %dma_start3A_307] : memref<32768x768xf32, #tpu.memory_space<hbm>> -> memref<32x768xf32, #tpu.memory_space<hbm>>
    %dma_start3A_309 = arith.constant 0 : i32
    %dma_start3A_310 = tpu.memref_slice %arg9[%add3A_306, %dma_start3A_309] : memref<32768x768xf32, #tpu.memory_space<hbm>> -> memref<32x768xf32, #tpu.memory_space<hbm>>
    tpu.enqueue_dma source(%arg17 : memref<32x768xf32, #tpu.memory_space<vmem>>) target(%dma_start3A_310 : memref<32x768xf32, #tpu.memory_space<hbm>>) target_semaphore(%arg19 : memref<!tpu.dma_semaphore, #tpu.memory_space<semaphore_mem>>)
    %add3A_311 = arith.constant 384 : i32
    %add3A_312 = arith.addi %mul3A_2, %add3A_311 : i32
    %dma_start3A_313 = arith.constant 0 : i32
    %dma_start3A_314 = tpu.memref_slice %arg9[%add3A_312, %dma_start3A_313] : memref<32768x768xf32, #tpu.memory_space<hbm>> -> memref<32x768xf32, #tpu.memory_space<hbm>>
    %dma_start3A_315 = arith.constant 0 : i32
    %dma_start3A_316 = tpu.memref_slice %arg9[%add3A_312, %dma_start3A_315] : memref<32768x768xf32, #tpu.memory_space<hbm>> -> memref<32x768xf32, #tpu.memory_space<hbm>>
    tpu.enqueue_dma source(%arg17 : memref<32x768xf32, #tpu.memory_space<vmem>>) target(%dma_start3A_316 : memref<32x768xf32, #tpu.memory_space<hbm>>) target_semaphore(%arg19 : memref<!tpu.dma_semaphore, #tpu.memory_space<semaphore_mem>>)
    %add3A_317 = arith.constant 416 : i32
    %add3A_318 = arith.addi %mul3A_2, %add3A_317 : i32
    %dma_start3A_319 = arith.constant 0 : i32
    %dma_start3A_320 = tpu.memref_slice %arg9[%add3A_318, %dma_start3A_319] : memref<32768x768xf32, #tpu.memory_space<hbm>> -> memref<32x768xf32, #tpu.memory_space<hbm>>
    %dma_start3A_321 = arith.constant 0 : i32
    %dma_start3A_322 = tpu.memref_slice %arg9[%add3A_318, %dma_start3A_321] : memref<32768x768xf32, #tpu.memory_space<hbm>> -> memref<32x768xf32, #tpu.memory_space<hbm>>
    tpu.enqueue_dma source(%arg17 : memref<32x768xf32, #tpu.memory_space<vmem>>) target(%dma_start3A_322 : memref<32x768xf32, #tpu.memory_space<hbm>>) target_semaphore(%arg19 : memref<!tpu.dma_semaphore, #tpu.memory_space<semaphore_mem>>)
    %add3A_323 = arith.constant 448 : i32
    %add3A_324 = arith.addi %mul3A_2, %add3A_323 : i32
    %dma_start3A_325 = arith.constant 0 : i32
    %dma_start3A_326 = tpu.memref_slice %arg9[%add3A_324, %dma_start3A_325] : memref<32768x768xf32, #tpu.memory_space<hbm>> -> memref<32x768xf32, #tpu.memory_space<hbm>>
    %dma_start3A_327 = arith.constant 0 : i32
    %dma_start3A_328 = tpu.memref_slice %arg9[%add3A_324, %dma_start3A_327] : memref<32768x768xf32, #tpu.memory_space<hbm>> -> memref<32x768xf32, #tpu.memory_space<hbm>>
    tpu.enqueue_dma source(%arg17 : memref<32x768xf32, #tpu.memory_space<vmem>>) target(%dma_start3A_328 : memref<32x768xf32, #tpu.memory_space<hbm>>) target_semaphore(%arg19 : memref<!tpu.dma_semaphore, #tpu.memory_space<semaphore_mem>>)
    %add3A_329 = arith.constant 480 : i32
    %add3A_330 = arith.addi %mul3A_2, %add3A_329 : i32
    %dma_start3A_331 = arith.constant 0 : i32
    %dma_start3A_332 = tpu.memref_slice %arg9[%add3A_330, %dma_start3A_331] : memref<32768x768xf32, #tpu.memory_space<hbm>> -> memref<32x768xf32, #tpu.memory_space<hbm>>
    %dma_start3A_333 = arith.constant 0 : i32
    %dma_start3A_334 = tpu.memref_slice %arg9[%add3A_330, %dma_start3A_333] : memref<32768x768xf32, #tpu.memory_space<hbm>> -> memref<32x768xf32, #tpu.memory_space<hbm>>
    tpu.enqueue_dma source(%arg17 : memref<32x768xf32, #tpu.memory_space<vmem>>) target(%dma_start3A_334 : memref<32x768xf32, #tpu.memory_space<hbm>>) target_semaphore(%arg19 : memref<!tpu.dma_semaphore, #tpu.memory_space<semaphore_mem>>)
    %add3A_335 = arith.constant 512 : i32
    %add3A_336 = arith.addi %mul3A_2, %add3A_335 : i32
    %dma_start3A_337 = arith.constant 0 : i32
    %dma_start3A_338 = tpu.memref_slice %arg9[%add3A_336, %dma_start3A_337] : memref<32768x768xf32, #tpu.memory_space<hbm>> -> memref<32x768xf32, #tpu.memory_space<hbm>>
    %dma_start3A_339 = arith.constant 0 : i32
    %dma_start3A_340 = tpu.memref_slice %arg9[%add3A_336, %dma_start3A_339] : memref<32768x768xf32, #tpu.memory_space<hbm>> -> memref<32x768xf32, #tpu.memory_space<hbm>>
    tpu.enqueue_dma source(%arg17 : memref<32x768xf32, #tpu.memory_space<vmem>>) target(%dma_start3A_340 : memref<32x768xf32, #tpu.memory_space<hbm>>) target_semaphore(%arg19 : memref<!tpu.dma_semaphore, #tpu.memory_space<semaphore_mem>>)
    %add3A_341 = arith.constant 544 : i32
    %add3A_342 = arith.addi %mul3A_2, %add3A_341 : i32
    %dma_start3A_343 = arith.constant 0 : i32
    %dma_start3A_344 = tpu.memref_slice %arg9[%add3A_342, %dma_start3A_343] : memref<32768x768xf32, #tpu.memory_space<hbm>> -> memref<32x768xf32, #tpu.memory_space<hbm>>
    %dma_start3A_345 = arith.constant 0 : i32
    %dma_start3A_346 = tpu.memref_slice %arg9[%add3A_342, %dma_start3A_345] : memref<32768x768xf32, #tpu.memory_space<hbm>> -> memref<32x768xf32, #tpu.memory_space<hbm>>
    tpu.enqueue_dma source(%arg17 : memref<32x768xf32, #tpu.memory_space<vmem>>) target(%dma_start3A_346 : memref<32x768xf32, #tpu.memory_space<hbm>>) target_semaphore(%arg19 : memref<!tpu.dma_semaphore, #tpu.memory_space<semaphore_mem>>)
    %add3A_347 = arith.constant 576 : i32
    %add3A_348 = arith.addi %mul3A_2, %add3A_347 : i32
    %dma_start3A_349 = arith.constant 0 : i32
    %dma_start3A_350 = tpu.memref_slice %arg9[%add3A_348, %dma_start3A_349] : memref<32768x768xf32, #tpu.memory_space<hbm>> -> memref<32x768xf32, #tpu.memory_space<hbm>>
    %dma_start3A_351 = arith.constant 0 : i32
    %dma_start3A_352 = tpu.memref_slice %arg9[%add3A_348, %dma_start3A_351] : memref<32768x768xf32, #tpu.memory_space<hbm>> -> memref<32x768xf32, #tpu.memory_space<hbm>>
    tpu.enqueue_dma source(%arg17 : memref<32x768xf32, #tpu.memory_space<vmem>>) target(%dma_start3A_352 : memref<32x768xf32, #tpu.memory_space<hbm>>) target_semaphore(%arg19 : memref<!tpu.dma_semaphore, #tpu.memory_space<semaphore_mem>>)
    %add3A_353 = arith.constant 608 : i32
    %add3A_354 = arith.addi %mul3A_2, %add3A_353 : i32
    %dma_start3A_355 = arith.constant 0 : i32
    %dma_start3A_356 = tpu.memref_slice %arg9[%add3A_354, %dma_start3A_355] : memref<32768x768xf32, #tpu.memory_space<hbm>> -> memref<32x768xf32, #tpu.memory_space<hbm>>
    %dma_start3A_357 = arith.constant 0 : i32
    %dma_start3A_358 = tpu.memref_slice %arg9[%add3A_354, %dma_start3A_357] : memref<32768x768xf32, #tpu.memory_space<hbm>> -> memref<32x768xf32, #tpu.memory_space<hbm>>
    tpu.enqueue_dma source(%arg17 : memref<32x768xf32, #tpu.memory_space<vmem>>) target(%dma_start3A_358 : memref<32x768xf32, #tpu.memory_space<hbm>>) target_semaphore(%arg19 : memref<!tpu.dma_semaphore, #tpu.memory_space<semaphore_mem>>)
    %add3A_359 = arith.constant 640 : i32
    %add3A_360 = arith.addi %mul3A_2, %add3A_359 : i32
    %dma_start3A_361 = arith.constant 0 : i32
    %dma_start3A_362 = tpu.memref_slice %arg9[%add3A_360, %dma_start3A_361] : memref<32768x768xf32, #tpu.memory_space<hbm>> -> memref<32x768xf32, #tpu.memory_space<hbm>>
    %dma_start3A_363 = arith.constant 0 : i32
    %dma_start3A_364 = tpu.memref_slice %arg9[%add3A_360, %dma_start3A_363] : memref<32768x768xf32, #tpu.memory_space<hbm>> -> memref<32x768xf32, #tpu.memory_space<hbm>>
    tpu.enqueue_dma source(%arg17 : memref<32x768xf32, #tpu.memory_space<vmem>>) target(%dma_start3A_364 : memref<32x768xf32, #tpu.memory_space<hbm>>) target_semaphore(%arg19 : memref<!tpu.dma_semaphore, #tpu.memory_space<semaphore_mem>>)
    %add3A_365 = arith.constant 672 : i32
    %add3A_366 = arith.addi %mul3A_2, %add3A_365 : i32
    %dma_start3A_367 = arith.constant 0 : i32
    %dma_start3A_368 = tpu.memref_slice %arg9[%add3A_366, %dma_start3A_367] : memref<32768x768xf32, #tpu.memory_space<hbm>> -> memref<32x768xf32, #tpu.memory_space<hbm>>
    %dma_start3A_369 = arith.constant 0 : i32
    %dma_start3A_370 = tpu.memref_slice %arg9[%add3A_366, %dma_start3A_369] : memref<32768x768xf32, #tpu.memory_space<hbm>> -> memref<32x768xf32, #tpu.memory_space<hbm>>
    tpu.enqueue_dma source(%arg17 : memref<32x768xf32, #tpu.memory_space<vmem>>) target(%dma_start3A_370 : memref<32x768xf32, #tpu.memory_space<hbm>>) target_semaphore(%arg19 : memref<!tpu.dma_semaphore, #tpu.memory_space<semaphore_mem>>)
    %add3A_371 = arith.constant 704 : i32
    %add3A_372 = arith.addi %mul3A_2, %add3A_371 : i32
    %dma_start3A_373 = arith.constant 0 : i32
    %dma_start3A_374 = tpu.memref_slice %arg9[%add3A_372, %dma_start3A_373] : memref<32768x768xf32, #tpu.memory_space<hbm>> -> memref<32x768xf32, #tpu.memory_space<hbm>>
    %dma_start3A_375 = arith.constant 0 : i32
    %dma_start3A_376 = tpu.memref_slice %arg9[%add3A_372, %dma_start3A_375] : memref<32768x768xf32, #tpu.memory_space<hbm>> -> memref<32x768xf32, #tpu.memory_space<hbm>>
    tpu.enqueue_dma source(%arg17 : memref<32x768xf32, #tpu.memory_space<vmem>>) target(%dma_start3A_376 : memref<32x768xf32, #tpu.memory_space<hbm>>) target_semaphore(%arg19 : memref<!tpu.dma_semaphore, #tpu.memory_space<semaphore_mem>>)
    %add3A_377 = arith.constant 736 : i32
    %add3A_378 = arith.addi %mul3A_2, %add3A_377 : i32
    %dma_start3A_379 = arith.constant 0 : i32
    %dma_start3A_380 = tpu.memref_slice %arg9[%add3A_378, %dma_start3A_379] : memref<32768x768xf32, #tpu.memory_space<hbm>> -> memref<32x768xf32, #tpu.memory_space<hbm>>
    %dma_start3A_381 = arith.constant 0 : i32
    %dma_start3A_382 = tpu.memref_slice %arg9[%add3A_378, %dma_start3A_381] : memref<32768x768xf32, #tpu.memory_space<hbm>> -> memref<32x768xf32, #tpu.memory_space<hbm>>
    tpu.enqueue_dma source(%arg17 : memref<32x768xf32, #tpu.memory_space<vmem>>) target(%dma_start3A_382 : memref<32x768xf32, #tpu.memory_space<hbm>>) target_semaphore(%arg19 : memref<!tpu.dma_semaphore, #tpu.memory_space<semaphore_mem>>)
    %add3A_383 = arith.constant 768 : i32
    %add3A_384 = arith.addi %mul3A_2, %add3A_383 : i32
    %dma_start3A_385 = arith.constant 0 : i32
    %dma_start3A_386 = tpu.memref_slice %arg9[%add3A_384, %dma_start3A_385] : memref<32768x768xf32, #tpu.memory_space<hbm>> -> memref<32x768xf32, #tpu.memory_space<hbm>>
    %dma_start3A_387 = arith.constant 0 : i32
    %dma_start3A_388 = tpu.memref_slice %arg9[%add3A_384, %dma_start3A_387] : memref<32768x768xf32, #tpu.memory_space<hbm>> -> memref<32x768xf32, #tpu.memory_space<hbm>>
    tpu.enqueue_dma source(%arg17 : memref<32x768xf32, #tpu.memory_space<vmem>>) target(%dma_start3A_388 : memref<32x768xf32, #tpu.memory_space<hbm>>) target_semaphore(%arg19 : memref<!tpu.dma_semaphore, #tpu.memory_space<semaphore_mem>>)
    %add3A_389 = arith.constant 800 : i32
    %add3A_390 = arith.addi %mul3A_2, %add3A_389 : i32
    %dma_start3A_391 = arith.constant 0 : i32
    %dma_start3A_392 = tpu.memref_slice %arg9[%add3A_390, %dma_start3A_391] : memref<32768x768xf32, #tpu.memory_space<hbm>> -> memref<32x768xf32, #tpu.memory_space<hbm>>
    %dma_start3A_393 = arith.constant 0 : i32
    %dma_start3A_394 = tpu.memref_slice %arg9[%add3A_390, %dma_start3A_393] : memref<32768x768xf32, #tpu.memory_space<hbm>> -> memref<32x768xf32, #tpu.memory_space<hbm>>
    tpu.enqueue_dma source(%arg17 : memref<32x768xf32, #tpu.memory_space<vmem>>) target(%dma_start3A_394 : memref<32x768xf32, #tpu.memory_space<hbm>>) target_semaphore(%arg19 : memref<!tpu.dma_semaphore, #tpu.memory_space<semaphore_mem>>)
    %add3A_395 = arith.constant 832 : i32
    %add3A_396 = arith.addi %mul3A_2, %add3A_395 : i32
    %dma_start3A_397 = arith.constant 0 : i32
    %dma_start3A_398 = tpu.memref_slice %arg9[%add3A_396, %dma_start3A_397] : memref<32768x768xf32, #tpu.memory_space<hbm>> -> memref<32x768xf32, #tpu.memory_space<hbm>>
    %dma_start3A_399 = arith.constant 0 : i32
    %dma_start3A_400 = tpu.memref_slice %arg9[%add3A_396, %dma_start3A_399] : memref<32768x768xf32, #tpu.memory_space<hbm>> -> memref<32x768xf32, #tpu.memory_space<hbm>>
    tpu.enqueue_dma source(%arg17 : memref<32x768xf32, #tpu.memory_space<vmem>>) target(%dma_start3A_400 : memref<32x768xf32, #tpu.memory_space<hbm>>) target_semaphore(%arg19 : memref<!tpu.dma_semaphore, #tpu.memory_space<semaphore_mem>>)
    %add3A_401 = arith.constant 864 : i32
    %add3A_402 = arith.addi %mul3A_2, %add3A_401 : i32
    %dma_start3A_403 = arith.constant 0 : i32
    %dma_start3A_404 = tpu.memref_slice %arg9[%add3A_402, %dma_start3A_403] : memref<32768x768xf32, #tpu.memory_space<hbm>> -> memref<32x768xf32, #tpu.memory_space<hbm>>
    %dma_start3A_405 = arith.constant 0 : i32
    %dma_start3A_406 = tpu.memref_slice %arg9[%add3A_402, %dma_start3A_405] : memref<32768x768xf32, #tpu.memory_space<hbm>> -> memref<32x768xf32, #tpu.memory_space<hbm>>
    tpu.enqueue_dma source(%arg17 : memref<32x768xf32, #tpu.memory_space<vmem>>) target(%dma_start3A_406 : memref<32x768xf32, #tpu.memory_space<hbm>>) target_semaphore(%arg19 : memref<!tpu.dma_semaphore, #tpu.memory_space<semaphore_mem>>)
    %add3A_407 = arith.constant 896 : i32
    %add3A_408 = arith.addi %mul3A_2, %add3A_407 : i32
    %dma_start3A_409 = arith.constant 0 : i32
    %dma_start3A_410 = tpu.memref_slice %arg9[%add3A_408, %dma_start3A_409] : memref<32768x768xf32, #tpu.memory_space<hbm>> -> memref<32x768xf32, #tpu.memory_space<hbm>>
    %dma_start3A_411 = arith.constant 0 : i32
    %dma_start3A_412 = tpu.memref_slice %arg9[%add3A_408, %dma_start3A_411] : memref<32768x768xf32, #tpu.memory_space<hbm>> -> memref<32x768xf32, #tpu.memory_space<hbm>>
    tpu.enqueue_dma source(%arg17 : memref<32x768xf32, #tpu.memory_space<vmem>>) target(%dma_start3A_412 : memref<32x768xf32, #tpu.memory_space<hbm>>) target_semaphore(%arg19 : memref<!tpu.dma_semaphore, #tpu.memory_space<semaphore_mem>>)
    %add3A_413 = arith.constant 928 : i32
    %add3A_414 = arith.addi %mul3A_2, %add3A_413 : i32
    %dma_start3A_415 = arith.constant 0 : i32
    %dma_start3A_416 = tpu.memref_slice %arg9[%add3A_414, %dma_start3A_415] : memref<32768x768xf32, #tpu.memory_space<hbm>> -> memref<32x768xf32, #tpu.memory_space<hbm>>
    %dma_start3A_417 = arith.constant 0 : i32
    %dma_start3A_418 = tpu.memref_slice %arg9[%add3A_414, %dma_start3A_417] : memref<32768x768xf32, #tpu.memory_space<hbm>> -> memref<32x768xf32, #tpu.memory_space<hbm>>
    tpu.enqueue_dma source(%arg17 : memref<32x768xf32, #tpu.memory_space<vmem>>) target(%dma_start3A_418 : memref<32x768xf32, #tpu.memory_space<hbm>>) target_semaphore(%arg19 : memref<!tpu.dma_semaphore, #tpu.memory_space<semaphore_mem>>)
    %add3A_419 = arith.constant 960 : i32
    %add3A_420 = arith.addi %mul3A_2, %add3A_419 : i32
    %dma_start3A_421 = arith.constant 0 : i32
    %dma_start3A_422 = tpu.memref_slice %arg9[%add3A_420, %dma_start3A_421] : memref<32768x768xf32, #tpu.memory_space<hbm>> -> memref<32x768xf32, #tpu.memory_space<hbm>>
    %dma_start3A_423 = arith.constant 0 : i32
    %dma_start3A_424 = tpu.memref_slice %arg9[%add3A_420, %dma_start3A_423] : memref<32768x768xf32, #tpu.memory_space<hbm>> -> memref<32x768xf32, #tpu.memory_space<hbm>>
    tpu.enqueue_dma source(%arg17 : memref<32x768xf32, #tpu.memory_space<vmem>>) target(%dma_start3A_424 : memref<32x768xf32, #tpu.memory_space<hbm>>) target_semaphore(%arg19 : memref<!tpu.dma_semaphore, #tpu.memory_space<semaphore_mem>>)
    %add3A_425 = arith.constant 992 : i32
    %add3A_426 = arith.addi %mul3A_2, %add3A_425 : i32
    %dma_start3A_427 = arith.constant 0 : i32
    %dma_start3A_428 = tpu.memref_slice %arg9[%add3A_426, %dma_start3A_427] : memref<32768x768xf32, #tpu.memory_space<hbm>> -> memref<32x768xf32, #tpu.memory_space<hbm>>
    %dma_start3A_429 = arith.constant 0 : i32
    %dma_start3A_430 = tpu.memref_slice %arg9[%add3A_426, %dma_start3A_429] : memref<32768x768xf32, #tpu.memory_space<hbm>> -> memref<32x768xf32, #tpu.memory_space<hbm>>
    tpu.enqueue_dma source(%arg17 : memref<32x768xf32, #tpu.memory_space<vmem>>) target(%dma_start3A_430 : memref<32x768xf32, #tpu.memory_space<hbm>>) target_semaphore(%arg19 : memref<!tpu.dma_semaphore, #tpu.memory_space<semaphore_mem>>)
    %gt3A = arith.constant 0 : i32
    %gt3A_431 = arith.cmpi sgt, %reduce_max3A_16, %gt3A : i32
    %convert_element_type3A = arith.extui %gt3A_431 : i1 to i32
    %cond3A = arith.constant 0 : i32
    %cond3A_432 = arith.cmpi ne, %convert_element_type3A, %cond3A : i32
    scf.if %cond3A_432 {
      %dma_start3A_575 = arith.constant 0 : i32
      %dma_start3A_576 = arith.constant 0 : i32
      %dma_start3A_577 = tpu.memref_slice %arg11[%dma_start3A_575, %dma_start3A_576] : memref<2x64xi32, #tpu.memory_space<vmem>> -> memref<1x64xi32, #tpu.memory_space<vmem>>
      %dma_start3A_578 = tpu.memref_squeeze %dma_start3A_577 : memref<1x64xi32, #tpu.memory_space<vmem>> -> memref<64xi32, #tpu.memory_space<vmem>>
      %dma_start3A_579 = arith.constant 0 : i32
      %dma_start3A_580 = arith.constant 0 : i32
      %dma_start3A_581 = tpu.memref_slice %arg2[%dma_start3A_579, %dma_start3A_580] : memref<2304x768xf32, #tpu.memory_space<hbm>> -> memref<2304x768xf32, #tpu.memory_space<hbm>>
      tpu.enqueue_indirect_dma source(%dma_start3A_581 : memref<2304x768xf32, #tpu.memory_space<hbm>>) target(%arg15 : memref<64x768xf32, #tpu.memory_space<vmem>>) offsets(%dma_start3A_578 : memref<64xi32, #tpu.memory_space<vmem>>) semaphore(%arg18 : memref<!tpu.dma_semaphore, #tpu.memory_space<semaphore_mem>>)
      %dma_start3A_582 = arith.constant 0 : i32
      %dma_start3A_583 = arith.constant 0 : i32
      %dma_start3A_584 = tpu.memref_slice %arg12[%dma_start3A_582, %dma_start3A_583] : memref<2x64xi32, #tpu.memory_space<vmem>> -> memref<1x64xi32, #tpu.memory_space<vmem>>
      %dma_start3A_585 = tpu.memref_squeeze %dma_start3A_584 : memref<1x64xi32, #tpu.memory_space<vmem>> -> memref<64xi32, #tpu.memory_space<vmem>>
      %dma_start3A_586 = arith.constant 0 : i32
      %dma_start3A_587 = arith.constant 0 : i32
      %dma_start3A_588 = tpu.memref_slice %arg3[%dma_start3A_586, %dma_start3A_587] : memref<2304x768xf32, #tpu.memory_space<hbm>> -> memref<2304x768xf32, #tpu.memory_space<hbm>>
      tpu.enqueue_indirect_dma source(%dma_start3A_588 : memref<2304x768xf32, #tpu.memory_space<hbm>>) target(%arg16 : memref<64x768xf32, #tpu.memory_space<vmem>>) offsets(%dma_start3A_585 : memref<64xi32, #tpu.memory_space<vmem>>) semaphore(%arg18 : memref<!tpu.dma_semaphore, #tpu.memory_space<semaphore_mem>>)
      %dma_wait3A_589 = arith.constant 0 : i32
      %dma_wait3A_590 = arith.constant 0 : i32
      %dma_wait3A_591 = tpu.memref_slice %arg11[%dma_wait3A_589, %dma_wait3A_590] : memref<2x64xi32, #tpu.memory_space<vmem>> -> memref<1x64xi32, #tpu.memory_space<vmem>>
      %dma_wait3A_592 = tpu.memref_squeeze %dma_wait3A_591 : memref<1x64xi32, #tpu.memory_space<vmem>> -> memref<64xi32, #tpu.memory_space<vmem>>
      %dma_wait3A_593 = arith.constant 0 : i32
      %dma_wait3A_594 = arith.constant 0 : i32
      %dma_wait3A_595 = tpu.memref_slice %arg2[%dma_wait3A_593, %dma_wait3A_594] : memref<2304x768xf32, #tpu.memory_space<hbm>> -> memref<2304x768xf32, #tpu.memory_space<hbm>>
      tpu.wait_indirect_dma semaphore(%arg18 : memref<!tpu.dma_semaphore, #tpu.memory_space<semaphore_mem>>) src(%dma_wait3A_595 : memref<2304x768xf32, #tpu.memory_space<hbm>>) dst(%arg15 : memref<64x768xf32, #tpu.memory_space<vmem>>)
      %dma_wait3A_596 = arith.constant 0 : i32
      %dma_wait3A_597 = arith.constant 0 : i32
      %dma_wait3A_598 = tpu.memref_slice %arg12[%dma_wait3A_596, %dma_wait3A_597] : memref<2x64xi32, #tpu.memory_space<vmem>> -> memref<1x64xi32, #tpu.memory_space<vmem>>
      %dma_wait3A_599 = tpu.memref_squeeze %dma_wait3A_598 : memref<1x64xi32, #tpu.memory_space<vmem>> -> memref<64xi32, #tpu.memory_space<vmem>>
      %dma_wait3A_600 = arith.constant 0 : i32
      %dma_wait3A_601 = arith.constant 0 : i32
      %dma_wait3A_602 = tpu.memref_slice %arg3[%dma_wait3A_600, %dma_wait3A_601] : memref<2304x768xf32, #tpu.memory_space<hbm>> -> memref<2304x768xf32, #tpu.memory_space<hbm>>
      tpu.wait_indirect_dma semaphore(%arg18 : memref<!tpu.dma_semaphore, #tpu.memory_space<semaphore_mem>>) src(%dma_wait3A_602 : memref<2304x768xf32, #tpu.memory_space<hbm>>) dst(%arg16 : memref<64x768xf32, #tpu.memory_space<vmem>>)
      %scan3A_603 = arith.constant 0 : i32
      %scan3A_604 = arith.constant 0 : i32
      %scan3A_605 = arith.constant 64 : i32
      %scan3A_606 = arith.addi %scan3A_604, %scan3A_605 : i32
      %scan3A_607 = arith.constant 1 : i32
      %scan3A_608 = scf.for %scan3A_610 = %scan3A_604 to %scan3A_606 step %scan3A_607 iter_args(%scan3A_611 = %scan3A_603) -> (i32)  : i32 {
        %broadcast_in_dim3A_612 = arith.constant 0 : i32
        %broadcast_in_dim3A_613 = vector.broadcast %broadcast_in_dim3A_612 : i32 to vector<16xi32>
        %add3A_614 = arith.constant 0 : i32
        %add3A_615 = vector.broadcast %add3A_614 : i32 to vector<16xi32>
        %add3A_616 = arith.addi %broadcast_in_dim3A_613, %add3A_615 : vector<16xi32>
        %broadcast_in_dim3A_617 = arith.constant 0 : i32
        %broadcast_in_dim3A_618 = vector.broadcast %broadcast_in_dim3A_617 : i32 to vector<16xi32>
        %add3A_619 = vector.broadcast %scan3A_610 : i32 to vector<16xi32>
        %add3A_620 = arith.addi %broadcast_in_dim3A_618, %add3A_619 : vector<16xi32>
        %gather3A = tpu.vector_load_idx %arg13[%add3A_616, %add3A_620] : memref<2x64xf32, #tpu.memory_space<vmem>>[vector<16xi32>, vector<16xi32>], vector<16xf32>,
        %scan3A_621 = arith.constant 0 : i32
        %scan3A_622 = arith.constant 0 : i32
        %scan3A_623 = arith.constant 16 : i32
        %scan3A_624 = arith.addi %scan3A_622, %scan3A_623 : i32
        %scan3A_625 = arith.constant 1 : i32
        %scan3A_626 = scf.for %scan3A_629 = %scan3A_622 to %scan3A_624 step %scan3A_625 iter_args(%scan3A_630 = %scan3A_621) -> (i32)  : i32 {
          %mul3A_631 = arith.constant 3 : i32
          %mul3A_632 = arith.muli %scan3A_629, %mul3A_631 : i32
          %mul3A_633 = arith.constant 16 : i32
          %mul3A_634 = arith.muli %mul3A_632, %mul3A_633 : i32
          %add3A_635 = arith.constant 0 : i32
          %add3A_636 = arith.addi %mul3A_634, %add3A_635 : i32
          %get3A_637 = arith.index_cast %scan3A_610 : i32 to index
          %get3A_638 = arith.index_cast %add3A_636 : i32 to index
          %get3A_639 = tpu.vector_load %arg15[%get3A_637, %get3A_638] {strides = array<i32>} : memref<64x768xf32, #tpu.memory_space<vmem>>, vector<16xf32>,
          %get3A_640 = arith.index_cast %scan3A_610 : i32 to index
          %get3A_641 = arith.index_cast %add3A_636 : i32 to index
          %get3A_642 = tpu.vector_load %arg16[%get3A_640, %get3A_641] {strides = array<i32>} : memref<64x768xf32, #tpu.memory_space<vmem>>, vector<16xf32>,
          %sub3A = arith.subf %get3A_639, %get3A_642 : vector<16xf32>
          %mul3A_643 = arith.mulf %gather3A, %sub3A : vector<16xf32>
          %add3A_644 = arith.addf %get3A_642, %mul3A_643 : vector<16xf32>
          %swap3A = arith.index_cast %scan3A_610 : i32 to index
          %swap3A_645 = arith.index_cast %add3A_636 : i32 to index
          %swap3A_646 = tpu.vector_load %arg15[%swap3A, %swap3A_645] {strides = array<i32>} : memref<64x768xf32, #tpu.memory_space<vmem>>, vector<16xf32>,
          tpu.vector_store %arg15[%swap3A, %swap3A_645], %add3A_644 {strides = array<i32>} : memref<64x768xf32, #tpu.memory_space<vmem>>, vector<16xf32>,
          %mul3A_647 = arith.constant 3 : i32
          %mul3A_648 = arith.muli %scan3A_629, %mul3A_647 : i32
          %mul3A_649 = arith.constant 16 : i32
          %mul3A_650 = arith.muli %mul3A_648, %mul3A_649 : i32
          %add3A_651 = arith.constant 16 : i32
          %add3A_652 = arith.addi %mul3A_650, %add3A_651 : i32
          %get3A_653 = arith.index_cast %scan3A_610 : i32 to index
          %get3A_654 = arith.index_cast %add3A_652 : i32 to index
          %get3A_655 = tpu.vector_load %arg15[%get3A_653, %get3A_654] {strides = array<i32>} : memref<64x768xf32, #tpu.memory_space<vmem>>, vector<16xf32>,
          %get3A_656 = arith.index_cast %scan3A_610 : i32 to index
          %get3A_657 = arith.index_cast %add3A_652 : i32 to index
          %get3A_658 = tpu.vector_load %arg16[%get3A_656, %get3A_657] {strides = array<i32>} : memref<64x768xf32, #tpu.memory_space<vmem>>, vector<16xf32>,
          %sub3A_659 = arith.subf %get3A_655, %get3A_658 : vector<16xf32>
          %mul3A_660 = arith.mulf %gather3A, %sub3A_659 : vector<16xf32>
          %add3A_661 = arith.addf %get3A_658, %mul3A_660 : vector<16xf32>
          %swap3A_662 = arith.index_cast %scan3A_610 : i32 to index
          %swap3A_663 = arith.index_cast %add3A_652 : i32 to index
          %swap3A_664 = tpu.vector_load %arg15[%swap3A_662, %swap3A_663] {strides = array<i32>} : memref<64x768xf32, #tpu.memory_space<vmem>>, vector<16xf32>,
          tpu.vector_store %arg15[%swap3A_662, %swap3A_663], %add3A_661 {strides = array<i32>} : memref<64x768xf32, #tpu.memory_space<vmem>>, vector<16xf32>,
          %mul3A_665 = arith.constant 3 : i32
          %mul3A_666 = arith.muli %scan3A_629, %mul3A_665 : i32
          %mul3A_667 = arith.constant 16 : i32
          %mul3A_668 = arith.muli %mul3A_666, %mul3A_667 : i32
          %add3A_669 = arith.constant 32 : i32
          %add3A_670 = arith.addi %mul3A_668, %add3A_669 : i32
          %get3A_671 = arith.index_cast %scan3A_610 : i32 to index
          %get3A_672 = arith.index_cast %add3A_670 : i32 to index
          %get3A_673 = tpu.vector_load %arg15[%get3A_671, %get3A_672] {strides = array<i32>} : memref<64x768xf32, #tpu.memory_space<vmem>>, vector<16xf32>,
          %get3A_674 = arith.index_cast %scan3A_610 : i32 to index
          %get3A_675 = arith.index_cast %add3A_670 : i32 to index
          %get3A_676 = tpu.vector_load %arg16[%get3A_674, %get3A_675] {strides = array<i32>} : memref<64x768xf32, #tpu.memory_space<vmem>>, vector<16xf32>,
          %sub3A_677 = arith.subf %get3A_673, %get3A_676 : vector<16xf32>
          %mul3A_678 = arith.mulf %gather3A, %sub3A_677 : vector<16xf32>
          %add3A_679 = arith.addf %get3A_676, %mul3A_678 : vector<16xf32>
          %swap3A_680 = arith.index_cast %scan3A_610 : i32 to index
          %swap3A_681 = arith.index_cast %add3A_670 : i32 to index
          %swap3A_682 = tpu.vector_load %arg15[%swap3A_680, %swap3A_681] {strides = array<i32>} : memref<64x768xf32, #tpu.memory_space<vmem>>, vector<16xf32>,
          tpu.vector_store %arg15[%swap3A_680, %swap3A_681], %add3A_679 {strides = array<i32>} : memref<64x768xf32, #tpu.memory_space<vmem>>, vector<16xf32>,
          %scan3A_683 = arith.constant 0 : i32
          scf.yield %scan3A_683 : i32
        }
        %scan3A_627 = arith.constant 16 : i32
        %scan3A_628 = arith.constant 0 : i32
        scf.yield %scan3A_628 : i32
      }
      %scan3A_609 = arith.constant 64 : i32
    } else {
    }
    %dma_wait3A = arith.constant 0 : i32
    %dma_wait3A_433 = tpu.memref_slice %arg9[%add3A_241, %dma_wait3A] : memref<32768x768xf32, #tpu.memory_space<hbm>> -> memref<32x768xf32, #tpu.memory_space<hbm>>
    %dma_wait3A_434 = arith.constant 0 : i32
    %dma_wait3A_435 = tpu.memref_slice %arg9[%add3A_241, %dma_wait3A_434] : memref<32768x768xf32, #tpu.memory_space<hbm>> -> memref<32x768xf32, #tpu.memory_space<hbm>>
    tpu.wait_dma2 semaphore(%arg19 : memref<!tpu.dma_semaphore, #tpu.memory_space<semaphore_mem>>) src(%arg17 : memref<32x768xf32, #tpu.memory_space<vmem>>) dst(%dma_wait3A_435 : memref<32x768xf32, #tpu.memory_space<hbm>>)
    %dma_wait3A_436 = arith.constant 0 : i32
    %dma_wait3A_437 = tpu.memref_slice %arg9[%add3A_246, %dma_wait3A_436] : memref<32768x768xf32, #tpu.memory_space<hbm>> -> memref<32x768xf32, #tpu.memory_space<hbm>>
    %dma_wait3A_438 = arith.constant 0 : i32
    %dma_wait3A_439 = tpu.memref_slice %arg9[%add3A_246, %dma_wait3A_438] : memref<32768x768xf32, #tpu.memory_space<hbm>> -> memref<32x768xf32, #tpu.memory_space<hbm>>
    tpu.wait_dma2 semaphore(%arg19 : memref<!tpu.dma_semaphore, #tpu.memory_space<semaphore_mem>>) src(%arg17 : memref<32x768xf32, #tpu.memory_space<vmem>>) dst(%dma_wait3A_439 : memref<32x768xf32, #tpu.memory_space<hbm>>)
    %dma_wait3A_440 = arith.constant 0 : i32
    %dma_wait3A_441 = tpu.memref_slice %arg9[%add3A_252, %dma_wait3A_440] : memref<32768x768xf32, #tpu.memory_space<hbm>> -> memref<32x768xf32, #tpu.memory_space<hbm>>
    %dma_wait3A_442 = arith.constant 0 : i32
    %dma_wait3A_443 = tpu.memref_slice %arg9[%add3A_252, %dma_wait3A_442] : memref<32768x768xf32, #tpu.memory_space<hbm>> -> memref<32x768xf32, #tpu.memory_space<hbm>>
    tpu.wait_dma2 semaphore(%arg19 : memref<!tpu.dma_semaphore, #tpu.memory_space<semaphore_mem>>) src(%arg17 : memref<32x768xf32, #tpu.memory_space<vmem>>) dst(%dma_wait3A_443 : memref<32x768xf32, #tpu.memory_space<hbm>>)
    %dma_wait3A_444 = arith.constant 0 : i32
    %dma_wait3A_445 = tpu.memref_slice %arg9[%add3A_258, %dma_wait3A_444] : memref<32768x768xf32, #tpu.memory_space<hbm>> -> memref<32x768xf32, #tpu.memory_space<hbm>>
    %dma_wait3A_446 = arith.constant 0 : i32
    %dma_wait3A_447 = tpu.memref_slice %arg9[%add3A_258, %dma_wait3A_446] : memref<32768x768xf32, #tpu.memory_space<hbm>> -> memref<32x768xf32, #tpu.memory_space<hbm>>
    tpu.wait_dma2 semaphore(%arg19 : memref<!tpu.dma_semaphore, #tpu.memory_space<semaphore_mem>>) src(%arg17 : memref<32x768xf32, #tpu.memory_space<vmem>>) dst(%dma_wait3A_447 : memref<32x768xf32, #tpu.memory_space<hbm>>)
    %dma_wait3A_448 = arith.constant 0 : i32
    %dma_wait3A_449 = tpu.memref_slice %arg9[%add3A_264, %dma_wait3A_448] : memref<32768x768xf32, #tpu.memory_space<hbm>> -> memref<32x768xf32, #tpu.memory_space<hbm>>
    %dma_wait3A_450 = arith.constant 0 : i32
    %dma_wait3A_451 = tpu.memref_slice %arg9[%add3A_264, %dma_wait3A_450] : memref<32768x768xf32, #tpu.memory_space<hbm>> -> memref<32x768xf32, #tpu.memory_space<hbm>>
    tpu.wait_dma2 semaphore(%arg19 : memref<!tpu.dma_semaphore, #tpu.memory_space<semaphore_mem>>) src(%arg17 : memref<32x768xf32, #tpu.memory_space<vmem>>) dst(%dma_wait3A_451 : memref<32x768xf32, #tpu.memory_space<hbm>>)
    %dma_wait3A_452 = arith.constant 0 : i32
    %dma_wait3A_453 = tpu.memref_slice %arg9[%add3A_270, %dma_wait3A_452] : memref<32768x768xf32, #tpu.memory_space<hbm>> -> memref<32x768xf32, #tpu.memory_space<hbm>>
    %dma_wait3A_454 = arith.constant 0 : i32
    %dma_wait3A_455 = tpu.memref_slice %arg9[%add3A_270, %dma_wait3A_454] : memref<32768x768xf32, #tpu.memory_space<hbm>> -> memref<32x768xf32, #tpu.memory_space<hbm>>
    tpu.wait_dma2 semaphore(%arg19 : memref<!tpu.dma_semaphore, #tpu.memory_space<semaphore_mem>>) src(%arg17 : memref<32x768xf32, #tpu.memory_space<vmem>>) dst(%dma_wait3A_455 : memref<32x768xf32, #tpu.memory_space<hbm>>)
    %dma_wait3A_456 = arith.constant 0 : i32
    %dma_wait3A_457 = tpu.memref_slice %arg9[%add3A_276, %dma_wait3A_456] : memref<32768x768xf32, #tpu.memory_space<hbm>> -> memref<32x768xf32, #tpu.memory_space<hbm>>
    %dma_wait3A_458 = arith.constant 0 : i32
    %dma_wait3A_459 = tpu.memref_slice %arg9[%add3A_276, %dma_wait3A_458] : memref<32768x768xf32, #tpu.memory_space<hbm>> -> memref<32x768xf32, #tpu.memory_space<hbm>>
    tpu.wait_dma2 semaphore(%arg19 : memref<!tpu.dma_semaphore, #tpu.memory_space<semaphore_mem>>) src(%arg17 : memref<32x768xf32, #tpu.memory_space<vmem>>) dst(%dma_wait3A_459 : memref<32x768xf32, #tpu.memory_space<hbm>>)
    %dma_wait3A_460 = arith.constant 0 : i32
    %dma_wait3A_461 = tpu.memref_slice %arg9[%add3A_282, %dma_wait3A_460] : memref<32768x768xf32, #tpu.memory_space<hbm>> -> memref<32x768xf32, #tpu.memory_space<hbm>>
    %dma_wait3A_462 = arith.constant 0 : i32
    %dma_wait3A_463 = tpu.memref_slice %arg9[%add3A_282, %dma_wait3A_462] : memref<32768x768xf32, #tpu.memory_space<hbm>> -> memref<32x768xf32, #tpu.memory_space<hbm>>
    tpu.wait_dma2 semaphore(%arg19 : memref<!tpu.dma_semaphore, #tpu.memory_space<semaphore_mem>>) src(%arg17 : memref<32x768xf32, #tpu.memory_space<vmem>>) dst(%dma_wait3A_463 : memref<32x768xf32, #tpu.memory_space<hbm>>)
    %dma_wait3A_464 = arith.constant 0 : i32
    %dma_wait3A_465 = tpu.memref_slice %arg9[%add3A_288, %dma_wait3A_464] : memref<32768x768xf32, #tpu.memory_space<hbm>> -> memref<32x768xf32, #tpu.memory_space<hbm>>
    %dma_wait3A_466 = arith.constant 0 : i32
    %dma_wait3A_467 = tpu.memref_slice %arg9[%add3A_288, %dma_wait3A_466] : memref<32768x768xf32, #tpu.memory_space<hbm>> -> memref<32x768xf32, #tpu.memory_space<hbm>>
    tpu.wait_dma2 semaphore(%arg19 : memref<!tpu.dma_semaphore, #tpu.memory_space<semaphore_mem>>) src(%arg17 : memref<32x768xf32, #tpu.memory_space<vmem>>) dst(%dma_wait3A_467 : memref<32x768xf32, #tpu.memory_space<hbm>>)
    %dma_wait3A_468 = arith.constant 0 : i32
    %dma_wait3A_469 = tpu.memref_slice %arg9[%add3A_294, %dma_wait3A_468] : memref<32768x768xf32, #tpu.memory_space<hbm>> -> memref<32x768xf32, #tpu.memory_space<hbm>>
    %dma_wait3A_470 = arith.constant 0 : i32
    %dma_wait3A_471 = tpu.memref_slice %arg9[%add3A_294, %dma_wait3A_470] : memref<32768x768xf32, #tpu.memory_space<hbm>> -> memref<32x768xf32, #tpu.memory_space<hbm>>
    tpu.wait_dma2 semaphore(%arg19 : memref<!tpu.dma_semaphore, #tpu.memory_space<semaphore_mem>>) src(%arg17 : memref<32x768xf32, #tpu.memory_space<vmem>>) dst(%dma_wait3A_471 : memref<32x768xf32, #tpu.memory_space<hbm>>)
    %dma_wait3A_472 = arith.constant 0 : i32
    %dma_wait3A_473 = tpu.memref_slice %arg9[%add3A_300, %dma_wait3A_472] : memref<32768x768xf32, #tpu.memory_space<hbm>> -> memref<32x768xf32, #tpu.memory_space<hbm>>
    %dma_wait3A_474 = arith.constant 0 : i32
    %dma_wait3A_475 = tpu.memref_slice %arg9[%add3A_300, %dma_wait3A_474] : memref<32768x768xf32, #tpu.memory_space<hbm>> -> memref<32x768xf32, #tpu.memory_space<hbm>>
    tpu.wait_dma2 semaphore(%arg19 : memref<!tpu.dma_semaphore, #tpu.memory_space<semaphore_mem>>) src(%arg17 : memref<32x768xf32, #tpu.memory_space<vmem>>) dst(%dma_wait3A_475 : memref<32x768xf32, #tpu.memory_space<hbm>>)
    %dma_wait3A_476 = arith.constant 0 : i32
    %dma_wait3A_477 = tpu.memref_slice %arg9[%add3A_306, %dma_wait3A_476] : memref<32768x768xf32, #tpu.memory_space<hbm>> -> memref<32x768xf32, #tpu.memory_space<hbm>>
    %dma_wait3A_478 = arith.constant 0 : i32
    %dma_wait3A_479 = tpu.memref_slice %arg9[%add3A_306, %dma_wait3A_478] : memref<32768x768xf32, #tpu.memory_space<hbm>> -> memref<32x768xf32, #tpu.memory_space<hbm>>
    tpu.wait_dma2 semaphore(%arg19 : memref<!tpu.dma_semaphore, #tpu.memory_space<semaphore_mem>>) src(%arg17 : memref<32x768xf32, #tpu.memory_space<vmem>>) dst(%dma_wait3A_479 : memref<32x768xf32, #tpu.memory_space<hbm>>)
    %dma_wait3A_480 = arith.constant 0 : i32
    %dma_wait3A_481 = tpu.memref_slice %arg9[%add3A_312, %dma_wait3A_480] : memref<32768x768xf32, #tpu.memory_space<hbm>> -> memref<32x768xf32, #tpu.memory_space<hbm>>
    %dma_wait3A_482 = arith.constant 0 : i32
    %dma_wait3A_483 = tpu.memref_slice %arg9[%add3A_312, %dma_wait3A_482] : memref<32768x768xf32, #tpu.memory_space<hbm>> -> memref<32x768xf32, #tpu.memory_space<hbm>>
    tpu.wait_dma2 semaphore(%arg19 : memref<!tpu.dma_semaphore, #tpu.memory_space<semaphore_mem>>) src(%arg17 : memref<32x768xf32, #tpu.memory_space<vmem>>) dst(%dma_wait3A_483 : memref<32x768xf32, #tpu.memory_space<hbm>>)
    %dma_wait3A_484 = arith.constant 0 : i32
    %dma_wait3A_485 = tpu.memref_slice %arg9[%add3A_318, %dma_wait3A_484] : memref<32768x768xf32, #tpu.memory_space<hbm>> -> memref<32x768xf32, #tpu.memory_space<hbm>>
    %dma_wait3A_486 = arith.constant 0 : i32
    %dma_wait3A_487 = tpu.memref_slice %arg9[%add3A_318, %dma_wait3A_486] : memref<32768x768xf32, #tpu.memory_space<hbm>> -> memref<32x768xf32, #tpu.memory_space<hbm>>
    tpu.wait_dma2 semaphore(%arg19 : memref<!tpu.dma_semaphore, #tpu.memory_space<semaphore_mem>>) src(%arg17 : memref<32x768xf32, #tpu.memory_space<vmem>>) dst(%dma_wait3A_487 : memref<32x768xf32, #tpu.memory_space<hbm>>)
    %dma_wait3A_488 = arith.constant 0 : i32
    %dma_wait3A_489 = tpu.memref_slice %arg9[%add3A_324, %dma_wait3A_488] : memref<32768x768xf32, #tpu.memory_space<hbm>> -> memref<32x768xf32, #tpu.memory_space<hbm>>
    %dma_wait3A_490 = arith.constant 0 : i32
    %dma_wait3A_491 = tpu.memref_slice %arg9[%add3A_324, %dma_wait3A_490] : memref<32768x768xf32, #tpu.memory_space<hbm>> -> memref<32x768xf32, #tpu.memory_space<hbm>>
    tpu.wait_dma2 semaphore(%arg19 : memref<!tpu.dma_semaphore, #tpu.memory_space<semaphore_mem>>) src(%arg17 : memref<32x768xf32, #tpu.memory_space<vmem>>) dst(%dma_wait3A_491 : memref<32x768xf32, #tpu.memory_space<hbm>>)
    %dma_wait3A_492 = arith.constant 0 : i32
    %dma_wait3A_493 = tpu.memref_slice %arg9[%add3A_330, %dma_wait3A_492] : memref<32768x768xf32, #tpu.memory_space<hbm>> -> memref<32x768xf32, #tpu.memory_space<hbm>>
    %dma_wait3A_494 = arith.constant 0 : i32
    %dma_wait3A_495 = tpu.memref_slice %arg9[%add3A_330, %dma_wait3A_494] : memref<32768x768xf32, #tpu.memory_space<hbm>> -> memref<32x768xf32, #tpu.memory_space<hbm>>
    tpu.wait_dma2 semaphore(%arg19 : memref<!tpu.dma_semaphore, #tpu.memory_space<semaphore_mem>>) src(%arg17 : memref<32x768xf32, #tpu.memory_space<vmem>>) dst(%dma_wait3A_495 : memref<32x768xf32, #tpu.memory_space<hbm>>)
    %dma_wait3A_496 = arith.constant 0 : i32
    %dma_wait3A_497 = tpu.memref_slice %arg9[%add3A_336, %dma_wait3A_496] : memref<32768x768xf32, #tpu.memory_space<hbm>> -> memref<32x768xf32, #tpu.memory_space<hbm>>
    %dma_wait3A_498 = arith.constant 0 : i32
    %dma_wait3A_499 = tpu.memref_slice %arg9[%add3A_336, %dma_wait3A_498] : memref<32768x768xf32, #tpu.memory_space<hbm>> -> memref<32x768xf32, #tpu.memory_space<hbm>>
    tpu.wait_dma2 semaphore(%arg19 : memref<!tpu.dma_semaphore, #tpu.memory_space<semaphore_mem>>) src(%arg17 : memref<32x768xf32, #tpu.memory_space<vmem>>) dst(%dma_wait3A_499 : memref<32x768xf32, #tpu.memory_space<hbm>>)
    %dma_wait3A_500 = arith.constant 0 : i32
    %dma_wait3A_501 = tpu.memref_slice %arg9[%add3A_342, %dma_wait3A_500] : memref<32768x768xf32, #tpu.memory_space<hbm>> -> memref<32x768xf32, #tpu.memory_space<hbm>>
    %dma_wait3A_502 = arith.constant 0 : i32
    %dma_wait3A_503 = tpu.memref_slice %arg9[%add3A_342, %dma_wait3A_502] : memref<32768x768xf32, #tpu.memory_space<hbm>> -> memref<32x768xf32, #tpu.memory_space<hbm>>
    tpu.wait_dma2 semaphore(%arg19 : memref<!tpu.dma_semaphore, #tpu.memory_space<semaphore_mem>>) src(%arg17 : memref<32x768xf32, #tpu.memory_space<vmem>>) dst(%dma_wait3A_503 : memref<32x768xf32, #tpu.memory_space<hbm>>)
    %dma_wait3A_504 = arith.constant 0 : i32
    %dma_wait3A_505 = tpu.memref_slice %arg9[%add3A_348, %dma_wait3A_504] : memref<32768x768xf32, #tpu.memory_space<hbm>> -> memref<32x768xf32, #tpu.memory_space<hbm>>
    %dma_wait3A_506 = arith.constant 0 : i32
    %dma_wait3A_507 = tpu.memref_slice %arg9[%add3A_348, %dma_wait3A_506] : memref<32768x768xf32, #tpu.memory_space<hbm>> -> memref<32x768xf32, #tpu.memory_space<hbm>>
    tpu.wait_dma2 semaphore(%arg19 : memref<!tpu.dma_semaphore, #tpu.memory_space<semaphore_mem>>) src(%arg17 : memref<32x768xf32, #tpu.memory_space<vmem>>) dst(%dma_wait3A_507 : memref<32x768xf32, #tpu.memory_space<hbm>>)
    %dma_wait3A_508 = arith.constant 0 : i32
    %dma_wait3A_509 = tpu.memref_slice %arg9[%add3A_354, %dma_wait3A_508] : memref<32768x768xf32, #tpu.memory_space<hbm>> -> memref<32x768xf32, #tpu.memory_space<hbm>>
    %dma_wait3A_510 = arith.constant 0 : i32
    %dma_wait3A_511 = tpu.memref_slice %arg9[%add3A_354, %dma_wait3A_510] : memref<32768x768xf32, #tpu.memory_space<hbm>> -> memref<32x768xf32, #tpu.memory_space<hbm>>
    tpu.wait_dma2 semaphore(%arg19 : memref<!tpu.dma_semaphore, #tpu.memory_space<semaphore_mem>>) src(%arg17 : memref<32x768xf32, #tpu.memory_space<vmem>>) dst(%dma_wait3A_511 : memref<32x768xf32, #tpu.memory_space<hbm>>)
    %dma_wait3A_512 = arith.constant 0 : i32
    %dma_wait3A_513 = tpu.memref_slice %arg9[%add3A_360, %dma_wait3A_512] : memref<32768x768xf32, #tpu.memory_space<hbm>> -> memref<32x768xf32, #tpu.memory_space<hbm>>
    %dma_wait3A_514 = arith.constant 0 : i32
    %dma_wait3A_515 = tpu.memref_slice %arg9[%add3A_360, %dma_wait3A_514] : memref<32768x768xf32, #tpu.memory_space<hbm>> -> memref<32x768xf32, #tpu.memory_space<hbm>>
    tpu.wait_dma2 semaphore(%arg19 : memref<!tpu.dma_semaphore, #tpu.memory_space<semaphore_mem>>) src(%arg17 : memref<32x768xf32, #tpu.memory_space<vmem>>) dst(%dma_wait3A_515 : memref<32x768xf32, #tpu.memory_space<hbm>>)
    %dma_wait3A_516 = arith.constant 0 : i32
    %dma_wait3A_517 = tpu.memref_slice %arg9[%add3A_366, %dma_wait3A_516] : memref<32768x768xf32, #tpu.memory_space<hbm>> -> memref<32x768xf32, #tpu.memory_space<hbm>>
    %dma_wait3A_518 = arith.constant 0 : i32
    %dma_wait3A_519 = tpu.memref_slice %arg9[%add3A_366, %dma_wait3A_518] : memref<32768x768xf32, #tpu.memory_space<hbm>> -> memref<32x768xf32, #tpu.memory_space<hbm>>
    tpu.wait_dma2 semaphore(%arg19 : memref<!tpu.dma_semaphore, #tpu.memory_space<semaphore_mem>>) src(%arg17 : memref<32x768xf32, #tpu.memory_space<vmem>>) dst(%dma_wait3A_519 : memref<32x768xf32, #tpu.memory_space<hbm>>)
    %dma_wait3A_520 = arith.constant 0 : i32
    %dma_wait3A_521 = tpu.memref_slice %arg9[%add3A_372, %dma_wait3A_520] : memref<32768x768xf32, #tpu.memory_space<hbm>> -> memref<32x768xf32, #tpu.memory_space<hbm>>
    %dma_wait3A_522 = arith.constant 0 : i32
    %dma_wait3A_523 = tpu.memref_slice %arg9[%add3A_372, %dma_wait3A_522] : memref<32768x768xf32, #tpu.memory_space<hbm>> -> memref<32x768xf32, #tpu.memory_space<hbm>>
    tpu.wait_dma2 semaphore(%arg19 : memref<!tpu.dma_semaphore, #tpu.memory_space<semaphore_mem>>) src(%arg17 : memref<32x768xf32, #tpu.memory_space<vmem>>) dst(%dma_wait3A_523 : memref<32x768xf32, #tpu.memory_space<hbm>>)
    %dma_wait3A_524 = arith.constant 0 : i32
    %dma_wait3A_525 = tpu.memref_slice %arg9[%add3A_378, %dma_wait3A_524] : memref<32768x768xf32, #tpu.memory_space<hbm>> -> memref<32x768xf32, #tpu.memory_space<hbm>>
    %dma_wait3A_526 = arith.constant 0 : i32
    %dma_wait3A_527 = tpu.memref_slice %arg9[%add3A_378, %dma_wait3A_526] : memref<32768x768xf32, #tpu.memory_space<hbm>> -> memref<32x768xf32, #tpu.memory_space<hbm>>
    tpu.wait_dma2 semaphore(%arg19 : memref<!tpu.dma_semaphore, #tpu.memory_space<semaphore_mem>>) src(%arg17 : memref<32x768xf32, #tpu.memory_space<vmem>>) dst(%dma_wait3A_527 : memref<32x768xf32, #tpu.memory_space<hbm>>)
    %dma_wait3A_528 = arith.constant 0 : i32
    %dma_wait3A_529 = tpu.memref_slice %arg9[%add3A_384, %dma_wait3A_528] : memref<32768x768xf32, #tpu.memory_space<hbm>> -> memref<32x768xf32, #tpu.memory_space<hbm>>
    %dma_wait3A_530 = arith.constant 0 : i32
    %dma_wait3A_531 = tpu.memref_slice %arg9[%add3A_384, %dma_wait3A_530] : memref<32768x768xf32, #tpu.memory_space<hbm>> -> memref<32x768xf32, #tpu.memory_space<hbm>>
    tpu.wait_dma2 semaphore(%arg19 : memref<!tpu.dma_semaphore, #tpu.memory_space<semaphore_mem>>) src(%arg17 : memref<32x768xf32, #tpu.memory_space<vmem>>) dst(%dma_wait3A_531 : memref<32x768xf32, #tpu.memory_space<hbm>>)
    %dma_wait3A_532 = arith.constant 0 : i32
    %dma_wait3A_533 = tpu.memref_slice %arg9[%add3A_390, %dma_wait3A_532] : memref<32768x768xf32, #tpu.memory_space<hbm>> -> memref<32x768xf32, #tpu.memory_space<hbm>>
    %dma_wait3A_534 = arith.constant 0 : i32
    %dma_wait3A_535 = tpu.memref_slice %arg9[%add3A_390, %dma_wait3A_534] : memref<32768x768xf32, #tpu.memory_space<hbm>> -> memref<32x768xf32, #tpu.memory_space<hbm>>
    tpu.wait_dma2 semaphore(%arg19 : memref<!tpu.dma_semaphore, #tpu.memory_space<semaphore_mem>>) src(%arg17 : memref<32x768xf32, #tpu.memory_space<vmem>>) dst(%dma_wait3A_535 : memref<32x768xf32, #tpu.memory_space<hbm>>)
    %dma_wait3A_536 = arith.constant 0 : i32
    %dma_wait3A_537 = tpu.memref_slice %arg9[%add3A_396, %dma_wait3A_536] : memref<32768x768xf32, #tpu.memory_space<hbm>> -> memref<32x768xf32, #tpu.memory_space<hbm>>
    %dma_wait3A_538 = arith.constant 0 : i32
    %dma_wait3A_539 = tpu.memref_slice %arg9[%add3A_396, %dma_wait3A_538] : memref<32768x768xf32, #tpu.memory_space<hbm>> -> memref<32x768xf32, #tpu.memory_space<hbm>>
    tpu.wait_dma2 semaphore(%arg19 : memref<!tpu.dma_semaphore, #tpu.memory_space<semaphore_mem>>) src(%arg17 : memref<32x768xf32, #tpu.memory_space<vmem>>) dst(%dma_wait3A_539 : memref<32x768xf32, #tpu.memory_space<hbm>>)
    %dma_wait3A_540 = arith.constant 0 : i32
    %dma_wait3A_541 = tpu.memref_slice %arg9[%add3A_402, %dma_wait3A_540] : memref<32768x768xf32, #tpu.memory_space<hbm>> -> memref<32x768xf32, #tpu.memory_space<hbm>>
    %dma_wait3A_542 = arith.constant 0 : i32
    %dma_wait3A_543 = tpu.memref_slice %arg9[%add3A_402, %dma_wait3A_542] : memref<32768x768xf32, #tpu.memory_space<hbm>> -> memref<32x768xf32, #tpu.memory_space<hbm>>
    tpu.wait_dma2 semaphore(%arg19 : memref<!tpu.dma_semaphore, #tpu.memory_space<semaphore_mem>>) src(%arg17 : memref<32x768xf32, #tpu.memory_space<vmem>>) dst(%dma_wait3A_543 : memref<32x768xf32, #tpu.memory_space<hbm>>)
    %dma_wait3A_544 = arith.constant 0 : i32
    %dma_wait3A_545 = tpu.memref_slice %arg9[%add3A_408, %dma_wait3A_544] : memref<32768x768xf32, #tpu.memory_space<hbm>> -> memref<32x768xf32, #tpu.memory_space<hbm>>
    %dma_wait3A_546 = arith.constant 0 : i32
    %dma_wait3A_547 = tpu.memref_slice %arg9[%add3A_408, %dma_wait3A_546] : memref<32768x768xf32, #tpu.memory_space<hbm>> -> memref<32x768xf32, #tpu.memory_space<hbm>>
    tpu.wait_dma2 semaphore(%arg19 : memref<!tpu.dma_semaphore, #tpu.memory_space<semaphore_mem>>) src(%arg17 : memref<32x768xf32, #tpu.memory_space<vmem>>) dst(%dma_wait3A_547 : memref<32x768xf32, #tpu.memory_space<hbm>>)
    %dma_wait3A_548 = arith.constant 0 : i32
    %dma_wait3A_549 = tpu.memref_slice %arg9[%add3A_414, %dma_wait3A_548] : memref<32768x768xf32, #tpu.memory_space<hbm>> -> memref<32x768xf32, #tpu.memory_space<hbm>>
    %dma_wait3A_550 = arith.constant 0 : i32
    %dma_wait3A_551 = tpu.memref_slice %arg9[%add3A_414, %dma_wait3A_550] : memref<32768x768xf32, #tpu.memory_space<hbm>> -> memref<32x768xf32, #tpu.memory_space<hbm>>
    tpu.wait_dma2 semaphore(%arg19 : memref<!tpu.dma_semaphore, #tpu.memory_space<semaphore_mem>>) src(%arg17 : memref<32x768xf32, #tpu.memory_space<vmem>>) dst(%dma_wait3A_551 : memref<32x768xf32, #tpu.memory_space<hbm>>)
    %dma_wait3A_552 = arith.constant 0 : i32
    %dma_wait3A_553 = tpu.memref_slice %arg9[%add3A_420, %dma_wait3A_552] : memref<32768x768xf32, #tpu.memory_space<hbm>> -> memref<32x768xf32, #tpu.memory_space<hbm>>
    %dma_wait3A_554 = arith.constant 0 : i32
    %dma_wait3A_555 = tpu.memref_slice %arg9[%add3A_420, %dma_wait3A_554] : memref<32768x768xf32, #tpu.memory_space<hbm>> -> memref<32x768xf32, #tpu.memory_space<hbm>>
    tpu.wait_dma2 semaphore(%arg19 : memref<!tpu.dma_semaphore, #tpu.memory_space<semaphore_mem>>) src(%arg17 : memref<32x768xf32, #tpu.memory_space<vmem>>) dst(%dma_wait3A_555 : memref<32x768xf32, #tpu.memory_space<hbm>>)
    %dma_wait3A_556 = arith.constant 0 : i32
    %dma_wait3A_557 = tpu.memref_slice %arg9[%add3A_426, %dma_wait3A_556] : memref<32768x768xf32, #tpu.memory_space<hbm>> -> memref<32x768xf32, #tpu.memory_space<hbm>>
    %dma_wait3A_558 = arith.constant 0 : i32
    %dma_wait3A_559 = tpu.memref_slice %arg9[%add3A_426, %dma_wait3A_558] : memref<32768x768xf32, #tpu.memory_space<hbm>> -> memref<32x768xf32, #tpu.memory_space<hbm>>
    tpu.wait_dma2 semaphore(%arg19 : memref<!tpu.dma_semaphore, #tpu.memory_space<semaphore_mem>>) src(%arg17 : memref<32x768xf32, #tpu.memory_space<vmem>>) dst(%dma_wait3A_559 : memref<32x768xf32, #tpu.memory_space<hbm>>)
    %gt3A_560 = arith.constant 0 : i32
    %gt3A_561 = arith.cmpi sgt, %reduce_max3A_16, %gt3A_560 : i32
    %convert_element_type3A_562 = arith.extui %gt3A_561 : i1 to i32
    %cond3A_563 = arith.constant 0 : i32
    %cond3A_564 = arith.cmpi ne, %convert_element_type3A_562, %cond3A_563 : i32
    scf.if %cond3A_564 {
      %dma_start3A_575 = arith.constant 0 : i32
      %dma_start3A_576 = arith.constant 0 : i32
      %dma_start3A_577 = tpu.memref_slice %arg10[%dma_start3A_575, %dma_start3A_576] : memref<2x64xi32, #tpu.memory_space<vmem>> -> memref<1x64xi32, #tpu.memory_space<vmem>>
      %dma_start3A_578 = tpu.memref_squeeze %dma_start3A_577 : memref<1x64xi32, #tpu.memory_space<vmem>> -> memref<64xi32, #tpu.memory_space<vmem>>
      %dma_start3A_579 = arith.constant 0 : i32
      %dma_start3A_580 = arith.constant 0 : i32
      %dma_start3A_581 = tpu.memref_slice %arg9[%dma_start3A_579, %dma_start3A_580] : memref<32768x768xf32, #tpu.memory_space<hbm>> -> memref<32768x768xf32, #tpu.memory_space<hbm>>
      tpu.enqueue_indirect_dma source(%arg15 : memref<64x768xf32, #tpu.memory_space<vmem>>) target(%dma_start3A_581 : memref<32768x768xf32, #tpu.memory_space<hbm>>) offsets(%dma_start3A_578 : memref<64xi32, #tpu.memory_space<vmem>>) semaphore(%arg18 : memref<!tpu.dma_semaphore, #tpu.memory_space<semaphore_mem>>)
      %dma_wait3A_582 = arith.constant 0 : i32
      %dma_wait3A_583 = arith.constant 0 : i32
      %dma_wait3A_584 = tpu.memref_slice %arg10[%dma_wait3A_582, %dma_wait3A_583] : memref<2x64xi32, #tpu.memory_space<vmem>> -> memref<1x64xi32, #tpu.memory_space<vmem>>
      %dma_wait3A_585 = tpu.memref_squeeze %dma_wait3A_584 : memref<1x64xi32, #tpu.memory_space<vmem>> -> memref<64xi32, #tpu.memory_space<vmem>>
      %dma_wait3A_586 = arith.constant 0 : i32
      %dma_wait3A_587 = arith.constant 0 : i32
      %dma_wait3A_588 = tpu.memref_slice %arg9[%dma_wait3A_586, %dma_wait3A_587] : memref<32768x768xf32, #tpu.memory_space<hbm>> -> memref<32768x768xf32, #tpu.memory_space<hbm>>
      tpu.wait_indirect_dma semaphore(%arg18 : memref<!tpu.dma_semaphore, #tpu.memory_space<semaphore_mem>>) src(%arg15 : memref<64x768xf32, #tpu.memory_space<vmem>>) dst(%dma_wait3A_588 : memref<32768x768xf32, #tpu.memory_space<hbm>>)
    } else {
    }
    %gt3A_565 = arith.constant 64 : i32
    %gt3A_566 = arith.cmpi sgt, %reduce_max3A_16, %gt3A_565 : i32
    %convert_element_type3A_567 = arith.extui %gt3A_566 : i1 to i32
    %cond3A_568 = arith.constant 0 : i32
    %cond3A_569 = arith.cmpi ne, %convert_element_type3A_567, %cond3A_568 : i32
    scf.if %cond3A_569 {
      %dma_start3A_575 = arith.constant 1 : i32
      %dma_start3A_576 = arith.constant 0 : i32
      %dma_start3A_577 = tpu.memref_slice %arg11[%dma_start3A_575, %dma_start3A_576] : memref<2x64xi32, #tpu.memory_space<vmem>> -> memref<1x64xi32, #tpu.memory_space<vmem>>
      %dma_start3A_578 = tpu.memref_squeeze %dma_start3A_577 : memref<1x64xi32, #tpu.memory_space<vmem>> -> memref<64xi32, #tpu.memory_space<vmem>>
      %dma_start3A_579 = arith.constant 0 : i32
      %dma_start3A_580 = arith.constant 0 : i32
      %dma_start3A_581 = tpu.memref_slice %arg2[%dma_start3A_579, %dma_start3A_580] : memref<2304x768xf32, #tpu.memory_space<hbm>> -> memref<2304x768xf32, #tpu.memory_space<hbm>>
      tpu.enqueue_indirect_dma source(%dma_start3A_581 : memref<2304x768xf32, #tpu.memory_space<hbm>>) target(%arg15 : memref<64x768xf32, #tpu.memory_space<vmem>>) offsets(%dma_start3A_578 : memref<64xi32, #tpu.memory_space<vmem>>) semaphore(%arg18 : memref<!tpu.dma_semaphore, #tpu.memory_space<semaphore_mem>>)
      %dma_start3A_582 = arith.constant 1 : i32
      %dma_start3A_583 = arith.constant 0 : i32
      %dma_start3A_584 = tpu.memref_slice %arg12[%dma_start3A_582, %dma_start3A_583] : memref<2x64xi32, #tpu.memory_space<vmem>> -> memref<1x64xi32, #tpu.memory_space<vmem>>
      %dma_start3A_585 = tpu.memref_squeeze %dma_start3A_584 : memref<1x64xi32, #tpu.memory_space<vmem>> -> memref<64xi32, #tpu.memory_space<vmem>>
      %dma_start3A_586 = arith.constant 0 : i32
      %dma_start3A_587 = arith.constant 0 : i32
      %dma_start3A_588 = tpu.memref_slice %arg3[%dma_start3A_586, %dma_start3A_587] : memref<2304x768xf32, #tpu.memory_space<hbm>> -> memref<2304x768xf32, #tpu.memory_space<hbm>>
      tpu.enqueue_indirect_dma source(%dma_start3A_588 : memref<2304x768xf32, #tpu.memory_space<hbm>>) target(%arg16 : memref<64x768xf32, #tpu.memory_space<vmem>>) offsets(%dma_start3A_585 : memref<64xi32, #tpu.memory_space<vmem>>) semaphore(%arg18 : memref<!tpu.dma_semaphore, #tpu.memory_space<semaphore_mem>>)
      %dma_wait3A_589 = arith.constant 1 : i32
      %dma_wait3A_590 = arith.constant 0 : i32
      %dma_wait3A_591 = tpu.memref_slice %arg11[%dma_wait3A_589, %dma_wait3A_590] : memref<2x64xi32, #tpu.memory_space<vmem>> -> memref<1x64xi32, #tpu.memory_space<vmem>>
      %dma_wait3A_592 = tpu.memref_squeeze %dma_wait3A_591 : memref<1x64xi32, #tpu.memory_space<vmem>> -> memref<64xi32, #tpu.memory_space<vmem>>
      %dma_wait3A_593 = arith.constant 0 : i32
      %dma_wait3A_594 = arith.constant 0 : i32
      %dma_wait3A_595 = tpu.memref_slice %arg2[%dma_wait3A_593, %dma_wait3A_594] : memref<2304x768xf32, #tpu.memory_space<hbm>> -> memref<2304x768xf32, #tpu.memory_space<hbm>>
      tpu.wait_indirect_dma semaphore(%arg18 : memref<!tpu.dma_semaphore, #tpu.memory_space<semaphore_mem>>) src(%dma_wait3A_595 : memref<2304x768xf32, #tpu.memory_space<hbm>>) dst(%arg15 : memref<64x768xf32, #tpu.memory_space<vmem>>)
      %dma_wait3A_596 = arith.constant 1 : i32
      %dma_wait3A_597 = arith.constant 0 : i32
      %dma_wait3A_598 = tpu.memref_slice %arg12[%dma_wait3A_596, %dma_wait3A_597] : memref<2x64xi32, #tpu.memory_space<vmem>> -> memref<1x64xi32, #tpu.memory_space<vmem>>
      %dma_wait3A_599 = tpu.memref_squeeze %dma_wait3A_598 : memref<1x64xi32, #tpu.memory_space<vmem>> -> memref<64xi32, #tpu.memory_space<vmem>>
      %dma_wait3A_600 = arith.constant 0 : i32
      %dma_wait3A_601 = arith.constant 0 : i32
      %dma_wait3A_602 = tpu.memref_slice %arg3[%dma_wait3A_600, %dma_wait3A_601] : memref<2304x768xf32, #tpu.memory_space<hbm>> -> memref<2304x768xf32, #tpu.memory_space<hbm>>
      tpu.wait_indirect_dma semaphore(%arg18 : memref<!tpu.dma_semaphore, #tpu.memory_space<semaphore_mem>>) src(%dma_wait3A_602 : memref<2304x768xf32, #tpu.memory_space<hbm>>) dst(%arg16 : memref<64x768xf32, #tpu.memory_space<vmem>>)
      %scan3A_603 = arith.constant 0 : i32
      %scan3A_604 = arith.constant 0 : i32
      %scan3A_605 = arith.constant 64 : i32
      %scan3A_606 = arith.addi %scan3A_604, %scan3A_605 : i32
      %scan3A_607 = arith.constant 1 : i32
      %scan3A_608 = scf.for %scan3A_610 = %scan3A_604 to %scan3A_606 step %scan3A_607 iter_args(%scan3A_611 = %scan3A_603) -> (i32)  : i32 {
        %broadcast_in_dim3A_612 = arith.constant 0 : i32
        %broadcast_in_dim3A_613 = vector.broadcast %broadcast_in_dim3A_612 : i32 to vector<16xi32>
        %add3A_614 = arith.constant 1 : i32
        %add3A_615 = vector.broadcast %add3A_614 : i32 to vector<16xi32>
        %add3A_616 = arith.addi %broadcast_in_dim3A_613, %add3A_615 : vector<16xi32>
        %broadcast_in_dim3A_617 = arith.constant 0 : i32
        %broadcast_in_dim3A_618 = vector.broadcast %broadcast_in_dim3A_617 : i32 to vector<16xi32>
        %add3A_619 = vector.broadcast %scan3A_610 : i32 to vector<16xi32>
        %add3A_620 = arith.addi %broadcast_in_dim3A_618, %add3A_619 : vector<16xi32>
        %gather3A = tpu.vector_load_idx %arg13[%add3A_616, %add3A_620] : memref<2x64xf32, #tpu.memory_space<vmem>>[vector<16xi32>, vector<16xi32>], vector<16xf32>,
        %scan3A_621 = arith.constant 0 : i32
        %scan3A_622 = arith.constant 0 : i32
        %scan3A_623 = arith.constant 16 : i32
        %scan3A_624 = arith.addi %scan3A_622, %scan3A_623 : i32
        %scan3A_625 = arith.constant 1 : i32
        %scan3A_626 = scf.for %scan3A_629 = %scan3A_622 to %scan3A_624 step %scan3A_625 iter_args(%scan3A_630 = %scan3A_621) -> (i32)  : i32 {
          %mul3A_631 = arith.constant 3 : i32
          %mul3A_632 = arith.muli %scan3A_629, %mul3A_631 : i32
          %mul3A_633 = arith.constant 16 : i32
          %mul3A_634 = arith.muli %mul3A_632, %mul3A_633 : i32
          %add3A_635 = arith.constant 0 : i32
          %add3A_636 = arith.addi %mul3A_634, %add3A_635 : i32
          %get3A_637 = arith.index_cast %scan3A_610 : i32 to index
          %get3A_638 = arith.index_cast %add3A_636 : i32 to index
          %get3A_639 = tpu.vector_load %arg15[%get3A_637, %get3A_638] {strides = array<i32>} : memref<64x768xf32, #tpu.memory_space<vmem>>, vector<16xf32>,
          %get3A_640 = arith.index_cast %scan3A_610 : i32 to index
          %get3A_641 = arith.index_cast %add3A_636 : i32 to index
          %get3A_642 = tpu.vector_load %arg16[%get3A_640, %get3A_641] {strides = array<i32>} : memref<64x768xf32, #tpu.memory_space<vmem>>, vector<16xf32>,
          %sub3A = arith.subf %get3A_639, %get3A_642 : vector<16xf32>
          %mul3A_643 = arith.mulf %gather3A, %sub3A : vector<16xf32>
          %add3A_644 = arith.addf %get3A_642, %mul3A_643 : vector<16xf32>
          %swap3A = arith.index_cast %scan3A_610 : i32 to index
          %swap3A_645 = arith.index_cast %add3A_636 : i32 to index
          %swap3A_646 = tpu.vector_load %arg15[%swap3A, %swap3A_645] {strides = array<i32>} : memref<64x768xf32, #tpu.memory_space<vmem>>, vector<16xf32>,
          tpu.vector_store %arg15[%swap3A, %swap3A_645], %add3A_644 {strides = array<i32>} : memref<64x768xf32, #tpu.memory_space<vmem>>, vector<16xf32>,
          %mul3A_647 = arith.constant 3 : i32
          %mul3A_648 = arith.muli %scan3A_629, %mul3A_647 : i32
          %mul3A_649 = arith.constant 16 : i32
          %mul3A_650 = arith.muli %mul3A_648, %mul3A_649 : i32
          %add3A_651 = arith.constant 16 : i32
          %add3A_652 = arith.addi %mul3A_650, %add3A_651 : i32
          %get3A_653 = arith.index_cast %scan3A_610 : i32 to index
          %get3A_654 = arith.index_cast %add3A_652 : i32 to index
          %get3A_655 = tpu.vector_load %arg15[%get3A_653, %get3A_654] {strides = array<i32>} : memref<64x768xf32, #tpu.memory_space<vmem>>, vector<16xf32>,
          %get3A_656 = arith.index_cast %scan3A_610 : i32 to index
          %get3A_657 = arith.index_cast %add3A_652 : i32 to index
          %get3A_658 = tpu.vector_load %arg16[%get3A_656, %get3A_657] {strides = array<i32>} : memref<64x768xf32, #tpu.memory_space<vmem>>, vector<16xf32>,
          %sub3A_659 = arith.subf %get3A_655, %get3A_658 : vector<16xf32>
          %mul3A_660 = arith.mulf %gather3A, %sub3A_659 : vector<16xf32>
          %add3A_661 = arith.addf %get3A_658, %mul3A_660 : vector<16xf32>
          %swap3A_662 = arith.index_cast %scan3A_610 : i32 to index
          %swap3A_663 = arith.index_cast %add3A_652 : i32 to index
          %swap3A_664 = tpu.vector_load %arg15[%swap3A_662, %swap3A_663] {strides = array<i32>} : memref<64x768xf32, #tpu.memory_space<vmem>>, vector<16xf32>,
          tpu.vector_store %arg15[%swap3A_662, %swap3A_663], %add3A_661 {strides = array<i32>} : memref<64x768xf32, #tpu.memory_space<vmem>>, vector<16xf32>,
          %mul3A_665 = arith.constant 3 : i32
          %mul3A_666 = arith.muli %scan3A_629, %mul3A_665 : i32
          %mul3A_667 = arith.constant 16 : i32
          %mul3A_668 = arith.muli %mul3A_666, %mul3A_667 : i32
          %add3A_669 = arith.constant 32 : i32
          %add3A_670 = arith.addi %mul3A_668, %add3A_669 : i32
          %get3A_671 = arith.index_cast %scan3A_610 : i32 to index
          %get3A_672 = arith.index_cast %add3A_670 : i32 to index
          %get3A_673 = tpu.vector_load %arg15[%get3A_671, %get3A_672] {strides = array<i32>} : memref<64x768xf32, #tpu.memory_space<vmem>>, vector<16xf32>,
          %get3A_674 = arith.index_cast %scan3A_610 : i32 to index
          %get3A_675 = arith.index_cast %add3A_670 : i32 to index
          %get3A_676 = tpu.vector_load %arg16[%get3A_674, %get3A_675] {strides = array<i32>} : memref<64x768xf32, #tpu.memory_space<vmem>>, vector<16xf32>,
          %sub3A_677 = arith.subf %get3A_673, %get3A_676 : vector<16xf32>
          %mul3A_678 = arith.mulf %gather3A, %sub3A_677 : vector<16xf32>
          %add3A_679 = arith.addf %get3A_676, %mul3A_678 : vector<16xf32>
          %swap3A_680 = arith.index_cast %scan3A_610 : i32 to index
          %swap3A_681 = arith.index_cast %add3A_670 : i32 to index
          %swap3A_682 = tpu.vector_load %arg15[%swap3A_680, %swap3A_681] {strides = array<i32>} : memref<64x768xf32, #tpu.memory_space<vmem>>, vector<16xf32>,
          tpu.vector_store %arg15[%swap3A_680, %swap3A_681], %add3A_679 {strides = array<i32>} : memref<64x768xf32, #tpu.memory_space<vmem>>, vector<16xf32>,
          %scan3A_683 = arith.constant 0 : i32
          scf.yield %scan3A_683 : i32
        }
        %scan3A_627 = arith.constant 16 : i32
        %scan3A_628 = arith.constant 0 : i32
        scf.yield %scan3A_628 : i32
      }
      %scan3A_609 = arith.constant 64 : i32
    } else {
    }
    %gt3A_570 = arith.constant 64 : i32
    %gt3A_571 = arith.cmpi sgt, %reduce_max3A_16, %gt3A_570 : i32
    %convert_element_type3A_572 = arith.extui %gt3A_571 : i1 to i32
    %cond3A_573 = arith.constant 0 : i32
    %cond3A_574 = arith.cmpi ne, %convert_element_type3A_572, %cond3A_573 : i32
    scf.if %cond3A_574 {
      %dma_start3A_575 = arith.constant 1 : i32
      %dma_start3A_576 = arith.constant 0 : i32
      %dma_start3A_577 = tpu.memref_slice %arg10[%dma_start3A_575, %dma_start3A_576] : memref<2x64xi32, #tpu.memory_space<vmem>> -> memref<1x64xi32, #tpu.memory_space<vmem>>
      %dma_start3A_578 = tpu.memref_squeeze %dma_start3A_577 : memref<1x64xi32, #tpu.memory_space<vmem>> -> memref<64xi32, #tpu.memory_space<vmem>>
      %dma_start3A_579 = arith.constant 0 : i32
      %dma_start3A_580 = arith.constant 0 : i32
      %dma_start3A_581 = tpu.memref_slice %arg9[%dma_start3A_579, %dma_start3A_580] : memref<32768x768xf32, #tpu.memory_space<hbm>> -> memref<32768x768xf32, #tpu.memory_space<hbm>>
      tpu.enqueue_indirect_dma source(%arg15 : memref<64x768xf32, #tpu.memory_space<vmem>>) target(%dma_start3A_581 : memref<32768x768xf32, #tpu.memory_space<hbm>>) offsets(%dma_start3A_578 : memref<64xi32, #tpu.memory_space<vmem>>) semaphore(%arg18 : memref<!tpu.dma_semaphore, #tpu.memory_space<semaphore_mem>>)
      %dma_wait3A_582 = arith.constant 1 : i32
      %dma_wait3A_583 = arith.constant 0 : i32
      %dma_wait3A_584 = tpu.memref_slice %arg10[%dma_wait3A_582, %dma_wait3A_583] : memref<2x64xi32, #tpu.memory_space<vmem>> -> memref<1x64xi32, #tpu.memory_space<vmem>>
      %dma_wait3A_585 = tpu.memref_squeeze %dma_wait3A_584 : memref<1x64xi32, #tpu.memory_space<vmem>> -> memref<64xi32, #tpu.memory_space<vmem>>
      %dma_wait3A_586 = arith.constant 0 : i32
      %dma_wait3A_587 = arith.constant 0 : i32
      %dma_wait3A_588 = tpu.memref_slice %arg9[%dma_wait3A_586, %dma_wait3A_587] : memref<32768x768xf32, #tpu.memory_space<hbm>> -> memref<32768x768xf32, #tpu.memory_space<hbm>>
      tpu.wait_indirect_dma semaphore(%arg18 : memref<!tpu.dma_semaphore, #tpu.memory_space<semaphore_mem>>) src(%arg15 : memref<64x768xf32, #tpu.memory_space<vmem>>) dst(%dma_wait3A_588 : memref<32768x768xf32, #tpu.memory_space<hbm>>)
    } else {
    }
    return
  }
}

module attributes {stable_mosaic.version = 14 : i64} {
  func.func @_mm1_body(%arg0: i32, %arg1: memref<256x768xf32, #tpu.memory_space<vmem>>, %arg2: memref<256x768xf32, #tpu.memory_space<vmem>>, %arg3: memref<1536x768xf32, #tpu.memory_space<vmem>>, %arg4: memref<1x768xf32, #tpu.memory_space<vmem>>, %arg5: memref<256x768xf32, #tpu.memory_space<vmem>>) attributes {dimension_semantics = [#tpu.dimension_semantics<arbitrary>], iteration_bounds = array<i64: 9>, scalar_prefetch = 0 : i64, scratch_operands = 0 : i64, tpu.core_type = #tpu.core_type<tc>, window_params = [{transform_indices = @transform_0, window_bounds = array<i64: 256, 768>}, {transform_indices = @transform_1, window_bounds = array<i64: 256, 768>}, {pipeline_mode = #tpu.pipeline_mode<synchronous>, transform_indices = @transform_2, window_bounds = array<i64: 1536, 768>}, {pipeline_mode = #tpu.pipeline_mode<synchronous>, transform_indices = @transform_3, window_bounds = array<i64: 1, 768>}, {transform_indices = @transform_4, window_bounds = array<i64: 256, 768>}]} {
    %eq3A = arith.constant 0 : i32
    %eq3A_0 = arith.cmpi eq, %arg0, %eq3A : i32
    %convert_element_type3A = arith.extui %eq3A_0 : i1 to i32
    %cond3A = arith.constant 0 : i32
    %cond3A_1 = arith.cmpi ne, %convert_element_type3A, %cond3A : i32
    scf.if %cond3A_1 {
      %broadcast_in_dim3A = arith.constant 0.000000e+00 : f32
      %broadcast_in_dim3A_6 = vector.broadcast %broadcast_in_dim3A : f32 to vector<256x768xf32>
      %swap3A = arith.constant 0 : index
      %swap3A_7 = arith.constant 0 : index
      %swap3A_8 = vector.load %arg5[%swap3A, %swap3A_7] : memref<256x768xf32, #tpu.memory_space<vmem>>, vector<256x768xf32>
      tpu.vector_store %arg5[%swap3A, %swap3A_7], %broadcast_in_dim3A_6 {strides = array<i32>} : memref<256x768xf32, #tpu.memory_space<vmem>>, vector<256x768xf32>,
    } else {
    }
    %gt3A = arith.constant 0 : i32
    %gt3A_2 = arith.cmpi sgt, %arg0, %gt3A : i32
    %convert_element_type3A_3 = arith.extui %gt3A_2 : i1 to i32
    %cond3A_4 = arith.constant 0 : i32
    %cond3A_5 = arith.cmpi ne, %convert_element_type3A_3, %cond3A_4 : i32
    scf.if %cond3A_5 {
      %get3A = arith.constant 0 : index
      %get3A_6 = arith.constant 0 : index
      %get3A_7 = vector.load %arg3[%get3A, %get3A_6] : memref<1536x768xf32, #tpu.memory_space<vmem>>, vector<1536x768xf32>
      %get3A_8 = arith.constant 0 : index
      %get3A_9 = arith.constant 0 : index
      %get3A_10 = vector.load %arg1[%get3A_8, %get3A_9] : memref<256x768xf32, #tpu.memory_space<vmem>>, vector<256x768xf32>
      %slice3A = vector.extract_strided_slice %get3A_7 {offsets = [0, 0], sizes = [768, 768], strides = [1, 1]} : vector<1536x768xf32> to vector<768x768xf32>
      %dot_general3A = arith.constant dense<0.000000e+00> : vector<256x768xf32>
      %dot_general3A_11 = tpu.matmul %get3A_10, %slice3A, %dot_general3A {dimension_numbers = #tpu.dot_dimension_numbers<[1], [0], [0], [1], [0, 0, 1, 1], [], []>, transpose_lhs_hint = false} : vector<256x768xf32>, vector<768x768xf32>, vector<256x768xf32> -> vector<256x768xf32>
      %get3A_12 = arith.constant 0 : index
      %get3A_13 = arith.constant 0 : index
      %get3A_14 = vector.load %arg2[%get3A_12, %get3A_13] : memref<256x768xf32, #tpu.memory_space<vmem>>, vector<256x768xf32>
      %slice3A_15 = vector.extract_strided_slice %get3A_7 {offsets = [768, 0], sizes = [768, 768], strides = [1, 1]} : vector<1536x768xf32> to vector<768x768xf32>
      %dot_general3A_16 = arith.constant dense<0.000000e+00> : vector<256x768xf32>
      %dot_general3A_17 = tpu.matmul %get3A_14, %slice3A_15, %dot_general3A_16 {dimension_numbers = #tpu.dot_dimension_numbers<[1], [0], [0], [1], [0, 0, 1, 1], [], []>, transpose_lhs_hint = false} : vector<256x768xf32>, vector<768x768xf32>, vector<256x768xf32> -> vector<256x768xf32>
      %add3A = arith.addf %dot_general3A_11, %dot_general3A_17 : vector<256x768xf32>
      %get3A_18 = arith.constant 0 : index
      %get3A_19 = arith.constant 0 : index
      %get3A_20 = vector.load %arg4[%get3A_18, %get3A_19] : memref<1x768xf32, #tpu.memory_space<vmem>>, vector<1x768xf32>
      %add3A_21 = vector.broadcast %get3A_20 : vector<1x768xf32> to vector<256x768xf32>
      %add3A_22 = arith.addf %add3A, %add3A_21 : vector<256x768xf32>
      %swap3A = arith.constant 0 : index
      %swap3A_23 = arith.constant 0 : index
      %swap3A_24 = vector.load %arg5[%swap3A, %swap3A_23] : memref<256x768xf32, #tpu.memory_space<vmem>>, vector<256x768xf32>
      tpu.vector_store %arg5[%swap3A, %swap3A_23], %add3A_22 {strides = array<i32>} : memref<256x768xf32, #tpu.memory_space<vmem>>, vector<256x768xf32>,
    } else {
    }
    return
  }
  func.func @transform_0(%arg0: i32) -> (i32, i32) {
    %sub3A = arith.constant 1 : i32
    %sub3A_0 = arith.subi %arg0, %sub3A : i32
    %max3A = arith.constant 0 : i32
    %max3A_1 = arith.maxsi %sub3A_0, %max3A : i32
    %c0_i32 = arith.constant 0 : i32
    %c0_i32_2 = arith.constant 0 : i32
    return %max3A_1, %c0_i32 : i32, i32
  }
  func.func @transform_1(%arg0: i32) -> (i32, i32) {
    %sub3A = arith.constant 1 : i32
    %sub3A_0 = arith.subi %arg0, %sub3A : i32
    %max3A = arith.constant 0 : i32
    %max3A_1 = arith.maxsi %sub3A_0, %max3A : i32
    %c0_i32 = arith.constant 0 : i32
    %c0_i32_2 = arith.constant 0 : i32
    return %max3A_1, %c0_i32 : i32, i32
  }
  func.func @transform_2(%arg0: i32) -> (i32, i32) {
    %c0_i32 = arith.constant 0 : i32
    %c0_i32_0 = arith.constant 0 : i32
    %c0_i32_1 = arith.constant 0 : i32
    return %c0_i32, %c0_i32_0 : i32, i32
  }
  func.func @transform_3(%arg0: i32) -> (i32, i32) {
    %c0_i32 = arith.constant 0 : i32
    %c0_i32_0 = arith.constant 0 : i32
    %c0_i32_1 = arith.constant 0 : i32
    return %c0_i32, %c0_i32_0 : i32, i32
  }
  func.func @transform_4(%arg0: i32) -> (i32, i32) {
    %c0_i32 = arith.constant 0 : i32
    %c0_i32_0 = arith.constant 0 : i32
    return %arg0, %c0_i32 : i32, i32
  }
}

module attributes {stable_mosaic.version = 14 : i64} {
  func.func @_fused_body(%arg0: i32, %arg1: memref<256x1xi32, #tpu.memory_space<vmem>>, %arg2: memref<256x1xi32, #tpu.memory_space<vmem>>, %arg3: memref<256x1xf32, #tpu.memory_space<vmem>>, %arg4: memref<256x768xf32, #tpu.memory_space<vmem>>, %arg5: memref<768x768xf32, #tpu.memory_space<vmem>>, %arg6: memref<1x768xf32, #tpu.memory_space<vmem>>, %arg7: memref<1536x768xf32, #tpu.memory_space<vmem>>, %arg8: memref<1x768xf32, #tpu.memory_space<vmem>>, %arg9: memref<256x768xf32, #tpu.memory_space<vmem>>, %arg10: memref<1x768xf32, #tpu.memory_space<vmem>>) attributes {dimension_semantics = [#tpu.dimension_semantics<arbitrary>], iteration_bounds = array<i64: 128>, scalar_prefetch = 0 : i64, scratch_operands = 1 : i64, tpu.core_type = #tpu.core_type<tc>, window_params = [{transform_indices = @transform_0, window_bounds = array<i64: 256, 1>}, {transform_indices = @transform_1, window_bounds = array<i64: 256, 1>}, {transform_indices = @transform_2, window_bounds = array<i64: 256, 1>}, {transform_indices = @transform_3, window_bounds = array<i64: 256, 768>}, {pipeline_mode = #tpu.pipeline_mode<synchronous>, transform_indices = @transform_4, window_bounds = array<i64: 768, 768>}, {pipeline_mode = #tpu.pipeline_mode<synchronous>, transform_indices = @transform_5, window_bounds = array<i64: 1, 768>}, {pipeline_mode = #tpu.pipeline_mode<synchronous>, transform_indices = @transform_6, window_bounds = array<i64: 1536, 768>}, {pipeline_mode = #tpu.pipeline_mode<synchronous>, transform_indices = @transform_7, window_bounds = array<i64: 1, 768>}, {transform_indices = @transform_8, window_bounds = array<i64: 256, 768>}]} {
    %get3A = arith.constant 0 : index
    %get3A_0 = arith.constant 0 : index
    %get3A_1 = vector.load %arg4[%get3A, %get3A_0] : memref<256x768xf32, #tpu.memory_space<vmem>>, vector<256x768xf32>
    %get3A_2 = arith.constant 0 : index
    %get3A_3 = arith.constant 0 : index
    %get3A_4 = vector.load %arg1[%get3A_2, %get3A_3] : memref<256x1xi32, #tpu.memory_space<vmem>>, vector<256x1xi32>
    %get3A_5 = arith.constant 0 : index
    %get3A_6 = arith.constant 0 : index
    %get3A_7 = vector.load %arg2[%get3A_5, %get3A_6] : memref<256x1xi32, #tpu.memory_space<vmem>>, vector<256x1xi32>
    %eq3A = arith.constant 0 : i32
    %eq3A_8 = vector.broadcast %eq3A : i32 to vector<256x1xi32>
    %eq3A_9 = arith.cmpi eq, %get3A_4, %eq3A_8 : vector<256x1xi32>
    %eq3A_10 = arith.constant 0 : i32
    %eq3A_11 = vector.broadcast %eq3A_10 : i32 to vector<256x1xi32>
    %eq3A_12 = arith.cmpi eq, %get3A_7, %eq3A_11 : vector<256x1xi32>
    %or3A = arith.ori %eq3A_9, %eq3A_12 : vector<256x1xi1>
    %eq3A_13 = arith.constant 1 : i32
    %eq3A_14 = vector.broadcast %eq3A_13 : i32 to vector<256x1xi32>
    %eq3A_15 = arith.cmpi eq, %get3A_4, %eq3A_14 : vector<256x1xi32>
    %eq3A_16 = arith.constant 1 : i32
    %eq3A_17 = vector.broadcast %eq3A_16 : i32 to vector<256x1xi32>
    %eq3A_18 = arith.cmpi eq, %get3A_7, %eq3A_17 : vector<256x1xi32>
    %or3A_19 = arith.ori %eq3A_15, %eq3A_18 : vector<256x1xi1>
    %get3A_20 = arith.constant 0 : index
    %get3A_21 = arith.constant 0 : index
    %get3A_22 = vector.load %arg5[%get3A_20, %get3A_21] : memref<768x768xf32, #tpu.memory_space<vmem>>, vector<768x768xf32>
    %dot_general3A = arith.constant dense<0.000000e+00> : vector<256x768xf32>
    %dot_general3A_23 = tpu.matmul %get3A_1, %get3A_22, %dot_general3A {dimension_numbers = #tpu.dot_dimension_numbers<[1], [0], [0], [1], [0, 0, 1, 1], [], []>, transpose_lhs_hint = false} : vector<256x768xf32>, vector<768x768xf32>, vector<256x768xf32> -> vector<256x768xf32>
    %get3A_24 = arith.constant 0 : index
    %get3A_25 = arith.constant 0 : index
    %get3A_26 = vector.load %arg6[%get3A_24, %get3A_25] : memref<1x768xf32, #tpu.memory_space<vmem>>, vector<1x768xf32>
    %add3A = vector.broadcast %get3A_26 : vector<1x768xf32> to vector<256x768xf32>
    %add3A_27 = arith.addf %dot_general3A_23, %add3A : vector<256x768xf32>
    %jit3A = arith.constant 0.000000e+00 : f32
    %broadcast_in_dim3A = vector.shape_cast %or3A : vector<256x1xi1> to vector<256x1xi1>
    %broadcast_in_dim3A_28 = vector.broadcast %broadcast_in_dim3A : vector<256x1xi1> to vector<256x768xi1>
    %broadcast_in_dim3A_29 = vector.broadcast %jit3A : f32 to vector<256x768xf32>
    %select_n3A = arith.select %broadcast_in_dim3A_28, %add3A_27, %broadcast_in_dim3A_29 : vector<256x768xi1>, vector<256x768xf32>
    %eq3A_30 = arith.constant 0 : i32
    %eq3A_31 = arith.cmpi eq, %arg0, %eq3A_30 : i32
    %convert_element_type3A = arith.extui %eq3A_31 : i1 to i32
    %cond3A = arith.constant 0 : i32
    %cond3A_32 = arith.cmpi ne, %convert_element_type3A, %cond3A : i32
    scf.if %cond3A_32 {
      %slice3A_181 = vector.extract_strided_slice %select_n3A {offsets = [0, 0], sizes = [1, 768], strides = [1, 1]} : vector<256x768xf32> to vector<1x768xf32>
      %swap3A_182 = arith.constant 0 : index
      %swap3A_183 = arith.constant 0 : index
      %swap3A_184 = vector.load %arg10[%swap3A_182, %swap3A_183] : memref<1x768xf32, #tpu.memory_space<vmem>>, vector<1x768xf32>
      tpu.vector_store %arg10[%swap3A_182, %swap3A_183], %slice3A_181 {strides = array<i32>} : memref<1x768xf32, #tpu.memory_space<vmem>>, vector<1x768xf32>,
    } else {
    }
    %convert_element_type3A_33 = arith.extui %or3A : vector<256x1xi1> to vector<256x1xi32>
    %gt3A = arith.constant 0 : i32
    %gt3A_34 = vector.broadcast %gt3A : i32 to vector<256x1xi32>
    %gt3A_35 = arith.cmpi sgt, %convert_element_type3A_33, %gt3A_34 : vector<256x1xi32>
    %slice3A = vector.extract_strided_slice %select_n3A {offsets = [0, 0], sizes = [1, 768], strides = [1, 1]} : vector<256x768xf32> to vector<1x768xf32>
    %slice3A_36 = vector.extract_strided_slice %select_n3A {offsets = [0, 0], sizes = [255, 768], strides = [1, 1]} : vector<256x768xf32> to vector<255x768xf32>
    %concatenate3A = tpu.concatenate %slice3A, %slice3A_36 in 0 : vector<1x768xf32>, vector<255x768xf32> -> vector<256x768xf32>
    %broadcast_in_dim3A_37 = vector.shape_cast %gt3A_35 : vector<256x1xi1> to vector<256x1xi1>
    %broadcast_in_dim3A_38 = vector.broadcast %broadcast_in_dim3A_37 : vector<256x1xi1> to vector<256x768xi1>
    %select_n3A_39 = arith.select %broadcast_in_dim3A_38, %select_n3A, %concatenate3A : vector<256x768xi1>, vector<256x768xf32>
    %slice3A_40 = vector.extract_strided_slice %convert_element_type3A_33 {offsets = [0, 0], sizes = [1, 1], strides = [1, 1]} : vector<256x1xi32> to vector<1x1xi32>
    %slice3A_41 = vector.extract_strided_slice %convert_element_type3A_33 {offsets = [0, 0], sizes = [255, 1], strides = [1, 1]} : vector<256x1xi32> to vector<255x1xi32>
    %concatenate3A_42 = tpu.concatenate %slice3A_40, %slice3A_41 in 0 : vector<1x1xi32>, vector<255x1xi32> -> vector<256x1xi32>
    %max3A = arith.maxsi %convert_element_type3A_33, %concatenate3A_42 : vector<256x1xi32>
    %gt3A_43 = arith.constant 0 : i32
    %gt3A_44 = vector.broadcast %gt3A_43 : i32 to vector<256x1xi32>
    %gt3A_45 = arith.cmpi sgt, %max3A, %gt3A_44 : vector<256x1xi32>
    %slice3A_46 = vector.extract_strided_slice %select_n3A_39 {offsets = [0, 0], sizes = [2, 768], strides = [1, 1]} : vector<256x768xf32> to vector<2x768xf32>
    %slice3A_47 = vector.extract_strided_slice %select_n3A_39 {offsets = [0, 0], sizes = [254, 768], strides = [1, 1]} : vector<256x768xf32> to vector<254x768xf32>
    %concatenate3A_48 = tpu.concatenate %slice3A_46, %slice3A_47 in 0 : vector<2x768xf32>, vector<254x768xf32> -> vector<256x768xf32>
    %broadcast_in_dim3A_49 = vector.shape_cast %gt3A_45 : vector<256x1xi1> to vector<256x1xi1>
    %broadcast_in_dim3A_50 = vector.broadcast %broadcast_in_dim3A_49 : vector<256x1xi1> to vector<256x768xi1>
    %select_n3A_51 = arith.select %broadcast_in_dim3A_50, %select_n3A_39, %concatenate3A_48 : vector<256x768xi1>, vector<256x768xf32>
    %slice3A_52 = vector.extract_strided_slice %max3A {offsets = [0, 0], sizes = [2, 1], strides = [1, 1]} : vector<256x1xi32> to vector<2x1xi32>
    %slice3A_53 = vector.extract_strided_slice %max3A {offsets = [0, 0], sizes = [254, 1], strides = [1, 1]} : vector<256x1xi32> to vector<254x1xi32>
    %concatenate3A_54 = tpu.concatenate %slice3A_52, %slice3A_53 in 0 : vector<2x1xi32>, vector<254x1xi32> -> vector<256x1xi32>
    %max3A_55 = arith.maxsi %max3A, %concatenate3A_54 : vector<256x1xi32>
    %gt3A_56 = arith.constant 0 : i32
    %gt3A_57 = vector.broadcast %gt3A_56 : i32 to vector<256x1xi32>
    %gt3A_58 = arith.cmpi sgt, %max3A_55, %gt3A_57 : vector<256x1xi32>
    %slice3A_59 = vector.extract_strided_slice %select_n3A_51 {offsets = [0, 0], sizes = [4, 768], strides = [1, 1]} : vector<256x768xf32> to vector<4x768xf32>
    %slice3A_60 = vector.extract_strided_slice %select_n3A_51 {offsets = [0, 0], sizes = [252, 768], strides = [1, 1]} : vector<256x768xf32> to vector<252x768xf32>
    %concatenate3A_61 = tpu.concatenate %slice3A_59, %slice3A_60 in 0 : vector<4x768xf32>, vector<252x768xf32> -> vector<256x768xf32>
    %broadcast_in_dim3A_62 = vector.shape_cast %gt3A_58 : vector<256x1xi1> to vector<256x1xi1>
    %broadcast_in_dim3A_63 = vector.broadcast %broadcast_in_dim3A_62 : vector<256x1xi1> to vector<256x768xi1>
    %select_n3A_64 = arith.select %broadcast_in_dim3A_63, %select_n3A_51, %concatenate3A_61 : vector<256x768xi1>, vector<256x768xf32>
    %slice3A_65 = vector.extract_strided_slice %max3A_55 {offsets = [0, 0], sizes = [4, 1], strides = [1, 1]} : vector<256x1xi32> to vector<4x1xi32>
    %slice3A_66 = vector.extract_strided_slice %max3A_55 {offsets = [0, 0], sizes = [252, 1], strides = [1, 1]} : vector<256x1xi32> to vector<252x1xi32>
    %concatenate3A_67 = tpu.concatenate %slice3A_65, %slice3A_66 in 0 : vector<4x1xi32>, vector<252x1xi32> -> vector<256x1xi32>
    %max3A_68 = arith.maxsi %max3A_55, %concatenate3A_67 : vector<256x1xi32>
    %gt3A_69 = arith.constant 0 : i32
    %gt3A_70 = vector.broadcast %gt3A_69 : i32 to vector<256x1xi32>
    %gt3A_71 = arith.cmpi sgt, %max3A_68, %gt3A_70 : vector<256x1xi32>
    %slice3A_72 = vector.extract_strided_slice %select_n3A_64 {offsets = [0, 0], sizes = [8, 768], strides = [1, 1]} : vector<256x768xf32> to vector<8x768xf32>
    %slice3A_73 = vector.extract_strided_slice %select_n3A_64 {offsets = [0, 0], sizes = [248, 768], strides = [1, 1]} : vector<256x768xf32> to vector<248x768xf32>
    %concatenate3A_74 = tpu.concatenate %slice3A_72, %slice3A_73 in 0 : vector<8x768xf32>, vector<248x768xf32> -> vector<256x768xf32>
    %broadcast_in_dim3A_75 = vector.shape_cast %gt3A_71 : vector<256x1xi1> to vector<256x1xi1>
    %broadcast_in_dim3A_76 = vector.broadcast %broadcast_in_dim3A_75 : vector<256x1xi1> to vector<256x768xi1>
    %select_n3A_77 = arith.select %broadcast_in_dim3A_76, %select_n3A_64, %concatenate3A_74 : vector<256x768xi1>, vector<256x768xf32>
    %slice3A_78 = vector.extract_strided_slice %max3A_68 {offsets = [0, 0], sizes = [8, 1], strides = [1, 1]} : vector<256x1xi32> to vector<8x1xi32>
    %slice3A_79 = vector.extract_strided_slice %max3A_68 {offsets = [0, 0], sizes = [248, 1], strides = [1, 1]} : vector<256x1xi32> to vector<248x1xi32>
    %concatenate3A_80 = tpu.concatenate %slice3A_78, %slice3A_79 in 0 : vector<8x1xi32>, vector<248x1xi32> -> vector<256x1xi32>
    %max3A_81 = arith.maxsi %max3A_68, %concatenate3A_80 : vector<256x1xi32>
    %gt3A_82 = arith.constant 0 : i32
    %gt3A_83 = vector.broadcast %gt3A_82 : i32 to vector<256x1xi32>
    %gt3A_84 = arith.cmpi sgt, %max3A_81, %gt3A_83 : vector<256x1xi32>
    %slice3A_85 = vector.extract_strided_slice %select_n3A_77 {offsets = [0, 0], sizes = [16, 768], strides = [1, 1]} : vector<256x768xf32> to vector<16x768xf32>
    %slice3A_86 = vector.extract_strided_slice %select_n3A_77 {offsets = [0, 0], sizes = [240, 768], strides = [1, 1]} : vector<256x768xf32> to vector<240x768xf32>
    %concatenate3A_87 = tpu.concatenate %slice3A_85, %slice3A_86 in 0 : vector<16x768xf32>, vector<240x768xf32> -> vector<256x768xf32>
    %broadcast_in_dim3A_88 = vector.shape_cast %gt3A_84 : vector<256x1xi1> to vector<256x1xi1>
    %broadcast_in_dim3A_89 = vector.broadcast %broadcast_in_dim3A_88 : vector<256x1xi1> to vector<256x768xi1>
    %select_n3A_90 = arith.select %broadcast_in_dim3A_89, %select_n3A_77, %concatenate3A_87 : vector<256x768xi1>, vector<256x768xf32>
    %slice3A_91 = vector.extract_strided_slice %max3A_81 {offsets = [0, 0], sizes = [16, 1], strides = [1, 1]} : vector<256x1xi32> to vector<16x1xi32>
    %slice3A_92 = vector.extract_strided_slice %max3A_81 {offsets = [0, 0], sizes = [240, 1], strides = [1, 1]} : vector<256x1xi32> to vector<240x1xi32>
    %concatenate3A_93 = tpu.concatenate %slice3A_91, %slice3A_92 in 0 : vector<16x1xi32>, vector<240x1xi32> -> vector<256x1xi32>
    %max3A_94 = arith.maxsi %max3A_81, %concatenate3A_93 : vector<256x1xi32>
    %gt3A_95 = arith.constant 0 : i32
    %gt3A_96 = vector.broadcast %gt3A_95 : i32 to vector<256x1xi32>
    %gt3A_97 = arith.cmpi sgt, %max3A_94, %gt3A_96 : vector<256x1xi32>
    %slice3A_98 = vector.extract_strided_slice %select_n3A_90 {offsets = [0, 0], sizes = [32, 768], strides = [1, 1]} : vector<256x768xf32> to vector<32x768xf32>
    %slice3A_99 = vector.extract_strided_slice %select_n3A_90 {offsets = [0, 0], sizes = [224, 768], strides = [1, 1]} : vector<256x768xf32> to vector<224x768xf32>
    %concatenate3A_100 = tpu.concatenate %slice3A_98, %slice3A_99 in 0 : vector<32x768xf32>, vector<224x768xf32> -> vector<256x768xf32>
    %broadcast_in_dim3A_101 = vector.shape_cast %gt3A_97 : vector<256x1xi1> to vector<256x1xi1>
    %broadcast_in_dim3A_102 = vector.broadcast %broadcast_in_dim3A_101 : vector<256x1xi1> to vector<256x768xi1>
    %select_n3A_103 = arith.select %broadcast_in_dim3A_102, %select_n3A_90, %concatenate3A_100 : vector<256x768xi1>, vector<256x768xf32>
    %slice3A_104 = vector.extract_strided_slice %max3A_94 {offsets = [0, 0], sizes = [32, 1], strides = [1, 1]} : vector<256x1xi32> to vector<32x1xi32>
    %slice3A_105 = vector.extract_strided_slice %max3A_94 {offsets = [0, 0], sizes = [224, 1], strides = [1, 1]} : vector<256x1xi32> to vector<224x1xi32>
    %concatenate3A_106 = tpu.concatenate %slice3A_104, %slice3A_105 in 0 : vector<32x1xi32>, vector<224x1xi32> -> vector<256x1xi32>
    %max3A_107 = arith.maxsi %max3A_94, %concatenate3A_106 : vector<256x1xi32>
    %gt3A_108 = arith.constant 0 : i32
    %gt3A_109 = vector.broadcast %gt3A_108 : i32 to vector<256x1xi32>
    %gt3A_110 = arith.cmpi sgt, %max3A_107, %gt3A_109 : vector<256x1xi32>
    %slice3A_111 = vector.extract_strided_slice %select_n3A_103 {offsets = [0, 0], sizes = [64, 768], strides = [1, 1]} : vector<256x768xf32> to vector<64x768xf32>
    %slice3A_112 = vector.extract_strided_slice %select_n3A_103 {offsets = [0, 0], sizes = [192, 768], strides = [1, 1]} : vector<256x768xf32> to vector<192x768xf32>
    %concatenate3A_113 = tpu.concatenate %slice3A_111, %slice3A_112 in 0 : vector<64x768xf32>, vector<192x768xf32> -> vector<256x768xf32>
    %broadcast_in_dim3A_114 = vector.shape_cast %gt3A_110 : vector<256x1xi1> to vector<256x1xi1>
    %broadcast_in_dim3A_115 = vector.broadcast %broadcast_in_dim3A_114 : vector<256x1xi1> to vector<256x768xi1>
    %select_n3A_116 = arith.select %broadcast_in_dim3A_115, %select_n3A_103, %concatenate3A_113 : vector<256x768xi1>, vector<256x768xf32>
    %slice3A_117 = vector.extract_strided_slice %max3A_107 {offsets = [0, 0], sizes = [64, 1], strides = [1, 1]} : vector<256x1xi32> to vector<64x1xi32>
    %slice3A_118 = vector.extract_strided_slice %max3A_107 {offsets = [0, 0], sizes = [192, 1], strides = [1, 1]} : vector<256x1xi32> to vector<192x1xi32>
    %concatenate3A_119 = tpu.concatenate %slice3A_117, %slice3A_118 in 0 : vector<64x1xi32>, vector<192x1xi32> -> vector<256x1xi32>
    %max3A_120 = arith.maxsi %max3A_107, %concatenate3A_119 : vector<256x1xi32>
    %gt3A_121 = arith.constant 0 : i32
    %gt3A_122 = vector.broadcast %gt3A_121 : i32 to vector<256x1xi32>
    %gt3A_123 = arith.cmpi sgt, %max3A_120, %gt3A_122 : vector<256x1xi32>
    %slice3A_124 = vector.extract_strided_slice %select_n3A_116 {offsets = [0, 0], sizes = [128, 768], strides = [1, 1]} : vector<256x768xf32> to vector<128x768xf32>
    %slice3A_125 = vector.extract_strided_slice %select_n3A_116 {offsets = [0, 0], sizes = [128, 768], strides = [1, 1]} : vector<256x768xf32> to vector<128x768xf32>
    %concatenate3A_126 = tpu.concatenate %slice3A_124, %slice3A_125 in 0 : vector<128x768xf32>, vector<128x768xf32> -> vector<256x768xf32>
    %broadcast_in_dim3A_127 = vector.shape_cast %gt3A_123 : vector<256x1xi1> to vector<256x1xi1>
    %broadcast_in_dim3A_128 = vector.broadcast %broadcast_in_dim3A_127 : vector<256x1xi1> to vector<256x768xi1>
    %select_n3A_129 = arith.select %broadcast_in_dim3A_128, %select_n3A_116, %concatenate3A_126 : vector<256x768xi1>, vector<256x768xf32>
    %slice3A_130 = vector.extract_strided_slice %max3A_120 {offsets = [0, 0], sizes = [128, 1], strides = [1, 1]} : vector<256x1xi32> to vector<128x1xi32>
    %slice3A_131 = vector.extract_strided_slice %max3A_120 {offsets = [0, 0], sizes = [128, 1], strides = [1, 1]} : vector<256x1xi32> to vector<128x1xi32>
    %concatenate3A_132 = tpu.concatenate %slice3A_130, %slice3A_131 in 0 : vector<128x1xi32>, vector<128x1xi32> -> vector<256x1xi32>
    %max3A_133 = arith.maxsi %max3A_120, %concatenate3A_132 : vector<256x1xi32>
    %gt3A_134 = arith.constant 0 : i32
    %gt3A_135 = vector.broadcast %gt3A_134 : i32 to vector<256x1xi32>
    %gt3A_136 = arith.cmpi sgt, %max3A_133, %gt3A_135 : vector<256x1xi32>
    %get3A_137 = arith.constant 0 : index
    %get3A_138 = arith.constant 0 : index
    %get3A_139 = vector.load %arg10[%get3A_137, %get3A_138] : memref<1x768xf32, #tpu.memory_space<vmem>>, vector<1x768xf32>
    %broadcast_in_dim3A_140 = vector.shape_cast %gt3A_136 : vector<256x1xi1> to vector<256x1xi1>
    %broadcast_in_dim3A_141 = vector.broadcast %broadcast_in_dim3A_140 : vector<256x1xi1> to vector<256x768xi1>
    %broadcast_in_dim3A_142 = vector.shape_cast %get3A_139 : vector<1x768xf32> to vector<1x768xf32>
    %broadcast_in_dim3A_143 = vector.broadcast %broadcast_in_dim3A_142 : vector<1x768xf32> to vector<256x768xf32>
    %select_n3A_144 = arith.select %broadcast_in_dim3A_141, %select_n3A_129, %broadcast_in_dim3A_143 : vector<256x768xi1>, vector<256x768xf32>
    %slice3A_145 = vector.extract_strided_slice %select_n3A_144 {offsets = [255, 0], sizes = [1, 768], strides = [1, 1]} : vector<256x768xf32> to vector<1x768xf32>
    %swap3A = arith.constant 0 : index
    %swap3A_146 = arith.constant 0 : index
    %swap3A_147 = vector.load %arg10[%swap3A, %swap3A_146] : memref<1x768xf32, #tpu.memory_space<vmem>>, vector<1x768xf32>
    tpu.vector_store %arg10[%swap3A, %swap3A_146], %slice3A_145 {strides = array<i32>} : memref<1x768xf32, #tpu.memory_space<vmem>>, vector<1x768xf32>,
    %get3A_148 = arith.constant 0 : index
    %get3A_149 = arith.constant 0 : index
    %get3A_150 = vector.load %arg7[%get3A_148, %get3A_149] : memref<1536x768xf32, #tpu.memory_space<vmem>>, vector<768x768xf32>
    %dot_general3A_151 = arith.constant dense<0.000000e+00> : vector<256x768xf32>
    %dot_general3A_152 = tpu.matmul %get3A_1, %get3A_150, %dot_general3A_151 {dimension_numbers = #tpu.dot_dimension_numbers<[1], [0], [0], [1], [0, 0, 1, 1], [], []>, transpose_lhs_hint = false} : vector<256x768xf32>, vector<768x768xf32>, vector<256x768xf32> -> vector<256x768xf32>
    %get3A_153 = arith.constant 768 : index
    %get3A_154 = arith.constant 0 : index
    %get3A_155 = vector.load %arg7[%get3A_153, %get3A_154] : memref<1536x768xf32, #tpu.memory_space<vmem>>, vector<768x768xf32>
    %dot_general3A_156 = arith.constant dense<0.000000e+00> : vector<256x768xf32>
    %dot_general3A_157 = tpu.matmul %select_n3A_144, %get3A_155, %dot_general3A_156 {dimension_numbers = #tpu.dot_dimension_numbers<[1], [0], [0], [1], [0, 0, 1, 1], [], []>, transpose_lhs_hint = false} : vector<256x768xf32>, vector<768x768xf32>, vector<256x768xf32> -> vector<256x768xf32>
    %add3A_158 = arith.addf %dot_general3A_152, %dot_general3A_157 : vector<256x768xf32>
    %get3A_159 = arith.constant 0 : index
    %get3A_160 = arith.constant 0 : index
    %get3A_161 = vector.load %arg8[%get3A_159, %get3A_160] : memref<1x768xf32, #tpu.memory_space<vmem>>, vector<1x768xf32>
    %add3A_162 = vector.broadcast %get3A_161 : vector<1x768xf32> to vector<256x768xf32>
    %add3A_163 = arith.addf %add3A_158, %add3A_162 : vector<256x768xf32>
    %jit3A_164 = arith.constant 0.000000e+00 : f32
    %broadcast_in_dim3A_165 = vector.shape_cast %or3A_19 : vector<256x1xi1> to vector<256x1xi1>
    %broadcast_in_dim3A_166 = vector.broadcast %broadcast_in_dim3A_165 : vector<256x1xi1> to vector<256x768xi1>
    %broadcast_in_dim3A_167 = vector.broadcast %jit3A_164 : f32 to vector<256x768xf32>
    %select_n3A_168 = arith.select %broadcast_in_dim3A_166, %add3A_163, %broadcast_in_dim3A_167 : vector<256x768xi1>, vector<256x768xf32>
    %get3A_169 = arith.constant 0 : index
    %get3A_170 = arith.constant 0 : index
    %get3A_171 = vector.load %arg3[%get3A_169, %get3A_170] : memref<256x1xf32, #tpu.memory_space<vmem>>, vector<256x1xf32>
    %mul3A = vector.broadcast %get3A_171 : vector<256x1xf32> to vector<256x768xf32>
    %mul3A_172 = arith.mulf %mul3A, %select_n3A : vector<256x768xf32>
    %sub3A = arith.constant 1.000000e+00 : f32
    %sub3A_173 = vector.broadcast %sub3A : f32 to vector<256x1xf32>
    %sub3A_174 = arith.subf %sub3A_173, %get3A_171 : vector<256x1xf32>
    %mul3A_175 = vector.broadcast %sub3A_174 : vector<256x1xf32> to vector<256x768xf32>
    %mul3A_176 = arith.mulf %mul3A_175, %select_n3A_168 : vector<256x768xf32>
    %add3A_177 = arith.addf %mul3A_172, %mul3A_176 : vector<256x768xf32>
    %swap3A_178 = arith.constant 0 : index
    %swap3A_179 = arith.constant 0 : index
    %swap3A_180 = vector.load %arg9[%swap3A_178, %swap3A_179] : memref<256x768xf32, #tpu.memory_space<vmem>>, vector<256x768xf32>
    tpu.vector_store %arg9[%swap3A_178, %swap3A_179], %add3A_177 {strides = array<i32>} : memref<256x768xf32, #tpu.memory_space<vmem>>, vector<256x768xf32>,
    return
  }
  func.func @transform_0(%arg0: i32) -> (i32, i32) {
    %c0_i32 = arith.constant 0 : i32
    %c0_i32_0 = arith.constant 0 : i32
    return %arg0, %c0_i32 : i32, i32
  }
  func.func @transform_1(%arg0: i32) -> (i32, i32) {
    %c0_i32 = arith.constant 0 : i32
    %c0_i32_0 = arith.constant 0 : i32
    return %arg0, %c0_i32 : i32, i32
  }
  func.func @transform_2(%arg0: i32) -> (i32, i32) {
    %c0_i32 = arith.constant 0 : i32
    %c0_i32_0 = arith.constant 0 : i32
    return %arg0, %c0_i32 : i32, i32
  }
  func.func @transform_3(%arg0: i32) -> (i32, i32) {
    %c0_i32 = arith.constant 0 : i32
    %c0_i32_0 = arith.constant 0 : i32
    return %arg0, %c0_i32 : i32, i32
  }
  func.func @transform_4(%arg0: i32) -> (i32, i32) {
    %c0_i32 = arith.constant 0 : i32
    %c0_i32_0 = arith.constant 0 : i32
    %c0_i32_1 = arith.constant 0 : i32
    return %c0_i32, %c0_i32_0 : i32, i32
  }
  func.func @transform_5(%arg0: i32) -> (i32, i32) {
    %c0_i32 = arith.constant 0 : i32
    %c0_i32_0 = arith.constant 0 : i32
    %c0_i32_1 = arith.constant 0 : i32
    return %c0_i32, %c0_i32_0 : i32, i32
  }
  func.func @transform_6(%arg0: i32) -> (i32, i32) {
    %c0_i32 = arith.constant 0 : i32
    %c0_i32_0 = arith.constant 0 : i32
    %c0_i32_1 = arith.constant 0 : i32
    return %c0_i32, %c0_i32_0 : i32, i32
  }
  func.func @transform_7(%arg0: i32) -> (i32, i32) {
    %c0_i32 = arith.constant 0 : i32
    %c0_i32_0 = arith.constant 0 : i32
    %c0_i32_1 = arith.constant 0 : i32
    return %c0_i32, %c0_i32_0 : i32, i32
  }
  func.func @transform_8(%arg0: i32) -> (i32, i32) {
    %c0_i32 = arith.constant 0 : i32
    %c0_i32_0 = arith.constant 0 : i32
    return %arg0, %c0_i32 : i32, i32
  }
}

module attributes {stable_mosaic.version = 14 : i64} {
  func.func @_mm0_body(%arg0: i32, %arg1: memref<256x768xf32, #tpu.memory_space<vmem>>, %arg2: memref<768x768xf32, #tpu.memory_space<vmem>>, %arg3: memref<1x768xf32, #tpu.memory_space<vmem>>, %arg4: memref<256x768xf32, #tpu.memory_space<vmem>>) attributes {dimension_semantics = [#tpu.dimension_semantics<arbitrary>], iteration_bounds = array<i64: 9>, scalar_prefetch = 0 : i64, scratch_operands = 0 : i64, tpu.core_type = #tpu.core_type<tc>, window_params = [{transform_indices = @transform_0, window_bounds = array<i64: 256, 768>}, {pipeline_mode = #tpu.pipeline_mode<synchronous>, transform_indices = @transform_1, window_bounds = array<i64: 768, 768>}, {pipeline_mode = #tpu.pipeline_mode<synchronous>, transform_indices = @transform_2, window_bounds = array<i64: 1, 768>}, {transform_indices = @transform_3, window_bounds = array<i64: 256, 768>}]} {
    %eq3A = arith.constant 0 : i32
    %eq3A_0 = arith.cmpi eq, %arg0, %eq3A : i32
    %convert_element_type3A = arith.extui %eq3A_0 : i1 to i32
    %cond3A = arith.constant 0 : i32
    %cond3A_1 = arith.cmpi ne, %convert_element_type3A, %cond3A : i32
    scf.if %cond3A_1 {
      %broadcast_in_dim3A = arith.constant 0.000000e+00 : f32
      %broadcast_in_dim3A_6 = vector.broadcast %broadcast_in_dim3A : f32 to vector<256x768xf32>
      %swap3A = arith.constant 0 : index
      %swap3A_7 = arith.constant 0 : index
      %swap3A_8 = vector.load %arg4[%swap3A, %swap3A_7] : memref<256x768xf32, #tpu.memory_space<vmem>>, vector<256x768xf32>
      tpu.vector_store %arg4[%swap3A, %swap3A_7], %broadcast_in_dim3A_6 {strides = array<i32>} : memref<256x768xf32, #tpu.memory_space<vmem>>, vector<256x768xf32>,
    } else {
    }
    %gt3A = arith.constant 0 : i32
    %gt3A_2 = arith.cmpi sgt, %arg0, %gt3A : i32
    %convert_element_type3A_3 = arith.extui %gt3A_2 : i1 to i32
    %cond3A_4 = arith.constant 0 : i32
    %cond3A_5 = arith.cmpi ne, %convert_element_type3A_3, %cond3A_4 : i32
    scf.if %cond3A_5 {
      %get3A = arith.constant 0 : index
      %get3A_6 = arith.constant 0 : index
      %get3A_7 = vector.load %arg1[%get3A, %get3A_6] : memref<256x768xf32, #tpu.memory_space<vmem>>, vector<256x768xf32>
      %get3A_8 = arith.constant 0 : index
      %get3A_9 = arith.constant 0 : index
      %get3A_10 = vector.load %arg2[%get3A_8, %get3A_9] : memref<768x768xf32, #tpu.memory_space<vmem>>, vector<768x768xf32>
      %dot_general3A = arith.constant dense<0.000000e+00> : vector<256x768xf32>
      %dot_general3A_11 = tpu.matmul %get3A_7, %get3A_10, %dot_general3A {dimension_numbers = #tpu.dot_dimension_numbers<[1], [0], [0], [1], [0, 0, 1, 1], [], []>, transpose_lhs_hint = false} : vector<256x768xf32>, vector<768x768xf32>, vector<256x768xf32> -> vector<256x768xf32>
      %get3A_12 = arith.constant 0 : index
      %get3A_13 = arith.constant 0 : index
      %get3A_14 = vector.load %arg3[%get3A_12, %get3A_13] : memref<1x768xf32, #tpu.memory_space<vmem>>, vector<1x768xf32>
      %add3A = vector.broadcast %get3A_14 : vector<1x768xf32> to vector<256x768xf32>
      %add3A_15 = arith.addf %dot_general3A_11, %add3A : vector<256x768xf32>
      %swap3A = arith.constant 0 : index
      %swap3A_16 = arith.constant 0 : index
      %swap3A_17 = vector.load %arg4[%swap3A, %swap3A_16] : memref<256x768xf32, #tpu.memory_space<vmem>>, vector<256x768xf32>
      tpu.vector_store %arg4[%swap3A, %swap3A_16], %add3A_15 {strides = array<i32>} : memref<256x768xf32, #tpu.memory_space<vmem>>, vector<256x768xf32>,
    } else {
    }
    return
  }
  func.func @transform_0(%arg0: i32) -> (i32, i32) {
    %sub3A = arith.constant 1 : i32
    %sub3A_0 = arith.subi %arg0, %sub3A : i32
    %max3A = arith.constant 0 : i32
    %max3A_1 = arith.maxsi %sub3A_0, %max3A : i32
    %c0_i32 = arith.constant 0 : i32
    %c0_i32_2 = arith.constant 0 : i32
    return %max3A_1, %c0_i32 : i32, i32
  }
  func.func @transform_1(%arg0: i32) -> (i32, i32) {
    %c0_i32 = arith.constant 0 : i32
    %c0_i32_0 = arith.constant 0 : i32
    %c0_i32_1 = arith.constant 0 : i32
    return %c0_i32, %c0_i32_0 : i32, i32
  }
  func.func @transform_2(%arg0: i32) -> (i32, i32) {
    %c0_i32 = arith.constant 0 : i32
    %c0_i32_0 = arith.constant 0 : i32
    %c0_i32_1 = arith.constant 0 : i32
    return %c0_i32, %c0_i32_0 : i32, i32
  }
  func.func @transform_3(%arg0: i32) -> (i32, i32) {
    %c0_i32 = arith.constant 0 : i32
    %c0_i32_0 = arith.constant 0 : i32
    return %arg0, %c0_i32 : i32, i32
  }
}

</mosaic_0001>

<sc_bundles>
// kernel: branch_0_fun.10.cloned.1.call-start
scs
__scs_entry_jumppad:
0x0: {  	(pc) =	sbr.rel $0x88, $3  }
0x1: {  	(tag) =	ssettag $0x0;
	lr =	simm.s32 $0x1  }
0x2: {  	[smem:$0x3F9A] =	sst lr;
	_ =	strace $0xD0000000  }
0x3: {  	_ = 	snop  }
0x4: {  	_ = 	snop  }
0x5: {  	_ = 	snop  }
0x6: {  	_ = 	snop  }
0x7: {  	_ = 	snop  }
__scs_overlays_trampoline_lowered:
0x8: {  	[smem:$0x3FA9] =	sst s0  }
0x9: {  	[smem:$0x3FAA] =	sst s1  }
0xa: {  	[smem:$0x3FAB] =	sst s2  }
0xb: {  	[smem:$0x3FAC] =	sst s3  }
0xc: {  	[smem:$0x3FAD] =	sst s4  }
0xd: {  	[smem:$0x3FAE] =	sst s5  }
0xe: {  	[smem:$0x3FAF] =	sst s6  }
0xf: {  	[smem:$0x3FB0] =	sst s7  }
0x10: {  	[smem:$0x3FB1] =	sst s8  }
0x11: {  	[smem:$0x3FB2] =	sst s9;
	s0 =	simm.s32 @!p0 $0x0  }
0x12: {  	s1 =	sld [smem:$0x3F98];
	s0 =	simm.s32 @p0 $0x1  }
0x13: {  	[smem:$0x3FB3] =	sst s0;
	s0 =	simm.s32 @!p1 $0x0  }
0x14: {  	s2 =	sld [smem:$0x3F97];
	s0 =	simm.s32 @p1 $0x1  }
0x15: {  	[smem:$0x3FB4] =	sst s0;
	s0 =	simm.s32 @!p2 $0x0  }
0x16: {  	s3 =	sld [smem:$0x3FDB];
	s0 =	simm.s32 @p2 $0x1  }
0x17: {  	s4 =	simm.s32 $0x1BF5;
	[smem:$0x3FB6] =	sst s0  }
0x18: {  	s0 =	sld [smem:$0x3F99];
	_ =	swait.ge [sflag:s4], $0x0  }
0x19: {  	s7 =	sld [smem:$0x3F9A]  }
0x1a: {  	s8 =	sadd.s32 $0xFFFFE003, lr  }
0x1b: {  	s9 =	sadd.s32 $0xFFFFFEF7, lr;
	s5 =	simm.s32 $0xFFFFFFFF;
	p2 =	slt.u32 s8, $0xFFFFF086  }
0x1c: {  	p1 =	slt.u32 s9, $0xF7A;
	s5 =	simm.s32 @!p2 $0x0  }
0x1d: {  	s5 =	simm.s32 @p1 $0x1;
	p0 =	seq.s32 s7, s2  }
0x1e: {  	s7 =	smul.u32 @!p0 $0xF7A, s2;
	p2 =	seq.s32 @!p0 s5, $0x0  }
0x1f: {  	s9 =	smul.u32 $0xF7A, s1;
	s8 =	simm.s32 @!p0 $0x1BF5;
	p2 =	por !p2, p0  }
0x20: {  	[sflag:s8] =	ssyncset.s32 @!p0 $0xFFFFF086;
	s6 =	sadd.s32 @!p0 s3, s7;
	s7 =	simm.s32 @!p0 $0x108  }
0x21: {  	s3 =	sadd.s32 s3, s9;
	s6 =	sadd.s32 @!p0 $0x88, s6;
	s7 =	simm.s32 @p2 $0x1082  }
0x22: {  	[simem:s7], [sflag:s8] =	dma.local @!p0 [hbm:s6], $0xF7A  }
0x23: {  	s9 =	sor.u32 $0xD0000000, s2;
	s6 =	simm.s32 $0x108;
	_ =	swait.ge @!p0 [sflag:s8], $0x0  }
0x24: {  	s3 =	sadd.s32 $0x88, s3;
	s6 =	simm.s32 @!p1 $0x1082;
	[sflag:s4] =	ssyncset.s32 $0xFFFFF086  }
0x25: {  	[simem:s6], [sflag:s4] =	dma.local [hbm:s3], $0xF7A  }
0x26: {  	[smem:$0x3F9A] =	sst s1;
	(tag) =	ssettag s2;
	_ =	strace s9  }
0x27: {  	s1 =	sld [smem:$0x3FAA]  }
0x28: {  	s2 =	sld [smem:$0x3FAB]  }
0x29: {  	s4 =	sld [smem:$0x3FAD]  }
0x2a: {  	p0 =	seq.s32 s5, $0x0;
	s5 =	sld [smem:$0x3FAE]  }
0x2b: {  	s6 =	sld [smem:$0x3FAF]  }
0x2c: {  	s7 =	sld [smem:$0x3FB0]  }
0x2d: {  	s3 =	simm.s32 $0x108;
	s8 =	sld [smem:$0x3FB1]  }
0x2e: {  	s3 =	simm.s32 @!p0 $0x1082;
	s9 =	sld [smem:$0x3FB2]  }
0x2f: {  	lr =	sadd.s32 s0, s3;
	s0 =	sld [smem:$0x3FA9]  }
0x30: {  	s3 =	sld [smem:$0x3FAC]  }
0x31: {  	[smem:$0x3FB5] =	sst s10  }
0x32: {  	s10 =	sld [smem:$0x3FB3];
	_ =	sdelay $0x3  }
0x33: {  	p0 =	seq.s32 s10, $0x1;
	s10 =	sld [smem:$0x3FB5];
	_ =	sdelay $0x3  }
0x34: {  	[smem:$0x3FB5] =	sst s10  }
0x35: {  	s10 =	sld [smem:$0x3FB4];
	_ =	sdelay $0x3  }
0x36: {  	p1 =	seq.s32 s10, $0x1;
	s10 =	sld [smem:$0x3FB5];
	_ =	sdelay $0x3  }
0x37: {  	[smem:$0x3FB5] =	sst s10  }
0x38: {  	s10 =	sld [smem:$0x3FB6]  }
0x39: {  	_ = 	snop;
	(pc) =	sbr.ind lr, $3  }
0x3a: {  	_ = 	snop  }
0x3b: {  	_ = 	snop  }
0x3c: {  	p2 =	seq.s32 s10, $0x1;
	s10 =	sld [smem:$0x3FB5]  }
0x3d: {  	_ =	shalt  }
0x3e: {  	_ =	shalt  }
0x3f: {  	_ =	shalt  }
0x40: {  	_ =	shalt  }
0x41: {  	_ =	shalt  }
0x42: {  	_ =	shalt  }
0x43: {  	_ =	shalt  }
0x44: {  	_ =	shalt  }
0x45: {  	_ =	shalt  }
0x46: {  	_ =	shalt  }
0x47: {  	_ =	shalt  }
0x48: {  	_ =	shalt  }
0x49: {  	_ =	shalt  }
0x4a: {  	_ =	shalt  }
0x4b: {  	_ =	shalt  }
0x4c: {  	_ =	shalt  }
0x4d: {  	_ =	shalt  }
0x4e: {  	_ =	shalt  }
0x4f: {  	_ =	shalt  }
0x50: {  	_ =	shalt  }
0x51: {  	_ =	shalt  }
0x52: {  	_ =	shalt  }
0x53: {  	_ =	shalt  }
0x54: {  	_ =	shalt  }
0x55: {  	_ =	shalt  }
0x56: {  	_ =	shalt  }
0x57: {  	_ =	shalt  }
0x58: {  	_ =	shalt  }
0x59: {  	_ =	shalt  }
0x5a: {  	_ =	shalt  }
0x5b: {  	_ =	shalt  }
0x5c: {  	_ =	shalt  }
0x5d: {  	_ =	shalt  }
0x5e: {  	_ =	shalt  }
0x5f: {  	_ =	shalt  }
0x60: {  	_ =	shalt  }
0x61: {  	_ =	shalt  }
0x62: {  	_ =	shalt  }
0x63: {  	_ =	shalt  }
0x64: {  	_ =	shalt  }
0x65: {  	_ =	shalt  }
0x66: {  	_ =	shalt  }
0x67: {  	_ =	shalt  }
0x68: {  	_ =	shalt  }
0x69: {  	_ =	shalt  }
0x6a: {  	_ =	shalt  }
0x6b: {  	_ =	shalt  }
0x6c: {  	_ =	shalt  }
0x6d: {  	_ =	shalt  }
0x6e: {  	_ =	shalt  }
0x6f: {  	_ =	shalt  }
0x70: {  	_ =	shalt  }
0x71: {  	_ =	shalt  }
0x72: {  	_ =	shalt  }
0x73: {  	_ =	shalt  }
0x74: {  	_ =	shalt  }
0x75: {  	_ =	shalt  }
0x76: {  	_ =	shalt  }
0x77: {  	_ =	shalt  }
0x78: {  	_ =	shalt  }
0x79: {  	_ =	shalt  }
0x7a: {  	_ =	shalt  }
0x7b: {  	_ =	shalt  }
0x7c: {  	_ =	shalt  }
0x7d: {  	_ =	shalt  }
0x7e: {  	_ =	shalt  }
0x7f: {  	_ =	shalt  }
0x80: {  	_ =	shalt  }
0x81: {  	_ =	shalt  }
0x82: {  	_ =	shalt  }
0x83: {  	_ =	shalt  }
0x84: {  	_ =	shalt  }
0x85: {  	_ =	shalt  }
0x86: {  	_ =	shalt  }
0x87: {  	_ =	shalt  }
.Lfunc_end0:
.L_simem_size_0:
called_computation.1_lowered:
.L_overlay_start_0:
0x88: {  	s2 =	sld [smem:$0x3FD9]  }
0x89: {  	s3 =	sld [smem:$0x3FFE];
	_ =	sdelay $0x1  }
0x8a: {  	s1 =	srdreg.scid  }
0x8b: {  	s0 =	sand.u32 $0x1, s1  }
0x8c: {  	s17 =	sshll.u32 s0, $0xA;
	s2 =	sadd.s32 s3, s2  }
0x8d: {  	s2 =	sadd.s32 s2, s17  }
0x8e: {  	[smem:$0x3FC1] =	sst s2  }
0x8f: {  	_ = 	snop  }
0x90: {  	s2 =	sld [smem:$0x3FD0];
	(tm) =	ssettm $0x1  }
0x91: {  	s18 =	sld [smem:$0x3FFB];
	_ =	sdelay $0x3  }
0x92: {  	_ =	strace s18  }
0x93: {  	s3 =	sld [smem:$0x3FFC];
	_ =	sdelay $0x3  }
0x94: {  	_ =	strace s3  }
0x95: {  	s3 =	sld [smem:$0x3FFD];
	_ =	sdelay $0x3  }
0x96: {  	_ =	strace s3  }
0x97: {  	_ =	strace $0x8FFFFFFF  }
0x98: {  	s19 =	sld [smem:$0x3FDB];
	_ =	sdelay $0x1  }
0x99: {  	s4 =	simm.s32 $_scs_section_size  }
0x9a: {  	s5 =	simm.s32 $_size__tile_overlayer_lowered;
	s6 =	simm.s32 $_tile_overlayer_lowered  }
0x9b: {  	s22 =	simm.s32 $0x1BFF;
	s21 =	sshll.u32 s6, $0x1;
	s3 =	sadd.s32 s4, s19  }
0x9c: {  	s7 =	simm.s32 $0x0;
	s20 =	sshll.u32 s5, $0x1;
	s5 =	sadd.s32 s21, s3  }
0x9d: {  	[timem:s7], [sflag:s22] =	dma.local [hbm:s5], s20  }
0x9e: {  	_ =	swait.ge [sflag:s22], s20  }
0x9f: {  	s4 =	ssub.s32 $0x0, s20;
	[sflag:s22] =	ssyncset.done $0x0  }
0xa0: {  	[sflag:s22] =	ssyncadd.s32 s4;
	_ =	sdelay $0x1  }
0xa1: {  	s23 =	simm.s32 $0x1B8B  }
0xa2: {  	_ =	swait.ge [sflag:s23], $0x1  }
0xa3: {  	[sflag:s23] =	ssyncset.done $0x0  }
0xa4: {  	s25 =	simm.s32 $0x1B8E;
	s24 =	sld [smem:$0x3FFE];
	[sflag:s23] =	ssyncadd.s32 $0xFFFFFFFF  }
0xa5: {  	s26 =	simm.s32 $execute0_lowered;
	[smem:$0x3FD2] =	sst s25  }
0xa6: {  	s5 =	sshll.u32 s26, $0x1;
	_ =	strace $0x80000049;
	[dreg:$0x1] =	wrdreg $0xFFFFFFFF  }
0xa7: {  	s28 =	simm.s32 $_size_execute0_lowered;
	s3 =	sadd.s32 s3, s5;
	[dreg:$0x0] =	wrdreg $0x0  }
0xa8: {  	s5 =	sshll.u32 s28, $0x1;
	[dreg:$0x2] =	wrdreg s3  }
0xa9: {  	[dreg:$0x3] =	wrdreg s5  }
0xaa: {  	[dreg:$0x4] =	wrdreg $0xC0  }
0xab: {  	_ =	task [dreg:s7], $0x5FFFF  }
0xac: {  	[dreg:$0x1] =	wrdreg $0xFFFFFFFF  }
0xad: {  	[dreg:$0x0] =	wrdreg $0x60  }
0xae: {  	[dreg:$0x2] =	wrdreg s24  }
0xaf: {  	[dreg:$0x3] =	wrdreg s2  }
0xb0: {  	[dreg:$0x4] =	wrdreg $0x9  }
0xb1: {  	_ =	task.clear_ibuf [dreg:s7], $0x5FFFF;
	_ =	strace $0x90000049  }
0xb2: {  	s29 =	simm.s32 $0x9;
	_ =	strace $0x8000004B  }
0xb3: {  	_ =	swait.ge [sflag:s29], $0x1  }
0xb4: {  	[sflag:s29] =	ssyncadd.s32 $0xFFFFFFFF  }
0xb5: {  	_ =	strace $0x9000004B  }
0xb6: {  	_ =	sfence  }
0xb7: {  	s30 =	sld [smem:$0x0];
	_ =	sdelay $0x2  }
0xb8: {  	s31 =	sshll.u32 s1, $0xD;
	s1 =	sshrl.u32 s1, $0x2  }
0xb9: {  	s3 =	sand.u32 $0x4000, s31;
	s1 =	sadd.s32 s1, s30  }
0xba: {  	s0 =	sor.u32 s3, s0;
	s1 =	sshll.u32 s1, $0x11  }
0xbb: {  	s0 =	sor.u32 s1, s0  }
0xbc: {  	s0 =	sadd.s32 $0x8F2B, s0  }
0xbd: {  	[sflag:s0] =	ssyncadd.remote.s32 $0x1  }
0xbe: {  	_ =	sfence.sel $0xFFFF  }
0xbf: {  	[dreg:$0x0] =	wrdreg $0xFFFFFFFF;
	(pc) =	sbr.abs _section_cstart, $3  }
0xc0: {  	[dreg:$0x1] =	wrdreg $0xFFFFFFFF  }
0xc1: {  	_ =	task.clear_ibuf [dreg:s7], $0x2FFFF;
	_ =	strace $0x9FFFFFFF  }
0xc2: {  	(tm) =	ssettm $0x7FFFFFFF  }
0xc3: {  	_ =	shalt  }
tec
execute0_lowered:
.L_overlay_start_1:
0x0: {  	(tag) =	ssettag $0x1  }
0x1: {  	s8 =	rddreg [dreg:$0x0]  }
0x2: {  	s10 =	rddreg [dreg:$0x1]  }
0x3: {  	s0 =	rddreg [dreg:$0x2]  }
0x4: {  	s2 =	simm.s32 $0x0;
	s3 =	srdreg.scid;
	s1 =	stileid.u32  }
0x5: {  	s14 =	simm.s32 $0x100;
	s15 =	simm.s32 $0x180;
	s16 =	simm.s32 $0x980  }
0x6: {  	s17 =	simm.s32 $0x1180;
	s18 =	simm.s32 $0x1980;
	s19 =	simm.s32 $0x2180  }
0x7: {  	s20 =	simm.s32 $0x2980;
	s21 =	simm.s32 $0x3180;
	s22 =	simm.s32 $0x3980  }
0x8: {  	s23 =	simm.s32 $0x4180;
	s24 =	simm.s32 $0x4980;
	s25 =	simm.s32 $0x5180  }
0x9: {  	s26 =	simm.s32 $0x5980;
	s28 =	simm.s32 $0x1;
	[smem:$0x7FF] =	sst s2  }
0xa: {  	s4 =	sand.u32 $0x1, s3;
	s30 =	sshll.u32 s1, $0x1;
	s3 =	sadd.s32 $0x1B6200, s8  }
0xb: {  	_ =	strace $0x8000004A;
	s6 =	sor.u32 s4, s30;
	s4 =	ssub.s32 $0x2, s4  }
0xc: {  	s5 =	sshll.u32 s6, $0x3;
	s7 =	sshll.u32 s6, $0x1;
	s31 =	smul.u32 $0xC000, s6  }
0xd: {  	s9 =	sshrl.u32 s4, $0x1;
	s12 =	smul.u32 $0x1800, s6;
	s5 =	sadd.s32 s5, s8  }
.Ltmp0:
0xe: {  	s7 =	sadd.s32 s7, s8;
	s11 =	ssub.s32 s4, s9;
	(pc) =	sbr.rel .LBB2_1-.Ltmp0, $4  }
0xf: {  	s4 =	sadd.s32 $0x4E00, s5;
	s5 =	sadd.s32 $0x2C00, s7;
	s6 =	sadd.s32 $0x6000, s7  }
0x10: {  	v2 =	vlaneseq.u32;
	s7 =	sadd.s32 $0x1B6300, s8;
	s13 =	sshrl.u32 s31, $0x3;
	s8 =	sadd.s32 $0x1B6400, s8  }
0x11: {  	vm0 =	vcmask $0x308;
	vm1 =	vmmov $0xffff;
	v1 =	vshrl.u32 v2, $0x3;
	s9 =	sadd.s32 s10, s12;
	s11 =	smax.u32 s11, $0x1;
	s10 =	sadd.s32 s10, s13  }
0x12: {  	v0 =	vand.u32 $0x7, v2;
	v2 =	vor.u32 $0x8, v2;
	v1 =	vmul.u32 $0x8, v1;
	s12 =	simm.s32 $0x2;
	s13 =	simm.s32 $0x80;
	s10 =	sadd.s32 $0xC00, s10  }
.LBB2_3:
0x13: {  	s11 =	sadd.s32 $0xFFFFFFFF, s11  }
0x14: {  	p0 =	sne.s32 s11, $0x0  }
.Ltmp1:
0x15: {  	_ = 	snop;
	(pc) =	sbr.rel @!p0 .LBB2_4-.Ltmp1, $1  }
0x16: {  	_ =	sdelay $0x3  }
.LBB2_1:
0x17: {  	[tilespmem:s2], [sflag:$0x2] =	stream.linear.gather [hbm4b:s4+s2], $0x40, $0x38;
	[tilespmem:$0xC180] =	vst v63  }
0x18: {  	_ =	swait.ge [sflag:s12], $0x40  }
0x19: {  	[sflag:s12] =	ssyncset.done $0x0  }
0x1a: {  	[sflag:s12] =	ssyncadd.s32 $0xFFFFFFC0  }
0x1b: {  	[tilespmem:s13], [sflag:$0x2] =	stream.linear.gather [hbm4b:s5+s2], $0x10, $0x38;
	[tilespmem:$0xC180] =	vst v63  }
0x1c: {  	_ =	swait.ge [sflag:s12], $0x10  }
0x1d: {  	[sflag:s12] =	ssyncset.done $0x0  }
0x1e: {  	[sflag:s12] =	ssyncadd.s32 $0xFFFFFFF0  }
0x1f: {  	[tilespmem:s14], [sflag:$0x2] =	stream.linear.gather [hbm4b:s6+s2], $0x10, $0x38;
	[tilespmem:$0xC180] =	vst v63  }
0x20: {  	_ =	swait.ge [sflag:s12], $0x10  }
0x21: {  	[sflag:s12] =	ssyncset.done $0x0  }
0x22: {  	[sflag:s12] =	ssyncadd.s32 $0xFFFFFFF0  }
0x23: {  	v3 =	vld [tilespmem:$0x100];
	_ =	sdelay $0x4  }
0x24: {  	v3 =	vsel vm0, $0x0, v3  }
0x25: {  	v3 =	vxor.u32 $0x80000000, v3  }
0x26: {  	(xrf0) =	vmax.scan.msk.u32 $0xffff, v3;
	_ =	sdelay $0x5  }
0x27: {  	v3, _, _ =	vpop (xrf0)  }
0x28: {  	(v2sf) =	vpush v3, $0xF;
	_ =	sdelay $0xa  }
0x29: {  	v4 =	vld [tilespmem:$0x80]  }
0x2a: {  	v3 =	vld [tilespmem:$0x10]  }
0x2b: {  	v5 =	vld [tilespmem:$0x0]  }
0x2c: {  	v6 =	vld [tilespmem:$0x20]  }
0x2d: {  	v7 =	vld [tilespmem:$0x30];
	s29 =	spop (v2sf)  }
0x2e: {  	s29 =	sxor.u32 $0x80000000, s29  }
0x2f: {  	vm2 =	vlt.s32 v3, $0x0;
	p0 =	slt.s32 s29, $0x1  }
.Ltmp2:
0x30: {  	v3 =	vsel vm2, v4, v3;
	vm2 =	vlt.s32 v5, $0x0;
	(pc) =	sbr.rel @p0 .LBB2_3-.Ltmp2, $4  }
0x31: {  	[tilespmem:$0x10] =	vst v3;
	v3 =	vsel vm2, v4, v5;
	vm2 =	vlt.s32 v6, $0x0  }
0x32: {  	[tilespmem:$0x0] =	vst v3;
	v5 =	vsel vm2, v4, v6;
	vm2 =	vlt.s32 v7, $0x0  }
0x33: {  	[tilespmem:$0x20] =	vst v5;
	v4 =	vsel vm2, v4, v7  }
0x34: {  	[tilespmem:$0x30] =	vst v4  }
0x35: {  	v4 =	vshrl.u32 v3, $0x3  }
0x36: {  	v4 =	vmul.u32 $0x30, v4  }
0x37: {  	v3 =	vand.u32 $0x7, v3  }
0x38: {  	v3 =	vor.u32 v3, v4  }
0x39: {  	v4 =	vperm.xlane v3, v0;
	_ =	sdelay $0x1  }
0x3a: {  	v4 =	vadd.s32 v1, v4;
	_ =	sdelay $0x3  }
0x3b: {  	v3 =	vperm.xlane v3, v2  }
0x3c: {  	[tilespmem:s15], [sflag:$0x1] =	stream.indirect_vreg.gather [hbm4b:s3+s2], $0x80, v4, vm1, $0xb8;
	[tilespmem:$0xC180] =	vst v63  }
0x3d: {  	v3 =	vadd.s32 v1, v3  }
0x3e: {  	[tilespmem:s16], [sflag:$0x1] =	stream.indirect_vreg.gather [hbm4b:s7+s2], $0x80, v4, vm1, $0xb8;
	[tilespmem:$0xC180] =	vst v63  }
0x3f: {  	_ = 	snop  }
0x40: {  	[tilespmem:s17], [sflag:$0x1] =	stream.indirect_vreg.gather [hbm4b:s8+s2], $0x80, v4, vm1, $0xb8;
	[tilespmem:$0xC180] =	vst v63  }
0x41: {  	_ = 	snop  }
0x42: {  	[tilespmem:s18], [sflag:$0x1] =	stream.indirect_vreg.gather [hbm4b:s3+s2], $0x80, v3, vm1, $0xb8;
	[tilespmem:$0xC180] =	vst v63  }
0x43: {  	_ = 	snop  }
0x44: {  	[tilespmem:s19], [sflag:$0x1] =	stream.indirect_vreg.gather [hbm4b:s7+s2], $0x80, v3, vm1, $0xb8;
	[tilespmem:$0xC180] =	vst v63  }
0x45: {  	_ = 	snop  }
0x46: {  	[tilespmem:s20], [sflag:$0x1] =	stream.indirect_vreg.gather [hbm4b:s8+s2], $0x80, v3, vm1, $0xb8;
	[tilespmem:$0xC180] =	vst v63  }
0x47: {  	v3 =	vld [tilespmem:$0x10];
	_ =	sdelay $0x4  }
0x48: {  	v63 =	vshrl.u32 v3, $0x3  }
0x49: {  	v4 =	vmul.u32 $0x30, v63  }
0x4a: {  	v3 =	vand.u32 $0x7, v3  }
0x4b: {  	v3 =	vor.u32 v3, v4  }
0x4c: {  	v4 =	vperm.xlane v3, v0;
	_ =	sdelay $0x1  }
0x4d: {  	v4 =	vadd.s32 v1, v4;
	_ =	sdelay $0x3  }
0x4e: {  	v3 =	vperm.xlane v3, v2  }
0x4f: {  	[tilespmem:s21], [sflag:$0x1] =	stream.indirect_vreg.gather [hbm4b:s3+s2], $0x80, v4, vm1, $0xb8;
	[tilespmem:$0xC180] =	vst v63  }
0x50: {  	v3 =	vadd.s32 v1, v3  }
0x51: {  	[tilespmem:s22], [sflag:$0x1] =	stream.indirect_vreg.gather [hbm4b:s7+s2], $0x80, v4, vm1, $0xb8;
	[tilespmem:$0xC180] =	vst v63  }
0x52: {  	_ = 	snop  }
0x53: {  	[tilespmem:s23], [sflag:$0x1] =	stream.indirect_vreg.gather [hbm4b:s8+s2], $0x80, v4, vm1, $0xb8;
	[tilespmem:$0xC180] =	vst v63  }
0x54: {  	_ = 	snop  }
0x55: {  	[tilespmem:s24], [sflag:$0x1] =	stream.indirect_vreg.gather [hbm4b:s3+s2], $0x80, v3, vm1, $0xb8;
	[tilespmem:$0xC180] =	vst v63  }
0x56: {  	_ = 	snop  }
0x57: {  	[tilespmem:s25], [sflag:$0x1] =	stream.indirect_vreg.gather [hbm4b:s7+s2], $0x80, v3, vm1, $0xb8;
	[tilespmem:$0xC180] =	vst v63  }
0x58: {  	_ = 	snop  }
0x59: {  	[tilespmem:s26], [sflag:$0x1] =	stream.indirect_vreg.gather [hbm4b:s8+s2], $0x80, v3, vm1, $0xb8;
	[tilespmem:$0xC180] =	vst v63  }
0x5a: {  	_ =	swait.ge [sflag:s28], $0x6000  }
0x5b: {  	[sflag:s28] =	ssyncset.done $0x0  }
0x5c: {  	[sflag:s28] =	ssyncadd.s32 $0xFFFFA000  }
0x5d: {  	[hbm4b:s9+s2] =	stream.linear.scatter [tilespmem:s15], [sflag:$0x2], $0x6000, $0x38;
	[tilespmem:$0xC180] =	vst v63  }
0x5e: {  	_ =	swait.ge [sflag:s12], $0x6000  }
0x5f: {  	[sflag:s12] =	ssyncset.done $0x0  }
0x60: {  	p0 =	slt.u32 s29, $0x21;
	[sflag:s12] =	ssyncadd.s32 $0xFFFFA000  }
0x61: {  	v3 =	vld @!p0 [tilespmem:$0x20];
	_ =	sdelay $0x4  }
0x62: {  	v4 =	vshrl.u32 @!p0 v3, $0x3  }
0x63: {  	v4 =	vmul.u32 @!p0 $0x30, v4  }
0x64: {  	v5 =	vlaneseq.u32 @!p0;
	v3 =	vand.u32 @!p0 $0x7, v3  }
0x65: {  	v6 =	vshrl.u32 @!p0 v5, $0x3;
	v3 =	vor.u32 @!p0 v3, v4;
	v4 =	vand.u32 @!p0 $0x7, v5  }
0x66: {  	v6 =	vmul.u32 @!p0 $0x8, v6;
	v7 =	vperm.xlane @!p0 v3, v4;
	_ =	sdelay $0x1  }
0x67: {  	v7 =	vadd.s32 @!p0 v6, v7;
	_ =	sdelay $0x2  }
0x68: {  	v5 =	vor.u32 @!p0 $0x8, v5  }
0x69: {  	vm2 =	vmmov @!p0 $0xffff;
	s29 =	simm.s32 @!p0 $0x0;
	s30 =	simm.s32 @!p0 $0x6180;
	v3 =	vperm.xlane @!p0 v3, v5  }
0x6a: {  	[tilespmem:s30], [sflag:$0x1] =	stream.indirect_vreg.gather @!p0 [hbm4b:s3+s29], $0x80, v7, vm2, $0xb8;
	[tilespmem:$0xC180] =	vst v63  }
0x6b: {  	s31 =	simm.s32 @!p0 $0x6980;
	v3 =	vadd.s32 @!p0 v6, v3  }
0x6c: {  	[tilespmem:s31], [sflag:$0x1] =	stream.indirect_vreg.gather @!p0 [hbm4b:s7+s29], $0x80, v7, vm2, $0xb8;
	[tilespmem:$0xC180] =	vst v63  }
0x6d: {  	s31 =	simm.s32 @!p0 $0x7180  }
0x6e: {  	[tilespmem:s31], [sflag:$0x1] =	stream.indirect_vreg.gather @!p0 [hbm4b:s8+s29], $0x80, v7, vm2, $0xb8;
	[tilespmem:$0xC180] =	vst v63  }
0x6f: {  	s31 =	simm.s32 @!p0 $0x7980  }
0x70: {  	[tilespmem:s31], [sflag:$0x1] =	stream.indirect_vreg.gather @!p0 [hbm4b:s3+s29], $0x80, v3, vm2, $0xb8;
	[tilespmem:$0xC180] =	vst v63  }
0x71: {  	s31 =	simm.s32 @!p0 $0x8180  }
0x72: {  	[tilespmem:s31], [sflag:$0x1] =	stream.indirect_vreg.gather @!p0 [hbm4b:s7+s29], $0x80, v3, vm2, $0xb8;
	[tilespmem:$0xC180] =	vst v63  }
0x73: {  	s31 =	simm.s32 @!p0 $0x8980  }
0x74: {  	[tilespmem:s31], [sflag:$0x1] =	stream.indirect_vreg.gather @!p0 [hbm4b:s8+s29], $0x80, v3, vm2, $0xb8;
	[tilespmem:$0xC180] =	vst v63  }
0x75: {  	v3 =	vld @!p0 [tilespmem:$0x30];
	_ =	sdelay $0x4  }
0x76: {  	v7 =	vshrl.u32 @!p0 v3, $0x3  }
0x77: {  	v7 =	vmul.u32 @!p0 $0x30, v7  }
0x78: {  	v3 =	vand.u32 @!p0 $0x7, v3  }
0x79: {  	v3 =	vor.u32 @!p0 v3, v7  }
0x7a: {  	v4 =	vperm.xlane @!p0 v3, v4;
	_ =	sdelay $0x1  }
0x7b: {  	v4 =	vadd.s32 @!p0 v6, v4;
	_ =	sdelay $0x3  }
0x7c: {  	s31 =	simm.s32 @!p0 $0x9180;
	v3 =	vperm.xlane @!p0 v3, v5  }
0x7d: {  	[tilespmem:s31], [sflag:$0x1] =	stream.indirect_vreg.gather @!p0 [hbm4b:s3+s29], $0x80, v4, vm2, $0xb8;
	[tilespmem:$0xC180] =	vst v63  }
0x7e: {  	v3 =	vadd.s32 @!p0 v6, v3;
	s31 =	simm.s32 @!p0 $0x9980  }
0x7f: {  	[tilespmem:s31], [sflag:$0x1] =	stream.indirect_vreg.gather @!p0 [hbm4b:s7+s29], $0x80, v4, vm2, $0xb8;
	[tilespmem:$0xC180] =	vst v63  }
0x80: {  	s31 =	simm.s32 @!p0 $0xA180  }
0x81: {  	[tilespmem:s31], [sflag:$0x1] =	stream.indirect_vreg.gather @!p0 [hbm4b:s8+s29], $0x80, v4, vm2, $0xb8;
	[tilespmem:$0xC180] =	vst v63  }
0x82: {  	s31 =	simm.s32 @!p0 $0xA980  }
0x83: {  	[tilespmem:s31], [sflag:$0x1] =	stream.indirect_vreg.gather @!p0 [hbm4b:s3+s29], $0x80, v3, vm2, $0xb8;
	[tilespmem:$0xC180] =	vst v63  }
0x84: {  	s31 =	simm.s32 @!p0 $0xB180  }
0x85: {  	[tilespmem:s31], [sflag:$0x1] =	stream.indirect_vreg.gather @!p0 [hbm4b:s7+s29], $0x80, v3, vm2, $0xb8;
	[tilespmem:$0xC180] =	vst v63  }
0x86: {  	s31 =	simm.s32 @!p0 $0xB980  }
0x87: {  	[tilespmem:s31], [sflag:$0x1] =	stream.indirect_vreg.gather @!p0 [hbm4b:s8+s29], $0x80, v3, vm2, $0xb8;
	[tilespmem:$0xC180] =	vst v63  }
0x88: {  	s31 =	simm.s32 @!p0 $0x1  }
0x89: {  	_ =	swait.ge @!p0 [sflag:s31], $0x6000  }
0x8a: {  	[sflag:s31] =	ssyncset.done @!p0 $0x0  }
0x8b: {  	[sflag:s31] =	ssyncadd.s32 @!p0 $0xFFFFA000  }
0x8c: {  	[hbm4b:s10+s29] =	stream.linear.scatter @!p0 [tilespmem:s30], [sflag:$0x2], $0x6000, $0x38;
	[tilespmem:$0xC180] =	vst v63  }
.Ltmp3:
0x8d: {  	_ = 	snop;
	(pc) =	sbr.rel .LBB2_3-.Ltmp3, $4  }
0x8e: {  	s29 =	simm.s32 @!p0 $0x2  }
0x8f: {  	_ =	swait.ge @!p0 [sflag:s29], $0x6000  }
0x90: {  	[sflag:s29] =	ssyncset.done @!p0 $0x0  }
0x91: {  	[sflag:s29] =	ssyncadd.s32 @!p0 $0xFFFFA000  }
.LBB2_4:
0x92: {  	_ =	sfence.sel $0x180000  }
0x93: {  	[bflag:$0x0] =	sbarrier.arrive $0xFFFF  }
0x94: {  	p0 =	sne.s32 s1, $0x0;
	_ =	strace $0x9000004A  }
0x95: {  	s0 =	sadd.s32 @!p0 $0x100000, s0;
	[bflag:$0x2] =	sbarrier.arrive $0xFFFF  }
0x96: {  	[sflag:s0] =	ssyncadd.tile.s32 @!p0 $0x1;
	_ =	shalt  }
.Lfunc_end2:
_tile_overlayer_lowered:
.L_overlay_start_2:
0x97: {  	(tag) =	ssettag $0x2  }
0x98: {  	s0 =	rddreg [dreg:$0x0];
	s2 =	stileid.u32  }
0x99: {  	s1 =	rddreg [dreg:$0x1];
	p0 =	sne.s32 s2, $0x0  }
0x9a: {  	s3 =	rddreg [dreg:$0x2];
	[bflag:$0x3] =	sbarrier.arrive $0xFFFF;
	s2 =	simm.s32 @!p0 $0x1C02  }
0x9b: {  	[timem:s3], [sflag:s2] =	dma.local @!p0 [hbm:s0], s1  }
0x9c: {  	s0 =	simm.s32 @!p0 $0x2  }
0x9d: {  	_ =	swait.ge @!p0 [sflag:s0], s1  }
0x9e: {  	s1 =	ssub.s32 @!p0 $0x0, s1;
	[sflag:s0] =	ssyncset.done @!p0 $0x0  }
0x9f: {  	[sflag:s0] =	ssyncadd.s32 @!p0 s1  }
0xa0: {  	[bflag:$0x3] =	sbarrier.arrive $0xFFFF  }
0xa1: {  	_ =	shalt  }

// kernel: branch_0_fun.13.cloned.1.call-start
scs
__scs_entry_jumppad:
0x0: {  	(pc) =	sbr.rel $0x88, $3  }
0x1: {  	(tag) =	ssettag $0x0;
	lr =	simm.s32 $0x1  }
0x2: {  	[smem:$0x3F9A] =	sst lr;
	_ =	strace $0xD0000000  }
0x3: {  	_ = 	snop  }
0x4: {  	_ = 	snop  }
0x5: {  	_ = 	snop  }
0x6: {  	_ = 	snop  }
0x7: {  	_ = 	snop  }
__scs_overlays_trampoline_lowered:
0x8: {  	[smem:$0x3FA9] =	sst s0  }
0x9: {  	[smem:$0x3FAA] =	sst s1  }
0xa: {  	[smem:$0x3FAB] =	sst s2  }
0xb: {  	[smem:$0x3FAC] =	sst s3  }
0xc: {  	[smem:$0x3FAD] =	sst s4  }
0xd: {  	[smem:$0x3FAE] =	sst s5  }
0xe: {  	[smem:$0x3FAF] =	sst s6  }
0xf: {  	[smem:$0x3FB0] =	sst s7  }
0x10: {  	[smem:$0x3FB1] =	sst s8  }
0x11: {  	[smem:$0x3FB2] =	sst s9;
	s0 =	simm.s32 @!p0 $0x0  }
0x12: {  	s1 =	sld [smem:$0x3F98];
	s0 =	simm.s32 @p0 $0x1  }
0x13: {  	[smem:$0x3FB3] =	sst s0;
	s0 =	simm.s32 @!p1 $0x0  }
0x14: {  	s2 =	sld [smem:$0x3F97];
	s0 =	simm.s32 @p1 $0x1  }
0x15: {  	[smem:$0x3FB4] =	sst s0;
	s0 =	simm.s32 @!p2 $0x0  }
0x16: {  	s3 =	sld [smem:$0x3FDB];
	s0 =	simm.s32 @p2 $0x1  }
0x17: {  	s4 =	simm.s32 $0x1BF5;
	[smem:$0x3FB6] =	sst s0  }
0x18: {  	s0 =	sld [smem:$0x3F99];
	_ =	swait.ge [sflag:s4], $0x0  }
0x19: {  	s7 =	sld [smem:$0x3F9A]  }
0x1a: {  	s8 =	sadd.s32 $0xFFFFE003, lr  }
0x1b: {  	s9 =	sadd.s32 $0xFFFFFEF7, lr;
	s5 =	simm.s32 $0xFFFFFFFF;
	p2 =	slt.u32 s8, $0xFFFFF086  }
0x1c: {  	p1 =	slt.u32 s9, $0xF7A;
	s5 =	simm.s32 @!p2 $0x0  }
0x1d: {  	s5 =	simm.s32 @p1 $0x1;
	p0 =	seq.s32 s7, s2  }
0x1e: {  	s7 =	smul.u32 @!p0 $0xF7A, s2;
	p2 =	seq.s32 @!p0 s5, $0x0  }
0x1f: {  	s9 =	smul.u32 $0xF7A, s1;
	s8 =	simm.s32 @!p0 $0x1BF5;
	p2 =	por !p2, p0  }
0x20: {  	[sflag:s8] =	ssyncset.s32 @!p0 $0xFFFFF086;
	s6 =	sadd.s32 @!p0 s3, s7;
	s7 =	simm.s32 @!p0 $0x108  }
0x21: {  	s3 =	sadd.s32 s3, s9;
	s6 =	sadd.s32 @!p0 $0x88, s6;
	s7 =	simm.s32 @p2 $0x1082  }
0x22: {  	[simem:s7], [sflag:s8] =	dma.local @!p0 [hbm:s6], $0xF7A  }
0x23: {  	s9 =	sor.u32 $0xD0000000, s2;
	s6 =	simm.s32 $0x108;
	_ =	swait.ge @!p0 [sflag:s8], $0x0  }
0x24: {  	s3 =	sadd.s32 $0x88, s3;
	s6 =	simm.s32 @!p1 $0x1082;
	[sflag:s4] =	ssyncset.s32 $0xFFFFF086  }
0x25: {  	[simem:s6], [sflag:s4] =	dma.local [hbm:s3], $0xF7A  }
0x26: {  	[smem:$0x3F9A] =	sst s1;
	(tag) =	ssettag s2;
	_ =	strace s9  }
0x27: {  	s1 =	sld [smem:$0x3FAA]  }
0x28: {  	s2 =	sld [smem:$0x3FAB]  }
0x29: {  	s4 =	sld [smem:$0x3FAD]  }
0x2a: {  	p0 =	seq.s32 s5, $0x0;
	s5 =	sld [smem:$0x3FAE]  }
0x2b: {  	s6 =	sld [smem:$0x3FAF]  }
0x2c: {  	s7 =	sld [smem:$0x3FB0]  }
0x2d: {  	s3 =	simm.s32 $0x108;
	s8 =	sld [smem:$0x3FB1]  }
0x2e: {  	s3 =	simm.s32 @!p0 $0x1082;
	s9 =	sld [smem:$0x3FB2]  }
0x2f: {  	lr =	sadd.s32 s0, s3;
	s0 =	sld [smem:$0x3FA9]  }
0x30: {  	s3 =	sld [smem:$0x3FAC]  }
0x31: {  	[smem:$0x3FB5] =	sst s10  }
0x32: {  	s10 =	sld [smem:$0x3FB3];
	_ =	sdelay $0x3  }
0x33: {  	p0 =	seq.s32 s10, $0x1;
	s10 =	sld [smem:$0x3FB5];
	_ =	sdelay $0x3  }
0x34: {  	[smem:$0x3FB5] =	sst s10  }
0x35: {  	s10 =	sld [smem:$0x3FB4];
	_ =	sdelay $0x3  }
0x36: {  	p1 =	seq.s32 s10, $0x1;
	s10 =	sld [smem:$0x3FB5];
	_ =	sdelay $0x3  }
0x37: {  	[smem:$0x3FB5] =	sst s10  }
0x38: {  	s10 =	sld [smem:$0x3FB6]  }
0x39: {  	_ = 	snop;
	(pc) =	sbr.ind lr, $3  }
0x3a: {  	_ = 	snop  }
0x3b: {  	_ = 	snop  }
0x3c: {  	p2 =	seq.s32 s10, $0x1;
	s10 =	sld [smem:$0x3FB5]  }
0x3d: {  	_ =	shalt  }
0x3e: {  	_ =	shalt  }
0x3f: {  	_ =	shalt  }
0x40: {  	_ =	shalt  }
0x41: {  	_ =	shalt  }
0x42: {  	_ =	shalt  }
0x43: {  	_ =	shalt  }
0x44: {  	_ =	shalt  }
0x45: {  	_ =	shalt  }
0x46: {  	_ =	shalt  }
0x47: {  	_ =	shalt  }
0x48: {  	_ =	shalt  }
0x49: {  	_ =	shalt  }
0x4a: {  	_ =	shalt  }
0x4b: {  	_ =	shalt  }
0x4c: {  	_ =	shalt  }
0x4d: {  	_ =	shalt  }
0x4e: {  	_ =	shalt  }
0x4f: {  	_ =	shalt  }
0x50: {  	_ =	shalt  }
0x51: {  	_ =	shalt  }
0x52: {  	_ =	shalt  }
0x53: {  	_ =	shalt  }
0x54: {  	_ =	shalt  }
0x55: {  	_ =	shalt  }
0x56: {  	_ =	shalt  }
0x57: {  	_ =	shalt  }
0x58: {  	_ =	shalt  }
0x59: {  	_ =	shalt  }
0x5a: {  	_ =	shalt  }
0x5b: {  	_ =	shalt  }
0x5c: {  	_ =	shalt  }
0x5d: {  	_ =	shalt  }
0x5e: {  	_ =	shalt  }
0x5f: {  	_ =	shalt  }
0x60: {  	_ =	shalt  }
0x61: {  	_ =	shalt  }
0x62: {  	_ =	shalt  }
0x63: {  	_ =	shalt  }
0x64: {  	_ =	shalt  }
0x65: {  	_ =	shalt  }
0x66: {  	_ =	shalt  }
0x67: {  	_ =	shalt  }
0x68: {  	_ =	shalt  }
0x69: {  	_ =	shalt  }
0x6a: {  	_ =	shalt  }
0x6b: {  	_ =	shalt  }
0x6c: {  	_ =	shalt  }
0x6d: {  	_ =	shalt  }
0x6e: {  	_ =	shalt  }
0x6f: {  	_ =	shalt  }
0x70: {  	_ =	shalt  }
0x71: {  	_ =	shalt  }
0x72: {  	_ =	shalt  }
0x73: {  	_ =	shalt  }
0x74: {  	_ =	shalt  }
0x75: {  	_ =	shalt  }
0x76: {  	_ =	shalt  }
0x77: {  	_ =	shalt  }
0x78: {  	_ =	shalt  }
0x79: {  	_ =	shalt  }
0x7a: {  	_ =	shalt  }
0x7b: {  	_ =	shalt  }
0x7c: {  	_ =	shalt  }
0x7d: {  	_ =	shalt  }
0x7e: {  	_ =	shalt  }
0x7f: {  	_ =	shalt  }
0x80: {  	_ =	shalt  }
0x81: {  	_ =	shalt  }
0x82: {  	_ =	shalt  }
0x83: {  	_ =	shalt  }
0x84: {  	_ =	shalt  }
0x85: {  	_ =	shalt  }
0x86: {  	_ =	shalt  }
0x87: {  	_ =	shalt  }
.Lfunc_end0:
.L_simem_size_0:
called_computation.2_lowered:
.L_overlay_start_0:
0x88: {  	s2 =	sld [smem:$0x3FD9]  }
0x89: {  	s3 =	sld [smem:$0x3FFE];
	_ =	sdelay $0x1  }
0x8a: {  	s1 =	srdreg.scid  }
0x8b: {  	s0 =	sand.u32 $0x1, s1  }
0x8c: {  	s17 =	sshll.u32 s0, $0xA;
	s2 =	sadd.s32 s3, s2  }
0x8d: {  	s2 =	sadd.s32 s2, s17  }
0x8e: {  	[smem:$0x3FC1] =	sst s2  }
0x8f: {  	_ = 	snop  }
0x90: {  	s2 =	sld [smem:$0x3FD0];
	(tm) =	ssettm $0x1  }
0x91: {  	s18 =	sld [smem:$0x3FFB];
	_ =	sdelay $0x3  }
0x92: {  	_ =	strace s18  }
0x93: {  	s3 =	sld [smem:$0x3FFC];
	_ =	sdelay $0x3  }
0x94: {  	_ =	strace s3  }
0x95: {  	s3 =	sld [smem:$0x3FFD];
	_ =	sdelay $0x3  }
0x96: {  	_ =	strace s3  }
0x97: {  	_ =	strace $0x8FFFFFFF  }
0x98: {  	s19 =	sld [smem:$0x3FDB];
	_ =	sdelay $0x1  }
0x99: {  	s4 =	simm.s32 $_scs_section_size  }
0x9a: {  	s5 =	simm.s32 $_size__tile_overlayer_lowered;
	s6 =	simm.s32 $_tile_overlayer_lowered  }
0x9b: {  	s22 =	simm.s32 $0x1BFF;
	s21 =	sshll.u32 s6, $0x1;
	s3 =	sadd.s32 s4, s19  }
0x9c: {  	s7 =	simm.s32 $0x0;
	s20 =	sshll.u32 s5, $0x1;
	s5 =	sadd.s32 s21, s3  }
0x9d: {  	[timem:s7], [sflag:s22] =	dma.local [hbm:s5], s20  }
0x9e: {  	_ =	swait.ge [sflag:s22], s20  }
0x9f: {  	s4 =	ssub.s32 $0x0, s20;
	[sflag:s22] =	ssyncset.done $0x0  }
0xa0: {  	[sflag:s22] =	ssyncadd.s32 s4;
	_ =	sdelay $0x1  }
0xa1: {  	s23 =	simm.s32 $0x1B8B  }
0xa2: {  	_ =	swait.ge [sflag:s23], $0x1  }
0xa3: {  	[sflag:s23] =	ssyncset.done $0x0  }
0xa4: {  	s25 =	simm.s32 $0x1B8E;
	s24 =	sld [smem:$0x3FFE];
	[sflag:s23] =	ssyncadd.s32 $0xFFFFFFFF  }
0xa5: {  	s26 =	simm.s32 $execute0_lowered;
	[smem:$0x3FD2] =	sst s25  }
0xa6: {  	s5 =	sshll.u32 s26, $0x1;
	_ =	strace $0x8000004C;
	[dreg:$0x1] =	wrdreg $0xFFFFFFFF  }
0xa7: {  	s28 =	simm.s32 $_size_execute0_lowered;
	s3 =	sadd.s32 s3, s5;
	[dreg:$0x0] =	wrdreg $0x0  }
0xa8: {  	s5 =	sshll.u32 s28, $0x1;
	[dreg:$0x2] =	wrdreg s3  }
0xa9: {  	[dreg:$0x3] =	wrdreg s5  }
0xaa: {  	[dreg:$0x4] =	wrdreg $0xC0  }
0xab: {  	_ =	task [dreg:s7], $0x5FFFF  }
0xac: {  	[dreg:$0x1] =	wrdreg $0xFFFFFFFF  }
0xad: {  	[dreg:$0x0] =	wrdreg $0x60  }
0xae: {  	[dreg:$0x2] =	wrdreg s24  }
0xaf: {  	[dreg:$0x3] =	wrdreg s2  }
0xb0: {  	[dreg:$0x4] =	wrdreg $0x9  }
0xb1: {  	_ =	task.clear_ibuf [dreg:s7], $0x5FFFF;
	_ =	strace $0x9000004C  }
0xb2: {  	s29 =	simm.s32 $0x9;
	_ =	strace $0x8000004E  }
0xb3: {  	_ =	swait.ge [sflag:s29], $0x1  }
0xb4: {  	[sflag:s29] =	ssyncadd.s32 $0xFFFFFFFF  }
0xb5: {  	_ =	strace $0x9000004E  }
0xb6: {  	_ =	sfence  }
0xb7: {  	s30 =	sld [smem:$0x0];
	_ =	sdelay $0x2  }
0xb8: {  	s31 =	sshll.u32 s1, $0xD;
	s1 =	sshrl.u32 s1, $0x2  }
0xb9: {  	s3 =	sand.u32 $0x4000, s31;
	s1 =	sadd.s32 s1, s30  }
0xba: {  	s0 =	sor.u32 s3, s0;
	s1 =	sshll.u32 s1, $0x11  }
0xbb: {  	s0 =	sor.u32 s1, s0  }
0xbc: {  	s0 =	sadd.s32 $0x8F2B, s0  }
0xbd: {  	[sflag:s0] =	ssyncadd.remote.s32 $0x1  }
0xbe: {  	_ =	sfence.sel $0xFFFF  }
0xbf: {  	[dreg:$0x0] =	wrdreg $0xFFFFFFFF;
	(pc) =	sbr.abs _section_cstart, $3  }
0xc0: {  	[dreg:$0x1] =	wrdreg $0xFFFFFFFF  }
0xc1: {  	_ =	task.clear_ibuf [dreg:s7], $0x2FFFF;
	_ =	strace $0x9FFFFFFF  }
0xc2: {  	(tm) =	ssettm $0x7FFFFFFF  }
0xc3: {  	_ =	shalt  }
tec
execute0_lowered:
.L_overlay_start_1:
0x0: {  	(tag) =	ssettag $0x1  }
0x1: {  	s0 =	srdreg.scid;
	s1 =	stileid.u32  }
0x2: {  	s0 =	sand.u32 $0x1, s0;
	s1 =	sshll.u32 s1, $0x1  }
0x3: {  	s7 =	rddreg [dreg:$0x0];
	s1 =	sor.u32 s0, s1  }
0x4: {  	s2 =	rddreg [dreg:$0x1];
	s3 =	simm.s32 $0x0;
	s4 =	sshll.u32 s1, $0x5  }
0x5: {  	[smem:$0x7FF] =	sst s3;
	s4 =	sadd.s32 s4, s7  }
0x6: {  	_ =	strace $0x8000004D;
	s5 =	sshll.u32 s1, $0x1;
	s8 =	sadd.s32 $0x5000, s4  }
0x7: {  	s6 =	smul.u32 $0xC0000, s1;
	s19 =	sadd.s32 $0x5400, s4;
	[dreg:$0x3] =	wrdreg s8  }
0x8: {  	s5 =	sadd.s32 s5, s7;
	s20 =	sadd.s32 $0x5800, s4;
	[dreg:$0x4] =	wrdreg s19  }
0x9: {  	s6 =	sshrl.u32 s6, $0x3;
	s4 =	sadd.s32 $0x5C00, s4;
	[dreg:$0x5] =	wrdreg s20  }
0xa: {  	s5 =	sadd.s32 $0x6000, s5;
	[dreg:$0x6] =	wrdreg s4;
	s21 =	sadd.s32 s2, s6  }
0xb: {  	[dreg:$0x7] =	wrdreg s5;
	s22 =	sadd.s32 $0x8400, s21  }
0xc: {  	s23 =	sadd.s32 $0x9000, s21;
	[dreg:$0x8] =	wrdreg s22  }
0xd: {  	s24 =	sadd.s32 $0x9C00, s21;
	[dreg:$0x9] =	wrdreg s23  }
0xe: {  	s25 =	sadd.s32 $0xA800, s21;
	[dreg:$0xa] =	wrdreg s24  }
0xf: {  	s26 =	sadd.s32 $0xB400, s21;
	[dreg:$0xb] =	wrdreg s25  }
0x10: {  	s28 =	sadd.s32 $0xC000, s21;
	[dreg:$0xc] =	wrdreg s26  }
0x11: {  	s29 =	sadd.s32 $0xCC00, s21;
	[dreg:$0xd] =	wrdreg s28  }
0x12: {  	s30 =	sadd.s32 $0xD800, s21;
	[dreg:$0xe] =	wrdreg s29  }
0x13: {  	s6 =	sadd.s32 $0xE400, s21;
	[dreg:$0xf] =	wrdreg s30  }
0x14: {  	s8 =	sadd.s32 $0xF000, s21;
	[dreg:$0x10] =	wrdreg s6  }
0x15: {  	s9 =	sadd.s32 $0xFC00, s21;
	[dreg:$0x11] =	wrdreg s8  }
0x16: {  	s10 =	sadd.s32 $0x10800, s21;
	[dreg:$0x12] =	wrdreg s9  }
0x17: {  	s11 =	sadd.s32 $0x11400, s21;
	[dreg:$0x13] =	wrdreg s10  }
0x18: {  	s12 =	sadd.s32 $0x12000, s21;
	[dreg:$0x14] =	wrdreg s11  }
0x19: {  	s13 =	sadd.s32 $0x12C00, s21;
	[dreg:$0x15] =	wrdreg s12  }
0x1a: {  	s31 =	sadd.s32 $0x1B6200, s7;
	s14 =	sadd.s32 $0x13800, s21;
	[dreg:$0x16] =	wrdreg s13  }
0x1b: {  	s1 =	smul.u32 $0x18000, s1;
	s15 =	sadd.s32 $0x14400, s21;
	[dreg:$0x17] =	wrdreg s14  }
0x1c: {  	s0 =	ssub.s32 $0x2, s0;
	s16 =	sadd.s32 $0x15000, s21;
	[dreg:$0x18] =	wrdreg s15  }
0x1d: {  	s1 =	sadd.s32 s2, s1;
	s17 =	sadd.s32 $0x15C00, s21;
	[dreg:$0x19] =	wrdreg s16  }
0x1e: {  	s19 =	sshrl.u32 s0, $0x1;
	s18 =	sadd.s32 $0x16800, s21;
	[dreg:$0x1a] =	wrdreg s17  }
0x1f: {  	s5 =	sadd.s32 $0x1B6400, s7;
	s4 =	sadd.s32 $0x17400, s21;
	[dreg:$0x1b] =	wrdreg s18  }
0x20: {  	s20 =	ssub.s32 s0, s19;
	s21 =	sadd.s32 $0xC00, s1;
	[dreg:$0x1c] =	wrdreg s4  }
0x21: {  	s0 =	sadd.s32 $0x1EC200, s7;
	s8 =	smax.u32 s20, $0x1;
	[dreg:$0x1e] =	wrdreg s21  }
0x22: {  	s19 =	sadd.s32 $0x100, s2;
	s22 =	sadd.s32 $0x1800, s1;
	[dreg:$0x1d] =	wrdreg s8  }
0x23: {  	s4 =	sadd.s32 $0x1B6300, s7;
	s23 =	sadd.s32 $0x2400, s1;
	[dreg:$0x1f] =	wrdreg s22  }
0x24: {  	s6 =	sadd.s32 $0x1EC300, s7;
	s24 =	sadd.s32 $0x3000, s1;
	[smem:$0x7F7] =	sst s23  }
0x25: {  	s7 =	sadd.s32 $0x1EC400, s7;
	s25 =	sadd.s32 $0x3C00, s1;
	[smem:$0x7F8] =	sst s24  }
0x26: {  	s26 =	sadd.s32 $0x4800, s1;
	s28 =	sadd.s32 $0x5400, s1;
	[smem:$0x7F9] =	sst s25  }
.Ltmp0:
0x27: {  	s29 =	sadd.s32 $0x6000, s1;
	[smem:$0x7FA] =	sst s26;
	(pc) =	sbr.rel .LBB2_1-.Ltmp0, $4  }
0x28: {  	s30 =	sadd.s32 $0x6C00, s1;
	s18 =	sadd.s32 $0x7800, s1;
	[smem:$0x7FB] =	sst s28  }
0x29: {  	v0 =	vimm.f32 $0.0e+00;
	v3 =	vlaneseq.u32;
	s20 =	sadd.s32 $0x200, s2;
	s21 =	simm.s32 $0x3;
	[smem:$0x7FC] =	sst s29  }
0x2a: {  	vm0 =	vcmask $0x70C;
	vm1 =	vmmov $0xffff;
	v2 =	vshrl.u32 v3, $0x3;
	[smem:$0x7FD] =	sst s30;
	s22 =	simm.s32 $0x300;
	s23 =	simm.s32 $0x18480  }
0x2b: {  	v1 =	vand.u32 $0x7, v3;
	v3 =	vor.u32 $0x8, v3;
	v2 =	vmul.u32 $0x8, v2;
	s24 =	simm.s32 $0x1;
	s25 =	simm.s32 $0x2;
	s26 =	simm.s32 $0x0  }
.LBB2_76:
0x2c: {  	s26 =	sadd.s32 $0x1, s26;
	s8 =	rddreg [dreg:$0x1d]  }
0x2d: {  	p0 =	sne.s32 s26, s8  }
.Ltmp1:
0x2e: {  	_ = 	snop;
	(pc) =	sbr.rel @!p0 .LBB2_77-.Ltmp1, $1  }
0x2f: {  	_ =	sdelay $0x3  }
.LBB2_1:
0x30: {  	s8 =	rddreg [dreg:$0x3]  }
0x31: {  	[tilespmem:s3], [sflag:$0x3] =	stream.linear.gather [hbm4b:s8+s3], $0x100, $0x38;
	[tilespmem:$0x1E480] =	vst v63  }
0x32: {  	_ =	swait.ge [sflag:s21], $0x100  }
0x33: {  	[sflag:s21] =	ssyncset.done $0x0  }
0x34: {  	s9 =	simm.s32 $0x100;
	s13 =	rddreg [dreg:$0x4];
	[sflag:s21] =	ssyncadd.s32 $0xFFFFFF00  }
0x35: {  	[tilespmem:s9], [sflag:$0x3] =	stream.linear.gather [hbm4b:s13+s3], $0x100, $0x38;
	[tilespmem:$0x1E480] =	vst v63  }
0x36: {  	_ =	swait.ge [sflag:s21], $0x100  }
0x37: {  	[sflag:s21] =	ssyncset.done $0x0  }
0x38: {  	s15 =	simm.s32 $0x200;
	s14 =	rddreg [dreg:$0x5];
	[sflag:s21] =	ssyncadd.s32 $0xFFFFFF00  }
0x39: {  	[tilespmem:s15], [sflag:$0x3] =	stream.linear.gather [hbm4b:s14+s3], $0x100, $0x38;
	[tilespmem:$0x1E480] =	vst v63  }
0x3a: {  	_ =	swait.ge [sflag:s21], $0x100  }
0x3b: {  	[sflag:s21] =	ssyncset.done $0x0  }
0x3c: {  	s16 =	rddreg [dreg:$0x6];
	[sflag:s21] =	ssyncadd.s32 $0xFFFFFF00  }
0x3d: {  	[tilespmem:s22], [sflag:$0x3] =	stream.linear.gather [hbm4b:s16+s3], $0x100, $0x38;
	[tilespmem:$0x1E480] =	vst v63  }
0x3e: {  	_ =	swait.ge [sflag:s21], $0x100  }
0x3f: {  	[sflag:s21] =	ssyncset.done $0x0  }
0x40: {  	s28 =	simm.s32 $0x400;
	s17 =	rddreg [dreg:$0x7];
	[sflag:s21] =	ssyncadd.s32 $0xFFFFFF00  }
0x41: {  	[tilespmem:s28], [sflag:$0x3] =	stream.linear.gather [hbm4b:s17+s3], $0x10, $0x38;
	[tilespmem:$0x1E480] =	vst v63  }
0x42: {  	_ =	swait.ge [sflag:s21], $0x10  }
0x43: {  	s29 =	sand.u32 $0x70, s3;
	s30 =	sand.u32 $0x1C00, s3;
	[sflag:s21] =	ssyncset.done $0x0  }
0x44: {  	s8 =	sor.u32 s29, s30;
	[sflag:s21] =	ssyncadd.s32 $0xFFFFFFF0  }
0x45: {  	s10 =	simm.s32 $0x0;
	s9 =	simm.s32 $0x10;
	v4 =	vld [tilespmem:$0x400];
	[tilespmem:s8+$0x18480] =	vst v0  }
.LBB2_2:
0x46: {  	p0 =	sne.s32 s9, $0x2F0  }
.Ltmp2:
0x47: {  	_ = 	snop;
	(pc) =	sbr.rel @p0 .LBB2_2-.Ltmp2, $4  }
0x48: {  	s10 =	sadd.s32 $0x80, s10  }
0x49: {  	s8 =	sand.u32 $0x70, s9;
	s11 =	sand.u32 $0x1C00, s10  }
0x4a: {  	s8 =	sor.u32 s8, s11  }
0x4b: {  	s9 =	sadd.s32 $0x10, s9;
	[tilespmem:s8+$0x18480] =	vst v0;
	s8 =	simm.s32 $0x0  }
0x4c: {  	s9 =	sand.u32 $0x70, s8;
	s10 =	sand.u32 $0x1C00, s8  }
0x4d: {  	s9 =	sor.u32 s9, s10  }
0x4e: {  	s11 =	simm.s32 $0x0;
	s10 =	simm.s32 $0x10;
	[tilespmem:s9+$0x18500] =	vst v0  }
.LBB2_4:
0x4f: {  	p0 =	sne.s32 s10, $0x2F0  }
.Ltmp3:
0x50: {  	_ = 	snop;
	(pc) =	sbr.rel @p0 .LBB2_4-.Ltmp3, $4  }
0x51: {  	s11 =	sadd.s32 $0x80, s11  }
0x52: {  	s12 =	sand.u32 $0x70, s10;
	s13 =	sand.u32 $0x1C00, s11  }
0x53: {  	s12 =	sor.u32 s12, s13  }
0x54: {  	s10 =	sadd.s32 $0x10, s10;
	[tilespmem:s12+$0x18500] =	vst v0  }
0x55: {  	s10 =	simm.s32 $0x10;
	[tilespmem:s9+$0x18580] =	vst v0  }
.LBB2_6:
0x56: {  	p0 =	sne.s32 s10, $0x2F0  }
.Ltmp4:
0x57: {  	_ = 	snop;
	(pc) =	sbr.rel @p0 .LBB2_6-.Ltmp4, $4  }
0x58: {  	s8 =	sadd.s32 $0x80, s8  }
0x59: {  	s9 =	sand.u32 $0x70, s10;
	s11 =	sand.u32 $0x1C00, s8  }
0x5a: {  	s9 =	sor.u32 s9, s11  }
0x5b: {  	s10 =	sadd.s32 $0x10, s10;
	[tilespmem:s9+$0x18580] =	vst v0;
	s9 =	simm.s32 $0x0  }
0x5c: {  	s8 =	sand.u32 $0x70, s9;
	s10 =	sand.u32 $0x1C00, s9  }
0x5d: {  	s8 =	sor.u32 s8, s10  }
0x5e: {  	s11 =	simm.s32 $0x0;
	s10 =	simm.s32 $0x10;
	[tilespmem:s8+$0x18600] =	vst v0  }
.LBB2_8:
0x5f: {  	p0 =	sne.s32 s10, $0x2F0  }
.Ltmp5:
0x60: {  	_ = 	snop;
	(pc) =	sbr.rel @p0 .LBB2_8-.Ltmp5, $4  }
0x61: {  	s11 =	sadd.s32 $0x80, s11  }
0x62: {  	s12 =	sand.u32 $0x70, s10;
	s13 =	sand.u32 $0x1C00, s11  }
0x63: {  	s12 =	sor.u32 s12, s13  }
0x64: {  	s10 =	sadd.s32 $0x10, s10;
	[tilespmem:s12+$0x18600] =	vst v0  }
0x65: {  	s11 =	simm.s32 $0x10;
	[tilespmem:s8+$0x18680] =	vst v0  }
.LBB2_10:
0x66: {  	p0 =	sne.s32 s11, $0x2F0  }
.Ltmp6:
0x67: {  	_ = 	snop;
	(pc) =	sbr.rel @p0 .LBB2_10-.Ltmp6, $4  }
0x68: {  	s9 =	sadd.s32 $0x80, s9  }
0x69: {  	s8 =	sand.u32 $0x70, s11;
	s10 =	sand.u32 $0x1C00, s9  }
0x6a: {  	s8 =	sor.u32 s8, s10  }
0x6b: {  	s11 =	sadd.s32 $0x10, s11;
	s10 =	simm.s32 $0x0;
	[tilespmem:s8+$0x18680] =	vst v0  }
0x6c: {  	s8 =	sand.u32 $0x70, s10;
	s9 =	sand.u32 $0x1C00, s10  }
0x6d: {  	s8 =	sor.u32 s8, s9  }
0x6e: {  	s11 =	simm.s32 $0x0;
	s9 =	simm.s32 $0x10;
	[tilespmem:s8+$0x18700] =	vst v0  }
.LBB2_12:
0x6f: {  	p0 =	sne.s32 s9, $0x2F0  }
.Ltmp7:
0x70: {  	_ = 	snop;
	(pc) =	sbr.rel @p0 .LBB2_12-.Ltmp7, $4  }
0x71: {  	s11 =	sadd.s32 $0x80, s11  }
0x72: {  	s12 =	sand.u32 $0x70, s9;
	s13 =	sand.u32 $0x1C00, s11  }
0x73: {  	s12 =	sor.u32 s12, s13  }
0x74: {  	s9 =	sadd.s32 $0x10, s9;
	[tilespmem:s12+$0x18700] =	vst v0  }
0x75: {  	s9 =	simm.s32 $0x10;
	[tilespmem:s8+$0x18780] =	vst v0  }
.LBB2_14:
0x76: {  	p0 =	sne.s32 s9, $0x2F0  }
.Ltmp8:
0x77: {  	_ = 	snop;
	(pc) =	sbr.rel @p0 .LBB2_14-.Ltmp8, $4  }
0x78: {  	s10 =	sadd.s32 $0x80, s10  }
0x79: {  	s8 =	sand.u32 $0x70, s9;
	s11 =	sand.u32 $0x1C00, s10  }
0x7a: {  	s8 =	sor.u32 s8, s11  }
0x7b: {  	s9 =	sadd.s32 $0x10, s9;
	[tilespmem:s8+$0x18780] =	vst v0;
	s8 =	simm.s32 $0x0  }
0x7c: {  	s10 =	sor.u32 s8, s8  }
0x7d: {  	s9 =	simm.s32 $0x10;
	s11 =	sor.u32 $0x380, s10;
	s10 =	simm.s32 $0x0  }
.LBB2_16:
0x7e: {  	p0 =	sne.s32 s9, $0x2F0  }
0x7f: {  	[tilespmem:s11+$0x18480] =	vst v0;
	s10 =	sadd.s32 $0x80, s10;
	s11 =	smov.u32 s9;
	s9 =	sadd.s32 $0x10, s9  }
.Ltmp9:
0x80: {  	(pc) =	sbr.rel @p0 .LBB2_16-.Ltmp9, $3  }
0x81: {  	_ =	sdelay $0x1  }
0x82: {  	s11 =	sor.u32 s10, s11  }
0x83: {  	s11 =	sor.u32 $0x380, s11  }
0x84: {  	s9 =	sand.u32 $0x70, s8;
	s10 =	sand.u32 $0x1C00, s8  }
0x85: {  	[tilespmem:s11+$0x18480] =	vst v0;
	s9 =	sor.u32 s9, s10  }
0x86: {  	s10 =	simm.s32 $0x10;
	[tilespmem:s9+$0x19C80] =	vst v0  }
.LBB2_18:
0x87: {  	p0 =	sne.s32 s10, $0x2F0  }
.Ltmp10:
0x88: {  	_ = 	snop;
	(pc) =	sbr.rel @p0 .LBB2_18-.Ltmp10, $4  }
0x89: {  	s8 =	sadd.s32 $0x80, s8  }
0x8a: {  	s9 =	sand.u32 $0x70, s10;
	s11 =	sand.u32 $0x1C00, s8  }
0x8b: {  	s9 =	sor.u32 s9, s11  }
0x8c: {  	s10 =	sadd.s32 $0x10, s10;
	[tilespmem:s9+$0x19C80] =	vst v0;
	s9 =	simm.s32 $0x0  }
0x8d: {  	s8 =	sand.u32 $0x70, s9;
	s10 =	sand.u32 $0x1C00, s9  }
0x8e: {  	s8 =	sor.u32 s8, s10  }
0x8f: {  	s11 =	simm.s32 $0x0;
	s10 =	simm.s32 $0x10;
	[tilespmem:s8+$0x19D00] =	vst v0  }
.LBB2_20:
0x90: {  	p0 =	sne.s32 s10, $0x2F0  }
.Ltmp11:
0x91: {  	_ = 	snop;
	(pc) =	sbr.rel @p0 .LBB2_20-.Ltmp11, $4  }
0x92: {  	s11 =	sadd.s32 $0x80, s11  }
0x93: {  	s12 =	sand.u32 $0x70, s10;
	s13 =	sand.u32 $0x1C00, s11  }
0x94: {  	s12 =	sor.u32 s12, s13  }
0x95: {  	s10 =	sadd.s32 $0x10, s10;
	[tilespmem:s12+$0x19D00] =	vst v0  }
0x96: {  	s10 =	simm.s32 $0x10;
	[tilespmem:s8+$0x19D80] =	vst v0  }
.LBB2_22:
0x97: {  	p0 =	sne.s32 s10, $0x2F0  }
.Ltmp12:
0x98: {  	_ = 	snop;
	(pc) =	sbr.rel @p0 .LBB2_22-.Ltmp12, $4  }
0x99: {  	s9 =	sadd.s32 $0x80, s9  }
0x9a: {  	s8 =	sand.u32 $0x70, s10;
	s11 =	sand.u32 $0x1C00, s9  }
0x9b: {  	s8 =	sor.u32 s8, s11  }
0x9c: {  	s10 =	sadd.s32 $0x10, s10;
	[tilespmem:s8+$0x19D80] =	vst v0;
	s8 =	simm.s32 $0x0  }
0x9d: {  	s9 =	sand.u32 $0x70, s8;
	s10 =	sand.u32 $0x1C00, s8  }
0x9e: {  	s9 =	sor.u32 s9, s10  }
0x9f: {  	s11 =	simm.s32 $0x0;
	s10 =	simm.s32 $0x10;
	[tilespmem:s9+$0x19E00] =	vst v0  }
.LBB2_24:
0xa0: {  	p0 =	sne.s32 s10, $0x2F0  }
.Ltmp13:
0xa1: {  	_ = 	snop;
	(pc) =	sbr.rel @p0 .LBB2_24-.Ltmp13, $4  }
0xa2: {  	s11 =	sadd.s32 $0x80, s11  }
0xa3: {  	s12 =	sand.u32 $0x70, s10;
	s13 =	sand.u32 $0x1C00, s11  }
0xa4: {  	s12 =	sor.u32 s12, s13  }
0xa5: {  	s10 =	sadd.s32 $0x10, s10;
	[tilespmem:s12+$0x19E00] =	vst v0  }
0xa6: {  	s10 =	simm.s32 $0x10;
	[tilespmem:s9+$0x19E80] =	vst v0  }
.LBB2_26:
0xa7: {  	p0 =	sne.s32 s10, $0x2F0  }
.Ltmp14:
0xa8: {  	_ = 	snop;
	(pc) =	sbr.rel @p0 .LBB2_26-.Ltmp14, $4  }
0xa9: {  	s8 =	sadd.s32 $0x80, s8  }
0xaa: {  	s9 =	sand.u32 $0x70, s10;
	s11 =	sand.u32 $0x1C00, s8  }
0xab: {  	s9 =	sor.u32 s9, s11  }
0xac: {  	s10 =	sadd.s32 $0x10, s10;
	[tilespmem:s9+$0x19E80] =	vst v0;
	s9 =	simm.s32 $0x0  }
0xad: {  	s8 =	sand.u32 $0x70, s9;
	s10 =	sand.u32 $0x1C00, s9  }
0xae: {  	s8 =	sor.u32 s8, s10  }
0xaf: {  	s11 =	simm.s32 $0x0;
	s10 =	simm.s32 $0x10;
	[tilespmem:s8+$0x19F00] =	vst v0  }
.LBB2_28:
0xb0: {  	p0 =	sne.s32 s10, $0x2F0  }
.Ltmp15:
0xb1: {  	_ = 	snop;
	(pc) =	sbr.rel @p0 .LBB2_28-.Ltmp15, $4  }
0xb2: {  	s11 =	sadd.s32 $0x80, s11  }
0xb3: {  	s12 =	sand.u32 $0x70, s10;
	s13 =	sand.u32 $0x1C00, s11  }
0xb4: {  	s12 =	sor.u32 s12, s13  }
0xb5: {  	s10 =	sadd.s32 $0x10, s10;
	[tilespmem:s12+$0x19F00] =	vst v0  }
0xb6: {  	s10 =	simm.s32 $0x10;
	[tilespmem:s8+$0x19F80] =	vst v0  }
.LBB2_30:
0xb7: {  	p0 =	sne.s32 s10, $0x2F0  }
.Ltmp16:
0xb8: {  	_ = 	snop;
	(pc) =	sbr.rel @p0 .LBB2_30-.Ltmp16, $4  }
0xb9: {  	s9 =	sadd.s32 $0x80, s9  }
0xba: {  	s8 =	sand.u32 $0x70, s10;
	s11 =	sand.u32 $0x1C00, s9  }
0xbb: {  	s8 =	sor.u32 s8, s11  }
0xbc: {  	s10 =	sadd.s32 $0x10, s10;
	[tilespmem:s8+$0x19F80] =	vst v0;
	s8 =	simm.s32 $0x0  }
0xbd: {  	s9 =	sand.u32 $0x70, s8;
	s10 =	sand.u32 $0x1C00, s8  }
0xbe: {  	s9 =	sor.u32 s9, s10  }
0xbf: {  	s11 =	simm.s32 $0x0;
	s10 =	simm.s32 $0x10;
	[tilespmem:s9+$0x1A000] =	vst v0  }
.LBB2_32:
0xc0: {  	p0 =	sne.s32 s10, $0x2F0  }
.Ltmp17:
0xc1: {  	_ = 	snop;
	(pc) =	sbr.rel @p0 .LBB2_32-.Ltmp17, $4  }
0xc2: {  	s11 =	sadd.s32 $0x80, s11  }
0xc3: {  	s12 =	sand.u32 $0x70, s10;
	s13 =	sand.u32 $0x1C00, s11  }
0xc4: {  	s12 =	sor.u32 s12, s13  }
0xc5: {  	s10 =	sadd.s32 $0x10, s10;
	[tilespmem:s12+$0x1A000] =	vst v0  }
0xc6: {  	s10 =	simm.s32 $0x10;
	[tilespmem:s9+$0x1B480] =	vst v0  }
.LBB2_34:
0xc7: {  	p0 =	sne.s32 s10, $0x2F0  }
.Ltmp18:
0xc8: {  	_ = 	snop;
	(pc) =	sbr.rel @p0 .LBB2_34-.Ltmp18, $4  }
0xc9: {  	s8 =	sadd.s32 $0x80, s8  }
0xca: {  	s9 =	sand.u32 $0x70, s10;
	s11 =	sand.u32 $0x1C00, s8  }
0xcb: {  	s9 =	sor.u32 s9, s11  }
0xcc: {  	s10 =	sadd.s32 $0x10, s10;
	[tilespmem:s9+$0x1B480] =	vst v0;
	s9 =	simm.s32 $0x0  }
0xcd: {  	s8 =	sand.u32 $0x70, s9;
	s10 =	sand.u32 $0x1C00, s9  }
0xce: {  	s8 =	sor.u32 s8, s10  }
0xcf: {  	s11 =	simm.s32 $0x0;
	s10 =	simm.s32 $0x10;
	[tilespmem:s8+$0x1B500] =	vst v0  }
.LBB2_36:
0xd0: {  	p0 =	sne.s32 s10, $0x2F0  }
.Ltmp19:
0xd1: {  	_ = 	snop;
	(pc) =	sbr.rel @p0 .LBB2_36-.Ltmp19, $4  }
0xd2: {  	s11 =	sadd.s32 $0x80, s11  }
0xd3: {  	s12 =	sand.u32 $0x70, s10;
	s13 =	sand.u32 $0x1C00, s11  }
0xd4: {  	s12 =	sor.u32 s12, s13  }
0xd5: {  	s10 =	sadd.s32 $0x10, s10;
	[tilespmem:s12+$0x1B500] =	vst v0  }
0xd6: {  	s10 =	simm.s32 $0x10;
	[tilespmem:s8+$0x1B580] =	vst v0  }
.LBB2_38:
0xd7: {  	p0 =	sne.s32 s10, $0x2F0  }
.Ltmp20:
0xd8: {  	_ = 	snop;
	(pc) =	sbr.rel @p0 .LBB2_38-.Ltmp20, $4  }
0xd9: {  	s9 =	sadd.s32 $0x80, s9  }
0xda: {  	s8 =	sand.u32 $0x70, s10;
	s11 =	sand.u32 $0x1C00, s9  }
0xdb: {  	s8 =	sor.u32 s8, s11  }
0xdc: {  	s10 =	sadd.s32 $0x10, s10;
	[tilespmem:s8+$0x1B580] =	vst v0;
	s8 =	simm.s32 $0x0  }
0xdd: {  	s9 =	sand.u32 $0x70, s8;
	s10 =	sand.u32 $0x1C00, s8  }
0xde: {  	s9 =	sor.u32 s9, s10  }
0xdf: {  	s11 =	simm.s32 $0x0;
	s10 =	simm.s32 $0x10;
	[tilespmem:s9+$0x1B600] =	vst v0  }
.LBB2_40:
0xe0: {  	p0 =	sne.s32 s10, $0x2F0  }
.Ltmp21:
0xe1: {  	_ = 	snop;
	(pc) =	sbr.rel @p0 .LBB2_40-.Ltmp21, $4  }
0xe2: {  	s11 =	sadd.s32 $0x80, s11  }
0xe3: {  	s12 =	sand.u32 $0x70, s10;
	s13 =	sand.u32 $0x1C00, s11  }
0xe4: {  	s12 =	sor.u32 s12, s13  }
0xe5: {  	s10 =	sadd.s32 $0x10, s10;
	[tilespmem:s12+$0x1B600] =	vst v0  }
0xe6: {  	s10 =	simm.s32 $0x10;
	[tilespmem:s9+$0x1B680] =	vst v0  }
.LBB2_42:
0xe7: {  	p0 =	sne.s32 s10, $0x2F0  }
.Ltmp22:
0xe8: {  	_ = 	snop;
	(pc) =	sbr.rel @p0 .LBB2_42-.Ltmp22, $4  }
0xe9: {  	s8 =	sadd.s32 $0x80, s8  }
0xea: {  	s9 =	sand.u32 $0x70, s10;
	s11 =	sand.u32 $0x1C00, s8  }
0xeb: {  	s9 =	sor.u32 s9, s11  }
0xec: {  	s10 =	sadd.s32 $0x10, s10;
	[tilespmem:s9+$0x1B680] =	vst v0;
	s9 =	simm.s32 $0x0  }
0xed: {  	s8 =	sand.u32 $0x70, s9;
	s10 =	sand.u32 $0x1C00, s9  }
0xee: {  	s8 =	sor.u32 s8, s10  }
0xef: {  	s11 =	simm.s32 $0x0;
	s10 =	simm.s32 $0x10;
	[tilespmem:s8+$0x1B700] =	vst v0  }
.LBB2_44:
0xf0: {  	p0 =	sne.s32 s10, $0x2F0  }
.Ltmp23:
0xf1: {  	_ = 	snop;
	(pc) =	sbr.rel @p0 .LBB2_44-.Ltmp23, $4  }
0xf2: {  	s11 =	sadd.s32 $0x80, s11  }
0xf3: {  	s12 =	sand.u32 $0x70, s10;
	s13 =	sand.u32 $0x1C00, s11  }
0xf4: {  	s12 =	sor.u32 s12, s13  }
0xf5: {  	s10 =	sadd.s32 $0x10, s10;
	[tilespmem:s12+$0x1B700] =	vst v0  }
0xf6: {  	s10 =	simm.s32 $0x10;
	[tilespmem:s8+$0x1B780] =	vst v0  }
.LBB2_46:
0xf7: {  	p0 =	sne.s32 s10, $0x2F0  }
.Ltmp24:
0xf8: {  	_ = 	snop;
	(pc) =	sbr.rel @p0 .LBB2_46-.Ltmp24, $4  }
0xf9: {  	s9 =	sadd.s32 $0x80, s9  }
0xfa: {  	s8 =	sand.u32 $0x70, s10;
	s11 =	sand.u32 $0x1C00, s9  }
0xfb: {  	s8 =	sor.u32 s8, s11  }
0xfc: {  	s10 =	sadd.s32 $0x10, s10;
	[tilespmem:s8+$0x1B780] =	vst v0;
	s8 =	simm.s32 $0x0  }
0xfd: {  	s9 =	sand.u32 $0x70, s8;
	s10 =	sand.u32 $0x1C00, s8  }
0xfe: {  	s9 =	sor.u32 s9, s10  }
0xff: {  	s11 =	simm.s32 $0x0;
	s10 =	simm.s32 $0x10;
	[tilespmem:s9+$0x1B800] =	vst v0  }
.LBB2_48:
0x100: {  	p0 =	sne.s32 s10, $0x2F0  }
.Ltmp25:
0x101: {  	_ = 	snop;
	(pc) =	sbr.rel @p0 .LBB2_48-.Ltmp25, $4  }
0x102: {  	s11 =	sadd.s32 $0x80, s11  }
0x103: {  	s12 =	sand.u32 $0x70, s10;
	s13 =	sand.u32 $0x1C00, s11  }
0x104: {  	s12 =	sor.u32 s12, s13  }
0x105: {  	s10 =	sadd.s32 $0x10, s10;
	[tilespmem:s12+$0x1B800] =	vst v0  }
0x106: {  	s10 =	simm.s32 $0x10;
	[tilespmem:s9+$0x1CC80] =	vst v0  }
.LBB2_50:
0x107: {  	p0 =	sne.s32 s10, $0x2F0  }
.Ltmp26:
0x108: {  	_ = 	snop;
	(pc) =	sbr.rel @p0 .LBB2_50-.Ltmp26, $4  }
0x109: {  	s8 =	sadd.s32 $0x80, s8  }
0x10a: {  	s9 =	sand.u32 $0x70, s10;
	s11 =	sand.u32 $0x1C00, s8  }
0x10b: {  	s9 =	sor.u32 s9, s11  }
0x10c: {  	s10 =	sadd.s32 $0x10, s10;
	[tilespmem:s9+$0x1CC80] =	vst v0;
	s9 =	simm.s32 $0x0  }
0x10d: {  	s8 =	sand.u32 $0x70, s9;
	s10 =	sand.u32 $0x1C00, s9  }
0x10e: {  	s8 =	sor.u32 s8, s10  }
0x10f: {  	s11 =	simm.s32 $0x0;
	s10 =	simm.s32 $0x10;
	[tilespmem:s8+$0x1CD00] =	vst v0  }
.LBB2_52:
0x110: {  	p0 =	sne.s32 s10, $0x2F0  }
.Ltmp27:
0x111: {  	_ = 	snop;
	(pc) =	sbr.rel @p0 .LBB2_52-.Ltmp27, $4  }
0x112: {  	s11 =	sadd.s32 $0x80, s11  }
0x113: {  	s12 =	sand.u32 $0x70, s10;
	s13 =	sand.u32 $0x1C00, s11  }
0x114: {  	s12 =	sor.u32 s12, s13  }
0x115: {  	s10 =	sadd.s32 $0x10, s10;
	[tilespmem:s12+$0x1CD00] =	vst v0  }
0x116: {  	s10 =	simm.s32 $0x10;
	[tilespmem:s8+$0x1CD80] =	vst v0  }
.LBB2_54:
0x117: {  	p0 =	sne.s32 s10, $0x2F0  }
.Ltmp28:
0x118: {  	_ = 	snop;
	(pc) =	sbr.rel @p0 .LBB2_54-.Ltmp28, $4  }
0x119: {  	s9 =	sadd.s32 $0x80, s9  }
0x11a: {  	s8 =	sand.u32 $0x70, s10;
	s11 =	sand.u32 $0x1C00, s9  }
0x11b: {  	s8 =	sor.u32 s8, s11  }
0x11c: {  	s10 =	sadd.s32 $0x10, s10;
	[tilespmem:s8+$0x1CD80] =	vst v0;
	s8 =	simm.s32 $0x0  }
0x11d: {  	s9 =	sand.u32 $0x70, s8;
	s10 =	sand.u32 $0x1C00, s8  }
0x11e: {  	s9 =	sor.u32 s9, s10  }
0x11f: {  	s11 =	simm.s32 $0x0;
	s10 =	simm.s32 $0x10;
	[tilespmem:s9+$0x1CE00] =	vst v0  }
.LBB2_56:
0x120: {  	p0 =	sne.s32 s10, $0x2F0  }
.Ltmp29:
0x121: {  	_ = 	snop;
	(pc) =	sbr.rel @p0 .LBB2_56-.Ltmp29, $4  }
0x122: {  	s11 =	sadd.s32 $0x80, s11  }
0x123: {  	s12 =	sand.u32 $0x70, s10;
	s13 =	sand.u32 $0x1C00, s11  }
0x124: {  	s12 =	sor.u32 s12, s13  }
0x125: {  	s10 =	sadd.s32 $0x10, s10;
	[tilespmem:s12+$0x1CE00] =	vst v0  }
0x126: {  	s10 =	simm.s32 $0x10;
	[tilespmem:s9+$0x1CE80] =	vst v0  }
.LBB2_58:
0x127: {  	p0 =	sne.s32 s10, $0x2F0  }
.Ltmp30:
0x128: {  	_ = 	snop;
	(pc) =	sbr.rel @p0 .LBB2_58-.Ltmp30, $4  }
0x129: {  	s8 =	sadd.s32 $0x80, s8  }
0x12a: {  	s9 =	sand.u32 $0x70, s10;
	s11 =	sand.u32 $0x1C00, s8  }
0x12b: {  	s9 =	sor.u32 s9, s11  }
0x12c: {  	s10 =	sadd.s32 $0x10, s10;
	[tilespmem:s9+$0x1CE80] =	vst v0;
	s9 =	simm.s32 $0x0  }
0x12d: {  	s8 =	sand.u32 $0x70, s9;
	s10 =	sand.u32 $0x1C00, s9  }
0x12e: {  	s10 =	sor.u32 s8, s10  }
0x12f: {  	s8 =	simm.s32 $0x10;
	[tilespmem:s10+$0x1CF00] =	vst v0;
	s10 =	simm.s32 $0x0  }
.LBB2_60:
0x130: {  	p0 =	sne.s32 s8, $0x2F0  }
.Ltmp31:
0x131: {  	_ = 	snop;
	(pc) =	sbr.rel @p0 .LBB2_60-.Ltmp31, $4  }
0x132: {  	s10 =	sadd.s32 $0x80, s10  }
0x133: {  	s11 =	sand.u32 $0x70, s8;
	s12 =	sand.u32 $0x1C00, s10  }
0x134: {  	s11 =	sor.u32 s11, s12  }
0x135: {  	s8 =	sadd.s32 $0x10, s8;
	[tilespmem:s11+$0x1CF00] =	vst v0  }
0x136: {  	s8 =	simm.s32 $0x0  }
.LBB2_62:
0x137: {  	p0 =	sne.s32 s8, $0x2F0  }
.Ltmp32:
0x138: {  	_ = 	snop;
	(pc) =	sbr.rel @p0 .LBB2_62-.Ltmp32, $4  }
0x139: {  	_ = 	snop  }
0x13a: {  	s10 =	sand.u32 $0x70, s8;
	s11 =	sand.u32 $0x1C00, s9  }
0x13b: {  	s10 =	sor.u32 s10, s11  }
0x13c: {  	s9 =	sadd.s32 $0x80, s9;
	s8 =	sadd.s32 $0x10, s8;
	[tilespmem:s10+$0x1CF80] =	vst v0  }
0x13d: {  	s8 =	simm.s32 $0x0  }
0x13e: {  	s9 =	sand.u32 $0x70, s8;
	s10 =	sand.u32 $0x1C00, s8  }
0x13f: {  	s10 =	sor.u32 s9, s10  }
0x140: {  	s9 =	simm.s32 $0x10;
	[tilespmem:s10+$0x1D000] =	vst v0  }
.LBB2_64:
0x141: {  	p0 =	sne.s32 s9, $0x2F0  }
.Ltmp33:
0x142: {  	_ = 	snop;
	(pc) =	sbr.rel @p0 .LBB2_64-.Ltmp33, $4  }
0x143: {  	s8 =	sadd.s32 $0x80, s8  }
0x144: {  	s10 =	sand.u32 $0x70, s9;
	s11 =	sand.u32 $0x1C00, s8  }
0x145: {  	s10 =	sor.u32 s10, s11  }
0x146: {  	s9 =	sadd.s32 $0x10, s9;
	[tilespmem:s10+$0x1D000] =	vst v0  }
0x147: {  	[hbm4b:s1+s3] =	stream.linear.scatter [tilespmem:s23], [sflag:$0x2], $0x6000, $0x38;
	[tilespmem:$0x1E480] =	vst v63  }
0x148: {  	s8 =	rddreg [dreg:$0x1e]  }
0x149: {  	s13 =	rddreg [dreg:$0x1f]  }
0x14a: {  	[hbm4b:s8+s3] =	stream.linear.scatter [tilespmem:s23], [sflag:$0x2], $0x6000, $0x38;
	[tilespmem:$0x1E480] =	vst v63  }
0x14b: {  	s14 =	sld [smem:$0x7F7]  }
0x14c: {  	[hbm4b:s13+s3] =	stream.linear.scatter [tilespmem:s23], [sflag:$0x2], $0x6000, $0x38;
	[tilespmem:$0x1E480] =	vst v63  }
0x14d: {  	s15 =	sld [smem:$0x7F8]  }
0x14e: {  	[hbm4b:s14+s3] =	stream.linear.scatter [tilespmem:s23], [sflag:$0x2], $0x6000, $0x38;
	[tilespmem:$0x1E480] =	vst v63  }
0x14f: {  	s16 =	sld [smem:$0x7F9]  }
0x150: {  	[hbm4b:s15+s3] =	stream.linear.scatter [tilespmem:s23], [sflag:$0x2], $0x6000, $0x38;
	[tilespmem:$0x1E480] =	vst v63  }
0x151: {  	s17 =	sld [smem:$0x7FA]  }
0x152: {  	[hbm4b:s16+s3] =	stream.linear.scatter [tilespmem:s23], [sflag:$0x2], $0x6000, $0x38;
	[tilespmem:$0x1E480] =	vst v63  }
0x153: {  	s29 =	sld [smem:$0x7FB]  }
0x154: {  	[hbm4b:s17+s3] =	stream.linear.scatter [tilespmem:s23], [sflag:$0x2], $0x6000, $0x38;
	[tilespmem:$0x1E480] =	vst v63  }
0x155: {  	s30 =	sld [smem:$0x7FC]  }
0x156: {  	[hbm4b:s29+s3] =	stream.linear.scatter [tilespmem:s23], [sflag:$0x2], $0x6000, $0x38;
	[tilespmem:$0x1E480] =	vst v63  }
0x157: {  	s9 =	sld [smem:$0x7FD]  }
0x158: {  	[hbm4b:s30+s3] =	stream.linear.scatter [tilespmem:s23], [sflag:$0x2], $0x6000, $0x38;
	[tilespmem:$0x1E480] =	vst v63  }
0x159: {  	_ = 	snop  }
0x15a: {  	[hbm4b:s9+s3] =	stream.linear.scatter [tilespmem:s23], [sflag:$0x2], $0x6000, $0x38;
	[tilespmem:$0x1E480] =	vst v63  }
0x15b: {  	_ = 	snop  }
0x15c: {  	[hbm4b:s18+s3] =	stream.linear.scatter [tilespmem:s23], [sflag:$0x2], $0x6000, $0x38;
	[tilespmem:$0x1E480] =	vst v63  }
0x15d: {  	s10 =	rddreg [dreg:$0x8]  }
0x15e: {  	[hbm4b:s10+s3] =	stream.linear.scatter [tilespmem:s23], [sflag:$0x2], $0x6000, $0x38;
	[tilespmem:$0x1E480] =	vst v63  }
0x15f: {  	s11 =	rddreg [dreg:$0x9]  }
0x160: {  	[hbm4b:s11+s3] =	stream.linear.scatter [tilespmem:s23], [sflag:$0x2], $0x6000, $0x38;
	[tilespmem:$0x1E480] =	vst v63  }
0x161: {  	s12 =	rddreg [dreg:$0xa]  }
0x162: {  	[hbm4b:s12+s3] =	stream.linear.scatter [tilespmem:s23], [sflag:$0x2], $0x6000, $0x38;
	[tilespmem:$0x1E480] =	vst v63  }
0x163: {  	s13 =	rddreg [dreg:$0xb]  }
0x164: {  	[hbm4b:s13+s3] =	stream.linear.scatter [tilespmem:s23], [sflag:$0x2], $0x6000, $0x38;
	[tilespmem:$0x1E480] =	vst v63  }
0x165: {  	v4 =	vsel vm0, $0x0, v4;
	s14 =	rddreg [dreg:$0xc]  }
0x166: {  	v4 =	vxor.u32 $0x80000000, v4;
	[hbm4b:s14+s3] =	stream.linear.scatter [tilespmem:s23], [sflag:$0x2], $0x6000, $0x38;
	[tilespmem:$0x1E480] =	vst v63  }
0x167: {  	(xrf0) =	vmax.scan.msk.u32 $0xffff, v4;
	s15 =	rddreg [dreg:$0xd]  }
0x168: {  	[hbm4b:s15+s3] =	stream.linear.scatter [tilespmem:s23], [sflag:$0x2], $0x6000, $0x38;
	[tilespmem:$0x1E480] =	vst v63  }
0x169: {  	s16 =	rddreg [dreg:$0xe]  }
0x16a: {  	[hbm4b:s16+s3] =	stream.linear.scatter [tilespmem:s23], [sflag:$0x2], $0x6000, $0x38;
	[tilespmem:$0x1E480] =	vst v63  }
0x16b: {  	s17 =	rddreg [dreg:$0xf]  }
0x16c: {  	[hbm4b:s17+s3] =	stream.linear.scatter [tilespmem:s23], [sflag:$0x2], $0x6000, $0x38;
	[tilespmem:$0x1E480] =	vst v63  }
0x16d: {  	v4, _, _ =	vpop (xrf0);
	s29 =	rddreg [dreg:$0x10]  }
0x16e: {  	(v2sf) =	vpush v4, $0xF;
	[hbm4b:s29+s3] =	stream.linear.scatter [tilespmem:s23], [sflag:$0x2], $0x6000, $0x38;
	[tilespmem:$0x1E480] =	vst v63  }
0x16f: {  	s30 =	rddreg [dreg:$0x11]  }
0x170: {  	[hbm4b:s30+s3] =	stream.linear.scatter [tilespmem:s23], [sflag:$0x2], $0x6000, $0x38;
	[tilespmem:$0x1E480] =	vst v63  }
0x171: {  	s9 =	rddreg [dreg:$0x12]  }
0x172: {  	[hbm4b:s9+s3] =	stream.linear.scatter [tilespmem:s23], [sflag:$0x2], $0x6000, $0x38;
	[tilespmem:$0x1E480] =	vst v63  }
0x173: {  	s10 =	rddreg [dreg:$0x13]  }
0x174: {  	[hbm4b:s10+s3] =	stream.linear.scatter [tilespmem:s23], [sflag:$0x2], $0x6000, $0x38;
	[tilespmem:$0x1E480] =	vst v63  }
0x175: {  	s11 =	rddreg [dreg:$0x14]  }
0x176: {  	[hbm4b:s11+s3] =	stream.linear.scatter [tilespmem:s23], [sflag:$0x2], $0x6000, $0x38;
	[tilespmem:$0x1E480] =	vst v63  }
0x177: {  	s12 =	rddreg [dreg:$0x15]  }
0x178: {  	[hbm4b:s12+s3] =	stream.linear.scatter [tilespmem:s23], [sflag:$0x2], $0x6000, $0x38;
	[tilespmem:$0x1E480] =	vst v63  }
0x179: {  	s13 =	rddreg [dreg:$0x16]  }
0x17a: {  	[hbm4b:s13+s3] =	stream.linear.scatter [tilespmem:s23], [sflag:$0x2], $0x6000, $0x38;
	[tilespmem:$0x1E480] =	vst v63  }
0x17b: {  	s14 =	rddreg [dreg:$0x17]  }
0x17c: {  	[hbm4b:s14+s3] =	stream.linear.scatter [tilespmem:s23], [sflag:$0x2], $0x6000, $0x38;
	[tilespmem:$0x1E480] =	vst v63  }
0x17d: {  	s15 =	rddreg [dreg:$0x18];
	s29 =	spop (v2sf)  }
0x17e: {  	[hbm4b:s15+s3] =	stream.linear.scatter [tilespmem:s23], [sflag:$0x2], $0x6000, $0x38;
	[tilespmem:$0x1E480] =	vst v63  }
0x17f: {  	s16 =	rddreg [dreg:$0x19];
	s28 =	sxor.u32 $0x80000000, s29  }
0x180: {  	[hbm4b:s16+s3] =	stream.linear.scatter [tilespmem:s23], [sflag:$0x2], $0x6000, $0x38;
	[tilespmem:$0x1E480] =	vst v63  }
0x181: {  	s17 =	rddreg [dreg:$0x1a];
	p0 =	slt.s32 s28, $0x1  }
0x182: {  	[hbm4b:s17+s3] =	stream.linear.scatter [tilespmem:s23], [sflag:$0x2], $0x6000, $0x38;
	[tilespmem:$0x1E480] =	vst v63  }
.Ltmp34:
0x183: {  	_ = 	snop;
	(pc) =	sbr.rel @p0 .LBB2_70-.Ltmp34, $4  }
0x184: {  	s9 =	rddreg [dreg:$0x1b]  }
0x185: {  	[hbm4b:s9+s3] =	stream.linear.scatter [tilespmem:s23], [sflag:$0x2], $0x6000, $0x38;
	[tilespmem:$0x1E480] =	vst v63  }
0x186: {  	s30 =	rddreg [dreg:$0x1c]  }
0x187: {  	[hbm4b:s30+s3] =	stream.linear.scatter [tilespmem:s23], [sflag:$0x2], $0x6000, $0x38;
	[tilespmem:$0x1E480] =	vst v63  }
0x188: {  	v4 =	vld [tilespmem:$0x100];
	_ =	sdelay $0x4  }
0x189: {  	v5 =	vshrl.u32 v4, $0x3  }
0x18a: {  	v5 =	vmul.u32 $0x30, v5  }
0x18b: {  	v4 =	vand.u32 $0x7, v4  }
0x18c: {  	v4 =	vor.u32 v4, v5  }
0x18d: {  	v5 =	vperm.xlane v4, v1;
	_ =	sdelay $0x1  }
0x18e: {  	v5 =	vadd.s32 v2, v5;
	_ =	sdelay $0x3  }
0x18f: {  	s29 =	simm.s32 $0x0;
	s8 =	simm.s32 $0x480;
	v4 =	vperm.xlane v4, v3  }
0x190: {  	[tilespmem:s8], [sflag:$0x1] =	stream.indirect_vreg.gather [hbm4b:s31+s29], $0x80, v5, vm1, $0xb8;
	[tilespmem:$0x1E480] =	vst v63  }
0x191: {  	s16 =	simm.s32 $0xC80;
	v4 =	vadd.s32 v2, v4  }
0x192: {  	[tilespmem:s16], [sflag:$0x1] =	stream.indirect_vreg.gather [hbm4b:s4+s29], $0x80, v5, vm1, $0xb8;
	[tilespmem:$0x1E480] =	vst v63  }
0x193: {  	s17 =	simm.s32 $0x1480  }
0x194: {  	[tilespmem:s17], [sflag:$0x1] =	stream.indirect_vreg.gather [hbm4b:s5+s29], $0x80, v5, vm1, $0xb8;
	[tilespmem:$0x1E480] =	vst v63  }
0x195: {  	s9 =	simm.s32 $0x1C80  }
0x196: {  	[tilespmem:s9], [sflag:$0x1] =	stream.indirect_vreg.gather [hbm4b:s31+s29], $0x80, v4, vm1, $0xb8;
	[tilespmem:$0x1E480] =	vst v63  }
0x197: {  	s10 =	simm.s32 $0x2480  }
0x198: {  	[tilespmem:s10], [sflag:$0x1] =	stream.indirect_vreg.gather [hbm4b:s4+s29], $0x80, v4, vm1, $0xb8;
	[tilespmem:$0x1E480] =	vst v63  }
0x199: {  	s11 =	simm.s32 $0x2C80  }
0x19a: {  	[tilespmem:s11], [sflag:$0x1] =	stream.indirect_vreg.gather [hbm4b:s5+s29], $0x80, v4, vm1, $0xb8;
	[tilespmem:$0x1E480] =	vst v63  }
0x19b: {  	v4 =	vld [tilespmem:$0x110];
	_ =	sdelay $0x4  }
0x19c: {  	v5 =	vshrl.u32 v4, $0x3  }
0x19d: {  	v5 =	vmul.u32 $0x30, v5  }
0x19e: {  	v4 =	vand.u32 $0x7, v4  }
0x19f: {  	v4 =	vor.u32 v4, v5  }
0x1a0: {  	v5 =	vperm.xlane v4, v1;
	_ =	sdelay $0x1  }
0x1a1: {  	v5 =	vadd.s32 v2, v5;
	_ =	sdelay $0x3  }
0x1a2: {  	s12 =	simm.s32 $0x3480;
	v4 =	vperm.xlane v4, v3  }
0x1a3: {  	[tilespmem:s12], [sflag:$0x1] =	stream.indirect_vreg.gather [hbm4b:s31+s29], $0x80, v5, vm1, $0xb8;
	[tilespmem:$0x1E480] =	vst v63  }
0x1a4: {  	s13 =	simm.s32 $0x3C80;
	v4 =	vadd.s32 v2, v4  }
0x1a5: {  	[tilespmem:s13], [sflag:$0x1] =	stream.indirect_vreg.gather [hbm4b:s4+s29], $0x80, v5, vm1, $0xb8;
	[tilespmem:$0x1E480] =	vst v63  }
0x1a6: {  	s14 =	simm.s32 $0x4480  }
0x1a7: {  	[tilespmem:s14], [sflag:$0x1] =	stream.indirect_vreg.gather [hbm4b:s5+s29], $0x80, v5, vm1, $0xb8;
	[tilespmem:$0x1E480] =	vst v63  }
0x1a8: {  	s15 =	simm.s32 $0x4C80  }
0x1a9: {  	[tilespmem:s15], [sflag:$0x1] =	stream.indirect_vreg.gather [hbm4b:s31+s29], $0x80, v4, vm1, $0xb8;
	[tilespmem:$0x1E480] =	vst v63  }
0x1aa: {  	s16 =	simm.s32 $0x5480  }
0x1ab: {  	[tilespmem:s16], [sflag:$0x1] =	stream.indirect_vreg.gather [hbm4b:s4+s29], $0x80, v4, vm1, $0xb8;
	[tilespmem:$0x1E480] =	vst v63  }
0x1ac: {  	s17 =	simm.s32 $0x5C80  }
0x1ad: {  	[tilespmem:s17], [sflag:$0x1] =	stream.indirect_vreg.gather [hbm4b:s5+s29], $0x80, v4, vm1, $0xb8;
	[tilespmem:$0x1E480] =	vst v63  }
0x1ae: {  	v4 =	vld [tilespmem:$0x120];
	_ =	sdelay $0x4  }
0x1af: {  	v5 =	vshrl.u32 v4, $0x3  }
0x1b0: {  	v5 =	vmul.u32 $0x30, v5  }
0x1b1: {  	v4 =	vand.u32 $0x7, v4  }
0x1b2: {  	v4 =	vor.u32 v4, v5  }
0x1b3: {  	v5 =	vperm.xlane v4, v1;
	_ =	sdelay $0x1  }
0x1b4: {  	v5 =	vadd.s32 v2, v5;
	_ =	sdelay $0x3  }
0x1b5: {  	s9 =	simm.s32 $0x6480;
	v4 =	vperm.xlane v4, v3  }
0x1b6: {  	[tilespmem:s9], [sflag:$0x1] =	stream.indirect_vreg.gather [hbm4b:s31+s29], $0x80, v5, vm1, $0xb8;
	[tilespmem:$0x1E480] =	vst v63  }
0x1b7: {  	s10 =	simm.s32 $0x6C80;
	v4 =	vadd.s32 v2, v4  }
0x1b8: {  	[tilespmem:s10], [sflag:$0x1] =	stream.indirect_vreg.gather [hbm4b:s4+s29], $0x80, v5, vm1, $0xb8;
	[tilespmem:$0x1E480] =	vst v63  }
0x1b9: {  	s11 =	simm.s32 $0x7480  }
0x1ba: {  	[tilespmem:s11], [sflag:$0x1] =	stream.indirect_vreg.gather [hbm4b:s5+s29], $0x80, v5, vm1, $0xb8;
	[tilespmem:$0x1E480] =	vst v63  }
0x1bb: {  	s12 =	simm.s32 $0x7C80  }
0x1bc: {  	[tilespmem:s12], [sflag:$0x1] =	stream.indirect_vreg.gather [hbm4b:s31+s29], $0x80, v4, vm1, $0xb8;
	[tilespmem:$0x1E480] =	vst v63  }
0x1bd: {  	s13 =	simm.s32 $0x8480  }
0x1be: {  	[tilespmem:s13], [sflag:$0x1] =	stream.indirect_vreg.gather [hbm4b:s4+s29], $0x80, v4, vm1, $0xb8;
	[tilespmem:$0x1E480] =	vst v63  }
0x1bf: {  	s14 =	simm.s32 $0x8C80  }
0x1c0: {  	[tilespmem:s14], [sflag:$0x1] =	stream.indirect_vreg.gather [hbm4b:s5+s29], $0x80, v4, vm1, $0xb8;
	[tilespmem:$0x1E480] =	vst v63  }
0x1c1: {  	v4 =	vld [tilespmem:$0x130];
	_ =	sdelay $0x4  }
0x1c2: {  	v5 =	vshrl.u32 v4, $0x3  }
0x1c3: {  	v5 =	vmul.u32 $0x30, v5  }
0x1c4: {  	v4 =	vand.u32 $0x7, v4  }
0x1c5: {  	v4 =	vor.u32 v4, v5  }
0x1c6: {  	v5 =	vperm.xlane v4, v1;
	_ =	sdelay $0x1  }
0x1c7: {  	v5 =	vadd.s32 v2, v5;
	_ =	sdelay $0x3  }
0x1c8: {  	s15 =	simm.s32 $0x9480;
	v4 =	vperm.xlane v4, v3  }
0x1c9: {  	[tilespmem:s15], [sflag:$0x1] =	stream.indirect_vreg.gather [hbm4b:s31+s29], $0x80, v5, vm1, $0xb8;
	[tilespmem:$0x1E480] =	vst v63  }
0x1ca: {  	s16 =	simm.s32 $0x9C80;
	v4 =	vadd.s32 v2, v4  }
0x1cb: {  	[tilespmem:s16], [sflag:$0x1] =	stream.indirect_vreg.gather [hbm4b:s4+s29], $0x80, v5, vm1, $0xb8;
	[tilespmem:$0x1E480] =	vst v63  }
0x1cc: {  	s17 =	simm.s32 $0xA480  }
0x1cd: {  	[tilespmem:s17], [sflag:$0x1] =	stream.indirect_vreg.gather [hbm4b:s5+s29], $0x80, v5, vm1, $0xb8;
	[tilespmem:$0x1E480] =	vst v63  }
0x1ce: {  	s9 =	simm.s32 $0xAC80  }
0x1cf: {  	[tilespmem:s9], [sflag:$0x1] =	stream.indirect_vreg.gather [hbm4b:s31+s29], $0x80, v4, vm1, $0xb8;
	[tilespmem:$0x1E480] =	vst v63  }
0x1d0: {  	s10 =	simm.s32 $0xB480  }
0x1d1: {  	[tilespmem:s10], [sflag:$0x1] =	stream.indirect_vreg.gather [hbm4b:s4+s29], $0x80, v4, vm1, $0xb8;
	[tilespmem:$0x1E480] =	vst v63  }
0x1d2: {  	s11 =	simm.s32 $0xBC80  }
0x1d3: {  	[tilespmem:s11], [sflag:$0x1] =	stream.indirect_vreg.gather [hbm4b:s5+s29], $0x80, v4, vm1, $0xb8;
	[tilespmem:$0x1E480] =	vst v63  }
0x1d4: {  	v4 =	vld [tilespmem:$0x200];
	_ =	sdelay $0x4  }
0x1d5: {  	v5 =	vshrl.u32 v4, $0x3  }
0x1d6: {  	v5 =	vmul.u32 $0x30, v5  }
0x1d7: {  	v4 =	vand.u32 $0x7, v4  }
0x1d8: {  	v4 =	vor.u32 v4, v5  }
0x1d9: {  	v5 =	vperm.xlane v4, v1;
	_ =	sdelay $0x1  }
0x1da: {  	v5 =	vadd.s32 v2, v5;
	_ =	sdelay $0x3  }
0x1db: {  	s12 =	simm.s32 $0xC480;
	v4 =	vperm.xlane v4, v3  }
0x1dc: {  	[tilespmem:s12], [sflag:$0x1] =	stream.indirect_vreg.gather [hbm4b:s0+s29], $0x80, v5, vm1, $0xb8;
	[tilespmem:$0x1E480] =	vst v63  }
0x1dd: {  	s13 =	simm.s32 $0xCC80;
	v4 =	vadd.s32 v2, v4  }
0x1de: {  	[tilespmem:s13], [sflag:$0x1] =	stream.indirect_vreg.gather [hbm4b:s6+s29], $0x80, v5, vm1, $0xb8;
	[tilespmem:$0x1E480] =	vst v63  }
0x1df: {  	s14 =	simm.s32 $0xD480  }
0x1e0: {  	[tilespmem:s14], [sflag:$0x1] =	stream.indirect_vreg.gather [hbm4b:s7+s29], $0x80, v5, vm1, $0xb8;
	[tilespmem:$0x1E480] =	vst v63  }
0x1e1: {  	s15 =	simm.s32 $0xDC80  }
0x1e2: {  	[tilespmem:s15], [sflag:$0x1] =	stream.indirect_vreg.gather [hbm4b:s0+s29], $0x80, v4, vm1, $0xb8;
	[tilespmem:$0x1E480] =	vst v63  }
0x1e3: {  	s16 =	simm.s32 $0xE480  }
0x1e4: {  	[tilespmem:s16], [sflag:$0x1] =	stream.indirect_vreg.gather [hbm4b:s6+s29], $0x80, v4, vm1, $0xb8;
	[tilespmem:$0x1E480] =	vst v63  }
0x1e5: {  	s17 =	simm.s32 $0xEC80  }
0x1e6: {  	[tilespmem:s17], [sflag:$0x1] =	stream.indirect_vreg.gather [hbm4b:s7+s29], $0x80, v4, vm1, $0xb8;
	[tilespmem:$0x1E480] =	vst v63  }
0x1e7: {  	v4 =	vld [tilespmem:$0x210];
	_ =	sdelay $0x4  }
0x1e8: {  	v5 =	vshrl.u32 v4, $0x3  }
0x1e9: {  	v5 =	vmul.u32 $0x30, v5  }
0x1ea: {  	v4 =	vand.u32 $0x7, v4  }
0x1eb: {  	v4 =	vor.u32 v4, v5  }
0x1ec: {  	v5 =	vperm.xlane v4, v1;
	_ =	sdelay $0x1  }
0x1ed: {  	v5 =	vadd.s32 v2, v5;
	_ =	sdelay $0x3  }
0x1ee: {  	s9 =	simm.s32 $0xF480;
	v4 =	vperm.xlane v4, v3  }
0x1ef: {  	[tilespmem:s9], [sflag:$0x1] =	stream.indirect_vreg.gather [hbm4b:s0+s29], $0x80, v5, vm1, $0xb8;
	[tilespmem:$0x1E480] =	vst v63  }
0x1f0: {  	s10 =	simm.s32 $0xFC80;
	v4 =	vadd.s32 v2, v4  }
0x1f1: {  	[tilespmem:s10], [sflag:$0x1] =	stream.indirect_vreg.gather [hbm4b:s6+s29], $0x80, v5, vm1, $0xb8;
	[tilespmem:$0x1E480] =	vst v63  }
0x1f2: {  	s11 =	simm.s32 $0x10480  }
0x1f3: {  	[tilespmem:s11], [sflag:$0x1] =	stream.indirect_vreg.gather [hbm4b:s7+s29], $0x80, v5, vm1, $0xb8;
	[tilespmem:$0x1E480] =	vst v63  }
0x1f4: {  	s12 =	simm.s32 $0x10C80  }
0x1f5: {  	[tilespmem:s12], [sflag:$0x1] =	stream.indirect_vreg.gather [hbm4b:s0+s29], $0x80, v4, vm1, $0xb8;
	[tilespmem:$0x1E480] =	vst v63  }
0x1f6: {  	s13 =	simm.s32 $0x11480  }
0x1f7: {  	[tilespmem:s13], [sflag:$0x1] =	stream.indirect_vreg.gather [hbm4b:s6+s29], $0x80, v4, vm1, $0xb8;
	[tilespmem:$0x1E480] =	vst v63  }
0x1f8: {  	s14 =	simm.s32 $0x11C80  }
0x1f9: {  	[tilespmem:s14], [sflag:$0x1] =	stream.indirect_vreg.gather [hbm4b:s7+s29], $0x80, v4, vm1, $0xb8;
	[tilespmem:$0x1E480] =	vst v63  }
0x1fa: {  	v4 =	vld [tilespmem:$0x220];
	_ =	sdelay $0x4  }
0x1fb: {  	v5 =	vshrl.u32 v4, $0x3  }
0x1fc: {  	v5 =	vmul.u32 $0x30, v5  }
0x1fd: {  	v4 =	vand.u32 $0x7, v4  }
0x1fe: {  	v4 =	vor.u32 v4, v5  }
0x1ff: {  	v5 =	vperm.xlane v4, v1;
	_ =	sdelay $0x1  }
0x200: {  	v5 =	vadd.s32 v2, v5;
	_ =	sdelay $0x3  }
0x201: {  	s15 =	simm.s32 $0x12480;
	v4 =	vperm.xlane v4, v3  }
0x202: {  	[tilespmem:s15], [sflag:$0x1] =	stream.indirect_vreg.gather [hbm4b:s0+s29], $0x80, v5, vm1, $0xb8;
	[tilespmem:$0x1E480] =	vst v63  }
0x203: {  	s16 =	simm.s32 $0x12C80;
	v4 =	vadd.s32 v2, v4  }
0x204: {  	[tilespmem:s16], [sflag:$0x1] =	stream.indirect_vreg.gather [hbm4b:s6+s29], $0x80, v5, vm1, $0xb8;
	[tilespmem:$0x1E480] =	vst v63  }
0x205: {  	s17 =	simm.s32 $0x13480  }
0x206: {  	[tilespmem:s17], [sflag:$0x1] =	stream.indirect_vreg.gather [hbm4b:s7+s29], $0x80, v5, vm1, $0xb8;
	[tilespmem:$0x1E480] =	vst v63  }
0x207: {  	s9 =	simm.s32 $0x13C80  }
0x208: {  	[tilespmem:s9], [sflag:$0x1] =	stream.indirect_vreg.gather [hbm4b:s0+s29], $0x80, v4, vm1, $0xb8;
	[tilespmem:$0x1E480] =	vst v63  }
0x209: {  	s10 =	simm.s32 $0x14480  }
0x20a: {  	[tilespmem:s10], [sflag:$0x1] =	stream.indirect_vreg.gather [hbm4b:s6+s29], $0x80, v4, vm1, $0xb8;
	[tilespmem:$0x1E480] =	vst v63  }
0x20b: {  	s11 =	simm.s32 $0x14C80  }
0x20c: {  	[tilespmem:s11], [sflag:$0x1] =	stream.indirect_vreg.gather [hbm4b:s7+s29], $0x80, v4, vm1, $0xb8;
	[tilespmem:$0x1E480] =	vst v63  }
0x20d: {  	v4 =	vld [tilespmem:$0x230];
	_ =	sdelay $0x4  }
0x20e: {  	v5 =	vshrl.u32 v4, $0x3  }
0x20f: {  	v5 =	vmul.u32 $0x30, v5  }
0x210: {  	v4 =	vand.u32 $0x7, v4  }
0x211: {  	v4 =	vor.u32 v4, v5  }
0x212: {  	v5 =	vperm.xlane v4, v1;
	_ =	sdelay $0x1  }
0x213: {  	v5 =	vadd.s32 v2, v5;
	_ =	sdelay $0x3  }
0x214: {  	s12 =	simm.s32 $0x15480;
	v4 =	vperm.xlane v4, v3  }
0x215: {  	[tilespmem:s12], [sflag:$0x1] =	stream.indirect_vreg.gather [hbm4b:s0+s29], $0x80, v5, vm1, $0xb8;
	[tilespmem:$0x1E480] =	vst v63  }
0x216: {  	s13 =	simm.s32 $0x15C80;
	v4 =	vadd.s32 v2, v4  }
0x217: {  	[tilespmem:s13], [sflag:$0x1] =	stream.indirect_vreg.gather [hbm4b:s6+s29], $0x80, v5, vm1, $0xb8;
	[tilespmem:$0x1E480] =	vst v63  }
0x218: {  	s14 =	simm.s32 $0x16480  }
0x219: {  	[tilespmem:s14], [sflag:$0x1] =	stream.indirect_vreg.gather [hbm4b:s7+s29], $0x80, v5, vm1, $0xb8;
	[tilespmem:$0x1E480] =	vst v63  }
0x21a: {  	s15 =	simm.s32 $0x16C80  }
0x21b: {  	[tilespmem:s15], [sflag:$0x1] =	stream.indirect_vreg.gather [hbm4b:s0+s29], $0x80, v4, vm1, $0xb8;
	[tilespmem:$0x1E480] =	vst v63  }
0x21c: {  	s16 =	simm.s32 $0x17480  }
0x21d: {  	[tilespmem:s16], [sflag:$0x1] =	stream.indirect_vreg.gather [hbm4b:s6+s29], $0x80, v4, vm1, $0xb8;
	[tilespmem:$0x1E480] =	vst v63  }
0x21e: {  	s17 =	simm.s32 $0x17C80  }
0x21f: {  	[tilespmem:s17], [sflag:$0x1] =	stream.indirect_vreg.gather [hbm4b:s7+s29], $0x80, v4, vm1, $0xb8;
	[tilespmem:$0x1E480] =	vst v63  }
0x220: {  	_ =	swait.ge [sflag:s24], $0xC000  }
0x221: {  	[sflag:s24] =	ssyncset.done $0x0  }
0x222: {  	[sflag:s24] =	ssyncadd.s32 $0xFFFF4000  }
0x223: {  	_ =	swait.ge [sflag:s24], $0xC000  }
0x224: {  	[sflag:s24] =	ssyncset.done $0x0  }
0x225: {  	s30 =	simm.s32 $0x0;
	[sflag:s24] =	ssyncadd.s32 $0xFFFF4000  }
.LBB2_67:
0x226: {  	s8 =	sshrl.u32 s30, $0x3  }
0x227: {  	s8 =	smul.u32 $0x1800, s8  }
0x228: {  	s9 =	simm.s32 $0x0;
	s10 =	sand.u32 $0x1C00, s29  }
0x229: {  	s11 =	sshll.u32 s30, $0x7;
	s12 =	sand.u32 $0x70, s9;
	s10 =	sadd.s32 s8, s10  }
0x22a: {  	v4 =	vmov s30;
	s9 =	sand.u32 $0x380, s11;
	s10 =	sor.u32 s12, s10  }
0x22b: {  	s10 =	sor.u32 s9, s10  }
0x22c: {  	v5 =	vld [tilespmem:s10+$0x480]  }
0x22d: {  	v6 =	vld [tilespmem:s10+$0xC480];
	_ =	sdelay $0x1  }
0x22e: {  	v4 =	vld.idx.msk [tilespmem:v4+s22+$0x0], $0xffff;
	_ =	sdelay $0x2  }
0x22f: {  	v5 =	vsub.f32 v5, v6;
	_ =	sdelay $0x1  }
0x230: {  	s13 =	simm.s32 $0x80;
	v5 =	vmul.f32 v5, v4  }
0x231: {  	s14 =	simm.s32 $0x10;
	s11 =	sand.u32 $0x3C00, s13  }
0x232: {  	s11 =	sadd.s32 s8, s11;
	s12 =	sand.u32 $0x70, s14;
	v5 =	vadd.f32 v5, v6  }
0x233: {  	s11 =	sor.u32 s12, s11  }
0x234: {  	s15 =	sor.u32 s9, s11;
	[tilespmem:s10+$0x480] =	vst v5  }
0x235: {  	v5 =	vld [tilespmem:s15+$0x480]  }
0x236: {  	v6 =	vld [tilespmem:s15+$0xC480];
	_ =	sdelay $0x4  }
0x237: {  	v5 =	vsub.f32 v5, v6;
	_ =	sdelay $0x1  }
0x238: {  	s16 =	simm.s32 $0x100;
	v5 =	vmul.f32 v5, v4  }
0x239: {  	s17 =	simm.s32 $0x20;
	s11 =	sand.u32 $0x3C00, s16  }
0x23a: {  	s12 =	sand.u32 $0x70, s17;
	s11 =	sadd.s32 s8, s11;
	v5 =	vadd.f32 v5, v6  }
0x23b: {  	s11 =	sor.u32 s12, s11  }
0x23c: {  	s13 =	sor.u32 s9, s11;
	[tilespmem:s15+$0x480] =	vst v5  }
0x23d: {  	v6 =	vld [tilespmem:s13+$0x480]  }
0x23e: {  	v5 =	vld [tilespmem:s13+$0xC480];
	_ =	sdelay $0x4  }
0x23f: {  	v6 =	vsub.f32 v6, v5;
	_ =	sdelay $0x1  }
0x240: {  	s12 =	simm.s32 $0x80;
	s11 =	simm.s32 $0x180;
	s10 =	simm.s32 $0x50;
	v6 =	vmul.f32 v6, v4  }
.LBB2_68:
0x241: {  	s15 =	sadd.s32 $0xFFFFFFE0, s10  }
0x242: {  	s16 =	sand.u32 $0x1C00, s11;
	s17 =	smov.u32 s12;
	s14 =	sadd.s32 $0x30, s12  }
0x243: {  	p1 =	sne.s32 s12, $0x2F0;
	s12 =	sand.u32 $0x70, s15;
	s15 =	sadd.s32 s8, s16;
	v5 =	vadd.f32 v6, v5  }
0x244: {  	s12 =	sor.u32 s12, s15  }
0x245: {  	s12 =	sor.u32 s9, s12;
	[tilespmem:s13+$0x480] =	vst v5  }
0x246: {  	v5 =	vld [tilespmem:s12+$0x480]  }
0x247: {  	v6 =	vld [tilespmem:s12+$0xC480];
	_ =	sdelay $0x4  }
0x248: {  	v5 =	vsub.f32 v5, v6;
	_ =	sdelay $0x1  }
0x249: {  	s13 =	sadd.s32 $0x80, s11;
	v5 =	vmul.f32 v5, v4  }
0x24a: {  	s15 =	sadd.s32 $0xFFFFFFF0, s10;
	s13 =	sand.u32 $0x3C00, s13  }
0x24b: {  	s15 =	sand.u32 $0x70, s15;
	s13 =	sadd.s32 s8, s13;
	v5 =	vadd.f32 v5, v6  }
0x24c: {  	s13 =	sor.u32 s15, s13  }
0x24d: {  	[tilespmem:s12+$0x480] =	vst v5;
	s12 =	sor.u32 s9, s13  }
0x24e: {  	v5 =	vld [tilespmem:s12+$0x480]  }
0x24f: {  	v6 =	vld [tilespmem:s12+$0xC480];
	_ =	sdelay $0x4  }
0x250: {  	v5 =	vsub.f32 v5, v6;
	_ =	sdelay $0x1  }
0x251: {  	s13 =	sadd.s32 $0x100, s11;
	v5 =	vmul.f32 v5, v4  }
0x252: {  	s13 =	sand.u32 $0x3C00, s13  }
0x253: {  	s15 =	sand.u32 $0x70, s10;
	s10 =	smov.u32 s17;
	s13 =	sadd.s32 s8, s13;
	v5 =	vadd.f32 v5, v6  }
0x254: {  	s13 =	sor.u32 s15, s13  }
0x255: {  	s13 =	sor.u32 s9, s13;
	[tilespmem:s12+$0x480] =	vst v5  }
0x256: {  	v6 =	vld [tilespmem:s13+$0x480]  }
0x257: {  	v5 =	vld [tilespmem:s13+$0xC480];
	_ =	sdelay $0x2  }
.Ltmp35:
0x258: {  	(pc) =	sbr.rel @p1 .LBB2_68-.Ltmp35, $3  }
0x259: {  	_ = 	snop  }
0x25a: {  	v6 =	vsub.f32 v6, v5;
	_ =	sdelay $0x1  }
0x25b: {  	s11 =	sadd.s32 $0x180, s11;
	s12 =	smov.u32 s14;
	v6 =	vmul.f32 v6, v4  }
0x25c: {  	s12 =	sadd.s32 $0xFFFFFFE0, s10;
	s14 =	sand.u32 $0x1C00, s11  }
0x25d: {  	s12 =	sand.u32 $0x70, s12;
	s14 =	sadd.s32 s8, s14;
	v5 =	vadd.f32 v6, v5  }
0x25e: {  	s12 =	sor.u32 s12, s14  }
0x25f: {  	s12 =	sor.u32 s9, s12;
	[tilespmem:s13+$0x480] =	vst v5  }
0x260: {  	v5 =	vld [tilespmem:s12+$0x480]  }
0x261: {  	v61 =	vld [tilespmem:s12+$0xC480];
	_ =	sdelay $0x4  }
0x262: {  	v5 =	vsub.f32 v5, v61;
	_ =	sdelay $0x1  }
0x263: {  	s16 =	sadd.s32 $0x80, s11;
	v5 =	vmul.f32 v5, v4  }
0x264: {  	s17 =	sadd.s32 $0xFFFFFFF0, s10;
	s13 =	sand.u32 $0x3C00, s16  }
0x265: {  	s14 =	sand.u32 $0x70, s17;
	s13 =	sadd.s32 s8, s13;
	v5 =	vadd.f32 v5, v61  }
0x266: {  	s13 =	sor.u32 s14, s13  }
0x267: {  	s14 =	sor.u32 s9, s13;
	[tilespmem:s12+$0x480] =	vst v5  }
0x268: {  	v5 =	vld [tilespmem:s14+$0x480]  }
0x269: {  	v62 =	vld [tilespmem:s14+$0xC480];
	_ =	sdelay $0x4  }
0x26a: {  	v5 =	vsub.f32 v5, v62;
	_ =	sdelay $0x1  }
0x26b: {  	s15 =	sadd.s32 $0x100, s11;
	v5 =	vmul.f32 v5, v4  }
0x26c: {  	s11 =	sand.u32 $0x3C00, s15  }
0x26d: {  	s17 =	sadd.s32 s8, s11;
	s16 =	sand.u32 $0x70, s10;
	v5 =	vadd.f32 v5, v62  }
0x26e: {  	s8 =	sor.u32 s16, s17  }
0x26f: {  	s8 =	sor.u32 s9, s8;
	[tilespmem:s14+$0x480] =	vst v5  }
0x270: {  	v5 =	vld [tilespmem:s8+$0x480]  }
0x271: {  	v63 =	vld [tilespmem:s8+$0xC480];
	_ =	sdelay $0x4  }
0x272: {  	s30 =	sadd.s32 $0x1, s30;
	v5 =	vsub.f32 v5, v63  }
0x273: {  	p1 =	sne.s32 s30, $0x40  }
.Ltmp36:
0x274: {  	v4 =	vmul.f32 v5, v4;
	(pc) =	sbr.rel @p1 .LBB2_67-.Ltmp36, $3  }
0x275: {  	_ = 	snop  }
0x276: {  	v4 =	vadd.f32 v4, v63;
	_ =	sdelay $0x1  }
0x277: {  	[tilespmem:s8+$0x480] =	vst v4  }
.LBB2_70:
0x278: {  	_ =	swait.ge [sflag:s25], $0x6000  }
0x279: {  	[sflag:s25] =	ssyncset.done $0x0  }
0x27a: {  	[sflag:s25] =	ssyncadd.s32 $0xFFFFA000  }
0x27b: {  	_ =	swait.ge [sflag:s25], $0x6000  }
0x27c: {  	[sflag:s25] =	ssyncset.done $0x0  }
0x27d: {  	[sflag:s25] =	ssyncadd.s32 $0xFFFFA000  }
0x27e: {  	_ =	swait.ge [sflag:s25], $0x6000  }
0x27f: {  	[sflag:s25] =	ssyncset.done $0x0  }
0x280: {  	[sflag:s25] =	ssyncadd.s32 $0xFFFFA000  }
0x281: {  	_ =	swait.ge [sflag:s25], $0x6000  }
0x282: {  	[sflag:s25] =	ssyncset.done $0x0  }
0x283: {  	[sflag:s25] =	ssyncadd.s32 $0xFFFFA000  }
0x284: {  	_ =	swait.ge [sflag:s25], $0x6000  }
0x285: {  	[sflag:s25] =	ssyncset.done $0x0  }
0x286: {  	[sflag:s25] =	ssyncadd.s32 $0xFFFFA000  }
0x287: {  	_ =	swait.ge [sflag:s25], $0x6000  }
0x288: {  	[sflag:s25] =	ssyncset.done $0x0  }
0x289: {  	[sflag:s25] =	ssyncadd.s32 $0xFFFFA000  }
0x28a: {  	_ =	swait.ge [sflag:s25], $0x6000  }
0x28b: {  	[sflag:s25] =	ssyncset.done $0x0  }
0x28c: {  	[sflag:s25] =	ssyncadd.s32 $0xFFFFA000  }
0x28d: {  	_ =	swait.ge [sflag:s25], $0x6000  }
0x28e: {  	[sflag:s25] =	ssyncset.done $0x0  }
0x28f: {  	[sflag:s25] =	ssyncadd.s32 $0xFFFFA000  }
0x290: {  	_ =	swait.ge [sflag:s25], $0x6000  }
0x291: {  	[sflag:s25] =	ssyncset.done $0x0  }
0x292: {  	[sflag:s25] =	ssyncadd.s32 $0xFFFFA000  }
0x293: {  	_ =	swait.ge [sflag:s25], $0x6000  }
0x294: {  	[sflag:s25] =	ssyncset.done $0x0  }
0x295: {  	[sflag:s25] =	ssyncadd.s32 $0xFFFFA000  }
0x296: {  	_ =	swait.ge [sflag:s25], $0x6000  }
0x297: {  	[sflag:s25] =	ssyncset.done $0x0  }
0x298: {  	[sflag:s25] =	ssyncadd.s32 $0xFFFFA000  }
0x299: {  	_ =	swait.ge [sflag:s25], $0x6000  }
0x29a: {  	[sflag:s25] =	ssyncset.done $0x0  }
0x29b: {  	[sflag:s25] =	ssyncadd.s32 $0xFFFFA000  }
0x29c: {  	_ =	swait.ge [sflag:s25], $0x6000  }
0x29d: {  	[sflag:s25] =	ssyncset.done $0x0  }
0x29e: {  	[sflag:s25] =	ssyncadd.s32 $0xFFFFA000  }
0x29f: {  	_ =	swait.ge [sflag:s25], $0x6000  }
0x2a0: {  	[sflag:s25] =	ssyncset.done $0x0  }
0x2a1: {  	[sflag:s25] =	ssyncadd.s32 $0xFFFFA000  }
0x2a2: {  	_ =	swait.ge [sflag:s25], $0x6000  }
0x2a3: {  	[sflag:s25] =	ssyncset.done $0x0  }
0x2a4: {  	[sflag:s25] =	ssyncadd.s32 $0xFFFFA000  }
0x2a5: {  	_ =	swait.ge [sflag:s25], $0x6000  }
0x2a6: {  	[sflag:s25] =	ssyncset.done $0x0  }
0x2a7: {  	[sflag:s25] =	ssyncadd.s32 $0xFFFFA000  }
0x2a8: {  	_ =	swait.ge [sflag:s25], $0x6000  }
0x2a9: {  	[sflag:s25] =	ssyncset.done $0x0  }
0x2aa: {  	[sflag:s25] =	ssyncadd.s32 $0xFFFFA000  }
0x2ab: {  	_ =	swait.ge [sflag:s25], $0x6000  }
0x2ac: {  	[sflag:s25] =	ssyncset.done $0x0  }
0x2ad: {  	[sflag:s25] =	ssyncadd.s32 $0xFFFFA000  }
0x2ae: {  	_ =	swait.ge [sflag:s25], $0x6000  }
0x2af: {  	[sflag:s25] =	ssyncset.done $0x0  }
0x2b0: {  	[sflag:s25] =	ssyncadd.s32 $0xFFFFA000  }
0x2b1: {  	_ =	swait.ge [sflag:s25], $0x6000  }
0x2b2: {  	[sflag:s25] =	ssyncset.done $0x0  }
0x2b3: {  	[sflag:s25] =	ssyncadd.s32 $0xFFFFA000  }
0x2b4: {  	_ =	swait.ge [sflag:s25], $0x6000  }
0x2b5: {  	[sflag:s25] =	ssyncset.done $0x0  }
0x2b6: {  	[sflag:s25] =	ssyncadd.s32 $0xFFFFA000  }
0x2b7: {  	_ =	swait.ge [sflag:s25], $0x6000  }
0x2b8: {  	[sflag:s25] =	ssyncset.done $0x0  }
0x2b9: {  	[sflag:s25] =	ssyncadd.s32 $0xFFFFA000  }
0x2ba: {  	_ =	swait.ge [sflag:s25], $0x6000  }
0x2bb: {  	[sflag:s25] =	ssyncset.done $0x0  }
0x2bc: {  	[sflag:s25] =	ssyncadd.s32 $0xFFFFA000  }
0x2bd: {  	_ =	swait.ge [sflag:s25], $0x6000  }
0x2be: {  	[sflag:s25] =	ssyncset.done $0x0  }
0x2bf: {  	[sflag:s25] =	ssyncadd.s32 $0xFFFFA000  }
0x2c0: {  	_ =	swait.ge [sflag:s25], $0x6000  }
0x2c1: {  	[sflag:s25] =	ssyncset.done $0x0  }
0x2c2: {  	[sflag:s25] =	ssyncadd.s32 $0xFFFFA000  }
0x2c3: {  	_ =	swait.ge [sflag:s25], $0x6000  }
0x2c4: {  	[sflag:s25] =	ssyncset.done $0x0  }
0x2c5: {  	[sflag:s25] =	ssyncadd.s32 $0xFFFFA000  }
0x2c6: {  	_ =	swait.ge [sflag:s25], $0x6000  }
0x2c7: {  	[sflag:s25] =	ssyncset.done $0x0  }
0x2c8: {  	[sflag:s25] =	ssyncadd.s32 $0xFFFFA000  }
0x2c9: {  	_ =	swait.ge [sflag:s25], $0x6000  }
0x2ca: {  	[sflag:s25] =	ssyncset.done $0x0  }
0x2cb: {  	[sflag:s25] =	ssyncadd.s32 $0xFFFFA000  }
0x2cc: {  	_ =	swait.ge [sflag:s25], $0x6000  }
0x2cd: {  	[sflag:s25] =	ssyncset.done $0x0  }
0x2ce: {  	[sflag:s25] =	ssyncadd.s32 $0xFFFFA000  }
0x2cf: {  	_ =	swait.ge [sflag:s25], $0x6000  }
0x2d0: {  	[sflag:s25] =	ssyncset.done $0x0  }
0x2d1: {  	[sflag:s25] =	ssyncadd.s32 $0xFFFFA000  }
0x2d2: {  	_ =	swait.ge [sflag:s25], $0x6000  }
0x2d3: {  	[sflag:s25] =	ssyncset.done $0x0  }
0x2d4: {  	[sflag:s25] =	ssyncadd.s32 $0xFFFFA000  }
0x2d5: {  	_ =	swait.ge [sflag:s25], $0x6000  }
0x2d6: {  	[sflag:s25] =	ssyncset.done $0x0  }
0x2d7: {  	[sflag:s25] =	ssyncadd.s32 $0xFFFFA000  }
0x2d8: {  	v4 =	vld @!p0 [tilespmem:$0x0];
	_ =	sdelay $0x4  }
0x2d9: {  	v5 =	vshrl.u32 @!p0 v4, $0x3  }
0x2da: {  	v5 =	vmul.u32 @!p0 $0x30, v5  }
0x2db: {  	v6 =	vlaneseq.u32 @!p0;
	v4 =	vand.u32 @!p0 $0x7, v4  }
0x2dc: {  	v7 =	vshrl.u32 @!p0 v6, $0x3;
	v4 =	vor.u32 @!p0 v4, v5;
	v5 =	vand.u32 @!p0 $0x7, v6  }
0x2dd: {  	v7 =	vmul.u32 @!p0 $0x8, v7;
	v8 =	vperm.xlane @!p0 v4, v5;
	_ =	sdelay $0x1  }
0x2de: {  	v8 =	vadd.s32 @!p0 v7, v8;
	_ =	sdelay $0x2  }
0x2df: {  	v6 =	vor.u32 @!p0 $0x8, v6  }
0x2e0: {  	vm2 =	vmmov @!p0 $0xffff;
	s8 =	simm.s32 @!p0 $0x0;
	s9 =	simm.s32 @!p0 $0x480;
	v4 =	vperm.xlane @!p0 v4, v6  }
0x2e1: {  	[hbm4b:s2+s8] =	stream.indirect_vreg.scatter @!p0 [tilespmem:s9], [sflag:$0x1], $0x80, v8, vm2, $0xb8;
	[tilespmem:$0x1E480] =	vst v63  }
0x2e2: {  	v4 =	vadd.s32 @!p0 v7, v4;
	s9 =	simm.s32 @!p0 $0xC80  }
0x2e3: {  	[hbm4b:s19+s8] =	stream.indirect_vreg.scatter @!p0 [tilespmem:s9], [sflag:$0x1], $0x80, v8, vm2, $0xb8;
	[tilespmem:$0x1E480] =	vst v63  }
0x2e4: {  	s9 =	simm.s32 @!p0 $0x1480  }
0x2e5: {  	[hbm4b:s20+s8] =	stream.indirect_vreg.scatter @!p0 [tilespmem:s9], [sflag:$0x1], $0x80, v8, vm2, $0xb8;
	[tilespmem:$0x1E480] =	vst v63  }
0x2e6: {  	s9 =	simm.s32 @!p0 $0x1C80  }
0x2e7: {  	[hbm4b:s2+s8] =	stream.indirect_vreg.scatter @!p0 [tilespmem:s9], [sflag:$0x1], $0x80, v4, vm2, $0xb8;
	[tilespmem:$0x1E480] =	vst v63  }
0x2e8: {  	s9 =	simm.s32 @!p0 $0x2480  }
0x2e9: {  	[hbm4b:s19+s8] =	stream.indirect_vreg.scatter @!p0 [tilespmem:s9], [sflag:$0x1], $0x80, v4, vm2, $0xb8;
	[tilespmem:$0x1E480] =	vst v63  }
0x2ea: {  	s9 =	simm.s32 @!p0 $0x2C80  }
0x2eb: {  	[hbm4b:s20+s8] =	stream.indirect_vreg.scatter @!p0 [tilespmem:s9], [sflag:$0x1], $0x80, v4, vm2, $0xb8;
	[tilespmem:$0x1E480] =	vst v63  }
0x2ec: {  	v4 =	vld @!p0 [tilespmem:$0x10];
	_ =	sdelay $0x4  }
0x2ed: {  	v8 =	vshrl.u32 @!p0 v4, $0x3  }
0x2ee: {  	v8 =	vmul.u32 @!p0 $0x30, v8  }
0x2ef: {  	v4 =	vand.u32 @!p0 $0x7, v4  }
0x2f0: {  	v4 =	vor.u32 @!p0 v4, v8  }
0x2f1: {  	v8 =	vperm.xlane @!p0 v4, v5;
	_ =	sdelay $0x1  }
0x2f2: {  	v8 =	vadd.s32 @!p0 v7, v8;
	_ =	sdelay $0x3  }
0x2f3: {  	s9 =	simm.s32 @!p0 $0x3480;
	v4 =	vperm.xlane @!p0 v4, v6  }
0x2f4: {  	[hbm4b:s2+s8] =	stream.indirect_vreg.scatter @!p0 [tilespmem:s9], [sflag:$0x1], $0x80, v8, vm2, $0xb8;
	[tilespmem:$0x1E480] =	vst v63  }
0x2f5: {  	v4 =	vadd.s32 @!p0 v7, v4;
	s9 =	simm.s32 @!p0 $0x3C80  }
0x2f6: {  	[hbm4b:s19+s8] =	stream.indirect_vreg.scatter @!p0 [tilespmem:s9], [sflag:$0x1], $0x80, v8, vm2, $0xb8;
	[tilespmem:$0x1E480] =	vst v63  }
0x2f7: {  	s9 =	simm.s32 @!p0 $0x4480  }
0x2f8: {  	[hbm4b:s20+s8] =	stream.indirect_vreg.scatter @!p0 [tilespmem:s9], [sflag:$0x1], $0x80, v8, vm2, $0xb8;
	[tilespmem:$0x1E480] =	vst v63  }
0x2f9: {  	s9 =	simm.s32 @!p0 $0x4C80  }
0x2fa: {  	[hbm4b:s2+s8] =	stream.indirect_vreg.scatter @!p0 [tilespmem:s9], [sflag:$0x1], $0x80, v4, vm2, $0xb8;
	[tilespmem:$0x1E480] =	vst v63  }
0x2fb: {  	s9 =	simm.s32 @!p0 $0x5480  }
0x2fc: {  	[hbm4b:s19+s8] =	stream.indirect_vreg.scatter @!p0 [tilespmem:s9], [sflag:$0x1], $0x80, v4, vm2, $0xb8;
	[tilespmem:$0x1E480] =	vst v63  }
0x2fd: {  	s9 =	simm.s32 @!p0 $0x5C80  }
0x2fe: {  	[hbm4b:s20+s8] =	stream.indirect_vreg.scatter @!p0 [tilespmem:s9], [sflag:$0x1], $0x80, v4, vm2, $0xb8;
	[tilespmem:$0x1E480] =	vst v63  }
0x2ff: {  	v4 =	vld @!p0 [tilespmem:$0x20];
	_ =	sdelay $0x4  }
0x300: {  	v8 =	vshrl.u32 @!p0 v4, $0x3  }
0x301: {  	v8 =	vmul.u32 @!p0 $0x30, v8  }
0x302: {  	v4 =	vand.u32 @!p0 $0x7, v4  }
0x303: {  	v4 =	vor.u32 @!p0 v4, v8  }
0x304: {  	v8 =	vperm.xlane @!p0 v4, v5;
	_ =	sdelay $0x1  }
0x305: {  	v8 =	vadd.s32 @!p0 v7, v8;
	_ =	sdelay $0x3  }
0x306: {  	s9 =	simm.s32 @!p0 $0x6480;
	v4 =	vperm.xlane @!p0 v4, v6  }
0x307: {  	[hbm4b:s2+s8] =	stream.indirect_vreg.scatter @!p0 [tilespmem:s9], [sflag:$0x1], $0x80, v8, vm2, $0xb8;
	[tilespmem:$0x1E480] =	vst v63  }
0x308: {  	v4 =	vadd.s32 @!p0 v7, v4;
	s9 =	simm.s32 @!p0 $0x6C80  }
0x309: {  	[hbm4b:s19+s8] =	stream.indirect_vreg.scatter @!p0 [tilespmem:s9], [sflag:$0x1], $0x80, v8, vm2, $0xb8;
	[tilespmem:$0x1E480] =	vst v63  }
0x30a: {  	s9 =	simm.s32 @!p0 $0x7480  }
0x30b: {  	[hbm4b:s20+s8] =	stream.indirect_vreg.scatter @!p0 [tilespmem:s9], [sflag:$0x1], $0x80, v8, vm2, $0xb8;
	[tilespmem:$0x1E480] =	vst v63  }
0x30c: {  	s9 =	simm.s32 @!p0 $0x7C80  }
0x30d: {  	[hbm4b:s2+s8] =	stream.indirect_vreg.scatter @!p0 [tilespmem:s9], [sflag:$0x1], $0x80, v4, vm2, $0xb8;
	[tilespmem:$0x1E480] =	vst v63  }
0x30e: {  	s9 =	simm.s32 @!p0 $0x8480  }
0x30f: {  	[hbm4b:s19+s8] =	stream.indirect_vreg.scatter @!p0 [tilespmem:s9], [sflag:$0x1], $0x80, v4, vm2, $0xb8;
	[tilespmem:$0x1E480] =	vst v63  }
0x310: {  	s9 =	simm.s32 @!p0 $0x8C80  }
0x311: {  	[hbm4b:s20+s8] =	stream.indirect_vreg.scatter @!p0 [tilespmem:s9], [sflag:$0x1], $0x80, v4, vm2, $0xb8;
	[tilespmem:$0x1E480] =	vst v63  }
0x312: {  	v4 =	vld @!p0 [tilespmem:$0x30];
	_ =	sdelay $0x4  }
0x313: {  	v8 =	vshrl.u32 @!p0 v4, $0x3  }
0x314: {  	v8 =	vmul.u32 @!p0 $0x30, v8  }
0x315: {  	v4 =	vand.u32 @!p0 $0x7, v4  }
0x316: {  	v4 =	vor.u32 @!p0 v4, v8  }
0x317: {  	v5 =	vperm.xlane @!p0 v4, v5;
	_ =	sdelay $0x1  }
0x318: {  	v5 =	vadd.s32 @!p0 v7, v5;
	_ =	sdelay $0x3  }
0x319: {  	s9 =	simm.s32 @!p0 $0x9480;
	v4 =	vperm.xlane @!p0 v4, v6  }
0x31a: {  	[hbm4b:s2+s8] =	stream.indirect_vreg.scatter @!p0 [tilespmem:s9], [sflag:$0x1], $0x80, v5, vm2, $0xb8;
	[tilespmem:$0x1E480] =	vst v63  }
0x31b: {  	v4 =	vadd.s32 @!p0 v7, v4;
	s9 =	simm.s32 @!p0 $0x9C80  }
0x31c: {  	[hbm4b:s19+s8] =	stream.indirect_vreg.scatter @!p0 [tilespmem:s9], [sflag:$0x1], $0x80, v5, vm2, $0xb8;
	[tilespmem:$0x1E480] =	vst v63  }
0x31d: {  	s9 =	simm.s32 @!p0 $0xA480  }
0x31e: {  	[hbm4b:s20+s8] =	stream.indirect_vreg.scatter @!p0 [tilespmem:s9], [sflag:$0x1], $0x80, v5, vm2, $0xb8;
	[tilespmem:$0x1E480] =	vst v63  }
0x31f: {  	s9 =	simm.s32 @!p0 $0xAC80  }
0x320: {  	[hbm4b:s2+s8] =	stream.indirect_vreg.scatter @!p0 [tilespmem:s9], [sflag:$0x1], $0x80, v4, vm2, $0xb8;
	[tilespmem:$0x1E480] =	vst v63  }
0x321: {  	p1 =	slt.u32 @!p0 s28, $0x41;
	s9 =	simm.s32 @!p0 $0xB480  }
0x322: {  	[hbm4b:s19+s8] =	stream.indirect_vreg.scatter @!p0 [tilespmem:s9], [sflag:$0x1], $0x80, v4, vm2, $0xb8;
	[tilespmem:$0x1E480] =	vst v63  }
0x323: {  	p1 =	por p0, p1;
	s9 =	simm.s32 @!p0 $0xBC80  }
0x324: {  	[hbm4b:s20+s8] =	stream.indirect_vreg.scatter @!p0 [tilespmem:s9], [sflag:$0x1], $0x80, v4, vm2, $0xb8;
	[tilespmem:$0x1E480] =	vst v63  }
.Ltmp37:
0x325: {  	_ = 	snop;
	(pc) =	sbr.rel @p1 .LBB2_76-.Ltmp37, $4  }
0x326: {  	s8 =	simm.s32 @!p0 $0x1  }
0x327: {  	_ =	swait.ge @!p0 [sflag:s8], $0xC000  }
0x328: {  	[sflag:s8] =	ssyncset.done @!p0 $0x0  }
0x329: {  	[sflag:s8] =	ssyncadd.s32 @!p0 $0xFFFF4000  }
0x32a: {  	v4 =	vld [tilespmem:$0x180];
	_ =	sdelay $0x4  }
0x32b: {  	v5 =	vshrl.u32 v4, $0x3  }
0x32c: {  	v5 =	vmul.u32 $0x30, v5  }
0x32d: {  	v4 =	vand.u32 $0x7, v4  }
0x32e: {  	v4 =	vor.u32 v4, v5  }
0x32f: {  	v5 =	vperm.xlane v4, v1;
	_ =	sdelay $0x1  }
0x330: {  	v5 =	vadd.s32 v2, v5;
	_ =	sdelay $0x3  }
0x331: {  	s28 =	simm.s32 $0x0;
	s8 =	simm.s32 $0x480;
	v4 =	vperm.xlane v4, v3  }
0x332: {  	[tilespmem:s8], [sflag:$0x1] =	stream.indirect_vreg.gather [hbm4b:s31+s28], $0x80, v5, vm1, $0xb8;
	[tilespmem:$0x1E480] =	vst v63  }
0x333: {  	s12 =	simm.s32 $0xC80;
	v4 =	vadd.s32 v2, v4  }
0x334: {  	[tilespmem:s12], [sflag:$0x1] =	stream.indirect_vreg.gather [hbm4b:s4+s28], $0x80, v5, vm1, $0xb8;
	[tilespmem:$0x1E480] =	vst v63  }
0x335: {  	s13 =	simm.s32 $0x1480  }
0x336: {  	[tilespmem:s13], [sflag:$0x1] =	stream.indirect_vreg.gather [hbm4b:s5+s28], $0x80, v5, vm1, $0xb8;
	[tilespmem:$0x1E480] =	vst v63  }
0x337: {  	s14 =	simm.s32 $0x1C80  }
0x338: {  	[tilespmem:s14], [sflag:$0x1] =	stream.indirect_vreg.gather [hbm4b:s31+s28], $0x80, v4, vm1, $0xb8;
	[tilespmem:$0x1E480] =	vst v63  }
0x339: {  	s15 =	simm.s32 $0x2480  }
0x33a: {  	[tilespmem:s15], [sflag:$0x1] =	stream.indirect_vreg.gather [hbm4b:s4+s28], $0x80, v4, vm1, $0xb8;
	[tilespmem:$0x1E480] =	vst v63  }
0x33b: {  	s16 =	simm.s32 $0x2C80  }
0x33c: {  	[tilespmem:s16], [sflag:$0x1] =	stream.indirect_vreg.gather [hbm4b:s5+s28], $0x80, v4, vm1, $0xb8;
	[tilespmem:$0x1E480] =	vst v63  }
0x33d: {  	v4 =	vld [tilespmem:$0x190];
	_ =	sdelay $0x4  }
0x33e: {  	v5 =	vshrl.u32 v4, $0x3  }
0x33f: {  	v5 =	vmul.u32 $0x30, v5  }
0x340: {  	v4 =	vand.u32 $0x7, v4  }
0x341: {  	v4 =	vor.u32 v4, v5  }
0x342: {  	v5 =	vperm.xlane v4, v1;
	_ =	sdelay $0x1  }
0x343: {  	v5 =	vadd.s32 v2, v5;
	_ =	sdelay $0x3  }
0x344: {  	s17 =	simm.s32 $0x3480;
	v4 =	vperm.xlane v4, v3  }
0x345: {  	[tilespmem:s17], [sflag:$0x1] =	stream.indirect_vreg.gather [hbm4b:s31+s28], $0x80, v5, vm1, $0xb8;
	[tilespmem:$0x1E480] =	vst v63  }
0x346: {  	s30 =	simm.s32 $0x3C80;
	v4 =	vadd.s32 v2, v4  }
0x347: {  	[tilespmem:s30], [sflag:$0x1] =	stream.indirect_vreg.gather [hbm4b:s4+s28], $0x80, v5, vm1, $0xb8;
	[tilespmem:$0x1E480] =	vst v63  }
0x348: {  	s9 =	simm.s32 $0x4480  }
0x349: {  	[tilespmem:s9], [sflag:$0x1] =	stream.indirect_vreg.gather [hbm4b:s5+s28], $0x80, v5, vm1, $0xb8;
	[tilespmem:$0x1E480] =	vst v63  }
0x34a: {  	s10 =	simm.s32 $0x4C80  }
0x34b: {  	[tilespmem:s10], [sflag:$0x1] =	stream.indirect_vreg.gather [hbm4b:s31+s28], $0x80, v4, vm1, $0xb8;
	[tilespmem:$0x1E480] =	vst v63  }
0x34c: {  	s11 =	simm.s32 $0x5480  }
0x34d: {  	[tilespmem:s11], [sflag:$0x1] =	stream.indirect_vreg.gather [hbm4b:s4+s28], $0x80, v4, vm1, $0xb8;
	[tilespmem:$0x1E480] =	vst v63  }
0x34e: {  	s12 =	simm.s32 $0x5C80  }
0x34f: {  	[tilespmem:s12], [sflag:$0x1] =	stream.indirect_vreg.gather [hbm4b:s5+s28], $0x80, v4, vm1, $0xb8;
	[tilespmem:$0x1E480] =	vst v63  }
0x350: {  	v4 =	vld [tilespmem:$0x1A0];
	_ =	sdelay $0x4  }
0x351: {  	v5 =	vshrl.u32 v4, $0x3  }
0x352: {  	v5 =	vmul.u32 $0x30, v5  }
0x353: {  	v4 =	vand.u32 $0x7, v4  }
0x354: {  	v4 =	vor.u32 v4, v5  }
0x355: {  	v5 =	vperm.xlane v4, v1;
	_ =	sdelay $0x1  }
0x356: {  	v5 =	vadd.s32 v2, v5;
	_ =	sdelay $0x3  }
0x357: {  	s13 =	simm.s32 $0x6480;
	v4 =	vperm.xlane v4, v3  }
0x358: {  	[tilespmem:s13], [sflag:$0x1] =	stream.indirect_vreg.gather [hbm4b:s31+s28], $0x80, v5, vm1, $0xb8;
	[tilespmem:$0x1E480] =	vst v63  }
0x359: {  	s14 =	simm.s32 $0x6C80;
	v4 =	vadd.s32 v2, v4  }
0x35a: {  	[tilespmem:s14], [sflag:$0x1] =	stream.indirect_vreg.gather [hbm4b:s4+s28], $0x80, v5, vm1, $0xb8;
	[tilespmem:$0x1E480] =	vst v63  }
0x35b: {  	s15 =	simm.s32 $0x7480  }
0x35c: {  	[tilespmem:s15], [sflag:$0x1] =	stream.indirect_vreg.gather [hbm4b:s5+s28], $0x80, v5, vm1, $0xb8;
	[tilespmem:$0x1E480] =	vst v63  }
0x35d: {  	s16 =	simm.s32 $0x7C80  }
0x35e: {  	[tilespmem:s16], [sflag:$0x1] =	stream.indirect_vreg.gather [hbm4b:s31+s28], $0x80, v4, vm1, $0xb8;
	[tilespmem:$0x1E480] =	vst v63  }
0x35f: {  	s17 =	simm.s32 $0x8480  }
0x360: {  	[tilespmem:s17], [sflag:$0x1] =	stream.indirect_vreg.gather [hbm4b:s4+s28], $0x80, v4, vm1, $0xb8;
	[tilespmem:$0x1E480] =	vst v63  }
0x361: {  	s30 =	simm.s32 $0x8C80  }
0x362: {  	[tilespmem:s30], [sflag:$0x1] =	stream.indirect_vreg.gather [hbm4b:s5+s28], $0x80, v4, vm1, $0xb8;
	[tilespmem:$0x1E480] =	vst v63  }
0x363: {  	v4 =	vld [tilespmem:$0x1B0];
	_ =	sdelay $0x4  }
0x364: {  	v5 =	vshrl.u32 v4, $0x3  }
0x365: {  	v5 =	vmul.u32 $0x30, v5  }
0x366: {  	v4 =	vand.u32 $0x7, v4  }
0x367: {  	v4 =	vor.u32 v4, v5  }
0x368: {  	v5 =	vperm.xlane v4, v1;
	_ =	sdelay $0x1  }
0x369: {  	v5 =	vadd.s32 v2, v5;
	_ =	sdelay $0x3  }
0x36a: {  	s9 =	simm.s32 $0x9480;
	v4 =	vperm.xlane v4, v3  }
0x36b: {  	[tilespmem:s9], [sflag:$0x1] =	stream.indirect_vreg.gather [hbm4b:s31+s28], $0x80, v5, vm1, $0xb8;
	[tilespmem:$0x1E480] =	vst v63  }
0x36c: {  	s10 =	simm.s32 $0x9C80;
	v4 =	vadd.s32 v2, v4  }
0x36d: {  	[tilespmem:s10], [sflag:$0x1] =	stream.indirect_vreg.gather [hbm4b:s4+s28], $0x80, v5, vm1, $0xb8;
	[tilespmem:$0x1E480] =	vst v63  }
0x36e: {  	s11 =	simm.s32 $0xA480  }
0x36f: {  	[tilespmem:s11], [sflag:$0x1] =	stream.indirect_vreg.gather [hbm4b:s5+s28], $0x80, v5, vm1, $0xb8;
	[tilespmem:$0x1E480] =	vst v63  }
0x370: {  	s12 =	simm.s32 $0xAC80  }
0x371: {  	[tilespmem:s12], [sflag:$0x1] =	stream.indirect_vreg.gather [hbm4b:s31+s28], $0x80, v4, vm1, $0xb8;
	[tilespmem:$0x1E480] =	vst v63  }
0x372: {  	s13 =	simm.s32 $0xB480  }
0x373: {  	[tilespmem:s13], [sflag:$0x1] =	stream.indirect_vreg.gather [hbm4b:s4+s28], $0x80, v4, vm1, $0xb8;
	[tilespmem:$0x1E480] =	vst v63  }
0x374: {  	s14 =	simm.s32 $0xBC80  }
0x375: {  	[tilespmem:s14], [sflag:$0x1] =	stream.indirect_vreg.gather [hbm4b:s5+s28], $0x80, v4, vm1, $0xb8;
	[tilespmem:$0x1E480] =	vst v63  }
0x376: {  	v4 =	vld [tilespmem:$0x280];
	_ =	sdelay $0x4  }
0x377: {  	v5 =	vshrl.u32 v4, $0x3  }
0x378: {  	v5 =	vmul.u32 $0x30, v5  }
0x379: {  	v4 =	vand.u32 $0x7, v4  }
0x37a: {  	v4 =	vor.u32 v4, v5  }
0x37b: {  	v5 =	vperm.xlane v4, v1;
	_ =	sdelay $0x1  }
0x37c: {  	v5 =	vadd.s32 v2, v5;
	_ =	sdelay $0x3  }
0x37d: {  	s15 =	simm.s32 $0xC480;
	v4 =	vperm.xlane v4, v3  }
0x37e: {  	[tilespmem:s15], [sflag:$0x1] =	stream.indirect_vreg.gather [hbm4b:s0+s28], $0x80, v5, vm1, $0xb8;
	[tilespmem:$0x1E480] =	vst v63  }
0x37f: {  	s16 =	simm.s32 $0xCC80;
	v4 =	vadd.s32 v2, v4  }
0x380: {  	[tilespmem:s16], [sflag:$0x1] =	stream.indirect_vreg.gather [hbm4b:s6+s28], $0x80, v5, vm1, $0xb8;
	[tilespmem:$0x1E480] =	vst v63  }
0x381: {  	s17 =	simm.s32 $0xD480  }
0x382: {  	[tilespmem:s17], [sflag:$0x1] =	stream.indirect_vreg.gather [hbm4b:s7+s28], $0x80, v5, vm1, $0xb8;
	[tilespmem:$0x1E480] =	vst v63  }
0x383: {  	s30 =	simm.s32 $0xDC80  }
0x384: {  	[tilespmem:s30], [sflag:$0x1] =	stream.indirect_vreg.gather [hbm4b:s0+s28], $0x80, v4, vm1, $0xb8;
	[tilespmem:$0x1E480] =	vst v63  }
0x385: {  	s9 =	simm.s32 $0xE480  }
0x386: {  	[tilespmem:s9], [sflag:$0x1] =	stream.indirect_vreg.gather [hbm4b:s6+s28], $0x80, v4, vm1, $0xb8;
	[tilespmem:$0x1E480] =	vst v63  }
0x387: {  	s10 =	simm.s32 $0xEC80  }
0x388: {  	[tilespmem:s10], [sflag:$0x1] =	stream.indirect_vreg.gather [hbm4b:s7+s28], $0x80, v4, vm1, $0xb8;
	[tilespmem:$0x1E480] =	vst v63  }
0x389: {  	v4 =	vld [tilespmem:$0x290];
	_ =	sdelay $0x4  }
0x38a: {  	v5 =	vshrl.u32 v4, $0x3  }
0x38b: {  	v5 =	vmul.u32 $0x30, v5  }
0x38c: {  	v4 =	vand.u32 $0x7, v4  }
0x38d: {  	v4 =	vor.u32 v4, v5  }
0x38e: {  	v5 =	vperm.xlane v4, v1;
	_ =	sdelay $0x1  }
0x38f: {  	v5 =	vadd.s32 v2, v5;
	_ =	sdelay $0x3  }
0x390: {  	s11 =	simm.s32 $0xF480;
	v4 =	vperm.xlane v4, v3  }
0x391: {  	[tilespmem:s11], [sflag:$0x1] =	stream.indirect_vreg.gather [hbm4b:s0+s28], $0x80, v5, vm1, $0xb8;
	[tilespmem:$0x1E480] =	vst v63  }
0x392: {  	s12 =	simm.s32 $0xFC80;
	v4 =	vadd.s32 v2, v4  }
0x393: {  	[tilespmem:s12], [sflag:$0x1] =	stream.indirect_vreg.gather [hbm4b:s6+s28], $0x80, v5, vm1, $0xb8;
	[tilespmem:$0x1E480] =	vst v63  }
0x394: {  	s13 =	simm.s32 $0x10480  }
0x395: {  	[tilespmem:s13], [sflag:$0x1] =	stream.indirect_vreg.gather [hbm4b:s7+s28], $0x80, v5, vm1, $0xb8;
	[tilespmem:$0x1E480] =	vst v63  }
0x396: {  	s14 =	simm.s32 $0x10C80  }
0x397: {  	[tilespmem:s14], [sflag:$0x1] =	stream.indirect_vreg.gather [hbm4b:s0+s28], $0x80, v4, vm1, $0xb8;
	[tilespmem:$0x1E480] =	vst v63  }
0x398: {  	s15 =	simm.s32 $0x11480  }
0x399: {  	[tilespmem:s15], [sflag:$0x1] =	stream.indirect_vreg.gather [hbm4b:s6+s28], $0x80, v4, vm1, $0xb8;
	[tilespmem:$0x1E480] =	vst v63  }
0x39a: {  	s16 =	simm.s32 $0x11C80  }
0x39b: {  	[tilespmem:s16], [sflag:$0x1] =	stream.indirect_vreg.gather [hbm4b:s7+s28], $0x80, v4, vm1, $0xb8;
	[tilespmem:$0x1E480] =	vst v63  }
0x39c: {  	v4 =	vld [tilespmem:$0x2A0];
	_ =	sdelay $0x4  }
0x39d: {  	v5 =	vshrl.u32 v4, $0x3  }
0x39e: {  	v5 =	vmul.u32 $0x30, v5  }
0x39f: {  	v4 =	vand.u32 $0x7, v4  }
0x3a0: {  	v4 =	vor.u32 v4, v5  }
0x3a1: {  	v5 =	vperm.xlane v4, v1;
	_ =	sdelay $0x1  }
0x3a2: {  	v5 =	vadd.s32 v2, v5;
	_ =	sdelay $0x3  }
0x3a3: {  	s17 =	simm.s32 $0x12480;
	v4 =	vperm.xlane v4, v3  }
0x3a4: {  	[tilespmem:s17], [sflag:$0x1] =	stream.indirect_vreg.gather [hbm4b:s0+s28], $0x80, v5, vm1, $0xb8;
	[tilespmem:$0x1E480] =	vst v63  }
0x3a5: {  	s30 =	simm.s32 $0x12C80;
	v4 =	vadd.s32 v2, v4  }
0x3a6: {  	[tilespmem:s30], [sflag:$0x1] =	stream.indirect_vreg.gather [hbm4b:s6+s28], $0x80, v5, vm1, $0xb8;
	[tilespmem:$0x1E480] =	vst v63  }
0x3a7: {  	s9 =	simm.s32 $0x13480  }
0x3a8: {  	[tilespmem:s9], [sflag:$0x1] =	stream.indirect_vreg.gather [hbm4b:s7+s28], $0x80, v5, vm1, $0xb8;
	[tilespmem:$0x1E480] =	vst v63  }
0x3a9: {  	s10 =	simm.s32 $0x13C80  }
0x3aa: {  	[tilespmem:s10], [sflag:$0x1] =	stream.indirect_vreg.gather [hbm4b:s0+s28], $0x80, v4, vm1, $0xb8;
	[tilespmem:$0x1E480] =	vst v63  }
0x3ab: {  	s11 =	simm.s32 $0x14480  }
0x3ac: {  	[tilespmem:s11], [sflag:$0x1] =	stream.indirect_vreg.gather [hbm4b:s6+s28], $0x80, v4, vm1, $0xb8;
	[tilespmem:$0x1E480] =	vst v63  }
0x3ad: {  	s12 =	simm.s32 $0x14C80  }
0x3ae: {  	[tilespmem:s12], [sflag:$0x1] =	stream.indirect_vreg.gather [hbm4b:s7+s28], $0x80, v4, vm1, $0xb8;
	[tilespmem:$0x1E480] =	vst v63  }
0x3af: {  	v4 =	vld [tilespmem:$0x2B0];
	_ =	sdelay $0x4  }
0x3b0: {  	v5 =	vshrl.u32 v4, $0x3  }
0x3b1: {  	v5 =	vmul.u32 $0x30, v5  }
0x3b2: {  	v4 =	vand.u32 $0x7, v4  }
0x3b3: {  	v4 =	vor.u32 v4, v5  }
0x3b4: {  	v5 =	vperm.xlane v4, v1;
	_ =	sdelay $0x1  }
0x3b5: {  	v5 =	vadd.s32 v2, v5;
	_ =	sdelay $0x3  }
0x3b6: {  	s13 =	simm.s32 $0x15480;
	v4 =	vperm.xlane v4, v3  }
0x3b7: {  	[tilespmem:s13], [sflag:$0x1] =	stream.indirect_vreg.gather [hbm4b:s0+s28], $0x80, v5, vm1, $0xb8;
	[tilespmem:$0x1E480] =	vst v63  }
0x3b8: {  	s14 =	simm.s32 $0x15C80;
	v4 =	vadd.s32 v2, v4  }
0x3b9: {  	[tilespmem:s14], [sflag:$0x1] =	stream.indirect_vreg.gather [hbm4b:s6+s28], $0x80, v5, vm1, $0xb8;
	[tilespmem:$0x1E480] =	vst v63  }
0x3ba: {  	s15 =	simm.s32 $0x16480  }
0x3bb: {  	[tilespmem:s15], [sflag:$0x1] =	stream.indirect_vreg.gather [hbm4b:s7+s28], $0x80, v5, vm1, $0xb8;
	[tilespmem:$0x1E480] =	vst v63  }
0x3bc: {  	s16 =	simm.s32 $0x16C80  }
0x3bd: {  	[tilespmem:s16], [sflag:$0x1] =	stream.indirect_vreg.gather [hbm4b:s0+s28], $0x80, v4, vm1, $0xb8;
	[tilespmem:$0x1E480] =	vst v63  }
0x3be: {  	s17 =	simm.s32 $0x17480  }
0x3bf: {  	[tilespmem:s17], [sflag:$0x1] =	stream.indirect_vreg.gather [hbm4b:s6+s28], $0x80, v4, vm1, $0xb8;
	[tilespmem:$0x1E480] =	vst v63  }
0x3c0: {  	s30 =	simm.s32 $0x17C80  }
0x3c1: {  	[tilespmem:s30], [sflag:$0x1] =	stream.indirect_vreg.gather [hbm4b:s7+s28], $0x80, v4, vm1, $0xb8;
	[tilespmem:$0x1E480] =	vst v63  }
0x3c2: {  	_ =	swait.ge [sflag:s24], $0xC000  }
0x3c3: {  	[sflag:s24] =	ssyncset.done $0x0  }
0x3c4: {  	[sflag:s24] =	ssyncadd.s32 $0xFFFF4000  }
0x3c5: {  	_ =	swait.ge [sflag:s24], $0xC000  }
0x3c6: {  	[sflag:s24] =	ssyncset.done $0x0  }
0x3c7: {  	s29 =	simm.s32 $0x0;
	[sflag:s24] =	ssyncadd.s32 $0xFFFF4000  }
.LBB2_72:
0x3c8: {  	v4 =	vmov s29;
	s8 =	sshrl.u32 s29, $0x3  }
0x3c9: {  	v4 =	vand.u32 $0x7F, v4;
	s30 =	smul.u32 $0x1800, s8  }
0x3ca: {  	s12 =	simm.s32 $0x0;
	s9 =	sand.u32 $0x1C00, s28;
	v4 =	vor.u32 $0x80, v4  }
0x3cb: {  	s10 =	sshll.u32 s29, $0x7;
	s11 =	sand.u32 $0x70, s12;
	v4 =	vbroadcast v4, $0x0;
	s9 =	sadd.s32 s30, s9  }
0x3cc: {  	s8 =	sand.u32 $0x380, s10;
	s9 =	sor.u32 s11, s9  }
0x3cd: {  	s9 =	sor.u32 s8, s9  }
0x3ce: {  	v5 =	vld [tilespmem:s9+$0x480]  }
0x3cf: {  	v6 =	vld [tilespmem:s9+$0xC480];
	_ =	sdelay $0x1  }
0x3d0: {  	v4 =	vld.idx.msk [tilespmem:v4+s22+$0x0], $0xffff;
	_ =	sdelay $0x2  }
0x3d1: {  	v5 =	vsub.f32 v5, v6;
	_ =	sdelay $0x1  }
0x3d2: {  	s13 =	simm.s32 $0x80;
	v5 =	vmul.f32 v5, v4  }
0x3d3: {  	s14 =	simm.s32 $0x10;
	s10 =	sand.u32 $0x3C00, s13  }
0x3d4: {  	s10 =	sadd.s32 s30, s10;
	s11 =	sand.u32 $0x70, s14;
	v5 =	vadd.f32 v5, v6  }
0x3d5: {  	s10 =	sor.u32 s11, s10  }
0x3d6: {  	s15 =	sor.u32 s8, s10;
	[tilespmem:s9+$0x480] =	vst v5  }
0x3d7: {  	v5 =	vld [tilespmem:s15+$0x480]  }
0x3d8: {  	v6 =	vld [tilespmem:s15+$0xC480];
	_ =	sdelay $0x4  }
0x3d9: {  	v5 =	vsub.f32 v5, v6;
	_ =	sdelay $0x1  }
0x3da: {  	s16 =	simm.s32 $0x100;
	v5 =	vmul.f32 v5, v4  }
0x3db: {  	s17 =	simm.s32 $0x20;
	s10 =	sand.u32 $0x3C00, s16  }
0x3dc: {  	s11 =	sand.u32 $0x70, s17;
	s10 =	sadd.s32 s30, s10;
	v5 =	vadd.f32 v5, v6  }
0x3dd: {  	s10 =	sor.u32 s11, s10  }
0x3de: {  	s12 =	sor.u32 s8, s10;
	[tilespmem:s15+$0x480] =	vst v5  }
0x3df: {  	v6 =	vld [tilespmem:s12+$0x480]  }
0x3e0: {  	v5 =	vld [tilespmem:s12+$0xC480];
	_ =	sdelay $0x4  }
0x3e1: {  	v6 =	vsub.f32 v6, v5;
	_ =	sdelay $0x1  }
0x3e2: {  	s13 =	simm.s32 $0x80;
	s10 =	simm.s32 $0x180;
	s9 =	simm.s32 $0x50;
	v6 =	vmul.f32 v6, v4  }
.LBB2_73:
0x3e3: {  	s14 =	sadd.s32 $0xFFFFFFE0, s9  }
0x3e4: {  	s15 =	sand.u32 $0x1C00, s10;
	s16 =	smov.u32 s13;
	s11 =	sadd.s32 $0x30, s13  }
0x3e5: {  	p0 =	sne.s32 s13, $0x2F0;
	s13 =	sand.u32 $0x70, s14;
	s14 =	sadd.s32 s30, s15;
	v5 =	vadd.f32 v6, v5  }
0x3e6: {  	s13 =	sor.u32 s13, s14  }
0x3e7: {  	s13 =	sor.u32 s8, s13;
	[tilespmem:s12+$0x480] =	vst v5  }
0x3e8: {  	v5 =	vld [tilespmem:s13+$0x480]  }
0x3e9: {  	v6 =	vld [tilespmem:s13+$0xC480];
	_ =	sdelay $0x4  }
0x3ea: {  	v5 =	vsub.f32 v5, v6;
	_ =	sdelay $0x1  }
0x3eb: {  	s12 =	sadd.s32 $0x80, s10;
	v5 =	vmul.f32 v5, v4  }
0x3ec: {  	s14 =	sadd.s32 $0xFFFFFFF0, s9;
	s12 =	sand.u32 $0x3C00, s12  }
0x3ed: {  	s14 =	sand.u32 $0x70, s14;
	s12 =	sadd.s32 s30, s12;
	v5 =	vadd.f32 v5, v6  }
0x3ee: {  	s12 =	sor.u32 s14, s12  }
0x3ef: {  	s12 =	sor.u32 s8, s12;
	[tilespmem:s13+$0x480] =	vst v5  }
0x3f0: {  	v5 =	vld [tilespmem:s12+$0x480]  }
0x3f1: {  	v6 =	vld [tilespmem:s12+$0xC480];
	_ =	sdelay $0x4  }
0x3f2: {  	v5 =	vsub.f32 v5, v6;
	_ =	sdelay $0x1  }
0x3f3: {  	s13 =	sadd.s32 $0x100, s10;
	v5 =	vmul.f32 v5, v4  }
0x3f4: {  	s13 =	sand.u32 $0x3C00, s13  }
0x3f5: {  	s14 =	sand.u32 $0x70, s9;
	s9 =	smov.u32 s16;
	s13 =	sadd.s32 s30, s13;
	v5 =	vadd.f32 v5, v6  }
0x3f6: {  	s13 =	sor.u32 s14, s13  }
0x3f7: {  	[tilespmem:s12+$0x480] =	vst v5;
	s12 =	sor.u32 s8, s13  }
0x3f8: {  	v6 =	vld [tilespmem:s12+$0x480]  }
0x3f9: {  	v5 =	vld [tilespmem:s12+$0xC480];
	_ =	sdelay $0x2  }
.Ltmp38:
0x3fa: {  	(pc) =	sbr.rel @p0 .LBB2_73-.Ltmp38, $3  }
0x3fb: {  	_ = 	snop  }
0x3fc: {  	v6 =	vsub.f32 v6, v5;
	_ =	sdelay $0x1  }
0x3fd: {  	s10 =	sadd.s32 $0x180, s10;
	s13 =	smov.u32 s11;
	v6 =	vmul.f32 v6, v4  }
0x3fe: {  	s11 =	sadd.s32 $0xFFFFFFE0, s9;
	s13 =	sand.u32 $0x1C00, s10  }
0x3ff: {  	s11 =	sand.u32 $0x70, s11;
	s13 =	sadd.s32 s30, s13;
	v5 =	vadd.f32 v6, v5  }
0x400: {  	s11 =	sor.u32 s11, s13  }
0x401: {  	s11 =	sor.u32 s8, s11;
	[tilespmem:s12+$0x480] =	vst v5  }
0x402: {  	v5 =	vld [tilespmem:s11+$0x480]  }
0x403: {  	v61 =	vld [tilespmem:s11+$0xC480];
	_ =	sdelay $0x4  }
0x404: {  	v5 =	vsub.f32 v5, v61;
	_ =	sdelay $0x1  }
0x405: {  	s13 =	sadd.s32 $0x80, s10;
	v5 =	vmul.f32 v5, v4  }
0x406: {  	s14 =	sadd.s32 $0xFFFFFFF0, s9;
	s12 =	sand.u32 $0x3C00, s13  }
0x407: {  	s13 =	sand.u32 $0x70, s14;
	s12 =	sadd.s32 s30, s12;
	v5 =	vadd.f32 v5, v61  }
0x408: {  	s12 =	sor.u32 s13, s12  }
0x409: {  	s15 =	sor.u32 s8, s12;
	[tilespmem:s11+$0x480] =	vst v5  }
0x40a: {  	v5 =	vld [tilespmem:s15+$0x480]  }
0x40b: {  	v62 =	vld [tilespmem:s15+$0xC480];
	_ =	sdelay $0x4  }
0x40c: {  	v5 =	vsub.f32 v5, v62;
	_ =	sdelay $0x1  }
0x40d: {  	s16 =	sadd.s32 $0x100, s10;
	v5 =	vmul.f32 v5, v4  }
0x40e: {  	s10 =	sand.u32 $0x3C00, s16  }
0x40f: {  	s17 =	sand.u32 $0x70, s9;
	s10 =	sadd.s32 s30, s10;
	v5 =	vadd.f32 v5, v62  }
0x410: {  	s9 =	sor.u32 s17, s10  }
0x411: {  	s30 =	sor.u32 s8, s9;
	[tilespmem:s15+$0x480] =	vst v5  }
0x412: {  	v5 =	vld [tilespmem:s30+$0x480]  }
0x413: {  	v63 =	vld [tilespmem:s30+$0xC480];
	_ =	sdelay $0x4  }
0x414: {  	s29 =	sadd.s32 $0x1, s29;
	v5 =	vsub.f32 v5, v63  }
0x415: {  	p0 =	sne.s32 s29, $0x40  }
.Ltmp39:
0x416: {  	v4 =	vmul.f32 v5, v4;
	(pc) =	sbr.rel @p0 .LBB2_72-.Ltmp39, $3  }
0x417: {  	_ = 	snop  }
0x418: {  	v4 =	vadd.f32 v4, v63;
	_ =	sdelay $0x1  }
0x419: {  	[tilespmem:s30+$0x480] =	vst v4  }
0x41a: {  	v4 =	vld [tilespmem:$0x80];
	_ =	sdelay $0x4  }
0x41b: {  	v5 =	vshrl.u32 v4, $0x3  }
0x41c: {  	v5 =	vmul.u32 $0x30, v5  }
0x41d: {  	v4 =	vand.u32 $0x7, v4  }
0x41e: {  	v4 =	vor.u32 v4, v5  }
0x41f: {  	v5 =	vperm.xlane v4, v1;
	_ =	sdelay $0x1  }
0x420: {  	v5 =	vadd.s32 v2, v5;
	_ =	sdelay $0x3  }
0x421: {  	s8 =	simm.s32 $0x480;
	v4 =	vperm.xlane v4, v3  }
0x422: {  	[hbm4b:s2+s3] =	stream.indirect_vreg.scatter [tilespmem:s8], [sflag:$0x1], $0x80, v5, vm1, $0xb8;
	[tilespmem:$0x1E480] =	vst v63  }
0x423: {  	s10 =	simm.s32 $0xC80;
	v4 =	vadd.s32 v2, v4  }
0x424: {  	[hbm4b:s19+s3] =	stream.indirect_vreg.scatter [tilespmem:s10], [sflag:$0x1], $0x80, v5, vm1, $0xb8;
	[tilespmem:$0x1E480] =	vst v63  }
0x425: {  	s11 =	simm.s32 $0x1480  }
0x426: {  	[hbm4b:s20+s3] =	stream.indirect_vreg.scatter [tilespmem:s11], [sflag:$0x1], $0x80, v5, vm1, $0xb8;
	[tilespmem:$0x1E480] =	vst v63  }
0x427: {  	s12 =	simm.s32 $0x1C80  }
0x428: {  	[hbm4b:s2+s3] =	stream.indirect_vreg.scatter [tilespmem:s12], [sflag:$0x1], $0x80, v4, vm1, $0xb8;
	[tilespmem:$0x1E480] =	vst v63  }
0x429: {  	s13 =	simm.s32 $0x2480  }
0x42a: {  	[hbm4b:s19+s3] =	stream.indirect_vreg.scatter [tilespmem:s13], [sflag:$0x1], $0x80, v4, vm1, $0xb8;
	[tilespmem:$0x1E480] =	vst v63  }
0x42b: {  	s14 =	simm.s32 $0x2C80  }
0x42c: {  	[hbm4b:s20+s3] =	stream.indirect_vreg.scatter [tilespmem:s14], [sflag:$0x1], $0x80, v4, vm1, $0xb8;
	[tilespmem:$0x1E480] =	vst v63  }
0x42d: {  	v4 =	vld [tilespmem:$0x90];
	_ =	sdelay $0x4  }
0x42e: {  	v5 =	vshrl.u32 v4, $0x3  }
0x42f: {  	v5 =	vmul.u32 $0x30, v5  }
0x430: {  	v4 =	vand.u32 $0x7, v4  }
0x431: {  	v4 =	vor.u32 v4, v5  }
0x432: {  	v5 =	vperm.xlane v4, v1;
	_ =	sdelay $0x1  }
0x433: {  	v5 =	vadd.s32 v2, v5;
	_ =	sdelay $0x3  }
0x434: {  	s15 =	simm.s32 $0x3480;
	v4 =	vperm.xlane v4, v3  }
0x435: {  	[hbm4b:s2+s3] =	stream.indirect_vreg.scatter [tilespmem:s15], [sflag:$0x1], $0x80, v5, vm1, $0xb8;
	[tilespmem:$0x1E480] =	vst v63  }
0x436: {  	s16 =	simm.s32 $0x3C80;
	v4 =	vadd.s32 v2, v4  }
0x437: {  	[hbm4b:s19+s3] =	stream.indirect_vreg.scatter [tilespmem:s16], [sflag:$0x1], $0x80, v5, vm1, $0xb8;
	[tilespmem:$0x1E480] =	vst v63  }
0x438: {  	s17 =	simm.s32 $0x4480  }
0x439: {  	[hbm4b:s20+s3] =	stream.indirect_vreg.scatter [tilespmem:s17], [sflag:$0x1], $0x80, v5, vm1, $0xb8;
	[tilespmem:$0x1E480] =	vst v63  }
0x43a: {  	s28 =	simm.s32 $0x4C80  }
0x43b: {  	[hbm4b:s2+s3] =	stream.indirect_vreg.scatter [tilespmem:s28], [sflag:$0x1], $0x80, v4, vm1, $0xb8;
	[tilespmem:$0x1E480] =	vst v63  }
0x43c: {  	s29 =	simm.s32 $0x5480  }
0x43d: {  	[hbm4b:s19+s3] =	stream.indirect_vreg.scatter [tilespmem:s29], [sflag:$0x1], $0x80, v4, vm1, $0xb8;
	[tilespmem:$0x1E480] =	vst v63  }
0x43e: {  	s30 =	simm.s32 $0x5C80  }
0x43f: {  	[hbm4b:s20+s3] =	stream.indirect_vreg.scatter [tilespmem:s30], [sflag:$0x1], $0x80, v4, vm1, $0xb8;
	[tilespmem:$0x1E480] =	vst v63  }
0x440: {  	v4 =	vld [tilespmem:$0xA0];
	_ =	sdelay $0x4  }
0x441: {  	v5 =	vshrl.u32 v4, $0x3  }
0x442: {  	v5 =	vmul.u32 $0x30, v5  }
0x443: {  	v4 =	vand.u32 $0x7, v4  }
0x444: {  	v4 =	vor.u32 v4, v5  }
0x445: {  	v5 =	vperm.xlane v4, v1;
	_ =	sdelay $0x1  }
0x446: {  	v5 =	vadd.s32 v2, v5;
	_ =	sdelay $0x3  }
0x447: {  	s9 =	simm.s32 $0x6480;
	v4 =	vperm.xlane v4, v3  }
0x448: {  	[hbm4b:s2+s3] =	stream.indirect_vreg.scatter [tilespmem:s9], [sflag:$0x1], $0x80, v5, vm1, $0xb8;
	[tilespmem:$0x1E480] =	vst v63  }
0x449: {  	s10 =	simm.s32 $0x6C80;
	v4 =	vadd.s32 v2, v4  }
0x44a: {  	[hbm4b:s19+s3] =	stream.indirect_vreg.scatter [tilespmem:s10], [sflag:$0x1], $0x80, v5, vm1, $0xb8;
	[tilespmem:$0x1E480] =	vst v63  }
0x44b: {  	s11 =	simm.s32 $0x7480  }
0x44c: {  	[hbm4b:s20+s3] =	stream.indirect_vreg.scatter [tilespmem:s11], [sflag:$0x1], $0x80, v5, vm1, $0xb8;
	[tilespmem:$0x1E480] =	vst v63  }
0x44d: {  	s12 =	simm.s32 $0x7C80  }
0x44e: {  	[hbm4b:s2+s3] =	stream.indirect_vreg.scatter [tilespmem:s12], [sflag:$0x1], $0x80, v4, vm1, $0xb8;
	[tilespmem:$0x1E480] =	vst v63  }
0x44f: {  	s13 =	simm.s32 $0x8480  }
0x450: {  	[hbm4b:s19+s3] =	stream.indirect_vreg.scatter [tilespmem:s13], [sflag:$0x1], $0x80, v4, vm1, $0xb8;
	[tilespmem:$0x1E480] =	vst v63  }
0x451: {  	s14 =	simm.s32 $0x8C80  }
0x452: {  	[hbm4b:s20+s3] =	stream.indirect_vreg.scatter [tilespmem:s14], [sflag:$0x1], $0x80, v4, vm1, $0xb8;
	[tilespmem:$0x1E480] =	vst v63  }
0x453: {  	v4 =	vld [tilespmem:$0xB0];
	_ =	sdelay $0x4  }
0x454: {  	v5 =	vshrl.u32 v4, $0x3  }
0x455: {  	v5 =	vmul.u32 $0x30, v5  }
0x456: {  	v4 =	vand.u32 $0x7, v4  }
0x457: {  	v4 =	vor.u32 v4, v5  }
0x458: {  	v5 =	vperm.xlane v4, v1;
	_ =	sdelay $0x1  }
0x459: {  	v5 =	vadd.s32 v2, v5;
	_ =	sdelay $0x3  }
0x45a: {  	s15 =	simm.s32 $0x9480;
	v4 =	vperm.xlane v4, v3  }
0x45b: {  	[hbm4b:s2+s3] =	stream.indirect_vreg.scatter [tilespmem:s15], [sflag:$0x1], $0x80, v5, vm1, $0xb8;
	[tilespmem:$0x1E480] =	vst v63  }
0x45c: {  	s16 =	simm.s32 $0x9C80;
	v4 =	vadd.s32 v2, v4  }
0x45d: {  	[hbm4b:s19+s3] =	stream.indirect_vreg.scatter [tilespmem:s16], [sflag:$0x1], $0x80, v5, vm1, $0xb8;
	[tilespmem:$0x1E480] =	vst v63  }
0x45e: {  	s17 =	simm.s32 $0xA480  }
0x45f: {  	[hbm4b:s20+s3] =	stream.indirect_vreg.scatter [tilespmem:s17], [sflag:$0x1], $0x80, v5, vm1, $0xb8;
	[tilespmem:$0x1E480] =	vst v63  }
0x460: {  	s28 =	simm.s32 $0xAC80  }
0x461: {  	[hbm4b:s2+s3] =	stream.indirect_vreg.scatter [tilespmem:s28], [sflag:$0x1], $0x80, v4, vm1, $0xb8;
	[tilespmem:$0x1E480] =	vst v63  }
0x462: {  	s29 =	simm.s32 $0xB480  }
0x463: {  	[hbm4b:s19+s3] =	stream.indirect_vreg.scatter [tilespmem:s29], [sflag:$0x1], $0x80, v4, vm1, $0xb8;
	[tilespmem:$0x1E480] =	vst v63  }
.Ltmp40:
0x464: {  	s30 =	simm.s32 $0xBC80;
	(pc) =	sbr.rel .LBB2_76-.Ltmp40, $4  }
0x465: {  	[hbm4b:s20+s3] =	stream.indirect_vreg.scatter [tilespmem:s30], [sflag:$0x1], $0x80, v4, vm1, $0xb8;
	[tilespmem:$0x1E480] =	vst v63  }
0x466: {  	_ =	swait.ge [sflag:s24], $0xC000  }
0x467: {  	[sflag:s24] =	ssyncset.done $0x0  }
0x468: {  	[sflag:s24] =	ssyncadd.s32 $0xFFFF4000  }
.LBB2_77:
0x469: {  	_ =	sfence.sel $0x180000  }
0x46a: {  	[bflag:$0x0] =	sbarrier.arrive $0xFFFF  }
0x46b: {  	_ =	strace $0x9000004D  }
0x46c: {  	s0 =	stileid.u32;
	[bflag:$0x2] =	sbarrier.arrive $0xFFFF  }
0x46d: {  	p0 =	sne.s32 s0, $0x0;
	s0 =	rddreg [dreg:$0x2]  }
0x46e: {  	s0 =	sadd.s32 @!p0 $0x100000, s0  }
0x46f: {  	[sflag:s0] =	ssyncadd.tile.s32 @!p0 $0x1;
	_ =	shalt  }
.Lfunc_end2:
_tile_overlayer_lowered:
.L_overlay_start_2:
0x470: {  	(tag) =	ssettag $0x2  }
0x471: {  	s0 =	rddreg [dreg:$0x0];
	s2 =	stileid.u32  }
0x472: {  	s1 =	rddreg [dreg:$0x1];
	p0 =	sne.s32 s2, $0x0  }
0x473: {  	s3 =	rddreg [dreg:$0x2];
	[bflag:$0x3] =	sbarrier.arrive $0xFFFF;
	s2 =	simm.s32 @!p0 $0x1C03  }
0x474: {  	[timem:s3], [sflag:s2] =	dma.local @!p0 [hbm:s0], s1  }
0x475: {  	s0 =	simm.s32 @!p0 $0x3  }
0x476: {  	_ =	swait.ge @!p0 [sflag:s0], s1  }
0x477: {  	s1 =	ssub.s32 @!p0 $0x0, s1;
	[sflag:s0] =	ssyncset.done @!p0 $0x0  }
0x478: {  	[sflag:s0] =	ssyncadd.s32 @!p0 s1  }
0x479: {  	[bflag:$0x3] =	sbarrier.arrive $0xFFFF  }
0x47a: {  	_ =	shalt  }

// kernel: branch_0_fun.7.cloned.1.call-start
scs
__scs_entry_jumppad:
0x0: {  	(pc) =	sbr.rel $0x88, $3  }
0x1: {  	(tag) =	ssettag $0x0;
	lr =	simm.s32 $0x1  }
0x2: {  	[smem:$0x3F9A] =	sst lr;
	_ =	strace $0xD0000000  }
0x3: {  	_ = 	snop  }
0x4: {  	_ = 	snop  }
0x5: {  	_ = 	snop  }
0x6: {  	_ = 	snop  }
0x7: {  	_ = 	snop  }
__scs_overlays_trampoline_lowered:
0x8: {  	[smem:$0x3FA9] =	sst s0  }
0x9: {  	[smem:$0x3FAA] =	sst s1  }
0xa: {  	[smem:$0x3FAB] =	sst s2  }
0xb: {  	[smem:$0x3FAC] =	sst s3  }
0xc: {  	[smem:$0x3FAD] =	sst s4  }
0xd: {  	[smem:$0x3FAE] =	sst s5  }
0xe: {  	[smem:$0x3FAF] =	sst s6  }
0xf: {  	[smem:$0x3FB0] =	sst s7  }
0x10: {  	[smem:$0x3FB1] =	sst s8  }
0x11: {  	[smem:$0x3FB2] =	sst s9;
	s0 =	simm.s32 @!p0 $0x0  }
0x12: {  	s1 =	sld [smem:$0x3F98];
	s0 =	simm.s32 @p0 $0x1  }
0x13: {  	[smem:$0x3FB3] =	sst s0;
	s0 =	simm.s32 @!p1 $0x0  }
0x14: {  	s2 =	sld [smem:$0x3F97];
	s0 =	simm.s32 @p1 $0x1  }
0x15: {  	[smem:$0x3FB4] =	sst s0;
	s0 =	simm.s32 @!p2 $0x0  }
0x16: {  	s3 =	sld [smem:$0x3FDB];
	s0 =	simm.s32 @p2 $0x1  }
0x17: {  	s4 =	simm.s32 $0x1BF5;
	[smem:$0x3FB6] =	sst s0  }
0x18: {  	s0 =	sld [smem:$0x3F99];
	_ =	swait.ge [sflag:s4], $0x0  }
0x19: {  	s7 =	sld [smem:$0x3F9A]  }
0x1a: {  	s8 =	sadd.s32 $0xFFFFE003, lr  }
0x1b: {  	s9 =	sadd.s32 $0xFFFFFEF7, lr;
	s5 =	simm.s32 $0xFFFFFFFF;
	p2 =	slt.u32 s8, $0xFFFFF086  }
0x1c: {  	p1 =	slt.u32 s9, $0xF7A;
	s5 =	simm.s32 @!p2 $0x0  }
0x1d: {  	s5 =	simm.s32 @p1 $0x1;
	p0 =	seq.s32 s7, s2  }
0x1e: {  	s7 =	smul.u32 @!p0 $0xF7A, s2;
	p2 =	seq.s32 @!p0 s5, $0x0  }
0x1f: {  	s9 =	smul.u32 $0xF7A, s1;
	s8 =	simm.s32 @!p0 $0x1BF5;
	p2 =	por !p2, p0  }
0x20: {  	[sflag:s8] =	ssyncset.s32 @!p0 $0xFFFFF086;
	s6 =	sadd.s32 @!p0 s3, s7;
	s7 =	simm.s32 @!p0 $0x108  }
0x21: {  	s3 =	sadd.s32 s3, s9;
	s6 =	sadd.s32 @!p0 $0x88, s6;
	s7 =	simm.s32 @p2 $0x1082  }
0x22: {  	[simem:s7], [sflag:s8] =	dma.local @!p0 [hbm:s6], $0xF7A  }
0x23: {  	s9 =	sor.u32 $0xD0000000, s2;
	s6 =	simm.s32 $0x108;
	_ =	swait.ge @!p0 [sflag:s8], $0x0  }
0x24: {  	s3 =	sadd.s32 $0x88, s3;
	s6 =	simm.s32 @!p1 $0x1082;
	[sflag:s4] =	ssyncset.s32 $0xFFFFF086  }
0x25: {  	[simem:s6], [sflag:s4] =	dma.local [hbm:s3], $0xF7A  }
0x26: {  	[smem:$0x3F9A] =	sst s1;
	(tag) =	ssettag s2;
	_ =	strace s9  }
0x27: {  	s1 =	sld [smem:$0x3FAA]  }
0x28: {  	s2 =	sld [smem:$0x3FAB]  }
0x29: {  	s4 =	sld [smem:$0x3FAD]  }
0x2a: {  	p0 =	seq.s32 s5, $0x0;
	s5 =	sld [smem:$0x3FAE]  }
0x2b: {  	s6 =	sld [smem:$0x3FAF]  }
0x2c: {  	s7 =	sld [smem:$0x3FB0]  }
0x2d: {  	s3 =	simm.s32 $0x108;
	s8 =	sld [smem:$0x3FB1]  }
0x2e: {  	s3 =	simm.s32 @!p0 $0x1082;
	s9 =	sld [smem:$0x3FB2]  }
0x2f: {  	lr =	sadd.s32 s0, s3;
	s0 =	sld [smem:$0x3FA9]  }
0x30: {  	s3 =	sld [smem:$0x3FAC]  }
0x31: {  	[smem:$0x3FB5] =	sst s10  }
0x32: {  	s10 =	sld [smem:$0x3FB3];
	_ =	sdelay $0x3  }
0x33: {  	p0 =	seq.s32 s10, $0x1;
	s10 =	sld [smem:$0x3FB5];
	_ =	sdelay $0x3  }
0x34: {  	[smem:$0x3FB5] =	sst s10  }
0x35: {  	s10 =	sld [smem:$0x3FB4];
	_ =	sdelay $0x3  }
0x36: {  	p1 =	seq.s32 s10, $0x1;
	s10 =	sld [smem:$0x3FB5];
	_ =	sdelay $0x3  }
0x37: {  	[smem:$0x3FB5] =	sst s10  }
0x38: {  	s10 =	sld [smem:$0x3FB6]  }
0x39: {  	_ = 	snop;
	(pc) =	sbr.ind lr, $3  }
0x3a: {  	_ = 	snop  }
0x3b: {  	_ = 	snop  }
0x3c: {  	p2 =	seq.s32 s10, $0x1;
	s10 =	sld [smem:$0x3FB5]  }
0x3d: {  	_ =	shalt  }
0x3e: {  	_ =	shalt  }
0x3f: {  	_ =	shalt  }
0x40: {  	_ =	shalt  }
0x41: {  	_ =	shalt  }
0x42: {  	_ =	shalt  }
0x43: {  	_ =	shalt  }
0x44: {  	_ =	shalt  }
0x45: {  	_ =	shalt  }
0x46: {  	_ =	shalt  }
0x47: {  	_ =	shalt  }
0x48: {  	_ =	shalt  }
0x49: {  	_ =	shalt  }
0x4a: {  	_ =	shalt  }
0x4b: {  	_ =	shalt  }
0x4c: {  	_ =	shalt  }
0x4d: {  	_ =	shalt  }
0x4e: {  	_ =	shalt  }
0x4f: {  	_ =	shalt  }
0x50: {  	_ =	shalt  }
0x51: {  	_ =	shalt  }
0x52: {  	_ =	shalt  }
0x53: {  	_ =	shalt  }
0x54: {  	_ =	shalt  }
0x55: {  	_ =	shalt  }
0x56: {  	_ =	shalt  }
0x57: {  	_ =	shalt  }
0x58: {  	_ =	shalt  }
0x59: {  	_ =	shalt  }
0x5a: {  	_ =	shalt  }
0x5b: {  	_ =	shalt  }
0x5c: {  	_ =	shalt  }
0x5d: {  	_ =	shalt  }
0x5e: {  	_ =	shalt  }
0x5f: {  	_ =	shalt  }
0x60: {  	_ =	shalt  }
0x61: {  	_ =	shalt  }
0x62: {  	_ =	shalt  }
0x63: {  	_ =	shalt  }
0x64: {  	_ =	shalt  }
0x65: {  	_ =	shalt  }
0x66: {  	_ =	shalt  }
0x67: {  	_ =	shalt  }
0x68: {  	_ =	shalt  }
0x69: {  	_ =	shalt  }
0x6a: {  	_ =	shalt  }
0x6b: {  	_ =	shalt  }
0x6c: {  	_ =	shalt  }
0x6d: {  	_ =	shalt  }
0x6e: {  	_ =	shalt  }
0x6f: {  	_ =	shalt  }
0x70: {  	_ =	shalt  }
0x71: {  	_ =	shalt  }
0x72: {  	_ =	shalt  }
0x73: {  	_ =	shalt  }
0x74: {  	_ =	shalt  }
0x75: {  	_ =	shalt  }
0x76: {  	_ =	shalt  }
0x77: {  	_ =	shalt  }
0x78: {  	_ =	shalt  }
0x79: {  	_ =	shalt  }
0x7a: {  	_ =	shalt  }
0x7b: {  	_ =	shalt  }
0x7c: {  	_ =	shalt  }
0x7d: {  	_ =	shalt  }
0x7e: {  	_ =	shalt  }
0x7f: {  	_ =	shalt  }
0x80: {  	_ =	shalt  }
0x81: {  	_ =	shalt  }
0x82: {  	_ =	shalt  }
0x83: {  	_ =	shalt  }
0x84: {  	_ =	shalt  }
0x85: {  	_ =	shalt  }
0x86: {  	_ =	shalt  }
0x87: {  	_ =	shalt  }
.Lfunc_end0:
.L_simem_size_0:
called_computation_lowered:
.L_overlay_start_0:
0x88: {  	s2 =	sld [smem:$0x3FD9]  }
0x89: {  	s3 =	sld [smem:$0x3FFE];
	_ =	sdelay $0x1  }
0x8a: {  	s1 =	srdreg.scid  }
0x8b: {  	s0 =	sand.u32 $0x1, s1  }
0x8c: {  	s17 =	sshll.u32 s0, $0xA;
	s2 =	sadd.s32 s3, s2  }
0x8d: {  	s2 =	sadd.s32 s2, s17  }
0x8e: {  	[smem:$0x3FC1] =	sst s2  }
0x8f: {  	_ = 	snop  }
0x90: {  	s2 =	sld [smem:$0x3FC9]  }
0x91: {  	s18 =	sld [smem:$0x3FD0];
	(tm) =	ssettm $0x1  }
0x92: {  	s4 =	sld [smem:$0x3FFB];
	_ =	sdelay $0x3  }
0x93: {  	_ =	strace s4  }
0x94: {  	s4 =	sld [smem:$0x3FFC];
	_ =	sdelay $0x3  }
0x95: {  	_ =	strace s4  }
0x96: {  	s4 =	sld [smem:$0x3FFD];
	_ =	sdelay $0x3  }
0x97: {  	_ =	strace s4  }
0x98: {  	_ =	strace $0x8FFFFFFF  }
0x99: {  	s19 =	sld [smem:$0x3FDB];
	_ =	sdelay $0x1  }
0x9a: {  	s5 =	simm.s32 $_scs_section_size  }
0x9b: {  	s6 =	simm.s32 $_size__tile_overlayer_lowered;
	s7 =	simm.s32 $_tile_overlayer_lowered  }
0x9c: {  	s22 =	simm.s32 $0x1BFF;
	s21 =	sshll.u32 s7, $0x1;
	s4 =	sadd.s32 s5, s19  }
0x9d: {  	s8 =	simm.s32 $0x0;
	s20 =	sshll.u32 s6, $0x1;
	s6 =	sadd.s32 s21, s4  }
0x9e: {  	[timem:s8], [sflag:s22] =	dma.local [hbm:s6], s20  }
0x9f: {  	_ =	swait.ge [sflag:s22], s20  }
0xa0: {  	s5 =	ssub.s32 $0x0, s20;
	[sflag:s22] =	ssyncset.done $0x0  }
0xa1: {  	[sflag:s22] =	ssyncadd.s32 s5;
	_ =	sdelay $0x1  }
0xa2: {  	s23 =	simm.s32 $0x1B8B  }
0xa3: {  	_ =	swait.ge [sflag:s23], $0x1  }
0xa4: {  	[sflag:s23] =	ssyncset.done $0x0  }
0xa5: {  	s25 =	simm.s32 $0x1B8E;
	s24 =	sld [smem:$0x3FFE];
	[sflag:s23] =	ssyncadd.s32 $0xFFFFFFFF  }
0xa6: {  	s26 =	simm.s32 $execute0_lowered;
	[smem:$0x3FD2] =	sst s25  }
0xa7: {  	s6 =	sshll.u32 s26, $0x1;
	_ =	strace $0x80000046;
	[dreg:$0x1] =	wrdreg $0xFFFFFFFF  }
0xa8: {  	s28 =	simm.s32 $_size_execute0_lowered;
	s4 =	sadd.s32 s4, s6;
	[dreg:$0x0] =	wrdreg $0x0  }
0xa9: {  	s6 =	sshll.u32 s28, $0x1;
	[dreg:$0x2] =	wrdreg s4  }
0xaa: {  	[dreg:$0x3] =	wrdreg s6  }
0xab: {  	[dreg:$0x4] =	wrdreg $0xC0  }
0xac: {  	_ =	task [dreg:s8], $0x5FFFF  }
0xad: {  	[dreg:$0x1] =	wrdreg $0xFFFFFFFF  }
0xae: {  	[dreg:$0x0] =	wrdreg $0x60  }
0xaf: {  	[dreg:$0x2] =	wrdreg s2  }
0xb0: {  	[dreg:$0x3] =	wrdreg s24  }
0xb1: {  	[dreg:$0x4] =	wrdreg s18  }
0xb2: {  	[dreg:$0x5] =	wrdreg $0x9  }
0xb3: {  	_ =	task.clear_ibuf [dreg:s8], $0x6FFFF;
	_ =	strace $0x90000046  }
0xb4: {  	s29 =	simm.s32 $0x9;
	_ =	strace $0x80000048  }
0xb5: {  	_ =	swait.ge [sflag:s29], $0x1  }
0xb6: {  	[sflag:s29] =	ssyncadd.s32 $0xFFFFFFFF  }
0xb7: {  	_ =	strace $0x90000048  }
0xb8: {  	_ =	sfence  }
0xb9: {  	s30 =	sld [smem:$0x0];
	_ =	sdelay $0x2  }
0xba: {  	s31 =	sshll.u32 s1, $0xD;
	s1 =	sshrl.u32 s1, $0x2  }
0xbb: {  	s3 =	sand.u32 $0x4000, s31;
	s1 =	sadd.s32 s1, s30  }
0xbc: {  	s0 =	sor.u32 s3, s0;
	s1 =	sshll.u32 s1, $0x11  }
0xbd: {  	s0 =	sor.u32 s1, s0  }
0xbe: {  	s0 =	sadd.s32 $0x8F2B, s0  }
0xbf: {  	[sflag:s0] =	ssyncadd.remote.s32 $0x1  }
0xc0: {  	_ =	sfence.sel $0xFFFF  }
0xc1: {  	[dreg:$0x0] =	wrdreg $0xFFFFFFFF;
	(pc) =	sbr.abs _section_cstart, $3  }
0xc2: {  	[dreg:$0x1] =	wrdreg $0xFFFFFFFF  }
0xc3: {  	_ =	task.clear_ibuf [dreg:s8], $0x2FFFF;
	_ =	strace $0x9FFFFFFF  }
0xc4: {  	(tm) =	ssettm $0x7FFFFFFF  }
0xc5: {  	_ =	shalt  }
tec
execute0_lowered:
.L_overlay_start_1:
0x0: {  	(tag) =	ssettag $0x1  }
0x1: {  	s1 =	rddreg [dreg:$0x0]  }
0x2: {  	s4 =	rddreg [dreg:$0x1]  }
0x3: {  	s2 =	srdreg.scid;
	s0 =	stileid.u32  }
0x4: {  	s5 =	rddreg [dreg:$0x2];
	s3 =	simm.s32 $0x0;
	s30 =	simm.s32 $0x100  }
0x5: {  	s6 =	sand.u32 $0x1, s2;
	s7 =	sshll.u32 s0, $0x1;
	s2 =	rddreg [dreg:$0x3]  }
0x6: {  	s31 =	simm.s32 $0x80;
	[smem:$0x7FF] =	sst s3;
	s7 =	sor.u32 s6, s7  }
0x7: {  	_ =	strace $0x80000047;
	s6 =	ssub.s32 $0x2, s6;
	[dreg:$0x4] =	wrdreg s30  }
0x8: {  	[dreg:$0x7] =	wrdreg s31;
	s9 =	sshll.u32 s7, $0x1;
	s10 =	smul.u32 $0x1800, s7  }
0x9: {  	s8 =	sshll.u32 s7, $0x3;
	s7 =	smul.u32 $0xC000, s7;
	s9 =	sadd.s32 s9, s4  }
0xa: {  	s28 =	sshrl.u32 s6, $0x1;
	s8 =	sadd.s32 s8, s4;
	s9 =	sadd.s32 $0x6000, s9  }
0xb: {  	s4 =	sadd.s32 $0x186200, s4;
	s24 =	sadd.s32 $0x4A00, s8;
	[dreg:$0x5] =	wrdreg s9  }
0xc: {  	s6 =	ssub.s32 s6, s28;
	s8 =	sadd.s32 $0x4C00, s8;
	[dreg:$0x6] =	wrdreg s24  }
0xd: {  	s25 =	sadd.s32 s5, s10;
	s7 =	sshrl.u32 s7, $0x3;
	[dreg:$0x8] =	wrdreg s8  }
0xe: {  	s26 =	sadd.s32 s4, s10;
	[dreg:$0x9] =	wrdreg s25;
	s7 =	sadd.s32 $0xC00, s7  }
0xf: {  	s6 =	smax.u32 s6, $0x1;
	[dreg:$0xa] =	wrdreg s26;
	s5 =	sadd.s32 s5, s7  }
0x10: {  	s29 =	sadd.s32 s4, s7;
	s4 =	sadd.s32 $0x100, s1;
	[dreg:$0xb] =	wrdreg s5  }
0x11: {  	vm0 =	vmmov $0x1;
	vm1 =	vcmask $0x308;
	s7 =	simm.s32 $0x3;
	[dreg:$0xc] =	wrdreg s29;
	s5 =	sadd.s32 $0x200, s1  }
.LBB2_1:
0x12: {  	s8 =	rddreg [dreg:$0x4]  }
0x13: {  	s9 =	rddreg [dreg:$0x5]  }
0x14: {  	[tilespmem:s8], [sflag:$0x3] =	stream.linear.gather [hbm4b:s9+s3], $0x10, $0x38;
	[tilespmem:$0x18180] =	vst v63  }
0x15: {  	_ =	swait.ge [sflag:s7], $0x10  }
0x16: {  	[sflag:s7] =	ssyncset.done $0x0  }
0x17: {  	[sflag:s7] =	ssyncadd.s32 $0xFFFFFFF0  }
0x18: {  	v0 =	vld [tilespmem:$0x100];
	_ =	sdelay $0x4  }
0x19: {  	v1 =	vnsel vm0, $0x0, v0  }
0x1a: {  	v0 =	vsel vm1, $0x0, v0;
	v1 =	vxor.u32 $0x80000000, v1  }
0x1b: {  	v0 =	vxor.u32 $0x80000000, v0;
	(xrf0) =	vmax.scan.msk.u32 $0xffff, v1  }
0x1c: {  	(xrf0) =	vmax.scan.msk.u32 $0xffff, v0;
	_ =	sdelay $0x4  }
0x1d: {  	v62, _, _ =	vpop (xrf0)  }
0x1e: {  	(v2sf) =	vpush v62, $0xF;
	v63, _, _ =	vpop (xrf0)  }
0x1f: {  	(v2sf) =	vpush v63, $0xF;
	_ =	sdelay $0xb  }
0x20: {  	s28 =	rddreg [dreg:$0x6]  }
0x21: {  	[tilespmem:s3], [sflag:$0x3] =	stream.linear.gather [hbm4b:s28+s3], $0x40, $0x38;
	[tilespmem:$0x18180] =	vst v63  }
0x22: {  	s10 =	spop (v2sf)  }
0x23: {  	s29 =	spop (v2sf)  }
0x24: {  	_ =	swait.ge [sflag:s7], $0x40  }
0x25: {  	s30 =	rddreg [dreg:$0x7];
	[sflag:s7] =	ssyncset.done $0x0  }
0x26: {  	s11 =	rddreg [dreg:$0x8];
	[sflag:s7] =	ssyncadd.s32 $0xFFFFFFC0  }
0x27: {  	[tilespmem:s30], [sflag:$0x3] =	stream.linear.gather [hbm4b:s11+s3], $0x40, $0x38;
	[tilespmem:$0x18180] =	vst v63  }
0x28: {  	_ =	swait.ge [sflag:s7], $0x40  }
0x29: {  	s31 =	sxor.u32 $0x80000000, s10;
	[sflag:s7] =	ssyncset.done $0x0  }
0x2a: {  	p0 =	slt.s32 s31, $0x1;
	[sflag:s7] =	ssyncadd.s32 $0xFFFFFFC0  }
0x2b: {  	v0 =	vld @!p0 [tilespmem:$0x0];
	_ =	sdelay $0x4  }
0x2c: {  	v1 =	vshrl.u32 @!p0 v0, $0x3  }
0x2d: {  	v1 =	vmul.u32 @!p0 $0x30, v1  }
0x2e: {  	v2 =	vlaneseq.u32 @!p0;
	v0 =	vand.u32 @!p0 $0x7, v0  }
0x2f: {  	v3 =	vshrl.u32 @!p0 v2, $0x3;
	v0 =	vor.u32 @!p0 v0, v1;
	v1 =	vand.u32 @!p0 $0x7, v2  }
0x30: {  	v3 =	vmul.u32 @!p0 $0x8, v3;
	v4 =	vperm.xlane @!p0 v0, v1;
	_ =	sdelay $0x1  }
0x31: {  	v4 =	vadd.s32 @!p0 v3, v4;
	_ =	sdelay $0x2  }
0x32: {  	v2 =	vor.u32 @!p0 $0x8, v2  }
0x33: {  	vm2 =	vmmov @!p0 $0xffff;
	s10 =	simm.s32 @!p0 $0x0;
	s11 =	simm.s32 @!p0 $0x180;
	v0 =	vperm.xlane @!p0 v0, v2  }
0x34: {  	[tilespmem:s11], [sflag:$0x1] =	stream.indirect_vreg.gather @!p0 [hbm4b:s1+s10], $0x80, v4, vm2, $0xb8;
	[tilespmem:$0x18180] =	vst v63  }
0x35: {  	s12 =	simm.s32 @!p0 $0x980;
	v0 =	vadd.s32 @!p0 v3, v0  }
0x36: {  	[tilespmem:s12], [sflag:$0x1] =	stream.indirect_vreg.gather @!p0 [hbm4b:s4+s10], $0x80, v4, vm2, $0xb8;
	[tilespmem:$0x18180] =	vst v63  }
0x37: {  	s12 =	simm.s32 @!p0 $0x1180  }
0x38: {  	[tilespmem:s12], [sflag:$0x1] =	stream.indirect_vreg.gather @!p0 [hbm4b:s5+s10], $0x80, v4, vm2, $0xb8;
	[tilespmem:$0x18180] =	vst v63  }
0x39: {  	s12 =	simm.s32 @!p0 $0x1980  }
0x3a: {  	[tilespmem:s12], [sflag:$0x1] =	stream.indirect_vreg.gather @!p0 [hbm4b:s1+s10], $0x80, v0, vm2, $0xb8;
	[tilespmem:$0x18180] =	vst v63  }
0x3b: {  	s12 =	simm.s32 @!p0 $0x2180  }
0x3c: {  	[tilespmem:s12], [sflag:$0x1] =	stream.indirect_vreg.gather @!p0 [hbm4b:s4+s10], $0x80, v0, vm2, $0xb8;
	[tilespmem:$0x18180] =	vst v63  }
0x3d: {  	s12 =	simm.s32 @!p0 $0x2980  }
0x3e: {  	[tilespmem:s12], [sflag:$0x1] =	stream.indirect_vreg.gather @!p0 [hbm4b:s5+s10], $0x80, v0, vm2, $0xb8;
	[tilespmem:$0x18180] =	vst v63  }
0x3f: {  	v0 =	vld @!p0 [tilespmem:$0x10];
	_ =	sdelay $0x4  }
0x40: {  	v4 =	vshrl.u32 @!p0 v0, $0x3  }
0x41: {  	v4 =	vmul.u32 @!p0 $0x30, v4  }
0x42: {  	v0 =	vand.u32 @!p0 $0x7, v0  }
0x43: {  	v0 =	vor.u32 @!p0 v0, v4  }
0x44: {  	v1 =	vperm.xlane @!p0 v0, v1;
	_ =	sdelay $0x1  }
0x45: {  	v1 =	vadd.s32 @!p0 v3, v1;
	_ =	sdelay $0x3  }
0x46: {  	s12 =	simm.s32 @!p0 $0x3180;
	v0 =	vperm.xlane @!p0 v0, v2  }
0x47: {  	[tilespmem:s12], [sflag:$0x1] =	stream.indirect_vreg.gather @!p0 [hbm4b:s1+s10], $0x80, v1, vm2, $0xb8;
	[tilespmem:$0x18180] =	vst v63  }
0x48: {  	v0 =	vadd.s32 @!p0 v3, v0;
	s12 =	simm.s32 @!p0 $0x3980  }
0x49: {  	[tilespmem:s12], [sflag:$0x1] =	stream.indirect_vreg.gather @!p0 [hbm4b:s4+s10], $0x80, v1, vm2, $0xb8;
	[tilespmem:$0x18180] =	vst v63  }
0x4a: {  	s12 =	simm.s32 @!p0 $0x4180  }
0x4b: {  	[tilespmem:s12], [sflag:$0x1] =	stream.indirect_vreg.gather @!p0 [hbm4b:s5+s10], $0x80, v1, vm2, $0xb8;
	[tilespmem:$0x18180] =	vst v63  }
0x4c: {  	s12 =	simm.s32 @!p0 $0x4980  }
0x4d: {  	[tilespmem:s12], [sflag:$0x1] =	stream.indirect_vreg.gather @!p0 [hbm4b:s1+s10], $0x80, v0, vm2, $0xb8;
	[tilespmem:$0x18180] =	vst v63  }
0x4e: {  	s12 =	simm.s32 @!p0 $0x5180  }
0x4f: {  	[tilespmem:s12], [sflag:$0x1] =	stream.indirect_vreg.gather @!p0 [hbm4b:s4+s10], $0x80, v0, vm2, $0xb8;
	[tilespmem:$0x18180] =	vst v63  }
0x50: {  	s12 =	simm.s32 @!p0 $0x5980  }
0x51: {  	[tilespmem:s12], [sflag:$0x1] =	stream.indirect_vreg.gather @!p0 [hbm4b:s5+s10], $0x80, v0, vm2, $0xb8;
	[tilespmem:$0x18180] =	vst v63  }
0x52: {  	s12 =	simm.s32 @!p0 $0x1  }
0x53: {  	_ =	swait.ge @!p0 [sflag:s12], $0x6000  }
0x54: {  	[sflag:s12] =	ssyncset.done @!p0 $0x0  }
0x55: {  	s13 =	rddreg [dreg:$0x9];
	[sflag:s12] =	ssyncadd.s32 @!p0 $0xFFFFA000  }
0x56: {  	[hbm4b:s13+s10] =	stream.linear.scatter @!p0 [tilespmem:s11], [sflag:$0x3], $0x6000, $0x38;
	[tilespmem:$0x18180] =	vst v63  }
0x57: {  	s10 =	simm.s32 @!p0 $0x3  }
0x58: {  	_ =	swait.ge @!p0 [sflag:s10], $0x6000  }
0x59: {  	s9 =	sxor.u32 $0x80000000, s29;
	[sflag:s10] =	ssyncset.done @!p0 $0x0  }
0x5a: {  	[sflag:s10] =	ssyncadd.s32 @!p0 $0xFFFFA000;
	p0 =	slt.s32 s9, $0x1  }
0x5b: {  	v0 =	vld @!p0 [tilespmem:$0x80];
	_ =	sdelay $0x4  }
0x5c: {  	v1 =	vshrl.u32 @!p0 v0, $0x3  }
0x5d: {  	v1 =	vmul.u32 @!p0 $0x30, v1  }
0x5e: {  	v2 =	vlaneseq.u32 @!p0;
	v0 =	vand.u32 @!p0 $0x7, v0  }
0x5f: {  	v3 =	vshrl.u32 @!p0 v2, $0x3;
	v0 =	vor.u32 @!p0 v0, v1;
	v1 =	vand.u32 @!p0 $0x7, v2  }
0x60: {  	v3 =	vmul.u32 @!p0 $0x8, v3;
	v4 =	vperm.xlane @!p0 v0, v1;
	_ =	sdelay $0x1  }
0x61: {  	v4 =	vadd.s32 @!p0 v3, v4;
	_ =	sdelay $0x2  }
0x62: {  	v2 =	vor.u32 @!p0 $0x8, v2  }
0x63: {  	vm2 =	vmmov @!p0 $0xffff;
	s10 =	simm.s32 @!p0 $0x0;
	s11 =	simm.s32 @!p0 $0xC180;
	v0 =	vperm.xlane @!p0 v0, v2  }
0x64: {  	[tilespmem:s11], [sflag:$0x2] =	stream.indirect_vreg.gather @!p0 [hbm4b:s1+s10], $0x80, v4, vm2, $0xb8;
	[tilespmem:$0x18180] =	vst v63  }
0x65: {  	s12 =	simm.s32 @!p0 $0xC980;
	v0 =	vadd.s32 @!p0 v3, v0  }
0x66: {  	[tilespmem:s12], [sflag:$0x2] =	stream.indirect_vreg.gather @!p0 [hbm4b:s4+s10], $0x80, v4, vm2, $0xb8;
	[tilespmem:$0x18180] =	vst v63  }
0x67: {  	s12 =	simm.s32 @!p0 $0xD180  }
0x68: {  	[tilespmem:s12], [sflag:$0x2] =	stream.indirect_vreg.gather @!p0 [hbm4b:s5+s10], $0x80, v4, vm2, $0xb8;
	[tilespmem:$0x18180] =	vst v63  }
0x69: {  	s12 =	simm.s32 @!p0 $0xD980  }
0x6a: {  	[tilespmem:s12], [sflag:$0x2] =	stream.indirect_vreg.gather @!p0 [hbm4b:s1+s10], $0x80, v0, vm2, $0xb8;
	[tilespmem:$0x18180] =	vst v63  }
0x6b: {  	s12 =	simm.s32 @!p0 $0xE180  }
0x6c: {  	[tilespmem:s12], [sflag:$0x2] =	stream.indirect_vreg.gather @!p0 [hbm4b:s4+s10], $0x80, v0, vm2, $0xb8;
	[tilespmem:$0x18180] =	vst v63  }
0x6d: {  	s12 =	simm.s32 @!p0 $0xE980  }
0x6e: {  	[tilespmem:s12], [sflag:$0x2] =	stream.indirect_vreg.gather @!p0 [hbm4b:s5+s10], $0x80, v0, vm2, $0xb8;
	[tilespmem:$0x18180] =	vst v63  }
0x6f: {  	v0 =	vld @!p0 [tilespmem:$0x90];
	_ =	sdelay $0x4  }
0x70: {  	v4 =	vshrl.u32 @!p0 v0, $0x3  }
0x71: {  	v4 =	vmul.u32 @!p0 $0x30, v4  }
0x72: {  	v0 =	vand.u32 @!p0 $0x7, v0  }
0x73: {  	v0 =	vor.u32 @!p0 v0, v4  }
0x74: {  	v1 =	vperm.xlane @!p0 v0, v1;
	_ =	sdelay $0x1  }
0x75: {  	v1 =	vadd.s32 @!p0 v3, v1;
	_ =	sdelay $0x3  }
0x76: {  	s12 =	simm.s32 @!p0 $0xF180;
	v0 =	vperm.xlane @!p0 v0, v2  }
0x77: {  	[tilespmem:s12], [sflag:$0x2] =	stream.indirect_vreg.gather @!p0 [hbm4b:s1+s10], $0x80, v1, vm2, $0xb8;
	[tilespmem:$0x18180] =	vst v63  }
0x78: {  	v0 =	vadd.s32 @!p0 v3, v0;
	s12 =	simm.s32 @!p0 $0xF980  }
0x79: {  	[tilespmem:s12], [sflag:$0x2] =	stream.indirect_vreg.gather @!p0 [hbm4b:s4+s10], $0x80, v1, vm2, $0xb8;
	[tilespmem:$0x18180] =	vst v63  }
0x7a: {  	s12 =	simm.s32 @!p0 $0x10180  }
0x7b: {  	[tilespmem:s12], [sflag:$0x2] =	stream.indirect_vreg.gather @!p0 [hbm4b:s5+s10], $0x80, v1, vm2, $0xb8;
	[tilespmem:$0x18180] =	vst v63  }
0x7c: {  	s12 =	simm.s32 @!p0 $0x10980  }
0x7d: {  	[tilespmem:s12], [sflag:$0x2] =	stream.indirect_vreg.gather @!p0 [hbm4b:s1+s10], $0x80, v0, vm2, $0xb8;
	[tilespmem:$0x18180] =	vst v63  }
0x7e: {  	s12 =	simm.s32 @!p0 $0x11180  }
0x7f: {  	[tilespmem:s12], [sflag:$0x2] =	stream.indirect_vreg.gather @!p0 [hbm4b:s4+s10], $0x80, v0, vm2, $0xb8;
	[tilespmem:$0x18180] =	vst v63  }
0x80: {  	s12 =	simm.s32 @!p0 $0x11980  }
0x81: {  	[tilespmem:s12], [sflag:$0x2] =	stream.indirect_vreg.gather @!p0 [hbm4b:s5+s10], $0x80, v0, vm2, $0xb8;
	[tilespmem:$0x18180] =	vst v63  }
0x82: {  	s12 =	simm.s32 @!p0 $0x2  }
0x83: {  	_ =	swait.ge @!p0 [sflag:s12], $0x6000  }
0x84: {  	[sflag:s12] =	ssyncset.done @!p0 $0x0  }
0x85: {  	s13 =	rddreg [dreg:$0xa];
	[sflag:s12] =	ssyncadd.s32 @!p0 $0xFFFFA000  }
0x86: {  	[hbm4b:s13+s10] =	stream.linear.scatter @!p0 [tilespmem:s11], [sflag:$0x3], $0x6000, $0x38;
	[tilespmem:$0x18180] =	vst v63  }
0x87: {  	s10 =	simm.s32 @!p0 $0x3  }
0x88: {  	_ =	swait.ge @!p0 [sflag:s10], $0x6000  }
0x89: {  	[sflag:s10] =	ssyncset.done @!p0 $0x0  }
0x8a: {  	[sflag:s10] =	ssyncadd.s32 @!p0 $0xFFFFA000;
	p0 =	slt.s32 s31, $0x21  }
0x8b: {  	v0 =	vld @!p0 [tilespmem:$0x20];
	_ =	sdelay $0x4  }
0x8c: {  	v1 =	vshrl.u32 @!p0 v0, $0x3  }
0x8d: {  	v1 =	vmul.u32 @!p0 $0x30, v1  }
0x8e: {  	v2 =	vlaneseq.u32 @!p0;
	v0 =	vand.u32 @!p0 $0x7, v0  }
0x8f: {  	v3 =	vshrl.u32 @!p0 v2, $0x3;
	v0 =	vor.u32 @!p0 v0, v1;
	v1 =	vand.u32 @!p0 $0x7, v2  }
0x90: {  	v3 =	vmul.u32 @!p0 $0x8, v3;
	v4 =	vperm.xlane @!p0 v0, v1;
	_ =	sdelay $0x1  }
0x91: {  	v4 =	vadd.s32 @!p0 v3, v4;
	_ =	sdelay $0x2  }
0x92: {  	v2 =	vor.u32 @!p0 $0x8, v2  }
0x93: {  	vm2 =	vmmov @!p0 $0xffff;
	s8 =	simm.s32 @!p0 $0x0;
	s10 =	simm.s32 @!p0 $0x6180;
	v0 =	vperm.xlane @!p0 v0, v2  }
0x94: {  	[tilespmem:s10], [sflag:$0x1] =	stream.indirect_vreg.gather @!p0 [hbm4b:s1+s8], $0x80, v4, vm2, $0xb8;
	[tilespmem:$0x18180] =	vst v63  }
0x95: {  	s11 =	simm.s32 @!p0 $0x6980;
	v0 =	vadd.s32 @!p0 v3, v0  }
0x96: {  	[tilespmem:s11], [sflag:$0x1] =	stream.indirect_vreg.gather @!p0 [hbm4b:s4+s8], $0x80, v4, vm2, $0xb8;
	[tilespmem:$0x18180] =	vst v63  }
0x97: {  	s11 =	simm.s32 @!p0 $0x7180  }
0x98: {  	[tilespmem:s11], [sflag:$0x1] =	stream.indirect_vreg.gather @!p0 [hbm4b:s5+s8], $0x80, v4, vm2, $0xb8;
	[tilespmem:$0x18180] =	vst v63  }
0x99: {  	s11 =	simm.s32 @!p0 $0x7980  }
0x9a: {  	[tilespmem:s11], [sflag:$0x1] =	stream.indirect_vreg.gather @!p0 [hbm4b:s1+s8], $0x80, v0, vm2, $0xb8;
	[tilespmem:$0x18180] =	vst v63  }
0x9b: {  	s11 =	simm.s32 @!p0 $0x8180  }
0x9c: {  	[tilespmem:s11], [sflag:$0x1] =	stream.indirect_vreg.gather @!p0 [hbm4b:s4+s8], $0x80, v0, vm2, $0xb8;
	[tilespmem:$0x18180] =	vst v63  }
0x9d: {  	s11 =	simm.s32 @!p0 $0x8980  }
0x9e: {  	[tilespmem:s11], [sflag:$0x1] =	stream.indirect_vreg.gather @!p0 [hbm4b:s5+s8], $0x80, v0, vm2, $0xb8;
	[tilespmem:$0x18180] =	vst v63  }
0x9f: {  	v0 =	vld @!p0 [tilespmem:$0x30];
	_ =	sdelay $0x4  }
0xa0: {  	v4 =	vshrl.u32 @!p0 v0, $0x3  }
0xa1: {  	v4 =	vmul.u32 @!p0 $0x30, v4  }
0xa2: {  	v0 =	vand.u32 @!p0 $0x7, v0  }
0xa3: {  	v0 =	vor.u32 @!p0 v0, v4  }
0xa4: {  	v1 =	vperm.xlane @!p0 v0, v1;
	_ =	sdelay $0x1  }
0xa5: {  	v1 =	vadd.s32 @!p0 v3, v1;
	_ =	sdelay $0x3  }
0xa6: {  	s11 =	simm.s32 @!p0 $0x9180;
	v0 =	vperm.xlane @!p0 v0, v2  }
0xa7: {  	[tilespmem:s11], [sflag:$0x1] =	stream.indirect_vreg.gather @!p0 [hbm4b:s1+s8], $0x80, v1, vm2, $0xb8;
	[tilespmem:$0x18180] =	vst v63  }
0xa8: {  	v0 =	vadd.s32 @!p0 v3, v0;
	s11 =	simm.s32 @!p0 $0x9980  }
0xa9: {  	[tilespmem:s11], [sflag:$0x1] =	stream.indirect_vreg.gather @!p0 [hbm4b:s4+s8], $0x80, v1, vm2, $0xb8;
	[tilespmem:$0x18180] =	vst v63  }
0xaa: {  	s11 =	simm.s32 @!p0 $0xA180  }
0xab: {  	[tilespmem:s11], [sflag:$0x1] =	stream.indirect_vreg.gather @!p0 [hbm4b:s5+s8], $0x80, v1, vm2, $0xb8;
	[tilespmem:$0x18180] =	vst v63  }
0xac: {  	s11 =	simm.s32 @!p0 $0xA980  }
0xad: {  	[tilespmem:s11], [sflag:$0x1] =	stream.indirect_vreg.gather @!p0 [hbm4b:s1+s8], $0x80, v0, vm2, $0xb8;
	[tilespmem:$0x18180] =	vst v63  }
0xae: {  	s11 =	simm.s32 @!p0 $0xB180  }
0xaf: {  	[tilespmem:s11], [sflag:$0x1] =	stream.indirect_vreg.gather @!p0 [hbm4b:s4+s8], $0x80, v0, vm2, $0xb8;
	[tilespmem:$0x18180] =	vst v63  }
0xb0: {  	s11 =	simm.s32 @!p0 $0xB980  }
0xb1: {  	[tilespmem:s11], [sflag:$0x1] =	stream.indirect_vreg.gather @!p0 [hbm4b:s5+s8], $0x80, v0, vm2, $0xb8;
	[tilespmem:$0x18180] =	vst v63  }
0xb2: {  	s11 =	simm.s32 @!p0 $0x1  }
0xb3: {  	_ =	swait.ge @!p0 [sflag:s11], $0x6000  }
0xb4: {  	[sflag:s11] =	ssyncset.done @!p0 $0x0  }
0xb5: {  	s12 =	rddreg [dreg:$0xb];
	[sflag:s11] =	ssyncadd.s32 @!p0 $0xFFFFA000  }
0xb6: {  	[hbm4b:s12+s8] =	stream.linear.scatter @!p0 [tilespmem:s10], [sflag:$0x3], $0x6000, $0x38;
	[tilespmem:$0x18180] =	vst v63  }
0xb7: {  	s8 =	simm.s32 @!p0 $0x3  }
0xb8: {  	_ =	swait.ge @!p0 [sflag:s8], $0x6000  }
0xb9: {  	[sflag:s8] =	ssyncset.done @!p0 $0x0  }
0xba: {  	[sflag:s8] =	ssyncadd.s32 @!p0 $0xFFFFA000;
	p0 =	slt.s32 s9, $0x21  }
0xbb: {  	v0 =	vld @!p0 [tilespmem:$0xA0];
	_ =	sdelay $0x4  }
0xbc: {  	v1 =	vshrl.u32 @!p0 v0, $0x3  }
0xbd: {  	v1 =	vmul.u32 @!p0 $0x30, v1  }
0xbe: {  	v2 =	vlaneseq.u32 @!p0;
	v0 =	vand.u32 @!p0 $0x7, v0  }
0xbf: {  	v3 =	vshrl.u32 @!p0 v2, $0x3;
	v0 =	vor.u32 @!p0 v0, v1;
	v1 =	vand.u32 @!p0 $0x7, v2  }
0xc0: {  	v3 =	vmul.u32 @!p0 $0x8, v3;
	v4 =	vperm.xlane @!p0 v0, v1;
	_ =	sdelay $0x1  }
0xc1: {  	v4 =	vadd.s32 @!p0 v3, v4;
	_ =	sdelay $0x2  }
0xc2: {  	v2 =	vor.u32 @!p0 $0x8, v2  }
0xc3: {  	vm2 =	vmmov @!p0 $0xffff;
	s8 =	simm.s32 @!p0 $0x0;
	s9 =	simm.s32 @!p0 $0x12180;
	v0 =	vperm.xlane @!p0 v0, v2  }
0xc4: {  	[tilespmem:s9], [sflag:$0x2] =	stream.indirect_vreg.gather @!p0 [hbm4b:s1+s8], $0x80, v4, vm2, $0xb8;
	[tilespmem:$0x18180] =	vst v63  }
0xc5: {  	s10 =	simm.s32 @!p0 $0x12980;
	v0 =	vadd.s32 @!p0 v3, v0  }
0xc6: {  	[tilespmem:s10], [sflag:$0x2] =	stream.indirect_vreg.gather @!p0 [hbm4b:s4+s8], $0x80, v4, vm2, $0xb8;
	[tilespmem:$0x18180] =	vst v63  }
0xc7: {  	s10 =	simm.s32 @!p0 $0x13180  }
0xc8: {  	[tilespmem:s10], [sflag:$0x2] =	stream.indirect_vreg.gather @!p0 [hbm4b:s5+s8], $0x80, v4, vm2, $0xb8;
	[tilespmem:$0x18180] =	vst v63  }
0xc9: {  	s10 =	simm.s32 @!p0 $0x13980  }
0xca: {  	[tilespmem:s10], [sflag:$0x2] =	stream.indirect_vreg.gather @!p0 [hbm4b:s1+s8], $0x80, v0, vm2, $0xb8;
	[tilespmem:$0x18180] =	vst v63  }
0xcb: {  	s10 =	simm.s32 @!p0 $0x14180  }
0xcc: {  	[tilespmem:s10], [sflag:$0x2] =	stream.indirect_vreg.gather @!p0 [hbm4b:s4+s8], $0x80, v0, vm2, $0xb8;
	[tilespmem:$0x18180] =	vst v63  }
0xcd: {  	s10 =	simm.s32 @!p0 $0x14980  }
0xce: {  	[tilespmem:s10], [sflag:$0x2] =	stream.indirect_vreg.gather @!p0 [hbm4b:s5+s8], $0x80, v0, vm2, $0xb8;
	[tilespmem:$0x18180] =	vst v63  }
0xcf: {  	v0 =	vld @!p0 [tilespmem:$0xB0];
	_ =	sdelay $0x4  }
0xd0: {  	v4 =	vshrl.u32 @!p0 v0, $0x3  }
0xd1: {  	v4 =	vmul.u32 @!p0 $0x30, v4  }
0xd2: {  	v0 =	vand.u32 @!p0 $0x7, v0  }
0xd3: {  	v0 =	vor.u32 @!p0 v0, v4  }
0xd4: {  	v1 =	vperm.xlane @!p0 v0, v1;
	_ =	sdelay $0x1  }
0xd5: {  	v1 =	vadd.s32 @!p0 v3, v1;
	_ =	sdelay $0x3  }
0xd6: {  	s10 =	simm.s32 @!p0 $0x15180;
	v0 =	vperm.xlane @!p0 v0, v2  }
0xd7: {  	[tilespmem:s10], [sflag:$0x2] =	stream.indirect_vreg.gather @!p0 [hbm4b:s1+s8], $0x80, v1, vm2, $0xb8;
	[tilespmem:$0x18180] =	vst v63  }
0xd8: {  	v0 =	vadd.s32 @!p0 v3, v0;
	s10 =	simm.s32 @!p0 $0x15980  }
0xd9: {  	[tilespmem:s10], [sflag:$0x2] =	stream.indirect_vreg.gather @!p0 [hbm4b:s4+s8], $0x80, v1, vm2, $0xb8;
	[tilespmem:$0x18180] =	vst v63  }
0xda: {  	s10 =	simm.s32 @!p0 $0x16180  }
0xdb: {  	[tilespmem:s10], [sflag:$0x2] =	stream.indirect_vreg.gather @!p0 [hbm4b:s5+s8], $0x80, v1, vm2, $0xb8;
	[tilespmem:$0x18180] =	vst v63  }
0xdc: {  	s10 =	simm.s32 @!p0 $0x16980  }
0xdd: {  	[tilespmem:s10], [sflag:$0x2] =	stream.indirect_vreg.gather @!p0 [hbm4b:s1+s8], $0x80, v0, vm2, $0xb8;
	[tilespmem:$0x18180] =	vst v63  }
0xde: {  	s10 =	simm.s32 @!p0 $0x17180  }
0xdf: {  	[tilespmem:s10], [sflag:$0x2] =	stream.indirect_vreg.gather @!p0 [hbm4b:s4+s8], $0x80, v0, vm2, $0xb8;
	[tilespmem:$0x18180] =	vst v63  }
0xe0: {  	s10 =	simm.s32 @!p0 $0x17980  }
0xe1: {  	[tilespmem:s10], [sflag:$0x2] =	stream.indirect_vreg.gather @!p0 [hbm4b:s5+s8], $0x80, v0, vm2, $0xb8;
	[tilespmem:$0x18180] =	vst v63  }
0xe2: {  	s10 =	simm.s32 @!p0 $0x2  }
0xe3: {  	_ =	swait.ge @!p0 [sflag:s10], $0x6000  }
0xe4: {  	s6 =	sadd.s32 $0xFFFFFFFF, s6;
	[sflag:s10] =	ssyncset.done @!p0 $0x0  }
0xe5: {  	p1 =	sne.s32 s6, $0x0;
	s11 =	rddreg [dreg:$0xc];
	[sflag:s10] =	ssyncadd.s32 @!p0 $0xFFFFA000  }
0xe6: {  	[hbm4b:s11+s8] =	stream.linear.scatter @!p0 [tilespmem:s9], [sflag:$0x3], $0x6000, $0x38;
	[tilespmem:$0x18180] =	vst v63  }
.Ltmp0:
0xe7: {  	_ = 	snop;
	(pc) =	sbr.rel @p1 .LBB2_1-.Ltmp0, $4  }
0xe8: {  	s8 =	simm.s32 @!p0 $0x3  }
0xe9: {  	_ =	swait.ge @!p0 [sflag:s8], $0x6000  }
0xea: {  	[sflag:s8] =	ssyncset.done @!p0 $0x0  }
0xeb: {  	[sflag:s8] =	ssyncadd.s32 @!p0 $0xFFFFA000  }
0xec: {  	_ =	sfence.sel $0x180000  }
0xed: {  	[bflag:$0x0] =	sbarrier.arrive $0xFFFF  }
0xee: {  	p0 =	sne.s32 s0, $0x0;
	_ =	strace $0x90000047  }
0xef: {  	s0 =	sadd.s32 @!p0 $0x100000, s2;
	[bflag:$0x2] =	sbarrier.arrive $0xFFFF  }
0xf0: {  	[sflag:s0] =	ssyncadd.tile.s32 @!p0 $0x1;
	_ =	shalt  }
.Lfunc_end2:
_tile_overlayer_lowered:
.L_overlay_start_2:
0xf1: {  	(tag) =	ssettag $0x2  }
0xf2: {  	s0 =	rddreg [dreg:$0x0];
	s2 =	stileid.u32  }
0xf3: {  	s1 =	rddreg [dreg:$0x1];
	p0 =	sne.s32 s2, $0x0  }
0xf4: {  	s3 =	rddreg [dreg:$0x2];
	[bflag:$0x3] =	sbarrier.arrive $0xFFFF;
	s2 =	simm.s32 @!p0 $0x1C03  }
0xf5: {  	[timem:s3], [sflag:s2] =	dma.local @!p0 [hbm:s0], s1  }
0xf6: {  	s0 =	simm.s32 @!p0 $0x3  }
0xf7: {  	_ =	swait.ge @!p0 [sflag:s0], s1  }
0xf8: {  	s1 =	ssub.s32 @!p0 $0x0, s1;
	[sflag:s0] =	ssyncset.done @!p0 $0x0  }
0xf9: {  	[sflag:s0] =	ssyncadd.s32 @!p0 s1  }
0xfa: {  	[bflag:$0x3] =	sbarrier.arrive $0xFFFF  }
0xfb: {  	_ =	shalt  }

// kernel: kernel.3.cloned.1.call-start
scs
__scs_entry_jumppad:
0x0: {  	(pc) =	sbr.rel $0x88, $3  }
0x1: {  	(tag) =	ssettag $0x0;
	lr =	simm.s32 $0x1  }
0x2: {  	[smem:$0x3F9A] =	sst lr;
	_ =	strace $0xD0000000  }
0x3: {  	_ = 	snop  }
0x4: {  	_ = 	snop  }
0x5: {  	_ = 	snop  }
0x6: {  	_ = 	snop  }
0x7: {  	_ = 	snop  }
__scs_overlays_trampoline_lowered:
0x8: {  	[smem:$0x3FA9] =	sst s0  }
0x9: {  	[smem:$0x3FAA] =	sst s1  }
0xa: {  	[smem:$0x3FAB] =	sst s2  }
0xb: {  	[smem:$0x3FAC] =	sst s3  }
0xc: {  	[smem:$0x3FAD] =	sst s4  }
0xd: {  	[smem:$0x3FAE] =	sst s5  }
0xe: {  	[smem:$0x3FAF] =	sst s6  }
0xf: {  	[smem:$0x3FB0] =	sst s7  }
0x10: {  	[smem:$0x3FB1] =	sst s8  }
0x11: {  	[smem:$0x3FB2] =	sst s9;
	s0 =	simm.s32 @!p0 $0x0  }
0x12: {  	s1 =	sld [smem:$0x3F98];
	s0 =	simm.s32 @p0 $0x1  }
0x13: {  	[smem:$0x3FB3] =	sst s0;
	s0 =	simm.s32 @!p1 $0x0  }
0x14: {  	s2 =	sld [smem:$0x3F97];
	s0 =	simm.s32 @p1 $0x1  }
0x15: {  	[smem:$0x3FB4] =	sst s0;
	s0 =	simm.s32 @!p2 $0x0  }
0x16: {  	s3 =	sld [smem:$0x3FDB];
	s0 =	simm.s32 @p2 $0x1  }
0x17: {  	s4 =	simm.s32 $0x1BF5;
	[smem:$0x3FB6] =	sst s0  }
0x18: {  	s0 =	sld [smem:$0x3F99];
	_ =	swait.ge [sflag:s4], $0x0  }
0x19: {  	s7 =	sld [smem:$0x3F9A]  }
0x1a: {  	s8 =	sadd.s32 $0xFFFFE003, lr  }
0x1b: {  	s9 =	sadd.s32 $0xFFFFFEF7, lr;
	s5 =	simm.s32 $0xFFFFFFFF;
	p2 =	slt.u32 s8, $0xFFFFF086  }
0x1c: {  	p1 =	slt.u32 s9, $0xF7A;
	s5 =	simm.s32 @!p2 $0x0  }
0x1d: {  	s5 =	simm.s32 @p1 $0x1;
	p0 =	seq.s32 s7, s2  }
0x1e: {  	s7 =	smul.u32 @!p0 $0xF7A, s2;
	p2 =	seq.s32 @!p0 s5, $0x0  }
0x1f: {  	s9 =	smul.u32 $0xF7A, s1;
	s8 =	simm.s32 @!p0 $0x1BF5;
	p2 =	por !p2, p0  }
0x20: {  	[sflag:s8] =	ssyncset.s32 @!p0 $0xFFFFF086;
	s6 =	sadd.s32 @!p0 s3, s7;
	s7 =	simm.s32 @!p0 $0x108  }
0x21: {  	s3 =	sadd.s32 s3, s9;
	s6 =	sadd.s32 @!p0 $0x88, s6;
	s7 =	simm.s32 @p2 $0x1082  }
0x22: {  	[simem:s7], [sflag:s8] =	dma.local @!p0 [hbm:s6], $0xF7A  }
0x23: {  	s9 =	sor.u32 $0xD0000000, s2;
	s6 =	simm.s32 $0x108;
	_ =	swait.ge @!p0 [sflag:s8], $0x0  }
0x24: {  	s3 =	sadd.s32 $0x88, s3;
	s6 =	simm.s32 @!p1 $0x1082;
	[sflag:s4] =	ssyncset.s32 $0xFFFFF086  }
0x25: {  	[simem:s6], [sflag:s4] =	dma.local [hbm:s3], $0xF7A  }
0x26: {  	[smem:$0x3F9A] =	sst s1;
	(tag) =	ssettag s2;
	_ =	strace s9  }
0x27: {  	s1 =	sld [smem:$0x3FAA]  }
0x28: {  	s2 =	sld [smem:$0x3FAB]  }
0x29: {  	s4 =	sld [smem:$0x3FAD]  }
0x2a: {  	p0 =	seq.s32 s5, $0x0;
	s5 =	sld [smem:$0x3FAE]  }
0x2b: {  	s6 =	sld [smem:$0x3FAF]  }
0x2c: {  	s7 =	sld [smem:$0x3FB0]  }
0x2d: {  	s3 =	simm.s32 $0x108;
	s8 =	sld [smem:$0x3FB1]  }
0x2e: {  	s3 =	simm.s32 @!p0 $0x1082;
	s9 =	sld [smem:$0x3FB2]  }
0x2f: {  	lr =	sadd.s32 s0, s3;
	s0 =	sld [smem:$0x3FA9]  }
0x30: {  	s3 =	sld [smem:$0x3FAC]  }
0x31: {  	[smem:$0x3FB5] =	sst s10  }
0x32: {  	s10 =	sld [smem:$0x3FB3];
	_ =	sdelay $0x3  }
0x33: {  	p0 =	seq.s32 s10, $0x1;
	s10 =	sld [smem:$0x3FB5];
	_ =	sdelay $0x3  }
0x34: {  	[smem:$0x3FB5] =	sst s10  }
0x35: {  	s10 =	sld [smem:$0x3FB4];
	_ =	sdelay $0x3  }
0x36: {  	p1 =	seq.s32 s10, $0x1;
	s10 =	sld [smem:$0x3FB5];
	_ =	sdelay $0x3  }
0x37: {  	[smem:$0x3FB5] =	sst s10  }
0x38: {  	s10 =	sld [smem:$0x3FB6]  }
0x39: {  	_ = 	snop;
	(pc) =	sbr.ind lr, $3  }
0x3a: {  	_ = 	snop  }
0x3b: {  	_ = 	snop  }
0x3c: {  	p2 =	seq.s32 s10, $0x1;
	s10 =	sld [smem:$0x3FB5]  }
0x3d: {  	_ =	shalt  }
0x3e: {  	_ =	shalt  }
0x3f: {  	_ =	shalt  }
0x40: {  	_ =	shalt  }
0x41: {  	_ =	shalt  }
0x42: {  	_ =	shalt  }
0x43: {  	_ =	shalt  }
0x44: {  	_ =	shalt  }
0x45: {  	_ =	shalt  }
0x46: {  	_ =	shalt  }
0x47: {  	_ =	shalt  }
0x48: {  	_ =	shalt  }
0x49: {  	_ =	shalt  }
0x4a: {  	_ =	shalt  }
0x4b: {  	_ =	shalt  }
0x4c: {  	_ =	shalt  }
0x4d: {  	_ =	shalt  }
0x4e: {  	_ =	shalt  }
0x4f: {  	_ =	shalt  }
0x50: {  	_ =	shalt  }
0x51: {  	_ =	shalt  }
0x52: {  	_ =	shalt  }
0x53: {  	_ =	shalt  }
0x54: {  	_ =	shalt  }
0x55: {  	_ =	shalt  }
0x56: {  	_ =	shalt  }
0x57: {  	_ =	shalt  }
0x58: {  	_ =	shalt  }
0x59: {  	_ =	shalt  }
0x5a: {  	_ =	shalt  }
0x5b: {  	_ =	shalt  }
0x5c: {  	_ =	shalt  }
0x5d: {  	_ =	shalt  }
0x5e: {  	_ =	shalt  }
0x5f: {  	_ =	shalt  }
0x60: {  	_ =	shalt  }
0x61: {  	_ =	shalt  }
0x62: {  	_ =	shalt  }
0x63: {  	_ =	shalt  }
0x64: {  	_ =	shalt  }
0x65: {  	_ =	shalt  }
0x66: {  	_ =	shalt  }
0x67: {  	_ =	shalt  }
0x68: {  	_ =	shalt  }
0x69: {  	_ =	shalt  }
0x6a: {  	_ =	shalt  }
0x6b: {  	_ =	shalt  }
0x6c: {  	_ =	shalt  }
0x6d: {  	_ =	shalt  }
0x6e: {  	_ =	shalt  }
0x6f: {  	_ =	shalt  }
0x70: {  	_ =	shalt  }
0x71: {  	_ =	shalt  }
0x72: {  	_ =	shalt  }
0x73: {  	_ =	shalt  }
0x74: {  	_ =	shalt  }
0x75: {  	_ =	shalt  }
0x76: {  	_ =	shalt  }
0x77: {  	_ =	shalt  }
0x78: {  	_ =	shalt  }
0x79: {  	_ =	shalt  }
0x7a: {  	_ =	shalt  }
0x7b: {  	_ =	shalt  }
0x7c: {  	_ =	shalt  }
0x7d: {  	_ =	shalt  }
0x7e: {  	_ =	shalt  }
0x7f: {  	_ =	shalt  }
0x80: {  	_ =	shalt  }
0x81: {  	_ =	shalt  }
0x82: {  	_ =	shalt  }
0x83: {  	_ =	shalt  }
0x84: {  	_ =	shalt  }
0x85: {  	_ =	shalt  }
0x86: {  	_ =	shalt  }
0x87: {  	_ =	shalt  }
.Lfunc_end0:
.L_simem_size_0:
called_computation.3_lowered:
.L_overlay_start_0:
0x88: {  	s2 =	sld [smem:$0x3FD9]  }
0x89: {  	s3 =	sld [smem:$0x3FFE];
	_ =	sdelay $0x1  }
0x8a: {  	s1 =	srdreg.scid  }
0x8b: {  	s0 =	sand.u32 $0x1, s1  }
0x8c: {  	s17 =	sshll.u32 s0, $0xA;
	s2 =	sadd.s32 s3, s2  }
0x8d: {  	s2 =	sadd.s32 s2, s17  }
0x8e: {  	[smem:$0x3FC1] =	sst s2  }
0x8f: {  	_ = 	snop  }
0x90: {  	s2 =	sld [smem:$0x3FD0];
	(tm) =	ssettm $0x1  }
0x91: {  	s18 =	sld [smem:$0x3FFB];
	_ =	sdelay $0x3  }
0x92: {  	_ =	strace s18  }
0x93: {  	s3 =	sld [smem:$0x3FFC];
	_ =	sdelay $0x3  }
0x94: {  	_ =	strace s3  }
0x95: {  	s3 =	sld [smem:$0x3FFD];
	_ =	sdelay $0x3  }
0x96: {  	_ =	strace s3  }
0x97: {  	_ =	strace $0x8FFFFFFF  }
0x98: {  	s19 =	sld [smem:$0x3FDB];
	_ =	sdelay $0x1  }
0x99: {  	s4 =	simm.s32 $_scs_section_size  }
0x9a: {  	s5 =	simm.s32 $_size__tile_overlayer_lowered;
	s6 =	simm.s32 $_tile_overlayer_lowered  }
0x9b: {  	s22 =	simm.s32 $0x1BFF;
	s21 =	sshll.u32 s6, $0x1;
	s3 =	sadd.s32 s4, s19  }
0x9c: {  	s7 =	simm.s32 $0x0;
	s20 =	sshll.u32 s5, $0x1;
	s5 =	sadd.s32 s21, s3  }
0x9d: {  	[timem:s7], [sflag:s22] =	dma.local [hbm:s5], s20  }
0x9e: {  	_ =	swait.ge [sflag:s22], s20  }
0x9f: {  	s4 =	ssub.s32 $0x0, s20;
	[sflag:s22] =	ssyncset.done $0x0  }
0xa0: {  	[sflag:s22] =	ssyncadd.s32 s4;
	_ =	sdelay $0x1  }
0xa1: {  	s23 =	simm.s32 $0x1B8B  }
0xa2: {  	_ =	swait.ge [sflag:s23], $0x1  }
0xa3: {  	[sflag:s23] =	ssyncset.done $0x0  }
0xa4: {  	s25 =	simm.s32 $0x1B8E;
	s24 =	sld [smem:$0x3FFE];
	[sflag:s23] =	ssyncadd.s32 $0xFFFFFFFF  }
0xa5: {  	s26 =	simm.s32 $execute0_lowered;
	[smem:$0x3FD2] =	sst s25  }
0xa6: {  	s5 =	sshll.u32 s26, $0x1;
	_ =	strace $0x8000004F;
	[dreg:$0x1] =	wrdreg $0xFFFFFFFF  }
0xa7: {  	s28 =	simm.s32 $_size_execute0_lowered;
	s3 =	sadd.s32 s3, s5;
	[dreg:$0x0] =	wrdreg $0x0  }
0xa8: {  	s5 =	sshll.u32 s28, $0x1;
	[dreg:$0x2] =	wrdreg s3  }
0xa9: {  	[dreg:$0x3] =	wrdreg s5  }
0xaa: {  	[dreg:$0x4] =	wrdreg $0xC0  }
0xab: {  	_ =	task [dreg:s7], $0x5FFFF  }
0xac: {  	[dreg:$0x1] =	wrdreg $0xFFFFFFFF  }
0xad: {  	[dreg:$0x0] =	wrdreg $0x60  }
0xae: {  	[dreg:$0x2] =	wrdreg s24  }
0xaf: {  	[dreg:$0x3] =	wrdreg s2  }
0xb0: {  	[dreg:$0x4] =	wrdreg $0x9  }
0xb1: {  	_ =	task.clear_ibuf [dreg:s7], $0x5FFFF;
	_ =	strace $0x9000004F  }
0xb2: {  	s29 =	simm.s32 $0x9;
	_ =	strace $0x80000051  }
0xb3: {  	_ =	swait.ge [sflag:s29], $0x1  }
0xb4: {  	[sflag:s29] =	ssyncadd.s32 $0xFFFFFFFF  }
0xb5: {  	_ =	strace $0x90000051  }
0xb6: {  	_ =	sfence  }
0xb7: {  	s30 =	sld [smem:$0x0];
	_ =	sdelay $0x2  }
0xb8: {  	s31 =	sshll.u32 s1, $0xD;
	s1 =	sshrl.u32 s1, $0x2  }
0xb9: {  	s3 =	sand.u32 $0x4000, s31;
	s1 =	sadd.s32 s1, s30  }
0xba: {  	s0 =	sor.u32 s3, s0;
	s1 =	sshll.u32 s1, $0x11  }
0xbb: {  	s0 =	sor.u32 s1, s0  }
0xbc: {  	s0 =	sadd.s32 $0x8F2B, s0  }
0xbd: {  	[sflag:s0] =	ssyncadd.remote.s32 $0x1  }
0xbe: {  	_ =	sfence.sel $0xFFFF  }
0xbf: {  	[dreg:$0x0] =	wrdreg $0xFFFFFFFF;
	(pc) =	sbr.abs _section_cstart, $3  }
0xc0: {  	[dreg:$0x1] =	wrdreg $0xFFFFFFFF  }
0xc1: {  	_ =	task.clear_ibuf [dreg:s7], $0x2FFFF;
	_ =	strace $0x9FFFFFFF  }
0xc2: {  	(tm) =	ssettm $0x7FFFFFFF  }
0xc3: {  	_ =	shalt  }
tec
execute0_lowered:
.L_overlay_start_1:
0x0: {  	(tag) =	ssettag $0x1  }
0x1: {  	s3 =	rddreg [dreg:$0x0]  }
0x2: {  	s4 =	rddreg [dreg:$0x1]  }
0x3: {  	s0 =	rddreg [dreg:$0x2];
	s5 =	srdreg.scid  }
0x4: {  	s1 =	stileid.u32;
	s2 =	simm.s32 $0x0;
	s20 =	simm.s32 $0xC80  }
0x5: {  	s21 =	simm.s32 $0xD00;
	s22 =	simm.s32 $0xD80;
	s23 =	simm.s32 $0xE80  }
0x6: {  	s24 =	simm.s32 $0xF80;
	s25 =	simm.s32 $0x1080;
	s28 =	simm.s32 $0x0  }
0x7: {  	s13 =	sand.u32 $0x1, s5;
	s26 =	sshll.u32 s1, $0x1;
	[smem:$0x7FF] =	sst s2  }
0x8: {  	s18 =	sshll.u32 s1, $0xB;
	s5 =	sor.u32 s13, s26;
	_ =	strace $0x80000050  }
0x9: {  	s29 =	ssub.s32 $0x2, s13;
	s19 =	sshll.u32 s13, $0xA;
	s26 =	simm.s32 $0x1180  }
0xa: {  	s6 =	sshll.u32 s5, $0x7;
	s7 =	sshll.u32 s5, $0x3;
	s10 =	sshll.u32 s5, $0x5  }
0xb: {  	s11 =	sshll.u32 s5, $0x1;
	s12 =	sshrl.u32 s29, $0x1;
	s17 =	sshll.u32 s5, $0xA  }
0xc: {  	s30 =	sshll.u32 s5, $0x6;
	s8 =	sadd.s32 s6, s3;
	s9 =	sadd.s32 s7, s3  }
0xd: {  	s14 =	sadd.s32 s10, s3;
	s15 =	sadd.s32 s11, s3;
	s16 =	ssub.s32 s29, s12  }
0xe: {  	s4 =	sadd.s32 s4, s6;
	s31 =	sadd.s32 $0x100, s30;
	v1 =	vmov s17;
	s17 =	simm.s32 $0x400  }
0xf: {  	v3 =	vlaneseq.u32;
	v4 =	vimm.f32 $0.0e+00;
	v5 =	vimm.s32 $0x0;
	s3 =	sadd.s32 $0x3A00, s8;
	s5 =	sadd.s32 $0x2A00, s8;
	s6 =	sadd.s32 $0x4A00, s9  }
0x10: {  	vm0 =	vcmask $0x3F0C;
	vm1 =	vcmask $0x3F08;
	vm2 =	vmmov $0x1;
	s7 =	sadd.s32 $0x4C00, s9;
	s8 =	sadd.s32 $0x4E00, s9;
	s9 =	sadd.s32 $0x5000, s14  }
0x11: {  	v6 =	vor.u32 $0x10, v3;
	v7 =	vor.u32 $0x20, v3;
	v8 =	vor.u32 $0x30, v3;
	s10 =	sadd.s32 $0x5400, s14;
	s11 =	sadd.s32 $0x5800, s14;
	s12 =	sadd.s32 $0x5C00, s14  }
0x12: {  	v9 =	vor.u32 $0x40, v3;
	v10 =	vor.u32 $0x50, v3;
	v0 =	vmov s31;
	s13 =	sadd.s32 $0x6000, s15;
	s14 =	smax.u32 s16, $0x1;
	s15 =	sor.u32 s19, s18  }
0x13: {  	v11 =	vor.u32 $0x60, v3;
	v12 =	vor.u32 $0x70, v3;
	s16 =	simm.s32 $0x1;
	s18 =	simm.s32 $0x800;
	s19 =	simm.s32 $0xC00;
	v2 =	vadd.s32 $0xFFFFFFFF, v0  }
.LBB2_1:
0x14: {  	[tilespmem:s2], [sflag:$0x1] =	stream.linear.gather [hbm4b:s3+s2], $0x400, $0x38;
	[tilespmem:$0x1200] =	vst v63  }
0x15: {  	_ =	swait.ge [sflag:s16], $0x400  }
0x16: {  	[sflag:s16] =	ssyncset.done $0x0  }
0x17: {  	[sflag:s16] =	ssyncadd.s32 $0xFFFFFC00  }
0x18: {  	[tilespmem:s17], [sflag:$0x1] =	stream.linear.gather [hbm4b:s4+s2], $0x400, $0x38;
	[tilespmem:$0x1200] =	vst v63  }
0x19: {  	_ =	swait.ge [sflag:s16], $0x400  }
0x1a: {  	[sflag:s16] =	ssyncset.done $0x0  }
0x1b: {  	[sflag:s16] =	ssyncadd.s32 $0xFFFFFC00  }
0x1c: {  	[tilespmem:s18], [sflag:$0x1] =	stream.linear.gather [hbm4b:s5+s2], $0x400, $0x38;
	[tilespmem:$0x1200] =	vst v63  }
0x1d: {  	_ =	swait.ge [sflag:s16], $0x400  }
0x1e: {  	[sflag:s16] =	ssyncset.done $0x0  }
0x1f: {  	[sflag:s16] =	ssyncadd.s32 $0xFFFFFC00  }
0x20: {  	[tilespmem:$0xC00] =	vst v5  }
0x21: {  	[tilespmem:$0xC80] =	vst v5  }
0x22: {  	[tilespmem:$0xD00] =	vst v5  }
0x23: {  	[tilespmem:$0xC10] =	vst v5  }
0x24: {  	[tilespmem:$0xC90] =	vst v5  }
0x25: {  	[tilespmem:$0xD10] =	vst v5  }
0x26: {  	[tilespmem:$0xC20] =	vst v5  }
0x27: {  	[tilespmem:$0xCA0] =	vst v5  }
0x28: {  	[tilespmem:$0xD20] =	vst v5  }
0x29: {  	[tilespmem:$0xC30] =	vst v5  }
0x2a: {  	[tilespmem:$0xCB0] =	vst v5  }
0x2b: {  	[tilespmem:$0xD30] =	vst v5  }
0x2c: {  	[tilespmem:$0xD80] =	vst v1  }
0x2d: {  	[tilespmem:$0xE80] =	vst v5  }
0x2e: {  	[tilespmem:$0xF80] =	vst v5  }
0x2f: {  	[tilespmem:$0x1080] =	vst v4  }
0x30: {  	[tilespmem:$0xD90] =	vst v1  }
0x31: {  	[tilespmem:$0xE90] =	vst v5  }
0x32: {  	[tilespmem:$0xF90] =	vst v5  }
0x33: {  	[tilespmem:$0x1090] =	vst v4  }
0x34: {  	[tilespmem:$0xDA0] =	vst v1  }
0x35: {  	[tilespmem:$0xEA0] =	vst v5  }
0x36: {  	[tilespmem:$0xFA0] =	vst v5  }
0x37: {  	[tilespmem:$0x10A0] =	vst v4  }
0x38: {  	[tilespmem:$0xDB0] =	vst v1  }
0x39: {  	[tilespmem:$0xEB0] =	vst v5  }
0x3a: {  	[tilespmem:$0xFB0] =	vst v5  }
0x3b: {  	[tilespmem:$0x10B0] =	vst v4  }
0x3c: {  	[tilespmem:$0xE00] =	vst v1  }
0x3d: {  	[tilespmem:$0xF00] =	vst v5  }
0x3e: {  	[tilespmem:$0x1000] =	vst v5  }
0x3f: {  	[tilespmem:$0x1100] =	vst v4  }
0x40: {  	[tilespmem:$0xE10] =	vst v1  }
0x41: {  	[tilespmem:$0xF10] =	vst v5  }
0x42: {  	[tilespmem:$0x1010] =	vst v5  }
0x43: {  	[tilespmem:$0x1110] =	vst v4  }
0x44: {  	[tilespmem:$0xE20] =	vst v1  }
0x45: {  	[tilespmem:$0xF20] =	vst v5  }
0x46: {  	[tilespmem:$0x1020] =	vst v5  }
0x47: {  	[tilespmem:$0x1120] =	vst v4  }
0x48: {  	[tilespmem:$0xE30] =	vst v1  }
0x49: {  	[tilespmem:$0xF30] =	vst v5  }
0x4a: {  	[tilespmem:$0x1030] =	vst v5  }
0x4b: {  	s29 =	simm.s32 $0x0;
	[tilespmem:$0x1130] =	vst v4  }
0x4c: {  	v13 =	vld [tilespmem:s29+$0x0]  }
0x4d: {  	v14 =	vld [tilespmem:s29+$0x400];
	_ =	sdelay $0x3  }
0x4e: {  	vm3 =	veq.s32 v13, $0x0  }
0x4f: {  	vm4 =	veq.s32 v13, $0x1;
	vm5 =	veq.s32 v14, $0x0;
	vm6 =	veq.s32 v14, $0x1  }
0x50: {  	vm5 =	vmor vm3, vm5;
	vm4 =	vmor vm4, vm6  }
0x51: {  	vm6 =	vmor vm5, vm4;
	v13 =	vsel vm5, $0x1, v5  }
0x52: {  	v14 =	vsel vm6, $0x1, v5;
	(xrf0) =	vadd.scan.msk.s32 $0xffff, v13  }
0x53: {  	v13 =	vsel vm4, $0x1, v5;
	(xrf0) =	vadd.scan.msk.s32 $0xffff, v14  }
0x54: {  	(xrf0) =	vadd.scan.msk.s32 $0xffff, v13;
	_ =	sdelay $0x3  }
0x55: {  	v13, _, _ =	vpop (xrf0)  }
0x56: {  	v14, _, _ =	vpop (xrf0)  }
0x57: {  	v13 =	vadd.s32 v5, v13;
	v15, _, _ =	vpop (xrf0)  }
0x58: {  	v18 =	vadd.s32 $0xFFFFFFFF, v13;
	v14 =	vadd.s32 v14, v5;
	v15 =	vadd.s32 v15, v5  }
0x59: {  	v14 =	vadd.s32 $0xFFFFFFFF, v14;
	vm3 =	vlt.s32 v18, $0x40;
	v15 =	vadd.s32 $0xFFFFFFFF, v15  }
0x5a: {  	vm7 =	vmand vm5, vm3;
	vm3 =	vgt.s32 v14, $0x0;
	vm8 =	vlt.s32 v15, $0x40  }
0x5b: {  	v16 =	vnsel vm3, $0x0, v14;
	vm8 =	vmand vm4, vm8  }
0x5c: {  	vm3 =	vlt.s32 v14, $0x80;
	v14 =	vshll.u32 v16, $0x1  }
0x5d: {  	vm3 =	vmand vm6, vm3;
	v16 =	vand.u32 $0x3F, v16;
	v14 =	vand.u32 $0xFFFFFF80, v14  }
0x5e: {  	v19 =	vmpcnt.ones.xlane vm5;
	vm5 =	vlt.s32 v13, $0x40;
	v16 =	vor.u32 v16, v14  }
0x5f: {  	v21 =	vor.u32 s15, v3;
	v22 =	vmpcnt.ones.xlane vm4;
	v20 =	vnsel vm5, $0x40, v13  }
0x60: {  	v17 =	vld [tilespmem:s29+$0x800];
	v20 =	vadd.s32 v20, v2;
	vm4 =	vgt.s32 v13, $0x0;
	v14 =	vmpcnt.ones.xlane vm6;
	[tilespmem:v18+s19+$0x0] =	vst.idx.msk vm7, v21  }
0x61: {  	v13 =	vadd.s32 v5, v19;
	v19 =	vnsel vm4, $0xFFFFFFFF, v20;
	v20 =	vadd.s32 v0, v15;
	[tilespmem:v15+s20+$0x0] =	vst.idx.msk vm8, v21  }
0x62: {  	v14 =	vadd.s32 v5, v14;
	v18 =	vadd.s32 v0, v18;
	[tilespmem:v15+s21+$0x0] =	vst.idx.msk vm8, v19  }
0x63: {  	s30 =	smov.u32 s15;
	s29 =	simm.s32 $0x40;
	v15 =	vadd.s32 v5, v22;
	v19 =	vnsel vm7, $0x0, v18;
	v18 =	vnsel vm8, $0x0, v20;
	[tilespmem:v16+s22+$0x0] =	vst.idx.msk vm3, v21  }
.LBB2_2:
0x64: {  	p0 =	sne.s32 s29, $0xFC0  }
0x65: {  	[tilespmem:v16+s23+$0x0] =	vst.idx.msk vm3, v19;
	s30 =	sadd.s32 $0x10, s30;
	v19 =	vmov v13;
	v20 =	vmov v14;
	v21 =	vmov v15;
	s31 =	smov.u32 s29;
	s29 =	sadd.s32 $0x40, s29  }
0x66: {  	[tilespmem:v16+s24+$0x0] =	vst.idx.msk vm3, v18  }
0x67: {  	s31 =	sshra.s32 s31, $0x2;
	[tilespmem:v16+s25+$0x0] =	vst.idx.msk vm3, v17  }
0x68: {  	v16 =	vld [tilespmem:s31+$0x0]  }
0x69: {  	v17 =	vld [tilespmem:s31+$0x400];
	_ =	sdelay $0x3  }
0x6a: {  	vm3 =	veq.s32 v16, $0x0;
	vm4 =	veq.s32 v16, $0x1  }
0x6b: {  	vm5 =	veq.s32 v17, $0x0;
	vm6 =	veq.s32 v17, $0x1  }
0x6c: {  	vm5 =	vmor vm3, vm5;
	vm4 =	vmor vm4, vm6  }
0x6d: {  	vm3 =	vmor vm5, vm4;
	v16 =	vsel vm5, $0x1, v5;
	v17 =	vsel vm4, $0x1, v5  }
0x6e: {  	v22 =	vmpcnt.ones.xlane vm5;
	v18 =	vsel vm3, $0x1, v5;
	v23 =	vmpcnt.ones.xlane vm3;
	(xrf0) =	vadd.scan.msk.s32 $0xffff, v16  }
0x6f: {  	v16 =	vmpcnt.ones.xlane vm4;
	(xrf0) =	vadd.scan.msk.s32 $0xffff, v18  }
0x70: {  	v13 =	vadd.s32 v13, v22;
	v14 =	vadd.s32 v14, v23;
	(xrf0) =	vadd.scan.msk.s32 $0xffff, v17  }
0x71: {  	v15 =	vadd.s32 v15, v16;
	_ =	sdelay $0x2  }
0x72: {  	v16, _, _ =	vpop (xrf0)  }
0x73: {  	v18 =	vadd.s32 v19, v16;
	v16, _, _ =	vpop (xrf0)  }
0x74: {  	v19 =	vadd.s32 $0xFFFFFFFF, v18;
	v16 =	vadd.s32 v16, v20;
	vm6 =	vlt.s32 v18, $0x40;
	v17, _, _ =	vpop (xrf0)  }
0x75: {  	v17 =	vadd.s32 v17, v21;
	v16 =	vadd.s32 $0xFFFFFFFF, v16;
	vm7 =	vlt.s32 v19, $0x40  }
0x76: {  	v20 =	vadd.s32 $0xFFFFFFFF, v17;
	vm5 =	vmand vm5, vm7;
	vm7 =	vgt.s32 v16, $0x0  }
0x77: {  	vm9 =	vlt.s32 v16, $0x80;
	vm8 =	vlt.s32 v20, $0x40;
	v16 =	vnsel vm7, $0x0, v16  }
0x78: {  	v17 =	vnsel vm6, $0x40, v18;
	vm4 =	vmand vm4, vm8;
	v21 =	vshll.u32 v16, $0x1  }
0x79: {  	vm3 =	vmand vm3, vm9;
	v16 =	vand.u32 $0x3F, v16;
	v21 =	vand.u32 $0xFFFFFF80, v21  }
0x7a: {  	v22 =	vadd.s32 v17, v2;
	v16 =	vor.u32 v16, v21  }
0x7b: {  	v21 =	vor.u32 s30, v3;
	v17 =	vld [tilespmem:s31+$0x800]  }
.Ltmp0:
0x7c: {  	vm6 =	vgt.s32 v18, $0x0;
	[tilespmem:v19+s19+$0x0] =	vst.idx.msk vm5, v21;
	(pc) =	sbr.rel @p0 .LBB2_2-.Ltmp0, $4  }
0x7d: {  	v18 =	vnsel vm6, $0xFFFFFFFF, v22  }
0x7e: {  	v19 =	vadd.s32 v0, v19;
	[tilespmem:v20+s20+$0x0] =	vst.idx.msk vm4, v21  }
0x7f: {  	v19 =	vnsel vm5, $0x0, v19;
	[tilespmem:v20+s21+$0x0] =	vst.idx.msk vm4, v18;
	v18 =	vadd.s32 v0, v20  }
0x80: {  	[tilespmem:v16+s22+$0x0] =	vst.idx.msk vm3, v21;
	v18 =	vnsel vm4, $0x0, v18  }
0x81: {  	vm4 =	vlt.s32 v14, $0x80  }
0x82: {  	v20 =	vnsel vm4, $0x80, v14  }
0x83: {  	v20 =	vadd.s32 $0xFFFFFFFF, v20  }
0x84: {  	vm15 =	vgt.s32 v20, $0x0  }
0x85: {  	v20 =	vnsel vm15, $0x0, v20  }
0x86: {  	[tilespmem:v16+s23+$0x0] =	vst.idx.msk vm3, v19;
	v21 =	vshll.u32 v20, $0x1  }
0x87: {  	[tilespmem:v16+s24+$0x0] =	vst.idx.msk vm3, v18;
	v20 =	vand.u32 $0x3F, v20;
	v21 =	vand.u32 $0xFFFFFF80, v21  }
0x88: {  	[tilespmem:v16+s25+$0x0] =	vst.idx.msk vm3, v17;
	v20 =	vor.u32 v20, v21  }
0x89: {  	v42 =	vld [tilespmem:$0xD80]  }
0x8a: {  	v43 =	vld [tilespmem:$0xE80]  }
0x8b: {  	v22 =	vld [tilespmem:$0xF80]  }
0x8c: {  	v23 =	vld [tilespmem:$0x1080]  }
0x8d: {  	v16 =	vld.idx.msk [tilespmem:v20+s22+$0x0], $0xffff  }
0x8e: {  	v17 =	vld.idx.msk [tilespmem:v20+s23+$0x0], $0xffff  }
0x8f: {  	v18 =	vld.idx.msk [tilespmem:v20+s24+$0x0], $0xffff  }
0x90: {  	v19 =	vld.idx.msk [tilespmem:v20+s25+$0x0], $0xffff  }
0x91: {  	vm3 =	vgt.s32 v14, v3;
	v24 =	vld [tilespmem:$0xD90]  }
0x92: {  	v25 =	vld [tilespmem:$0xE90];
	v20 =	vsel vm3, v42, v16  }
0x93: {  	v45 =	vld [tilespmem:$0xF90];
	v44 =	vsel vm3, v43, v17;
	[tilespmem:$0xD80] =	vst v20  }
0x94: {  	v47 =	vld [tilespmem:$0x1090];
	v46 =	vsel vm3, v22, v18;
	[tilespmem:$0xE80] =	vst v44  }
0x95: {  	v49 =	vld [tilespmem:$0xDA0];
	v48 =	vsel vm3, v23, v19;
	vm3 =	vgt.s32 v14, v6;
	[tilespmem:$0xF80] =	vst v46  }
0x96: {  	v51 =	vld [tilespmem:$0xEA0];
	[tilespmem:$0x1080] =	vst v48;
	v50 =	vsel vm3, v24, v16  }
0x97: {  	v53 =	vld [tilespmem:$0xFA0];
	v52 =	vsel vm3, v25, v17;
	[tilespmem:$0xD90] =	vst v50  }
0x98: {  	v55 =	vld [tilespmem:$0x10A0];
	v54 =	vsel vm3, v45, v18;
	[tilespmem:$0xE90] =	vst v52  }
0x99: {  	v57 =	vld [tilespmem:$0xDB0];
	v56 =	vsel vm3, v47, v19;
	vm3 =	vgt.s32 v14, v7;
	[tilespmem:$0xF90] =	vst v54  }
0x9a: {  	v59 =	vld [tilespmem:$0xEB0];
	[tilespmem:$0x1090] =	vst v56;
	v58 =	vsel vm3, v49, v16  }
0x9b: {  	v61 =	vld [tilespmem:$0xFB0];
	v60 =	vsel vm3, v51, v17;
	[tilespmem:$0xDA0] =	vst v58  }
0x9c: {  	v63 =	vld [tilespmem:$0x10B0];
	v62 =	vsel vm3, v53, v18;
	[tilespmem:$0xEA0] =	vst v60  }
0x9d: {  	v29 =	vld [tilespmem:$0xE00];
	v28 =	vsel vm3, v55, v19;
	vm3 =	vgt.s32 v14, v8;
	[tilespmem:$0xFA0] =	vst v62  }
0x9e: {  	v31 =	vld [tilespmem:$0xF00];
	[tilespmem:$0x10A0] =	vst v28;
	v30 =	vsel vm3, v57, v16  }
0x9f: {  	v33 =	vld [tilespmem:$0x1000];
	v32 =	vsel vm3, v59, v17;
	[tilespmem:$0xDB0] =	vst v30  }
0xa0: {  	v35 =	vld [tilespmem:$0x1100];
	v34 =	vsel vm3, v61, v18;
	[tilespmem:$0xEB0] =	vst v32  }
0xa1: {  	v37 =	vld [tilespmem:$0xE10];
	v36 =	vsel vm3, v63, v19;
	vm3 =	vgt.s32 v14, v9;
	[tilespmem:$0xFB0] =	vst v34  }
0xa2: {  	v39 =	vld [tilespmem:$0xF10];
	[tilespmem:$0x10B0] =	vst v36;
	v38 =	vsel vm3, v29, v16  }
0xa3: {  	v41 =	vld [tilespmem:$0x1010];
	v40 =	vsel vm3, v31, v17;
	[tilespmem:$0xE00] =	vst v38  }
0xa4: {  	v43 =	vld [tilespmem:$0x1110];
	v42 =	vsel vm3, v33, v18;
	[tilespmem:$0xF00] =	vst v40  }
0xa5: {  	v45 =	vld [tilespmem:$0xE20];
	v44 =	vsel vm3, v35, v19;
	vm3 =	vgt.s32 v14, v10;
	[tilespmem:$0x1000] =	vst v42  }
0xa6: {  	v47 =	vld [tilespmem:$0xF20];
	[tilespmem:$0x1100] =	vst v44;
	v46 =	vsel vm3, v37, v16  }
0xa7: {  	v49 =	vld [tilespmem:$0x1020];
	v48 =	vsel vm3, v39, v17;
	[tilespmem:$0xE10] =	vst v46  }
0xa8: {  	v51 =	vld [tilespmem:$0x1120];
	v50 =	vsel vm3, v41, v18;
	[tilespmem:$0xF10] =	vst v48  }
0xa9: {  	v53 =	vld [tilespmem:$0xE30];
	v52 =	vsel vm3, v43, v19;
	vm3 =	vgt.s32 v14, v11;
	[tilespmem:$0x1010] =	vst v50  }
0xaa: {  	v55 =	vld [tilespmem:$0xF30];
	[tilespmem:$0x1110] =	vst v52;
	v54 =	vsel vm3, v45, v16  }
0xab: {  	v57 =	vld [tilespmem:$0x1030];
	v56 =	vsel vm3, v47, v17;
	[tilespmem:$0xE20] =	vst v54  }
0xac: {  	v59 =	vld [tilespmem:$0x1130];
	[tilespmem:$0xF20] =	vst v56;
	v58 =	vsel vm3, v49, v18  }
0xad: {  	v60 =	vsel vm3, v51, v19;
	vm3 =	vgt.s32 v14, v12;
	[tilespmem:$0x1020] =	vst v58  }
0xae: {  	[tilespmem:$0x1120] =	vst v60;
	v16 =	vsel vm3, v53, v16  }
0xaf: {  	v61 =	vsel vm3, v55, v17;
	[tilespmem:$0xE30] =	vst v16  }
0xb0: {  	v14 =	vsel vm0, $0x0, v14;
	v62 =	vsel vm3, v57, v18;
	[tilespmem:$0xF30] =	vst v61  }
0xb1: {  	v63 =	vsel vm3, v59, v19;
	v14 =	vsel vm1, v14, v15;
	[tilespmem:$0x1030] =	vst v62  }
0xb2: {  	[tilespmem:$0x1130] =	vst v63;
	v13 =	vsel vm2, v13, v14  }
0xb3: {  	[tilespmem:$0x1180] =	vst v13  }
0xb4: {  	[hbm4b:s6+s2] =	stream.linear.scatter [tilespmem:s19], [sflag:$0x1], $0x40, $0x38;
	[tilespmem:$0x1200] =	vst v63  }
0xb5: {  	_ =	swait.ge [sflag:s16], $0x40  }
0xb6: {  	[sflag:s16] =	ssyncset.done $0x0  }
0xb7: {  	[sflag:s16] =	ssyncadd.s32 $0xFFFFFFC0  }
0xb8: {  	[hbm4b:s7+s2] =	stream.linear.scatter [tilespmem:s20], [sflag:$0x1], $0x40, $0x38;
	[tilespmem:$0x1200] =	vst v63  }
0xb9: {  	_ =	swait.ge [sflag:s16], $0x40  }
0xba: {  	[sflag:s16] =	ssyncset.done $0x0  }
0xbb: {  	[sflag:s16] =	ssyncadd.s32 $0xFFFFFFC0  }
0xbc: {  	[hbm4b:s8+s2] =	stream.linear.scatter [tilespmem:s21], [sflag:$0x1], $0x40, $0x38;
	[tilespmem:$0x1200] =	vst v63  }
0xbd: {  	_ =	swait.ge [sflag:s16], $0x40  }
0xbe: {  	[sflag:s16] =	ssyncset.done $0x0  }
0xbf: {  	[sflag:s16] =	ssyncadd.s32 $0xFFFFFFC0  }
0xc0: {  	[hbm4b:s9+s2] =	stream.linear.scatter [tilespmem:s22], [sflag:$0x1], $0x100, $0x38;
	[tilespmem:$0x1200] =	vst v63  }
0xc1: {  	_ =	swait.ge [sflag:s16], $0x100  }
0xc2: {  	[sflag:s16] =	ssyncset.done $0x0  }
0xc3: {  	[sflag:s16] =	ssyncadd.s32 $0xFFFFFF00  }
0xc4: {  	[hbm4b:s10+s2] =	stream.linear.scatter [tilespmem:s23], [sflag:$0x1], $0x100, $0x38;
	[tilespmem:$0x1200] =	vst v63  }
0xc5: {  	_ =	swait.ge [sflag:s16], $0x100  }
0xc6: {  	[sflag:s16] =	ssyncset.done $0x0  }
0xc7: {  	[sflag:s16] =	ssyncadd.s32 $0xFFFFFF00  }
0xc8: {  	[hbm4b:s11+s2] =	stream.linear.scatter [tilespmem:s24], [sflag:$0x1], $0x100, $0x38;
	[tilespmem:$0x1200] =	vst v63  }
0xc9: {  	_ =	swait.ge [sflag:s16], $0x100  }
0xca: {  	[sflag:s16] =	ssyncset.done $0x0  }
0xcb: {  	[sflag:s16] =	ssyncadd.s32 $0xFFFFFF00  }
0xcc: {  	[hbm4b:s12+s2] =	stream.linear.scatter [tilespmem:s25], [sflag:$0x1], $0x100, $0x38;
	[tilespmem:$0x1200] =	vst v63  }
0xcd: {  	s28 =	sadd.s32 $0x1, s28;
	_ =	swait.ge [sflag:s16], $0x100  }
0xce: {  	p0 =	sne.s32 s28, s14;
	[sflag:s16] =	ssyncset.done $0x0  }
.Ltmp1:
0xcf: {  	[sflag:s16] =	ssyncadd.s32 $0xFFFFFF00;
	(pc) =	sbr.rel @p0 .LBB2_1-.Ltmp1, $4  }
0xd0: {  	[hbm4b:s13+s2] =	stream.linear.scatter [tilespmem:s26], [sflag:$0x1], $0x10, $0x38;
	[tilespmem:$0x1200] =	vst v63  }
0xd1: {  	_ =	swait.ge [sflag:s16], $0x10  }
0xd2: {  	[sflag:s16] =	ssyncset.done $0x0  }
0xd3: {  	[sflag:s16] =	ssyncadd.s32 $0xFFFFFFF0  }
0xd4: {  	_ =	sfence.sel $0x180000  }
0xd5: {  	[bflag:$0x0] =	sbarrier.arrive $0xFFFF  }
0xd6: {  	p0 =	sne.s32 s1, $0x0;
	_ =	strace $0x90000050  }
0xd7: {  	s0 =	sadd.s32 @!p0 $0x100000, s0;
	[bflag:$0x2] =	sbarrier.arrive $0xFFFF  }
0xd8: {  	[sflag:s0] =	ssyncadd.tile.s32 @!p0 $0x1;
	_ =	shalt  }
.Lfunc_end2:
_tile_overlayer_lowered:
.L_overlay_start_2:
0xd9: {  	(tag) =	ssettag $0x2  }
0xda: {  	s0 =	rddreg [dreg:$0x0];
	s2 =	stileid.u32  }
0xdb: {  	s1 =	rddreg [dreg:$0x1];
	p0 =	sne.s32 s2, $0x0  }
0xdc: {  	s3 =	rddreg [dreg:$0x2];
	[bflag:$0x3] =	sbarrier.arrive $0xFFFF;
	s2 =	simm.s32 @!p0 $0x1C01  }
0xdd: {  	[timem:s3], [sflag:s2] =	dma.local @!p0 [hbm:s0], s1  }
0xde: {  	s0 =	simm.s32 @!p0 $0x1  }
0xdf: {  	_ =	swait.ge @!p0 [sflag:s0], s1  }
0xe0: {  	s1 =	ssub.s32 @!p0 $0x0, s1;
	[sflag:s0] =	ssyncset.done @!p0 $0x0  }
0xe1: {  	[sflag:s0] =	ssyncadd.s32 @!p0 s1  }
0xe2: {  	[bflag:$0x3] =	sbarrier.arrive $0xFFFF  }
0xe3: {  	_ =	shalt  }

</sc_bundles>
